<compile_context>
chip_gen: v7x
topology: tpu7x:2x2x1
jax: 0.10.2.dev20260603
libtpu: 0.0.44.dev20260713+nightly
codegen_flags: <defaults>
</compile_context>

<pallas_src>
import functools

import jax
import jax.numpy as jnp
from jax import lax
from jax.experimental import pallas as pl
from jax.experimental.pallas import tpu as pltpu
from jax.experimental.pallas import tpu_sc as plsc

NV3 = 27
NV5 = 125
NVOX = NV3 + NV5
ACC_ROWS = 160
PACK_DUMP = (NVOX << 7) | 125
L = 16
G = 128
NEG_INF_PAIR = 0xFF80FF80


def _geometry_kernel(pts_ref, roi_ref, out_ref):
    r = pl.program_id(1)
    x = pts_ref[0, 0, :]
    y = pts_ref[0, 1, :]
    z = pts_ref[0, 2, :]
    cx = roi_ref[0, r, 0]
    cy = roi_ref[0, r, 1]
    cz = roi_ref[0, r, 2]
    dx = roi_ref[0, r, 3]
    dy = roi_ref[0, r, 4]
    dz = roi_ref[0, r, 5]
    c = roi_ref[0, r, 6]
    s = roi_ref[0, r, 7]
    px = x - cx
    py = y - cy
    lx = px * c - py * s
    ly = px * s + py * c
    lz = z - cz
    in_box = ((jnp.abs(lx) < dx / 2)
              & (jnp.abs(ly) < dy / 2)
              & (jnp.abs(lz) < dz / 2))

    def vid(o):
        vx = jnp.clip(jnp.floor((lx + dx / 2) / (dx / o)), 0, o - 1).astype(jnp.int32)
        vy = jnp.clip(jnp.floor((ly + dy / 2) / (dy / o)), 0, o - 1).astype(jnp.int32)
        vz = jnp.clip(jnp.floor((lz + dz / 2) / (dz / o)), 0, o - 1).astype(jnp.int32)
        return (vx * o + vy) * o + vz

    packed = jnp.where(in_box, vid(3) * 128 + vid(5), -1)
    out_ref[0, 0, :] = packed


def _geometry(pts, params, interpret=False):
    B, _, N = pts.shape
    R = params.shape[1]
    return pl.pallas_call(
        _geometry_kernel,
        grid=(B, R),
        in_specs=[
            pl.BlockSpec((1, 3, N), lambda b, r: (b, 0, 0)),
            pl.BlockSpec((1, R, 8), lambda b, r: (b, 0, 0),
                         memory_space=pltpu.SMEM),
        ],
        out_specs=pl.BlockSpec((1, 1, N), lambda b, r: (b * R + r, 0, 0)),
        out_shape=jax.ShapeDtypeStruct((B * R, 1, N), jnp.int32),
        interpret=interpret,
    )(pts, params)


def _pack_kernel(in_ref, out_ref):
    x = in_ref[0]
    xt = jnp.transpose(x)
    u = lax.bitcast_convert_type(xt.astype(jnp.bfloat16),
                                 jnp.uint16).astype(jnp.uint32)
    C2 = u.shape[1] // 2
    pk = u[:, :C2] | (u[:, C2:] << 16)
    out_ref[...] = lax.bitcast_convert_type(pk, jnp.float32)


def _pack_features(features, interpret=False):
    B, C, N = features.shape
    T = 2048
    NT = N // T
    return pl.pallas_call(
        _pack_kernel,
        grid=(B, NT),
        in_specs=[pl.BlockSpec((1, C, T), lambda b, n: (b, 0, n))],
        out_specs=pl.BlockSpec((T, C // 2), lambda b, n: (b * NT + n, 0)),
        out_shape=jax.ShapeDtypeStruct((B * N, C // 2), jnp.float32),
        interpret=interpret,
    )(features)


def _make_pool(BR, N, C, R):
    NW = 32
    TPW = BR // NW
    C2 = C // 2
    CH = C2 // L
    mesh = plsc.VectorSubcoreMesh(core_axis_name="c", subcore_axis_name="s",
                                  num_cores=2, num_subcores=16)

    @functools.partial(
        pl.kernel,
        out_type=jax.ShapeDtypeStruct((BR, C * NVOX), jnp.float32),
        mesh=mesh,
        compiler_params=pltpu.CompilerParams(needs_layout_passes=False,
                                             use_tc_tiling_on_sc=False),
        scratch_types=[
            pltpu.VMEM((N,), jnp.int32),
            pltpu.VMEM((N + G,), jnp.int32),
            pltpu.VMEM((N + G,), jnp.int32),
            pltpu.VMEM((4, G, C2), jnp.float32),
            pltpu.VMEM((ACC_ROWS * C2,), jnp.float32),
            pltpu.VMEM((C * NVOX,), jnp.float32),
            pltpu.SemaphoreType.DMA((4,)),
            pltpu.SemaphoreType.DMA,
            pltpu.SemaphoreType.DMA,
            pltpu.SMEM((1,), jnp.int32),
        ],
    )
    def pool(vids_hbm, feats_hbm, out_hbm, vids_v, ptidx_v, pvid_v, rows_v,
             acc_v, acct_v, sem, vsem, osem, task_smem):
        cid = lax.axis_index("c")
        sid = lax.axis_index("s")
        iota = lax.broadcasted_iota(jnp.int32, (L,), 0)
        ninf_pk = plsc.bitcast(
            jnp.full((L,), NEG_INF_PAIR, jnp.uint32), jnp.float32)
        padv = jnp.full((L,), PACK_DUMP, jnp.int32)

        def roi_body(t, first):
            base_pt = (t // R) * N
            vcp = pltpu.async_copy(vids_hbm.at[t], vids_v, vsem)

            def init_body(i, _):
                acc_v[pl.ds(i * L, L)] = ninf_pk
                return 0
            lax.fori_loop(0, ACC_ROWS * C2 // L, init_body, 0)
            vcp.wait()

            def filt(i, cnt):
                v1 = vids_v[pl.ds(i * 2 * L, L)]
                v2 = vids_v[pl.ds(i * 2 * L + L, L)]
                m1 = v1 >= 0
                m2 = v2 >= 0
                pc1 = plsc.all_reduce_population_count(m1)
                pc2 = plsc.all_reduce_population_count(m2)
                incl1 = plsc.cumsum(m1.astype(jnp.int32))
                incl2 = plsc.cumsum(m2.astype(jnp.int32))
                base = base_pt + i * 2 * L
                pos1 = cnt + incl1 - 1
                pos2 = (cnt + pc1[0]) + incl2 - 1
                plsc.store_scatter(ptidx_v, [pos1], base + iota, mask=m1)
                plsc.store_scatter(pvid_v, [pos1], v1, mask=m1)
                plsc.store_scatter(ptidx_v, [pos2], base + L + iota, mask=m2)
                plsc.store_scatter(pvid_v, [pos2], v2, mask=m2)
                return cnt + (pc1[0] + pc2[0])
            cnt = lax.fori_loop(0, N // (2 * L), filt, jnp.int32(0))

            total = ((cnt + G - 1) // G) * G

            def padk(i, c2):
                pos = c2 + iota
                m = pos < total
                plsc.store_scatter(ptidx_v, [pos],
                                   jnp.full((L,), base_pt, jnp.int32),
                                   mask=m)
                plsc.store_scatter(pvid_v, [pos], padv, mask=m)
                return c2 + L
            lax.fori_loop(0, G // L, padk, cnt)

            nch = total // G

            def fire(g, q):
                pltpu.async_copy(
                    feats_hbm.at[ptidx_v.at[pl.ds(g * G, G)]],
                    rows_v.at[q], sem.at[q])

            for p in range(3):
                @pl.when(p < nch)
                def _(p=p):
                    fire(p, p)

            def chunk(g, _):
                q = g % 4
                pltpu.make_async_copy(
                    feats_hbm.at[pl.ds(0, G)], rows_v.at[q],
                    sem.at[q]).wait()

                @pl.when(g + 3 < nch)
                def _():
                    fire(g + 3, (g + 3) % 4)

                def ptgrp(z, _):
                    pvec = pvid_v[pl.ds(g * G + z * L, L)]
                    for i in range(L):
                        p = pvec[i]
                        o3 = (p >> 7) * C2
                        o5 = (NV3 + (p & 127)) * C2
                        for j in range(CH):
                            row = plsc.bitcast(
                                rows_v[q, z * L + i, pl.ds(j * L, L)],
                                jnp.bfloat16)
                            s3 = pl.ds(o3 + j * L, L)
                            a3 = plsc.bitcast(acc_v[s3], jnp.bfloat16)
                            acc_v[s3] = plsc.bitcast(
                                jnp.maximum(a3, row), jnp.float32)
                            s5 = pl.ds(o5 + j * L, L)
                            a5 = plsc.bitcast(acc_v[s5], jnp.bfloat16)
                            acc_v[s5] = plsc.bitcast(
                                jnp.maximum(a5, row), jnp.float32)
                    return 0
                lax.fori_loop(0, G // L, ptgrp, 0)
                return 0
            lax.fori_loop(0, nch, chunk, 0)

            ninf32 = jnp.full((L,), -jnp.inf, jnp.float32)
            zero32 = jnp.zeros((L,), jnp.float32)

            @pl.when(jnp.logical_not(first))
            def _():
                pltpu.make_async_copy(acct_v, out_hbm.at[t], osem).wait()

            def unpk(v, _):
                def unpk_j(j, _):
                    pk = plsc.bitcast(acc_v[pl.ds(v * C2 + j * L, L)],
                                      jnp.uint32)
                    lo = plsc.bitcast(pk << 16, jnp.float32)
                    hi = plsc.bitcast(pk & jnp.uint32(0xFFFF0000),
                                      jnp.float32)
                    lo = jnp.where(lo == ninf32, zero32, lo)
                    hi = jnp.where(hi == ninf32, zero32, hi)
                    idx = (j * L + iota) * NVOX + v
                    plsc.store_scatter(acct_v, [idx], lo)
                    plsc.store_scatter(acct_v, [idx + (C2 * NVOX)], hi)
                    return 0
                lax.fori_loop(0, CH, unpk_j, 0)
                return 0
            lax.fori_loop(0, NVOX, unpk, 0)

            pltpu.async_copy(acct_v, out_hbm.at[t], osem)

        TPC = BR // 2

        @pl.when(sid == 0)
        def _():
            task_smem[0] = 0
        plsc.subcore_barrier()

        def cond(carry):
            return carry[0] < TPC

        def body(carry):
            idx, first = carry
            roi_body(idx * 2 + cid, first)
            return (plsc.fetch_and_add(task_smem.at[0], 1, subcore_id=0),
                    jnp.bool_(False))

        idx0 = plsc.fetch_and_add(task_smem.at[0], 1, subcore_id=0)
        end_carry = lax.while_loop(cond, body, (idx0, jnp.bool_(True)))

        @pl.when(jnp.logical_not(end_carry[1]))
        def _():
            pltpu.make_async_copy(acct_v, out_hbm.at[0], osem).wait()

    return pool


def kernel(points_xyz, features, rois):
    B, N, _ = points_xyz.shape
    C = features.shape[1]
    R = rois.shape[1]
    pts = jnp.swapaxes(points_xyz, 1, 2)
    fpk = _pack_features(features)
    ry = rois[..., 6:7]
    params = jnp.concatenate([rois[..., :6], jnp.cos(-ry), jnp.sin(-ry)],
                             axis=-1)
    vids = _geometry(pts, params)
    pooled = _make_pool(B * R, N, C, R)(vids.reshape(B * R, N), fpk)
    return pooled.reshape(B * R, C, NVOX)

# --- scband reference (transcript-rebuilt; emitter-appended) ---
"""Pipeline reference for scband-multi-ro-ipool3d-46084999086896 (READ-ONLY COPY).

The authoritative reference and input builder live on the scoring server;
editing this copy changes nothing except your own understanding.
"""

import jax, jax.numpy as jnp
import numpy as np

OUT_SIZES = (3, 5)


def _roiaware_pool_max(rois, pts, pts_feature, out):
    # rois: [R, 7] (cx, cy, cz, dx, dy, dz, ry); pts: [N, 3]; pts_feature: [N, C]
    n_vox = out * out * out

    def per_roi(roi):
        ctr = roi[:3]
        dx, dy, dz = roi[3], roi[4], roi[5]
        ry = roi[6]
        local = pts - ctr
        c, s = jnp.cos(-ry), jnp.sin(-ry)
        lx = local[:, 0] * c - local[:, 1] * s
        ly = local[:, 0] * s + local[:, 1] * c
        lz = local[:, 2]
        in_box = (jnp.abs(lx) < dx / 2) & (jnp.abs(ly) < dy / 2) & (jnp.abs(lz) < dz / 2)
        vx = jnp.clip(jnp.floor((lx + dx / 2) / (dx / out)), 0, out - 1).astype(jnp.int32)
        vy = jnp.clip(jnp.floor((ly + dy / 2) / (dy / out)), 0, out - 1).astype(jnp.int32)
        vz = jnp.clip(jnp.floor((lz + dz / 2) / (dz / out)), 0, out - 1).astype(jnp.int32)
        vid = (vx * out + vy) * out + vz
        vid = jnp.where(in_box, vid, n_vox)  # out-of-box points go to dump segment
        pooled = jax.ops.segment_max(pts_feature, vid, num_segments=n_vox + 1)
        pooled = pooled[:n_vox]
        pooled = jnp.where(jnp.isneginf(pooled), 0.0, pooled)  # empty voxels -> 0 (matches CUDA kernel init)
        return pooled.reshape(out, out, out, pts_feature.shape[1])

    return jax.vmap(per_roi)(rois)  # [R, out, out, out, C]


def setup_inputs(seed: int = 0):
    key = jax.random.key(seed)
    k1, k2, k3 = jax.random.split(key, 3)
    B, N, C, R = 4, 16384, 128, 128
    points_xyz = jax.random.uniform(k1, (B, N, 3), dtype=jnp.float32)
    features = jax.random.normal(k2, (B, C, N), dtype=jnp.float32)
    rois = jax.random.uniform(k3, (B, R, 7), dtype=jnp.float32)
    return {"points_xyz": points_xyz, "features": features, "rois": rois}


def reference(points_xyz, features, rois):
    roi_feats = []
    for b in range(rois.shape[0]):
        feats_b = features[b].T  # [N, C]
        per = []
        for o in OUT_SIZES:
            rf = _roiaware_pool_max(rois[b], points_xyz[b], feats_b, o)  # [R, o, o, o, C]
            rf = jnp.transpose(rf, (0, 4, 1, 2, 3))  # [R, C, o, o, o]
            rf = rf.reshape(rf.shape[0], rf.shape[1], -1)  # [R, C, o^3]
            per.append(rf)
        roi_feats.append(jnp.concatenate(per, axis=2))  # [R, C, 27+125]
    return jnp.concatenate(roi_feats, axis=0)  # [B*R, C, 152]

if __name__ == "__main__":
    import jax
    _d = setup_inputs()
    print(jax.jit(kernel)(*tuple(_d.values())))

</pallas_src>

<mosaic_0001>
#map = affine_map<(d0, d1) -> (0, 0)>
module attributes {stable_mosaic.version = 14 : i64} {
  func.func @pool(%arg0: i32, %arg1: i32, %arg2: memref<512x16384xi32, #tpu.memory_space<hbm>>, %arg3: memref<65536x64xf32, #tpu.memory_space<hbm>>, %arg4: memref<512x19456xf32, #tpu.memory_space<hbm>>, %arg5: memref<16384xi32, #tpu.memory_space<vmem>>, %arg6: memref<16512xi32, #tpu.memory_space<vmem>>, %arg7: memref<16512xi32, #tpu.memory_space<vmem>>, %arg8: memref<4x128x64xf32, #tpu.memory_space<vmem>>, %arg9: memref<10240xf32, #tpu.memory_space<vmem>>, %arg10: memref<19456xf32, #tpu.memory_space<vmem>>, %arg11: memref<4x!tpu.dma_semaphore, #tpu.memory_space<semaphore_mem>>, %arg12: memref<!tpu.dma_semaphore, #tpu.memory_space<semaphore_mem>>, %arg13: memref<!tpu.dma_semaphore, #tpu.memory_space<semaphore_mem>>, %arg14: memref<1xi32, #tpu.memory_space<smem>>) attributes {dimension_semantics = [#tpu.dimension_semantics<core_parallel>, #tpu.dimension_semantics<subcore_parallel>], iteration_bounds = array<i64: 2, 16>, scalar_prefetch = 0 : i64, scratch_operands = 10 : i64, tpu.core_type = #tpu.core_type<sc_vector_subcore>, window_params = [{transform_indices = #map}, {transform_indices = #map}, {transform_indices = #map}]} {
    %iota3A = tpu.iota {dimensions = array<i32: 0>} : vector<16xi32>
    %broadcast_in_dim3A = arith.constant -8323200 : i32
    %broadcast_in_dim3A_0 = vector.broadcast %broadcast_in_dim3A : i32 to vector<16xi32>
    %bitcast3A = vector.bitcast %broadcast_in_dim3A_0 : vector<16xi32> to vector<16xf32>
    %broadcast_in_dim3A_1 = arith.constant 19581 : i32
    %broadcast_in_dim3A_2 = vector.broadcast %broadcast_in_dim3A_1 : i32 to vector<16xi32>
    %eq3A = arith.constant 0 : i32
    %eq3A_3 = arith.cmpi eq, %arg1, %eq3A : i32
    %convert_element_type3A = arith.extui %eq3A_3 : i1 to i32
    %cond3A = arith.constant 0 : i32
    %cond3A_4 = arith.cmpi ne, %convert_element_type3A, %cond3A : i32
    scf.if %cond3A_4 {
      %swap3A = arith.constant 0 : i32
      %swap3A_13 = arith.constant 0 : i32
      %swap3A_14 = arith.index_cast %swap3A_13 : i32 to index
      %swap3A_15 = memref.load %arg14[%swap3A_14] : memref<1xi32, #tpu.memory_space<smem>>
      memref.store %swap3A, %arg14[%swap3A_14] : memref<1xi32, #tpu.memory_space<smem>>
    } else {
    }
    %barrier3A = arith.constant 0 : index
    tpu.barrier barrier_id(%barrier3A)
    %sc_fetch_and_add3A = arith.constant 1 : i32
    %sc_fetch_and_add3A_5 = arith.constant 0 : i32
    %sc_fetch_and_add3A_6 = arith.constant 0 : i32
    %sc_fetch_and_add3A_7 = tpu.fetch_and_add_sync %arg14[%sc_fetch_and_add3A_5], %sc_fetch_and_add3A, %sc_fetch_and_add3A_6 : memref<1xi32, #tpu.memory_space<smem>>, i32 -> i32
    %while3A = arith.constant true
    %while3A_8:2 = scf.while (%while3A_13 = %sc_fetch_and_add3A_7, %while3A_14 = %while3A) : (i32, i1) -> (i32, i1) {
      %lt3A = arith.constant 256 : i32
      %lt3A_15 = arith.cmpi slt, %while3A_13, %lt3A : i32
      scf.condition(%lt3A_15) %while3A_13, %while3A_14 : i32, i1
    } do {
    ^bb0(%while3A_13: i32, %while3A_14: i1):
      %mul3A = arith.constant 2 : i32
      %mul3A_15 = arith.muli %while3A_13, %mul3A : i32
      %add3A = arith.addi %mul3A_15, %arg0 : i32
      %jit3A = arith.constant 128 : i32
      %div3A = arith.divsi %add3A, %jit3A : i32
      %sign3A = arith.constant 0 : i32
      %sign3A_16 = arith.cmpi sgt, %add3A, %sign3A : i32
      %sign3A_17 = arith.extui %sign3A_16 : i1 to i32
      %sign3A_18 = arith.constant 0 : i32
      %sign3A_19 = arith.cmpi slt, %add3A, %sign3A_18 : i32
      %sign3A_20 = arith.extui %sign3A_19 : i1 to i32
      %sign3A_21 = arith.subi %sign3A_17, %sign3A_20 : i32
      %sign3A_22 = arith.constant 0 : i32
      %sign3A_23 = arith.cmpi sgt, %jit3A, %sign3A_22 : i32
      %sign3A_24 = arith.extui %sign3A_23 : i1 to i32
      %sign3A_25 = arith.constant 0 : i32
      %sign3A_26 = arith.cmpi slt, %jit3A, %sign3A_25 : i32
      %sign3A_27 = arith.extui %sign3A_26 : i1 to i32
      %sign3A_28 = arith.subi %sign3A_24, %sign3A_27 : i32
      %ne3A = arith.cmpi ne, %sign3A_21, %sign3A_28 : i32
      %rem3A = arith.remsi %add3A, %jit3A : i32
      %ne3A_29 = arith.constant 0 : i32
      %ne3A_30 = arith.cmpi ne, %rem3A, %ne3A_29 : i32
      %and3A = arith.andi %ne3A, %ne3A_30 : i1
      %sub3A = arith.constant 1 : i32
      %sub3A_31 = arith.subi %div3A, %sub3A : i32
      %select_n3A = arith.select %and3A, %sub3A_31, %div3A : i32
      %mul3A_32 = arith.constant 16384 : i32
      %mul3A_33 = arith.muli %select_n3A, %mul3A_32 : i32
      %dma_start3A = arith.constant 0 : i32
      %dma_start3A_34 = tpu.memref_slice %arg2[%add3A, %dma_start3A] : memref<512x16384xi32, #tpu.memory_space<hbm>> -> memref<1x16384xi32, #tpu.memory_space<hbm>>
      %dma_start3A_35 = tpu.memref_squeeze %dma_start3A_34 : memref<1x16384xi32, #tpu.memory_space<hbm>> -> memref<16384xi32, #tpu.memory_space<hbm>>
      %dma_start3A_36 = arith.constant 0 : i32
      %dma_start3A_37 = tpu.memref_slice %arg2[%add3A, %dma_start3A_36] : memref<512x16384xi32, #tpu.memory_space<hbm>> -> memref<1x16384xi32, #tpu.memory_space<hbm>>
      %dma_start3A_38 = tpu.memref_squeeze %dma_start3A_37 : memref<1x16384xi32, #tpu.memory_space<hbm>> -> memref<16384xi32, #tpu.memory_space<hbm>>
      tpu.enqueue_dma source(%dma_start3A_38 : memref<16384xi32, #tpu.memory_space<hbm>>) target(%arg5 : memref<16384xi32, #tpu.memory_space<vmem>>) target_semaphore(%arg12 : memref<!tpu.dma_semaphore, #tpu.memory_space<semaphore_mem>>)
      %scan3A = arith.constant 0 : i32
      %scan3A_39 = arith.constant 0 : i32
      %scan3A_40 = arith.constant 640 : i32
      %scan3A_41 = arith.addi %scan3A_39, %scan3A_40 : i32
      %scan3A_42 = arith.constant 1 : i32
      %scan3A_43 = scf.for %scan3A_170 = %scan3A_39 to %scan3A_41 step %scan3A_42 iter_args(%scan3A_171 = %scan3A) -> (i32)  : i32 {
        %mul3A_172 = arith.constant 16 : i32
        %mul3A_173 = arith.muli %scan3A_170, %mul3A_172 : i32
        %swap3A = arith.index_cast %mul3A_173 : i32 to index
        %swap3A_174 = tpu.vector_load %arg9[%swap3A] {strides = array<i32>} : memref<10240xf32, #tpu.memory_space<vmem>>, vector<16xf32>,
        tpu.vector_store %arg9[%swap3A], %bitcast3A {strides = array<i32>} : memref<10240xf32, #tpu.memory_space<vmem>>, vector<16xf32>,
        %scan3A_175 = arith.constant 0 : i32
        scf.yield %scan3A_175 : i32
      }
      %scan3A_44 = arith.constant 640 : i32
      %dma_wait3A = arith.constant 0 : i32
      %dma_wait3A_45 = tpu.memref_slice %arg2[%add3A, %dma_wait3A] : memref<512x16384xi32, #tpu.memory_space<hbm>> -> memref<1x16384xi32, #tpu.memory_space<hbm>>
      %dma_wait3A_46 = tpu.memref_squeeze %dma_wait3A_45 : memref<1x16384xi32, #tpu.memory_space<hbm>> -> memref<16384xi32, #tpu.memory_space<hbm>>
      %dma_wait3A_47 = arith.constant 0 : i32
      %dma_wait3A_48 = tpu.memref_slice %arg2[%add3A, %dma_wait3A_47] : memref<512x16384xi32, #tpu.memory_space<hbm>> -> memref<1x16384xi32, #tpu.memory_space<hbm>>
      %dma_wait3A_49 = tpu.memref_squeeze %dma_wait3A_48 : memref<1x16384xi32, #tpu.memory_space<hbm>> -> memref<16384xi32, #tpu.memory_space<hbm>>
      tpu.wait_dma2 semaphore(%arg12 : memref<!tpu.dma_semaphore, #tpu.memory_space<semaphore_mem>>) src(%dma_wait3A_49 : memref<16384xi32, #tpu.memory_space<hbm>>) dst(%arg5 : memref<16384xi32, #tpu.memory_space<vmem>>)
      %scan3A_50 = arith.constant 0 : i32
      %scan3A_51 = arith.constant 0 : i32
      %scan3A_52 = arith.constant 512 : i32
      %scan3A_53 = arith.addi %scan3A_51, %scan3A_52 : i32
      %scan3A_54 = arith.constant 1 : i32
      %scan3A_55 = scf.for %scan3A_170 = %scan3A_51 to %scan3A_53 step %scan3A_54 iter_args(%scan3A_171 = %scan3A_50) -> (i32)  : i32 {
        %mul3A_172 = arith.constant 2 : i32
        %mul3A_173 = arith.muli %scan3A_170, %mul3A_172 : i32
        %mul3A_174 = arith.constant 16 : i32
        %mul3A_175 = arith.muli %mul3A_173, %mul3A_174 : i32
        %get3A = arith.index_cast %mul3A_175 : i32 to index
        %get3A_176 = tpu.vector_load %arg5[%get3A] {strides = array<i32>} : memref<16384xi32, #tpu.memory_space<vmem>>, vector<16xi32>,
        %mul3A_177 = arith.constant 2 : i32
        %mul3A_178 = arith.muli %scan3A_170, %mul3A_177 : i32
        %mul3A_179 = arith.constant 16 : i32
        %mul3A_180 = arith.muli %mul3A_178, %mul3A_179 : i32
        %add3A_181 = arith.constant 16 : i32
        %add3A_182 = arith.addi %mul3A_180, %add3A_181 : i32
        %get3A_183 = arith.index_cast %add3A_182 : i32 to index
        %get3A_184 = tpu.vector_load %arg5[%get3A_183] {strides = array<i32>} : memref<16384xi32, #tpu.memory_space<vmem>>, vector<16xi32>,
        %ge3A = arith.constant 0 : i32
        %ge3A_185 = vector.broadcast %ge3A : i32 to vector<16xi32>
        %ge3A_186 = arith.cmpi sge, %get3A_176, %ge3A_185 : vector<16xi32>
        %ge3A_187 = arith.constant 0 : i32
        %ge3A_188 = vector.broadcast %ge3A_187 : i32 to vector<16xi32>
        %ge3A_189 = arith.cmpi sge, %get3A_184, %ge3A_188 : vector<16xi32>
        %all_reduce_population_count3A = tpu.all_reduce %ge3A_186 {dim = 0 : i64, kind = #tpu.reduction_kind<sum>} : vector<16xi1> -> vector<16xi32>
        %all_reduce_population_count3A_190 = tpu.all_reduce %ge3A_189 {dim = 0 : i64, kind = #tpu.reduction_kind<sum>} : vector<16xi1> -> vector<16xi32>
        %convert_element_type3A_191 = arith.extui %ge3A_186 : vector<16xi1> to vector<16xi32>
        %broadcast_in_dim3A_192 = arith.constant true
        %broadcast_in_dim3A_193 = vector.broadcast %broadcast_in_dim3A_192 : i1 to vector<16xi1>
        %masked_cumsum3A = tpu.scan <sum>, %convert_element_type3A_191 masked %broadcast_in_dim3A_193 : vector<16xi32>, vector<16xi1> -> vector<16xi32>
        %convert_element_type3A_194 = arith.extui %ge3A_189 : vector<16xi1> to vector<16xi32>
        %broadcast_in_dim3A_195 = arith.constant true
        %broadcast_in_dim3A_196 = vector.broadcast %broadcast_in_dim3A_195 : i1 to vector<16xi1>
        %masked_cumsum3A_197 = tpu.scan <sum>, %convert_element_type3A_194 masked %broadcast_in_dim3A_196 : vector<16xi32>, vector<16xi1> -> vector<16xi32>
        %mul3A_198 = arith.constant 2 : i32
        %mul3A_199 = arith.muli %scan3A_170, %mul3A_198 : i32
        %mul3A_200 = arith.constant 16 : i32
        %mul3A_201 = arith.muli %mul3A_199, %mul3A_200 : i32
        %add3A_202 = arith.addi %mul3A_33, %mul3A_201 : i32
        %add3A_203 = vector.broadcast %scan3A_171 : i32 to vector<16xi32>
        %add3A_204 = arith.addi %add3A_203, %masked_cumsum3A : vector<16xi32>
        %sub3A_205 = arith.constant 1 : i32
        %sub3A_206 = vector.broadcast %sub3A_205 : i32 to vector<16xi32>
        %sub3A_207 = arith.subi %add3A_204, %sub3A_206 : vector<16xi32>
        %slice3A = vector.extract_strided_slice %all_reduce_population_count3A {offsets = [0], sizes = [1], strides = [1]} : vector<16xi32> to vector<1xi32>
        %squeeze3A = vector.extract %slice3A[0] : i32 from vector<1xi32>
        %add3A_208 = arith.addi %scan3A_171, %squeeze3A : i32
        %add3A_209 = vector.broadcast %add3A_208 : i32 to vector<16xi32>
        %add3A_210 = arith.addi %add3A_209, %masked_cumsum3A_197 : vector<16xi32>
        %sub3A_211 = arith.constant 1 : i32
        %sub3A_212 = vector.broadcast %sub3A_211 : i32 to vector<16xi32>
        %sub3A_213 = arith.subi %add3A_210, %sub3A_212 : vector<16xi32>
        %add3A_214 = vector.broadcast %add3A_202 : i32 to vector<16xi32>
        %add3A_215 = arith.addi %add3A_214, %iota3A : vector<16xi32>
        tpu.vector_store_idx %arg6[%sub3A_207], %add3A_215 masked %ge3A_186 : memref<16512xi32, #tpu.memory_space<vmem>>[vector<16xi32>], vector<16xi32>, vector<16xi1>
        tpu.vector_store_idx %arg7[%sub3A_207], %get3A_176 masked %ge3A_186 : memref<16512xi32, #tpu.memory_space<vmem>>[vector<16xi32>], vector<16xi32>, vector<16xi1>
        %add3A_216 = arith.constant 16 : i32
        %add3A_217 = arith.addi %add3A_202, %add3A_216 : i32
        %add3A_218 = vector.broadcast %add3A_217 : i32 to vector<16xi32>
        %add3A_219 = arith.addi %add3A_218, %iota3A : vector<16xi32>
        tpu.vector_store_idx %arg6[%sub3A_213], %add3A_219 masked %ge3A_189 : memref<16512xi32, #tpu.memory_space<vmem>>[vector<16xi32>], vector<16xi32>, vector<16xi1>
        tpu.vector_store_idx %arg7[%sub3A_213], %get3A_184 masked %ge3A_189 : memref<16512xi32, #tpu.memory_space<vmem>>[vector<16xi32>], vector<16xi32>, vector<16xi1>
        %slice3A_220 = vector.extract_strided_slice %all_reduce_population_count3A {offsets = [0], sizes = [1], strides = [1]} : vector<16xi32> to vector<1xi32>
        %squeeze3A_221 = vector.extract %slice3A_220[0] : i32 from vector<1xi32>
        %slice3A_222 = vector.extract_strided_slice %all_reduce_population_count3A_190 {offsets = [0], sizes = [1], strides = [1]} : vector<16xi32> to vector<1xi32>
        %squeeze3A_223 = vector.extract %slice3A_222[0] : i32 from vector<1xi32>
        %add3A_224 = arith.addi %squeeze3A_221, %squeeze3A_223 : i32
        %add3A_225 = arith.addi %scan3A_171, %add3A_224 : i32
        scf.yield %add3A_225 : i32
      }
      %scan3A_56 = arith.constant 512 : i32
      %add3A_57 = arith.constant 128 : i32
      %add3A_58 = arith.addi %scan3A_55, %add3A_57 : i32
      %sub3A_59 = arith.constant 1 : i32
      %sub3A_60 = arith.subi %add3A_58, %sub3A_59 : i32
      %jit3A_61 = arith.constant 128 : i32
      %div3A_62 = arith.divsi %sub3A_60, %jit3A_61 : i32
      %sign3A_63 = arith.constant 0 : i32
      %sign3A_64 = arith.cmpi sgt, %sub3A_60, %sign3A_63 : i32
      %sign3A_65 = arith.extui %sign3A_64 : i1 to i32
      %sign3A_66 = arith.constant 0 : i32
      %sign3A_67 = arith.cmpi slt, %sub3A_60, %sign3A_66 : i32
      %sign3A_68 = arith.extui %sign3A_67 : i1 to i32
      %sign3A_69 = arith.subi %sign3A_65, %sign3A_68 : i32
      %sign3A_70 = arith.constant 0 : i32
      %sign3A_71 = arith.cmpi sgt, %jit3A_61, %sign3A_70 : i32
      %sign3A_72 = arith.extui %sign3A_71 : i1 to i32
      %sign3A_73 = arith.constant 0 : i32
      %sign3A_74 = arith.cmpi slt, %jit3A_61, %sign3A_73 : i32
      %sign3A_75 = arith.extui %sign3A_74 : i1 to i32
      %sign3A_76 = arith.subi %sign3A_72, %sign3A_75 : i32
      %ne3A_77 = arith.cmpi ne, %sign3A_69, %sign3A_76 : i32
      %rem3A_78 = arith.remsi %sub3A_60, %jit3A_61 : i32
      %ne3A_79 = arith.constant 0 : i32
      %ne3A_80 = arith.cmpi ne, %rem3A_78, %ne3A_79 : i32
      %and3A_81 = arith.andi %ne3A_77, %ne3A_80 : i1
      %sub3A_82 = arith.constant 1 : i32
      %sub3A_83 = arith.subi %div3A_62, %sub3A_82 : i32
      %select_n3A_84 = arith.select %and3A_81, %sub3A_83, %div3A_62 : i32
      %mul3A_85 = arith.constant 128 : i32
      %mul3A_86 = arith.muli %select_n3A_84, %mul3A_85 : i32
      %scan3A_87 = arith.constant 0 : i32
      %scan3A_88 = arith.constant 8 : i32
      %scan3A_89 = arith.addi %scan3A_87, %scan3A_88 : i32
      %scan3A_90 = arith.constant 1 : i32
      %scan3A_91 = scf.for %scan3A_170 = %scan3A_87 to %scan3A_89 step %scan3A_90 iter_args(%scan3A_171 = %scan3A_55) -> (i32)  : i32 {
        %add3A_172 = vector.broadcast %scan3A_171 : i32 to vector<16xi32>
        %add3A_173 = arith.addi %add3A_172, %iota3A : vector<16xi32>
        %lt3A = vector.broadcast %mul3A_86 : i32 to vector<16xi32>
        %lt3A_174 = arith.cmpi slt, %add3A_173, %lt3A : vector<16xi32>
        %broadcast_in_dim3A_175 = vector.broadcast %mul3A_33 : i32 to vector<16xi32>
        tpu.vector_store_idx %arg6[%add3A_173], %broadcast_in_dim3A_175 masked %lt3A_174 : memref<16512xi32, #tpu.memory_space<vmem>>[vector<16xi32>], vector<16xi32>, vector<16xi1>
        tpu.vector_store_idx %arg7[%add3A_173], %broadcast_in_dim3A_2 masked %lt3A_174 : memref<16512xi32, #tpu.memory_space<vmem>>[vector<16xi32>], vector<16xi32>, vector<16xi1>
        %add3A_176 = arith.constant 16 : i32
        %add3A_177 = arith.addi %scan3A_171, %add3A_176 : i32
        scf.yield %add3A_177 : i32
      }
      %scan3A_92 = arith.constant 8 : i32
      %jit3A_93 = arith.constant 128 : i32
      %div3A_94 = arith.divsi %mul3A_86, %jit3A_93 : i32
      %sign3A_95 = arith.constant 0 : i32
      %sign3A_96 = arith.cmpi sgt, %mul3A_86, %sign3A_95 : i32
      %sign3A_97 = arith.extui %sign3A_96 : i1 to i32
      %sign3A_98 = arith.constant 0 : i32
      %sign3A_99 = arith.cmpi slt, %mul3A_86, %sign3A_98 : i32
      %sign3A_100 = arith.extui %sign3A_99 : i1 to i32
      %sign3A_101 = arith.subi %sign3A_97, %sign3A_100 : i32
      %sign3A_102 = arith.constant 0 : i32
      %sign3A_103 = arith.cmpi sgt, %jit3A_93, %sign3A_102 : i32
      %sign3A_104 = arith.extui %sign3A_103 : i1 to i32
      %sign3A_105 = arith.constant 0 : i32
      %sign3A_106 = arith.cmpi slt, %jit3A_93, %sign3A_105 : i32
      %sign3A_107 = arith.extui %sign3A_106 : i1 to i32
      %sign3A_108 = arith.subi %sign3A_104, %sign3A_107 : i32
      %ne3A_109 = arith.cmpi ne, %sign3A_101, %sign3A_108 : i32
      %rem3A_110 = arith.remsi %mul3A_86, %jit3A_93 : i32
      %ne3A_111 = arith.constant 0 : i32
      %ne3A_112 = arith.cmpi ne, %rem3A_110, %ne3A_111 : i32
      %and3A_113 = arith.andi %ne3A_109, %ne3A_112 : i1
      %sub3A_114 = arith.constant 1 : i32
      %sub3A_115 = arith.subi %div3A_94, %sub3A_114 : i32
      %select_n3A_116 = arith.select %and3A_113, %sub3A_115, %div3A_94 : i32
      %gt3A = arith.constant 0 : i32
      %gt3A_117 = arith.cmpi sgt, %select_n3A_116, %gt3A : i32
      %convert_element_type3A_118 = arith.extui %gt3A_117 : i1 to i32
      %cond3A_119 = arith.constant 0 : i32
      %cond3A_120 = arith.cmpi ne, %convert_element_type3A_118, %cond3A_119 : i32
      scf.if %cond3A_120 {
        %dma_start3A_170 = arith.constant 0 : i32
        %dma_start3A_171 = arith.constant 0 : i32
        %dma_start3A_172 = arith.constant 0 : i32
        %dma_start3A_173 = arith.constant 0 : i32
        %dma_start3A_174 = tpu.memref_slice %arg8[%dma_start3A_170, %dma_start3A_172, %dma_start3A_173] : memref<4x128x64xf32, #tpu.memory_space<vmem>> -> memref<1x128x64xf32, #tpu.memory_space<vmem>>
        %dma_start3A_175 = tpu.memref_squeeze %dma_start3A_174 : memref<1x128x64xf32, #tpu.memory_space<vmem>> -> memref<128x64xf32, #tpu.memory_space<vmem>>
        %dma_start3A_176 = arith.constant 0 : i32
        %dma_start3A_177 = tpu.memref_slice %arg6[%dma_start3A_176] : memref<16512xi32, #tpu.memory_space<vmem>> -> memref<128xi32, #tpu.memory_space<vmem>>
        %dma_start3A_178 = arith.constant 0 : i32
        %dma_start3A_179 = arith.constant 0 : i32
        %dma_start3A_180 = tpu.memref_slice %arg3[%dma_start3A_178, %dma_start3A_179] : memref<65536x64xf32, #tpu.memory_space<hbm>> -> memref<65536x64xf32, #tpu.memory_space<hbm>>
        %dma_start3A_181 = tpu.memref_slice %arg11[%dma_start3A_171] : memref<4x!tpu.dma_semaphore, #tpu.memory_space<semaphore_mem>> -> memref<1x!tpu.dma_semaphore, #tpu.memory_space<semaphore_mem>>
        %dma_start3A_182 = tpu.memref_squeeze %dma_start3A_181 : memref<1x!tpu.dma_semaphore, #tpu.memory_space<semaphore_mem>> -> memref<!tpu.dma_semaphore, #tpu.memory_space<semaphore_mem>>
        tpu.enqueue_indirect_dma source(%dma_start3A_180 : memref<65536x64xf32, #tpu.memory_space<hbm>>) target(%dma_start3A_175 : memref<128x64xf32, #tpu.memory_space<vmem>>) offsets(%dma_start3A_177 : memref<128xi32, #tpu.memory_space<vmem>>) semaphore(%dma_start3A_182 : memref<!tpu.dma_semaphore, #tpu.memory_space<semaphore_mem>>)
      } else {
      }
      %gt3A_121 = arith.constant 1 : i32
      %gt3A_122 = arith.cmpi sgt, %select_n3A_116, %gt3A_121 : i32
      %convert_element_type3A_123 = arith.extui %gt3A_122 : i1 to i32
      %cond3A_124 = arith.constant 0 : i32
      %cond3A_125 = arith.cmpi ne, %convert_element_type3A_123, %cond3A_124 : i32
      scf.if %cond3A_125 {
        %dma_start3A_170 = arith.constant 1 : i32
        %dma_start3A_171 = arith.constant 1 : i32
        %dma_start3A_172 = arith.constant 0 : i32
        %dma_start3A_173 = arith.constant 0 : i32
        %dma_start3A_174 = tpu.memref_slice %arg8[%dma_start3A_170, %dma_start3A_172, %dma_start3A_173] : memref<4x128x64xf32, #tpu.memory_space<vmem>> -> memref<1x128x64xf32, #tpu.memory_space<vmem>>
        %dma_start3A_175 = tpu.memref_squeeze %dma_start3A_174 : memref<1x128x64xf32, #tpu.memory_space<vmem>> -> memref<128x64xf32, #tpu.memory_space<vmem>>
        %dma_start3A_176 = arith.constant 128 : i32
        %dma_start3A_177 = tpu.memref_slice %arg6[%dma_start3A_176] : memref<16512xi32, #tpu.memory_space<vmem>> -> memref<128xi32, #tpu.memory_space<vmem>>
        %dma_start3A_178 = arith.constant 0 : i32
        %dma_start3A_179 = arith.constant 0 : i32
        %dma_start3A_180 = tpu.memref_slice %arg3[%dma_start3A_178, %dma_start3A_179] : memref<65536x64xf32, #tpu.memory_space<hbm>> -> memref<65536x64xf32, #tpu.memory_space<hbm>>
        %dma_start3A_181 = tpu.memref_slice %arg11[%dma_start3A_171] : memref<4x!tpu.dma_semaphore, #tpu.memory_space<semaphore_mem>> -> memref<1x!tpu.dma_semaphore, #tpu.memory_space<semaphore_mem>>
        %dma_start3A_182 = tpu.memref_squeeze %dma_start3A_181 : memref<1x!tpu.dma_semaphore, #tpu.memory_space<semaphore_mem>> -> memref<!tpu.dma_semaphore, #tpu.memory_space<semaphore_mem>>
        tpu.enqueue_indirect_dma source(%dma_start3A_180 : memref<65536x64xf32, #tpu.memory_space<hbm>>) target(%dma_start3A_175 : memref<128x64xf32, #tpu.memory_space<vmem>>) offsets(%dma_start3A_177 : memref<128xi32, #tpu.memory_space<vmem>>) semaphore(%dma_start3A_182 : memref<!tpu.dma_semaphore, #tpu.memory_space<semaphore_mem>>)
      } else {
      }
      %gt3A_126 = arith.constant 2 : i32
      %gt3A_127 = arith.cmpi sgt, %select_n3A_116, %gt3A_126 : i32
      %convert_element_type3A_128 = arith.extui %gt3A_127 : i1 to i32
      %cond3A_129 = arith.constant 0 : i32
      %cond3A_130 = arith.cmpi ne, %convert_element_type3A_128, %cond3A_129 : i32
      scf.if %cond3A_130 {
        %dma_start3A_170 = arith.constant 2 : i32
        %dma_start3A_171 = arith.constant 2 : i32
        %dma_start3A_172 = arith.constant 0 : i32
        %dma_start3A_173 = arith.constant 0 : i32
        %dma_start3A_174 = tpu.memref_slice %arg8[%dma_start3A_170, %dma_start3A_172, %dma_start3A_173] : memref<4x128x64xf32, #tpu.memory_space<vmem>> -> memref<1x128x64xf32, #tpu.memory_space<vmem>>
        %dma_start3A_175 = tpu.memref_squeeze %dma_start3A_174 : memref<1x128x64xf32, #tpu.memory_space<vmem>> -> memref<128x64xf32, #tpu.memory_space<vmem>>
        %dma_start3A_176 = arith.constant 256 : i32
        %dma_start3A_177 = tpu.memref_slice %arg6[%dma_start3A_176] : memref<16512xi32, #tpu.memory_space<vmem>> -> memref<128xi32, #tpu.memory_space<vmem>>
        %dma_start3A_178 = arith.constant 0 : i32
        %dma_start3A_179 = arith.constant 0 : i32
        %dma_start3A_180 = tpu.memref_slice %arg3[%dma_start3A_178, %dma_start3A_179] : memref<65536x64xf32, #tpu.memory_space<hbm>> -> memref<65536x64xf32, #tpu.memory_space<hbm>>
        %dma_start3A_181 = tpu.memref_slice %arg11[%dma_start3A_171] : memref<4x!tpu.dma_semaphore, #tpu.memory_space<semaphore_mem>> -> memref<1x!tpu.dma_semaphore, #tpu.memory_space<semaphore_mem>>
        %dma_start3A_182 = tpu.memref_squeeze %dma_start3A_181 : memref<1x!tpu.dma_semaphore, #tpu.memory_space<semaphore_mem>> -> memref<!tpu.dma_semaphore, #tpu.memory_space<semaphore_mem>>
        tpu.enqueue_indirect_dma source(%dma_start3A_180 : memref<65536x64xf32, #tpu.memory_space<hbm>>) target(%dma_start3A_175 : memref<128x64xf32, #tpu.memory_space<vmem>>) offsets(%dma_start3A_177 : memref<128xi32, #tpu.memory_space<vmem>>) semaphore(%dma_start3A_182 : memref<!tpu.dma_semaphore, #tpu.memory_space<semaphore_mem>>)
      } else {
      }
      %while3A_131 = arith.constant 0 : i32
      %while3A_132 = arith.constant 0 : i32
      %while3A_133 = arith.subi %select_n3A_116, %while3A_131 : i32
      %while3A_134 = arith.addi %while3A_131, %while3A_133 : i32
      %while3A_135 = arith.constant 1 : i32
      %while3A_136 = arith.divsi %while3A_133, %while3A_135 : i32
      %while3A_137 = arith.muli %while3A_136, %while3A_135 : i32
      %while3A_138 = arith.addi %while3A_131, %while3A_137 : i32
      %while3A_139 = arith.constant 1 : i32
      %while3A_140 = scf.for %while3A_170 = %while3A_131 to %while3A_138 step %while3A_139 iter_args(%while3A_171 = %while3A_132) -> (i32)  : i32 {
        %jit3A_172 = arith.constant 4 : i32
        %eq3A_173 = arith.constant 0 : i32
        %eq3A_174 = arith.cmpi eq, %jit3A_172, %eq3A_173 : i32
        %jit3A_175 = arith.constant 1 : i32
        %select_n3A_176 = arith.select %eq3A_174, %jit3A_175, %jit3A_172 : i32
        %rem3A_177 = arith.remsi %while3A_170, %select_n3A_176 : i32
        %ne3A_178 = arith.constant 0 : i32
        %ne3A_179 = arith.cmpi ne, %rem3A_177, %ne3A_178 : i32
        %lt3A = arith.constant 0 : i32
        %lt3A_180 = arith.cmpi slt, %rem3A_177, %lt3A : i32
        %lt3A_181 = arith.constant 0 : i32
        %lt3A_182 = arith.cmpi slt, %select_n3A_176, %lt3A_181 : i32
        %ne3A_183 = arith.xori %lt3A_180, %lt3A_182 : i1
        %and3A_184 = arith.andi %ne3A_183, %ne3A_179 : i1
        %add3A_185 = arith.addi %rem3A_177, %select_n3A_176 : i32
        %select_n3A_186 = arith.select %and3A_184, %add3A_185, %rem3A_177 : i32
        %dma_wait3A_187 = arith.constant 0 : i32
        %dma_wait3A_188 = arith.constant 0 : i32
        %dma_wait3A_189 = tpu.memref_slice %arg8[%select_n3A_186, %dma_wait3A_187, %dma_wait3A_188] : memref<4x128x64xf32, #tpu.memory_space<vmem>> -> memref<1x128x64xf32, #tpu.memory_space<vmem>>
        %dma_wait3A_190 = tpu.memref_squeeze %dma_wait3A_189 : memref<1x128x64xf32, #tpu.memory_space<vmem>> -> memref<128x64xf32, #tpu.memory_space<vmem>>
        %dma_wait3A_191 = arith.constant 0 : i32
        %dma_wait3A_192 = arith.constant 0 : i32
        %dma_wait3A_193 = tpu.memref_slice %arg3[%dma_wait3A_191, %dma_wait3A_192] : memref<65536x64xf32, #tpu.memory_space<hbm>> -> memref<128x64xf32, #tpu.memory_space<hbm>>
        %dma_wait3A_194 = tpu.memref_slice %arg11[%select_n3A_186] : memref<4x!tpu.dma_semaphore, #tpu.memory_space<semaphore_mem>> -> memref<1x!tpu.dma_semaphore, #tpu.memory_space<semaphore_mem>>
        %dma_wait3A_195 = tpu.memref_squeeze %dma_wait3A_194 : memref<1x!tpu.dma_semaphore, #tpu.memory_space<semaphore_mem>> -> memref<!tpu.dma_semaphore, #tpu.memory_space<semaphore_mem>>
        %dma_wait3A_196 = arith.constant 0 : i32
        %dma_wait3A_197 = arith.constant 0 : i32
        %dma_wait3A_198 = tpu.memref_slice %arg8[%select_n3A_186, %dma_wait3A_196, %dma_wait3A_197] : memref<4x128x64xf32, #tpu.memory_space<vmem>> -> memref<1x128x64xf32, #tpu.memory_space<vmem>>
        %dma_wait3A_199 = tpu.memref_squeeze %dma_wait3A_198 : memref<1x128x64xf32, #tpu.memory_space<vmem>> -> memref<128x64xf32, #tpu.memory_space<vmem>>
        %dma_wait3A_200 = arith.constant 0 : i32
        %dma_wait3A_201 = arith.constant 0 : i32
        %dma_wait3A_202 = tpu.memref_slice %arg3[%dma_wait3A_200, %dma_wait3A_201] : memref<65536x64xf32, #tpu.memory_space<hbm>> -> memref<128x64xf32, #tpu.memory_space<hbm>>
        tpu.wait_dma2 semaphore(%dma_wait3A_195 : memref<!tpu.dma_semaphore, #tpu.memory_space<semaphore_mem>>) src(%dma_wait3A_202 : memref<128x64xf32, #tpu.memory_space<hbm>>) dst(%dma_wait3A_199 : memref<128x64xf32, #tpu.memory_space<vmem>>)
        %add3A_203 = arith.constant 3 : i32
        %add3A_204 = arith.addi %while3A_170, %add3A_203 : i32
        %lt3A_205 = arith.cmpi slt, %add3A_204, %select_n3A_116 : i32
        %convert_element_type3A_206 = arith.extui %lt3A_205 : i1 to i32
        %cond3A_207 = arith.constant 0 : i32
        %cond3A_208 = arith.cmpi ne, %convert_element_type3A_206, %cond3A_207 : i32
        scf.if %cond3A_208 {
          %add3A_217 = arith.constant 3 : i32
          %add3A_218 = arith.addi %while3A_170, %add3A_217 : i32
          %add3A_219 = arith.constant 3 : i32
          %add3A_220 = arith.addi %while3A_170, %add3A_219 : i32
          %jit3A_221 = arith.constant 4 : i32
          %eq3A_222 = arith.constant 0 : i32
          %eq3A_223 = arith.cmpi eq, %jit3A_221, %eq3A_222 : i32
          %jit3A_224 = arith.constant 1 : i32
          %select_n3A_225 = arith.select %eq3A_223, %jit3A_224, %jit3A_221 : i32
          %rem3A_226 = arith.remsi %add3A_220, %select_n3A_225 : i32
          %ne3A_227 = arith.constant 0 : i32
          %ne3A_228 = arith.cmpi ne, %rem3A_226, %ne3A_227 : i32
          %lt3A_229 = arith.constant 0 : i32
          %lt3A_230 = arith.cmpi slt, %rem3A_226, %lt3A_229 : i32
          %lt3A_231 = arith.constant 0 : i32
          %lt3A_232 = arith.cmpi slt, %select_n3A_225, %lt3A_231 : i32
          %ne3A_233 = arith.xori %lt3A_230, %lt3A_232 : i1
          %and3A_234 = arith.andi %ne3A_233, %ne3A_228 : i1
          %add3A_235 = arith.addi %rem3A_226, %select_n3A_225 : i32
          %select_n3A_236 = arith.select %and3A_234, %add3A_235, %rem3A_226 : i32
          %mul3A_237 = arith.constant 128 : i32
          %mul3A_238 = arith.muli %add3A_218, %mul3A_237 : i32
          %dma_start3A_239 = arith.constant 0 : i32
          %dma_start3A_240 = arith.constant 0 : i32
          %dma_start3A_241 = tpu.memref_slice %arg8[%select_n3A_236, %dma_start3A_239, %dma_start3A_240] : memref<4x128x64xf32, #tpu.memory_space<vmem>> -> memref<1x128x64xf32, #tpu.memory_space<vmem>>
          %dma_start3A_242 = tpu.memref_squeeze %dma_start3A_241 : memref<1x128x64xf32, #tpu.memory_space<vmem>> -> memref<128x64xf32, #tpu.memory_space<vmem>>
          %dma_start3A_243 = tpu.memref_slice %arg6[%mul3A_238] : memref<16512xi32, #tpu.memory_space<vmem>> -> memref<128xi32, #tpu.memory_space<vmem>>
          %dma_start3A_244 = arith.constant 0 : i32
          %dma_start3A_245 = arith.constant 0 : i32
          %dma_start3A_246 = tpu.memref_slice %arg3[%dma_start3A_244, %dma_start3A_245] : memref<65536x64xf32, #tpu.memory_space<hbm>> -> memref<65536x64xf32, #tpu.memory_space<hbm>>
          %dma_start3A_247 = tpu.memref_slice %arg11[%select_n3A_236] : memref<4x!tpu.dma_semaphore, #tpu.memory_space<semaphore_mem>> -> memref<1x!tpu.dma_semaphore, #tpu.memory_space<semaphore_mem>>
          %dma_start3A_248 = tpu.memref_squeeze %dma_start3A_247 : memref<1x!tpu.dma_semaphore, #tpu.memory_space<semaphore_mem>> -> memref<!tpu.dma_semaphore, #tpu.memory_space<semaphore_mem>>
          tpu.enqueue_indirect_dma source(%dma_start3A_246 : memref<65536x64xf32, #tpu.memory_space<hbm>>) target(%dma_start3A_242 : memref<128x64xf32, #tpu.memory_space<vmem>>) offsets(%dma_start3A_243 : memref<128xi32, #tpu.memory_space<vmem>>) semaphore(%dma_start3A_248 : memref<!tpu.dma_semaphore, #tpu.memory_space<semaphore_mem>>)
        } else {
        }
        %scan3A_209 = arith.constant 0 : i32
        %scan3A_210 = arith.constant 0 : i32
        %scan3A_211 = arith.constant 8 : i32
        %scan3A_212 = arith.addi %scan3A_210, %scan3A_211 : i32
        %scan3A_213 = arith.constant 1 : i32
        %scan3A_214 = scf.for %scan3A_217 = %scan3A_210 to %scan3A_212 step %scan3A_213 iter_args(%scan3A_218 = %scan3A_209) -> (i32)  : i32 {
          %mul3A_219 = arith.constant 128 : i32
          %mul3A_220 = arith.muli %while3A_170, %mul3A_219 : i32
          %mul3A_221 = arith.constant 16 : i32
          %mul3A_222 = arith.muli %scan3A_217, %mul3A_221 : i32
          %add3A_223 = arith.addi %mul3A_220, %mul3A_222 : i32
          %get3A = arith.index_cast %add3A_223 : i32 to index
          %get3A_224 = tpu.vector_load %arg7[%get3A] {strides = array<i32>} : memref<16512xi32, #tpu.memory_space<vmem>>, vector<16xi32>,
          %slice3A = vector.extract_strided_slice %get3A_224 {offsets = [0], sizes = [1], strides = [1]} : vector<16xi32> to vector<1xi32>
          %squeeze3A = vector.extract %slice3A[0] : i32 from vector<1xi32>
          %shift_right_arithmetic3A = arith.constant 7 : i32
          %shift_right_arithmetic3A_225 = arith.shrsi %squeeze3A, %shift_right_arithmetic3A : i32
          %mul3A_226 = arith.constant 64 : i32
          %mul3A_227 = arith.muli %shift_right_arithmetic3A_225, %mul3A_226 : i32
          %and3A_228 = arith.constant 127 : i32
          %and3A_229 = arith.andi %squeeze3A, %and3A_228 : i32
          %add3A_230 = arith.constant 27 : i32
          %add3A_231 = arith.addi %add3A_230, %and3A_229 : i32
          %mul3A_232 = arith.constant 64 : i32
          %mul3A_233 = arith.muli %add3A_231, %mul3A_232 : i32
          %mul3A_234 = arith.constant 16 : i32
          %mul3A_235 = arith.muli %scan3A_217, %mul3A_234 : i32
          %add3A_236 = arith.constant 0 : i32
          %add3A_237 = arith.addi %mul3A_235, %add3A_236 : i32
          %get3A_238 = arith.index_cast %select_n3A_186 : i32 to index
          %get3A_239 = arith.index_cast %add3A_237 : i32 to index
          %get3A_240 = arith.constant 0 : index
          %get3A_241 = tpu.vector_load %arg8[%get3A_238, %get3A_239, %get3A_240] {strides = array<i32>} : memref<4x128x64xf32, #tpu.memory_space<vmem>>, vector<16xf32>,
          %bitcast3A_242 = vector.bitcast %get3A_241 : vector<16xf32> to vector<32xbf16>
          %add3A_243 = arith.constant 0 : i32
          %add3A_244 = arith.addi %mul3A_227, %add3A_243 : i32
          %get3A_245 = arith.index_cast %add3A_244 : i32 to index
          %get3A_246 = tpu.vector_load %arg9[%get3A_245] {strides = array<i32>} : memref<10240xf32, #tpu.memory_space<vmem>>, vector<16xf32>,
          %bitcast3A_247 = vector.bitcast %get3A_246 : vector<16xf32> to vector<32xbf16>
          %max3A = arith.maximumf %bitcast3A_247, %bitcast3A_242 : vector<32xbf16>
          %bitcast3A_248 = vector.bitcast %max3A : vector<32xbf16> to vector<16xf32>
          %swap3A = arith.index_cast %add3A_244 : i32 to index
          %swap3A_249 = tpu.vector_load %arg9[%swap3A] {strides = array<i32>} : memref<10240xf32, #tpu.memory_space<vmem>>, vector<16xf32>,
          tpu.vector_store %arg9[%swap3A], %bitcast3A_248 {strides = array<i32>} : memref<10240xf32, #tpu.memory_space<vmem>>, vector<16xf32>,
          %add3A_250 = arith.constant 0 : i32
          %add3A_251 = arith.addi %mul3A_233, %add3A_250 : i32
          %get3A_252 = arith.index_cast %add3A_251 : i32 to index
          %get3A_253 = tpu.vector_load %arg9[%get3A_252] {strides = array<i32>} : memref<10240xf32, #tpu.memory_space<vmem>>, vector<16xf32>,
          %bitcast3A_254 = vector.bitcast %get3A_253 : vector<16xf32> to vector<32xbf16>
          %max3A_255 = arith.maximumf %bitcast3A_254, %bitcast3A_242 : vector<32xbf16>
          %bitcast3A_256 = vector.bitcast %max3A_255 : vector<32xbf16> to vector<16xf32>
          %swap3A_257 = arith.index_cast %add3A_251 : i32 to index
          %swap3A_258 = tpu.vector_load %arg9[%swap3A_257] {strides = array<i32>} : memref<10240xf32, #tpu.memory_space<vmem>>, vector<16xf32>,
          tpu.vector_store %arg9[%swap3A_257], %bitcast3A_256 {strides = array<i32>} : memref<10240xf32, #tpu.memory_space<vmem>>, vector<16xf32>,
          %mul3A_259 = arith.constant 16 : i32
          %mul3A_260 = arith.muli %scan3A_217, %mul3A_259 : i32
          %add3A_261 = arith.constant 0 : i32
          %add3A_262 = arith.addi %mul3A_260, %add3A_261 : i32
          %get3A_263 = arith.index_cast %select_n3A_186 : i32 to index
          %get3A_264 = arith.index_cast %add3A_262 : i32 to index
          %get3A_265 = arith.constant 16 : index
          %get3A_266 = tpu.vector_load %arg8[%get3A_263, %get3A_264, %get3A_265] {strides = array<i32>} : memref<4x128x64xf32, #tpu.memory_space<vmem>>, vector<16xf32>,
          %bitcast3A_267 = vector.bitcast %get3A_266 : vector<16xf32> to vector<32xbf16>
          %add3A_268 = arith.constant 16 : i32
          %add3A_269 = arith.addi %mul3A_227, %add3A_268 : i32
          %get3A_270 = arith.index_cast %add3A_269 : i32 to index
          %get3A_271 = tpu.vector_load %arg9[%get3A_270] {strides = array<i32>} : memref<10240xf32, #tpu.memory_space<vmem>>, vector<16xf32>,
          %bitcast3A_272 = vector.bitcast %get3A_271 : vector<16xf32> to vector<32xbf16>
          %max3A_273 = arith.maximumf %bitcast3A_272, %bitcast3A_267 : vector<32xbf16>
          %bitcast3A_274 = vector.bitcast %max3A_273 : vector<32xbf16> to vector<16xf32>
          %swap3A_275 = arith.index_cast %add3A_269 : i32 to index
          %swap3A_276 = tpu.vector_load %arg9[%swap3A_275] {strides = array<i32>} : memref<10240xf32, #tpu.memory_space<vmem>>, vector<16xf32>,
          tpu.vector_store %arg9[%swap3A_275], %bitcast3A_274 {strides = array<i32>} : memref<10240xf32, #tpu.memory_space<vmem>>, vector<16xf32>,
          %add3A_277 = arith.constant 16 : i32
          %add3A_278 = arith.addi %mul3A_233, %add3A_277 : i32
          %get3A_279 = arith.index_cast %add3A_278 : i32 to index
          %get3A_280 = tpu.vector_load %arg9[%get3A_279] {strides = array<i32>} : memref<10240xf32, #tpu.memory_space<vmem>>, vector<16xf32>,
          %bitcast3A_281 = vector.bitcast %get3A_280 : vector<16xf32> to vector<32xbf16>
          %max3A_282 = arith.maximumf %bitcast3A_281, %bitcast3A_267 : vector<32xbf16>
          %bitcast3A_283 = vector.bitcast %max3A_282 : vector<32xbf16> to vector<16xf32>
          %swap3A_284 = arith.index_cast %add3A_278 : i32 to index
          %swap3A_285 = tpu.vector_load %arg9[%swap3A_284] {strides = array<i32>} : memref<10240xf32, #tpu.memory_space<vmem>>, vector<16xf32>,
          tpu.vector_store %arg9[%swap3A_284], %bitcast3A_283 {strides = array<i32>} : memref<10240xf32, #tpu.memory_space<vmem>>, vector<16xf32>,
          %mul3A_286 = arith.constant 16 : i32
          %mul3A_287 = arith.muli %scan3A_217, %mul3A_286 : i32
          %add3A_288 = arith.constant 0 : i32
          %add3A_289 = arith.addi %mul3A_287, %add3A_288 : i32
          %get3A_290 = arith.index_cast %select_n3A_186 : i32 to index
          %get3A_291 = arith.index_cast %add3A_289 : i32 to index
          %get3A_292 = arith.constant 32 : index
          %get3A_293 = tpu.vector_load %arg8[%get3A_290, %get3A_291, %get3A_292] {strides = array<i32>} : memref<4x128x64xf32, #tpu.memory_space<vmem>>, vector<16xf32>,
          %bitcast3A_294 = vector.bitcast %get3A_293 : vector<16xf32> to vector<32xbf16>
          %add3A_295 = arith.constant 32 : i32
          %add3A_296 = arith.addi %mul3A_227, %add3A_295 : i32
          %get3A_297 = arith.index_cast %add3A_296 : i32 to index
          %get3A_298 = tpu.vector_load %arg9[%get3A_297] {strides = array<i32>} : memref<10240xf32, #tpu.memory_space<vmem>>, vector<16xf32>,
          %bitcast3A_299 = vector.bitcast %get3A_298 : vector<16xf32> to vector<32xbf16>
          %max3A_300 = arith.maximumf %bitcast3A_299, %bitcast3A_294 : vector<32xbf16>
          %bitcast3A_301 = vector.bitcast %max3A_300 : vector<32xbf16> to vector<16xf32>
          %swap3A_302 = arith.index_cast %add3A_296 : i32 to index
          %swap3A_303 = tpu.vector_load %arg9[%swap3A_302] {strides = array<i32>} : memref<10240xf32, #tpu.memory_space<vmem>>, vector<16xf32>,
          tpu.vector_store %arg9[%swap3A_302], %bitcast3A_301 {strides = array<i32>} : memref<10240xf32, #tpu.memory_space<vmem>>, vector<16xf32>,
          %add3A_304 = arith.constant 32 : i32
          %add3A_305 = arith.addi %mul3A_233, %add3A_304 : i32
          %get3A_306 = arith.index_cast %add3A_305 : i32 to index
          %get3A_307 = tpu.vector_load %arg9[%get3A_306] {strides = array<i32>} : memref<10240xf32, #tpu.memory_space<vmem>>, vector<16xf32>,
          %bitcast3A_308 = vector.bitcast %get3A_307 : vector<16xf32> to vector<32xbf16>
          %max3A_309 = arith.maximumf %bitcast3A_308, %bitcast3A_294 : vector<32xbf16>
          %bitcast3A_310 = vector.bitcast %max3A_309 : vector<32xbf16> to vector<16xf32>
          %swap3A_311 = arith.index_cast %add3A_305 : i32 to index
          %swap3A_312 = tpu.vector_load %arg9[%swap3A_311] {strides = array<i32>} : memref<10240xf32, #tpu.memory_space<vmem>>, vector<16xf32>,
          tpu.vector_store %arg9[%swap3A_311], %bitcast3A_310 {strides = array<i32>} : memref<10240xf32, #tpu.memory_space<vmem>>, vector<16xf32>,
          %mul3A_313 = arith.constant 16 : i32
          %mul3A_314 = arith.muli %scan3A_217, %mul3A_313 : i32
          %add3A_315 = arith.constant 0 : i32
          %add3A_316 = arith.addi %mul3A_314, %add3A_315 : i32
          %get3A_317 = arith.index_cast %select_n3A_186 : i32 to index
          %get3A_318 = arith.index_cast %add3A_316 : i32 to index
          %get3A_319 = arith.constant 48 : index
          %get3A_320 = tpu.vector_load %arg8[%get3A_317, %get3A_318, %get3A_319] {strides = array<i32>} : memref<4x128x64xf32, #tpu.memory_space<vmem>>, vector<16xf32>,
          %bitcast3A_321 = vector.bitcast %get3A_320 : vector<16xf32> to vector<32xbf16>
          %add3A_322 = arith.constant 48 : i32
          %add3A_323 = arith.addi %mul3A_227, %add3A_322 : i32
          %get3A_324 = arith.index_cast %add3A_323 : i32 to index
          %get3A_325 = tpu.vector_load %arg9[%get3A_324] {strides = array<i32>} : memref<10240xf32, #tpu.memory_space<vmem>>, vector<16xf32>,
          %bitcast3A_326 = vector.bitcast %get3A_325 : vector<16xf32> to vector<32xbf16>
          %max3A_327 = arith.maximumf %bitcast3A_326, %bitcast3A_321 : vector<32xbf16>
          %bitcast3A_328 = vector.bitcast %max3A_327 : vector<32xbf16> to vector<16xf32>
          %swap3A_329 = arith.index_cast %add3A_323 : i32 to index
          %swap3A_330 = tpu.vector_load %arg9[%swap3A_329] {strides = array<i32>} : memref<10240xf32, #tpu.memory_space<vmem>>, vector<16xf32>,
          tpu.vector_store %arg9[%swap3A_329], %bitcast3A_328 {strides = array<i32>} : memref<10240xf32, #tpu.memory_space<vmem>>, vector<16xf32>,
          %add3A_331 = arith.constant 48 : i32
          %add3A_332 = arith.addi %mul3A_233, %add3A_331 : i32
          %get3A_333 = arith.index_cast %add3A_332 : i32 to index
          %get3A_334 = tpu.vector_load %arg9[%get3A_333] {strides = array<i32>} : memref<10240xf32, #tpu.memory_space<vmem>>, vector<16xf32>,
          %bitcast3A_335 = vector.bitcast %get3A_334 : vector<16xf32> to vector<32xbf16>
          %max3A_336 = arith.maximumf %bitcast3A_335, %bitcast3A_321 : vector<32xbf16>
          %bitcast3A_337 = vector.bitcast %max3A_336 : vector<32xbf16> to vector<16xf32>
          %swap3A_338 = arith.index_cast %add3A_332 : i32 to index
          %swap3A_339 = tpu.vector_load %arg9[%swap3A_338] {strides = array<i32>} : memref<10240xf32, #tpu.memory_space<vmem>>, vector<16xf32>,
          tpu.vector_store %arg9[%swap3A_338], %bitcast3A_337 {strides = array<i32>} : memref<10240xf32, #tpu.memory_space<vmem>>, vector<16xf32>,
          %slice3A_340 = vector.extract_strided_slice %get3A_224 {offsets = [1], sizes = [1], strides = [1]} : vector<16xi32> to vector<1xi32>
          %squeeze3A_341 = vector.extract %slice3A_340[0] : i32 from vector<1xi32>
          %shift_right_arithmetic3A_342 = arith.constant 7 : i32
          %shift_right_arithmetic3A_343 = arith.shrsi %squeeze3A_341, %shift_right_arithmetic3A_342 : i32
          %mul3A_344 = arith.constant 64 : i32
          %mul3A_345 = arith.muli %shift_right_arithmetic3A_343, %mul3A_344 : i32
          %and3A_346 = arith.constant 127 : i32
          %and3A_347 = arith.andi %squeeze3A_341, %and3A_346 : i32
          %add3A_348 = arith.constant 27 : i32
          %add3A_349 = arith.addi %add3A_348, %and3A_347 : i32
          %mul3A_350 = arith.constant 64 : i32
          %mul3A_351 = arith.muli %add3A_349, %mul3A_350 : i32
          %mul3A_352 = arith.constant 16 : i32
          %mul3A_353 = arith.muli %scan3A_217, %mul3A_352 : i32
          %add3A_354 = arith.constant 1 : i32
          %add3A_355 = arith.addi %mul3A_353, %add3A_354 : i32
          %get3A_356 = arith.index_cast %select_n3A_186 : i32 to index
          %get3A_357 = arith.index_cast %add3A_355 : i32 to index
          %get3A_358 = arith.constant 0 : index
          %get3A_359 = tpu.vector_load %arg8[%get3A_356, %get3A_357, %get3A_358] {strides = array<i32>} : memref<4x128x64xf32, #tpu.memory_space<vmem>>, vector<16xf32>,
          %bitcast3A_360 = vector.bitcast %get3A_359 : vector<16xf32> to vector<32xbf16>
          %add3A_361 = arith.constant 0 : i32
          %add3A_362 = arith.addi %mul3A_345, %add3A_361 : i32
          %get3A_363 = arith.index_cast %add3A_362 : i32 to index
          %get3A_364 = tpu.vector_load %arg9[%get3A_363] {strides = array<i32>} : memref<10240xf32, #tpu.memory_space<vmem>>, vector<16xf32>,
          %bitcast3A_365 = vector.bitcast %get3A_364 : vector<16xf32> to vector<32xbf16>
          %max3A_366 = arith.maximumf %bitcast3A_365, %bitcast3A_360 : vector<32xbf16>
          %bitcast3A_367 = vector.bitcast %max3A_366 : vector<32xbf16> to vector<16xf32>
          %swap3A_368 = arith.index_cast %add3A_362 : i32 to index
          %swap3A_369 = tpu.vector_load %arg9[%swap3A_368] {strides = array<i32>} : memref<10240xf32, #tpu.memory_space<vmem>>, vector<16xf32>,
          tpu.vector_store %arg9[%swap3A_368], %bitcast3A_367 {strides = array<i32>} : memref<10240xf32, #tpu.memory_space<vmem>>, vector<16xf32>,
          %add3A_370 = arith.constant 0 : i32
          %add3A_371 = arith.addi %mul3A_351, %add3A_370 : i32
          %get3A_372 = arith.index_cast %add3A_371 : i32 to index
          %get3A_373 = tpu.vector_load %arg9[%get3A_372] {strides = array<i32>} : memref<10240xf32, #tpu.memory_space<vmem>>, vector<16xf32>,
          %bitcast3A_374 = vector.bitcast %get3A_373 : vector<16xf32> to vector<32xbf16>
          %max3A_375 = arith.maximumf %bitcast3A_374, %bitcast3A_360 : vector<32xbf16>
          %bitcast3A_376 = vector.bitcast %max3A_375 : vector<32xbf16> to vector<16xf32>
          %swap3A_377 = arith.index_cast %add3A_371 : i32 to index
          %swap3A_378 = tpu.vector_load %arg9[%swap3A_377] {strides = array<i32>} : memref<10240xf32, #tpu.memory_space<vmem>>, vector<16xf32>,
          tpu.vector_store %arg9[%swap3A_377], %bitcast3A_376 {strides = array<i32>} : memref<10240xf32, #tpu.memory_space<vmem>>, vector<16xf32>,
          %mul3A_379 = arith.constant 16 : i32
          %mul3A_380 = arith.muli %scan3A_217, %mul3A_379 : i32
          %add3A_381 = arith.constant 1 : i32
          %add3A_382 = arith.addi %mul3A_380, %add3A_381 : i32
          %get3A_383 = arith.index_cast %select_n3A_186 : i32 to index
          %get3A_384 = arith.index_cast %add3A_382 : i32 to index
          %get3A_385 = arith.constant 16 : index
          %get3A_386 = tpu.vector_load %arg8[%get3A_383, %get3A_384, %get3A_385] {strides = array<i32>} : memref<4x128x64xf32, #tpu.memory_space<vmem>>, vector<16xf32>,
          %bitcast3A_387 = vector.bitcast %get3A_386 : vector<16xf32> to vector<32xbf16>
          %add3A_388 = arith.constant 16 : i32
          %add3A_389 = arith.addi %mul3A_345, %add3A_388 : i32
          %get3A_390 = arith.index_cast %add3A_389 : i32 to index
          %get3A_391 = tpu.vector_load %arg9[%get3A_390] {strides = array<i32>} : memref<10240xf32, #tpu.memory_space<vmem>>, vector<16xf32>,
          %bitcast3A_392 = vector.bitcast %get3A_391 : vector<16xf32> to vector<32xbf16>
          %max3A_393 = arith.maximumf %bitcast3A_392, %bitcast3A_387 : vector<32xbf16>
          %bitcast3A_394 = vector.bitcast %max3A_393 : vector<32xbf16> to vector<16xf32>
          %swap3A_395 = arith.index_cast %add3A_389 : i32 to index
          %swap3A_396 = tpu.vector_load %arg9[%swap3A_395] {strides = array<i32>} : memref<10240xf32, #tpu.memory_space<vmem>>, vector<16xf32>,
          tpu.vector_store %arg9[%swap3A_395], %bitcast3A_394 {strides = array<i32>} : memref<10240xf32, #tpu.memory_space<vmem>>, vector<16xf32>,
          %add3A_397 = arith.constant 16 : i32
          %add3A_398 = arith.addi %mul3A_351, %add3A_397 : i32
          %get3A_399 = arith.index_cast %add3A_398 : i32 to index
          %get3A_400 = tpu.vector_load %arg9[%get3A_399] {strides = array<i32>} : memref<10240xf32, #tpu.memory_space<vmem>>, vector<16xf32>,
          %bitcast3A_401 = vector.bitcast %get3A_400 : vector<16xf32> to vector<32xbf16>
          %max3A_402 = arith.maximumf %bitcast3A_401, %bitcast3A_387 : vector<32xbf16>
          %bitcast3A_403 = vector.bitcast %max3A_402 : vector<32xbf16> to vector<16xf32>
          %swap3A_404 = arith.index_cast %add3A_398 : i32 to index
          %swap3A_405 = tpu.vector_load %arg9[%swap3A_404] {strides = array<i32>} : memref<10240xf32, #tpu.memory_space<vmem>>, vector<16xf32>,
          tpu.vector_store %arg9[%swap3A_404], %bitcast3A_403 {strides = array<i32>} : memref<10240xf32, #tpu.memory_space<vmem>>, vector<16xf32>,
          %mul3A_406 = arith.constant 16 : i32
          %mul3A_407 = arith.muli %scan3A_217, %mul3A_406 : i32
          %add3A_408 = arith.constant 1 : i32
          %add3A_409 = arith.addi %mul3A_407, %add3A_408 : i32
          %get3A_410 = arith.index_cast %select_n3A_186 : i32 to index
          %get3A_411 = arith.index_cast %add3A_409 : i32 to index
          %get3A_412 = arith.constant 32 : index
          %get3A_413 = tpu.vector_load %arg8[%get3A_410, %get3A_411, %get3A_412] {strides = array<i32>} : memref<4x128x64xf32, #tpu.memory_space<vmem>>, vector<16xf32>,
          %bitcast3A_414 = vector.bitcast %get3A_413 : vector<16xf32> to vector<32xbf16>
          %add3A_415 = arith.constant 32 : i32
          %add3A_416 = arith.addi %mul3A_345, %add3A_415 : i32
          %get3A_417 = arith.index_cast %add3A_416 : i32 to index
          %get3A_418 = tpu.vector_load %arg9[%get3A_417] {strides = array<i32>} : memref<10240xf32, #tpu.memory_space<vmem>>, vector<16xf32>,
          %bitcast3A_419 = vector.bitcast %get3A_418 : vector<16xf32> to vector<32xbf16>
          %max3A_420 = arith.maximumf %bitcast3A_419, %bitcast3A_414 : vector<32xbf16>
          %bitcast3A_421 = vector.bitcast %max3A_420 : vector<32xbf16> to vector<16xf32>
          %swap3A_422 = arith.index_cast %add3A_416 : i32 to index
          %swap3A_423 = tpu.vector_load %arg9[%swap3A_422] {strides = array<i32>} : memref<10240xf32, #tpu.memory_space<vmem>>, vector<16xf32>,
          tpu.vector_store %arg9[%swap3A_422], %bitcast3A_421 {strides = array<i32>} : memref<10240xf32, #tpu.memory_space<vmem>>, vector<16xf32>,
          %add3A_424 = arith.constant 32 : i32
          %add3A_425 = arith.addi %mul3A_351, %add3A_424 : i32
          %get3A_426 = arith.index_cast %add3A_425 : i32 to index
          %get3A_427 = tpu.vector_load %arg9[%get3A_426] {strides = array<i32>} : memref<10240xf32, #tpu.memory_space<vmem>>, vector<16xf32>,
          %bitcast3A_428 = vector.bitcast %get3A_427 : vector<16xf32> to vector<32xbf16>
          %max3A_429 = arith.maximumf %bitcast3A_428, %bitcast3A_414 : vector<32xbf16>
          %bitcast3A_430 = vector.bitcast %max3A_429 : vector<32xbf16> to vector<16xf32>
          %swap3A_431 = arith.index_cast %add3A_425 : i32 to index
          %swap3A_432 = tpu.vector_load %arg9[%swap3A_431] {strides = array<i32>} : memref<10240xf32, #tpu.memory_space<vmem>>, vector<16xf32>,
          tpu.vector_store %arg9[%swap3A_431], %bitcast3A_430 {strides = array<i32>} : memref<10240xf32, #tpu.memory_space<vmem>>, vector<16xf32>,
          %mul3A_433 = arith.constant 16 : i32
          %mul3A_434 = arith.muli %scan3A_217, %mul3A_433 : i32
          %add3A_435 = arith.constant 1 : i32
          %add3A_436 = arith.addi %mul3A_434, %add3A_435 : i32
          %get3A_437 = arith.index_cast %select_n3A_186 : i32 to index
          %get3A_438 = arith.index_cast %add3A_436 : i32 to index
          %get3A_439 = arith.constant 48 : index
          %get3A_440 = tpu.vector_load %arg8[%get3A_437, %get3A_438, %get3A_439] {strides = array<i32>} : memref<4x128x64xf32, #tpu.memory_space<vmem>>, vector<16xf32>,
          %bitcast3A_441 = vector.bitcast %get3A_440 : vector<16xf32> to vector<32xbf16>
          %add3A_442 = arith.constant 48 : i32
          %add3A_443 = arith.addi %mul3A_345, %add3A_442 : i32
          %get3A_444 = arith.index_cast %add3A_443 : i32 to index
          %get3A_445 = tpu.vector_load %arg9[%get3A_444] {strides = array<i32>} : memref<10240xf32, #tpu.memory_space<vmem>>, vector<16xf32>,
          %bitcast3A_446 = vector.bitcast %get3A_445 : vector<16xf32> to vector<32xbf16>
          %max3A_447 = arith.maximumf %bitcast3A_446, %bitcast3A_441 : vector<32xbf16>
          %bitcast3A_448 = vector.bitcast %max3A_447 : vector<32xbf16> to vector<16xf32>
          %swap3A_449 = arith.index_cast %add3A_443 : i32 to index
          %swap3A_450 = tpu.vector_load %arg9[%swap3A_449] {strides = array<i32>} : memref<10240xf32, #tpu.memory_space<vmem>>, vector<16xf32>,
          tpu.vector_store %arg9[%swap3A_449], %bitcast3A_448 {strides = array<i32>} : memref<10240xf32, #tpu.memory_space<vmem>>, vector<16xf32>,
          %add3A_451 = arith.constant 48 : i32
          %add3A_452 = arith.addi %mul3A_351, %add3A_451 : i32
          %get3A_453 = arith.index_cast %add3A_452 : i32 to index
          %get3A_454 = tpu.vector_load %arg9[%get3A_453] {strides = array<i32>} : memref<10240xf32, #tpu.memory_space<vmem>>, vector<16xf32>,
          %bitcast3A_455 = vector.bitcast %get3A_454 : vector<16xf32> to vector<32xbf16>
          %max3A_456 = arith.maximumf %bitcast3A_455, %bitcast3A_441 : vector<32xbf16>
          %bitcast3A_457 = vector.bitcast %max3A_456 : vector<32xbf16> to vector<16xf32>
          %swap3A_458 = arith.index_cast %add3A_452 : i32 to index
          %swap3A_459 = tpu.vector_load %arg9[%swap3A_458] {strides = array<i32>} : memref<10240xf32, #tpu.memory_space<vmem>>, vector<16xf32>,
          tpu.vector_store %arg9[%swap3A_458], %bitcast3A_457 {strides = array<i32>} : memref<10240xf32, #tpu.memory_space<vmem>>, vector<16xf32>,
          %slice3A_460 = vector.extract_strided_slice %get3A_224 {offsets = [2], sizes = [1], strides = [1]} : vector<16xi32> to vector<1xi32>
          %squeeze3A_461 = vector.extract %slice3A_460[0] : i32 from vector<1xi32>
          %shift_right_arithmetic3A_462 = arith.constant 7 : i32
          %shift_right_arithmetic3A_463 = arith.shrsi %squeeze3A_461, %shift_right_arithmetic3A_462 : i32
          %mul3A_464 = arith.constant 64 : i32
          %mul3A_465 = arith.muli %shift_right_arithmetic3A_463, %mul3A_464 : i32
          %and3A_466 = arith.constant 127 : i32
          %and3A_467 = arith.andi %squeeze3A_461, %and3A_466 : i32
          %add3A_468 = arith.constant 27 : i32
          %add3A_469 = arith.addi %add3A_468, %and3A_467 : i32
          %mul3A_470 = arith.constant 64 : i32
          %mul3A_471 = arith.muli %add3A_469, %mul3A_470 : i32
          %mul3A_472 = arith.constant 16 : i32
          %mul3A_473 = arith.muli %scan3A_217, %mul3A_472 : i32
          %add3A_474 = arith.constant 2 : i32
          %add3A_475 = arith.addi %mul3A_473, %add3A_474 : i32
          %get3A_476 = arith.index_cast %select_n3A_186 : i32 to index
          %get3A_477 = arith.index_cast %add3A_475 : i32 to index
          %get3A_478 = arith.constant 0 : index
          %get3A_479 = tpu.vector_load %arg8[%get3A_476, %get3A_477, %get3A_478] {strides = array<i32>} : memref<4x128x64xf32, #tpu.memory_space<vmem>>, vector<16xf32>,
          %bitcast3A_480 = vector.bitcast %get3A_479 : vector<16xf32> to vector<32xbf16>
          %add3A_481 = arith.constant 0 : i32
          %add3A_482 = arith.addi %mul3A_465, %add3A_481 : i32
          %get3A_483 = arith.index_cast %add3A_482 : i32 to index
          %get3A_484 = tpu.vector_load %arg9[%get3A_483] {strides = array<i32>} : memref<10240xf32, #tpu.memory_space<vmem>>, vector<16xf32>,
          %bitcast3A_485 = vector.bitcast %get3A_484 : vector<16xf32> to vector<32xbf16>
          %max3A_486 = arith.maximumf %bitcast3A_485, %bitcast3A_480 : vector<32xbf16>
          %bitcast3A_487 = vector.bitcast %max3A_486 : vector<32xbf16> to vector<16xf32>
          %swap3A_488 = arith.index_cast %add3A_482 : i32 to index
          %swap3A_489 = tpu.vector_load %arg9[%swap3A_488] {strides = array<i32>} : memref<10240xf32, #tpu.memory_space<vmem>>, vector<16xf32>,
          tpu.vector_store %arg9[%swap3A_488], %bitcast3A_487 {strides = array<i32>} : memref<10240xf32, #tpu.memory_space<vmem>>, vector<16xf32>,
          %add3A_490 = arith.constant 0 : i32
          %add3A_491 = arith.addi %mul3A_471, %add3A_490 : i32
          %get3A_492 = arith.index_cast %add3A_491 : i32 to index
          %get3A_493 = tpu.vector_load %arg9[%get3A_492] {strides = array<i32>} : memref<10240xf32, #tpu.memory_space<vmem>>, vector<16xf32>,
          %bitcast3A_494 = vector.bitcast %get3A_493 : vector<16xf32> to vector<32xbf16>
          %max3A_495 = arith.maximumf %bitcast3A_494, %bitcast3A_480 : vector<32xbf16>
          %bitcast3A_496 = vector.bitcast %max3A_495 : vector<32xbf16> to vector<16xf32>
          %swap3A_497 = arith.index_cast %add3A_491 : i32 to index
          %swap3A_498 = tpu.vector_load %arg9[%swap3A_497] {strides = array<i32>} : memref<10240xf32, #tpu.memory_space<vmem>>, vector<16xf32>,
          tpu.vector_store %arg9[%swap3A_497], %bitcast3A_496 {strides = array<i32>} : memref<10240xf32, #tpu.memory_space<vmem>>, vector<16xf32>,
          %mul3A_499 = arith.constant 16 : i32
          %mul3A_500 = arith.muli %scan3A_217, %mul3A_499 : i32
          %add3A_501 = arith.constant 2 : i32
          %add3A_502 = arith.addi %mul3A_500, %add3A_501 : i32
          %get3A_503 = arith.index_cast %select_n3A_186 : i32 to index
          %get3A_504 = arith.index_cast %add3A_502 : i32 to index
          %get3A_505 = arith.constant 16 : index
          %get3A_506 = tpu.vector_load %arg8[%get3A_503, %get3A_504, %get3A_505] {strides = array<i32>} : memref<4x128x64xf32, #tpu.memory_space<vmem>>, vector<16xf32>,
          %bitcast3A_507 = vector.bitcast %get3A_506 : vector<16xf32> to vector<32xbf16>
          %add3A_508 = arith.constant 16 : i32
          %add3A_509 = arith.addi %mul3A_465, %add3A_508 : i32
          %get3A_510 = arith.index_cast %add3A_509 : i32 to index
          %get3A_511 = tpu.vector_load %arg9[%get3A_510] {strides = array<i32>} : memref<10240xf32, #tpu.memory_space<vmem>>, vector<16xf32>,
          %bitcast3A_512 = vector.bitcast %get3A_511 : vector<16xf32> to vector<32xbf16>
          %max3A_513 = arith.maximumf %bitcast3A_512, %bitcast3A_507 : vector<32xbf16>
          %bitcast3A_514 = vector.bitcast %max3A_513 : vector<32xbf16> to vector<16xf32>
          %swap3A_515 = arith.index_cast %add3A_509 : i32 to index
          %swap3A_516 = tpu.vector_load %arg9[%swap3A_515] {strides = array<i32>} : memref<10240xf32, #tpu.memory_space<vmem>>, vector<16xf32>,
          tpu.vector_store %arg9[%swap3A_515], %bitcast3A_514 {strides = array<i32>} : memref<10240xf32, #tpu.memory_space<vmem>>, vector<16xf32>,
          %add3A_517 = arith.constant 16 : i32
          %add3A_518 = arith.addi %mul3A_471, %add3A_517 : i32
          %get3A_519 = arith.index_cast %add3A_518 : i32 to index
          %get3A_520 = tpu.vector_load %arg9[%get3A_519] {strides = array<i32>} : memref<10240xf32, #tpu.memory_space<vmem>>, vector<16xf32>,
          %bitcast3A_521 = vector.bitcast %get3A_520 : vector<16xf32> to vector<32xbf16>
          %max3A_522 = arith.maximumf %bitcast3A_521, %bitcast3A_507 : vector<32xbf16>
          %bitcast3A_523 = vector.bitcast %max3A_522 : vector<32xbf16> to vector<16xf32>
          %swap3A_524 = arith.index_cast %add3A_518 : i32 to index
          %swap3A_525 = tpu.vector_load %arg9[%swap3A_524] {strides = array<i32>} : memref<10240xf32, #tpu.memory_space<vmem>>, vector<16xf32>,
          tpu.vector_store %arg9[%swap3A_524], %bitcast3A_523 {strides = array<i32>} : memref<10240xf32, #tpu.memory_space<vmem>>, vector<16xf32>,
          %mul3A_526 = arith.constant 16 : i32
          %mul3A_527 = arith.muli %scan3A_217, %mul3A_526 : i32
          %add3A_528 = arith.constant 2 : i32
          %add3A_529 = arith.addi %mul3A_527, %add3A_528 : i32
          %get3A_530 = arith.index_cast %select_n3A_186 : i32 to index
          %get3A_531 = arith.index_cast %add3A_529 : i32 to index
          %get3A_532 = arith.constant 32 : index
          %get3A_533 = tpu.vector_load %arg8[%get3A_530, %get3A_531, %get3A_532] {strides = array<i32>} : memref<4x128x64xf32, #tpu.memory_space<vmem>>, vector<16xf32>,
          %bitcast3A_534 = vector.bitcast %get3A_533 : vector<16xf32> to vector<32xbf16>
          %add3A_535 = arith.constant 32 : i32
          %add3A_536 = arith.addi %mul3A_465, %add3A_535 : i32
          %get3A_537 = arith.index_cast %add3A_536 : i32 to index
          %get3A_538 = tpu.vector_load %arg9[%get3A_537] {strides = array<i32>} : memref<10240xf32, #tpu.memory_space<vmem>>, vector<16xf32>,
          %bitcast3A_539 = vector.bitcast %get3A_538 : vector<16xf32> to vector<32xbf16>
          %max3A_540 = arith.maximumf %bitcast3A_539, %bitcast3A_534 : vector<32xbf16>
          %bitcast3A_541 = vector.bitcast %max3A_540 : vector<32xbf16> to vector<16xf32>
          %swap3A_542 = arith.index_cast %add3A_536 : i32 to index
          %swap3A_543 = tpu.vector_load %arg9[%swap3A_542] {strides = array<i32>} : memref<10240xf32, #tpu.memory_space<vmem>>, vector<16xf32>,
          tpu.vector_store %arg9[%swap3A_542], %bitcast3A_541 {strides = array<i32>} : memref<10240xf32, #tpu.memory_space<vmem>>, vector<16xf32>,
          %add3A_544 = arith.constant 32 : i32
          %add3A_545 = arith.addi %mul3A_471, %add3A_544 : i32
          %get3A_546 = arith.index_cast %add3A_545 : i32 to index
          %get3A_547 = tpu.vector_load %arg9[%get3A_546] {strides = array<i32>} : memref<10240xf32, #tpu.memory_space<vmem>>, vector<16xf32>,
          %bitcast3A_548 = vector.bitcast %get3A_547 : vector<16xf32> to vector<32xbf16>
          %max3A_549 = arith.maximumf %bitcast3A_548, %bitcast3A_534 : vector<32xbf16>
          %bitcast3A_550 = vector.bitcast %max3A_549 : vector<32xbf16> to vector<16xf32>
          %swap3A_551 = arith.index_cast %add3A_545 : i32 to index
          %swap3A_552 = tpu.vector_load %arg9[%swap3A_551] {strides = array<i32>} : memref<10240xf32, #tpu.memory_space<vmem>>, vector<16xf32>,
          tpu.vector_store %arg9[%swap3A_551], %bitcast3A_550 {strides = array<i32>} : memref<10240xf32, #tpu.memory_space<vmem>>, vector<16xf32>,
          %mul3A_553 = arith.constant 16 : i32
          %mul3A_554 = arith.muli %scan3A_217, %mul3A_553 : i32
          %add3A_555 = arith.constant 2 : i32
          %add3A_556 = arith.addi %mul3A_554, %add3A_555 : i32
          %get3A_557 = arith.index_cast %select_n3A_186 : i32 to index
          %get3A_558 = arith.index_cast %add3A_556 : i32 to index
          %get3A_559 = arith.constant 48 : index
          %get3A_560 = tpu.vector_load %arg8[%get3A_557, %get3A_558, %get3A_559] {strides = array<i32>} : memref<4x128x64xf32, #tpu.memory_space<vmem>>, vector<16xf32>,
          %bitcast3A_561 = vector.bitcast %get3A_560 : vector<16xf32> to vector<32xbf16>
          %add3A_562 = arith.constant 48 : i32
          %add3A_563 = arith.addi %mul3A_465, %add3A_562 : i32
          %get3A_564 = arith.index_cast %add3A_563 : i32 to index
          %get3A_565 = tpu.vector_load %arg9[%get3A_564] {strides = array<i32>} : memref<10240xf32, #tpu.memory_space<vmem>>, vector<16xf32>,
          %bitcast3A_566 = vector.bitcast %get3A_565 : vector<16xf32> to vector<32xbf16>
          %max3A_567 = arith.maximumf %bitcast3A_566, %bitcast3A_561 : vector<32xbf16>
          %bitcast3A_568 = vector.bitcast %max3A_567 : vector<32xbf16> to vector<16xf32>
          %swap3A_569 = arith.index_cast %add3A_563 : i32 to index
          %swap3A_570 = tpu.vector_load %arg9[%swap3A_569] {strides = array<i32>} : memref<10240xf32, #tpu.memory_space<vmem>>, vector<16xf32>,
          tpu.vector_store %arg9[%swap3A_569], %bitcast3A_568 {strides = array<i32>} : memref<10240xf32, #tpu.memory_space<vmem>>, vector<16xf32>,
          %add3A_571 = arith.constant 48 : i32
          %add3A_572 = arith.addi %mul3A_471, %add3A_571 : i32
          %get3A_573 = arith.index_cast %add3A_572 : i32 to index
          %get3A_574 = tpu.vector_load %arg9[%get3A_573] {strides = array<i32>} : memref<10240xf32, #tpu.memory_space<vmem>>, vector<16xf32>,
          %bitcast3A_575 = vector.bitcast %get3A_574 : vector<16xf32> to vector<32xbf16>
          %max3A_576 = arith.maximumf %bitcast3A_575, %bitcast3A_561 : vector<32xbf16>
          %bitcast3A_577 = vector.bitcast %max3A_576 : vector<32xbf16> to vector<16xf32>
          %swap3A_578 = arith.index_cast %add3A_572 : i32 to index
          %swap3A_579 = tpu.vector_load %arg9[%swap3A_578] {strides = array<i32>} : memref<10240xf32, #tpu.memory_space<vmem>>, vector<16xf32>,
          tpu.vector_store %arg9[%swap3A_578], %bitcast3A_577 {strides = array<i32>} : memref<10240xf32, #tpu.memory_space<vmem>>, vector<16xf32>,
          %slice3A_580 = vector.extract_strided_slice %get3A_224 {offsets = [3], sizes = [1], strides = [1]} : vector<16xi32> to vector<1xi32>
          %squeeze3A_581 = vector.extract %slice3A_580[0] : i32 from vector<1xi32>
          %shift_right_arithmetic3A_582 = arith.constant 7 : i32
          %shift_right_arithmetic3A_583 = arith.shrsi %squeeze3A_581, %shift_right_arithmetic3A_582 : i32
          %mul3A_584 = arith.constant 64 : i32
          %mul3A_585 = arith.muli %shift_right_arithmetic3A_583, %mul3A_584 : i32
          %and3A_586 = arith.constant 127 : i32
          %and3A_587 = arith.andi %squeeze3A_581, %and3A_586 : i32
          %add3A_588 = arith.constant 27 : i32
          %add3A_589 = arith.addi %add3A_588, %and3A_587 : i32
          %mul3A_590 = arith.constant 64 : i32
          %mul3A_591 = arith.muli %add3A_589, %mul3A_590 : i32
          %mul3A_592 = arith.constant 16 : i32
          %mul3A_593 = arith.muli %scan3A_217, %mul3A_592 : i32
          %add3A_594 = arith.constant 3 : i32
          %add3A_595 = arith.addi %mul3A_593, %add3A_594 : i32
          %get3A_596 = arith.index_cast %select_n3A_186 : i32 to index
          %get3A_597 = arith.index_cast %add3A_595 : i32 to index
          %get3A_598 = arith.constant 0 : index
          %get3A_599 = tpu.vector_load %arg8[%get3A_596, %get3A_597, %get3A_598] {strides = array<i32>} : memref<4x128x64xf32, #tpu.memory_space<vmem>>, vector<16xf32>,
          %bitcast3A_600 = vector.bitcast %get3A_599 : vector<16xf32> to vector<32xbf16>
          %add3A_601 = arith.constant 0 : i32
          %add3A_602 = arith.addi %mul3A_585, %add3A_601 : i32
          %get3A_603 = arith.index_cast %add3A_602 : i32 to index
          %get3A_604 = tpu.vector_load %arg9[%get3A_603] {strides = array<i32>} : memref<10240xf32, #tpu.memory_space<vmem>>, vector<16xf32>,
          %bitcast3A_605 = vector.bitcast %get3A_604 : vector<16xf32> to vector<32xbf16>
          %max3A_606 = arith.maximumf %bitcast3A_605, %bitcast3A_600 : vector<32xbf16>
          %bitcast3A_607 = vector.bitcast %max3A_606 : vector<32xbf16> to vector<16xf32>
          %swap3A_608 = arith.index_cast %add3A_602 : i32 to index
          %swap3A_609 = tpu.vector_load %arg9[%swap3A_608] {strides = array<i32>} : memref<10240xf32, #tpu.memory_space<vmem>>, vector<16xf32>,
          tpu.vector_store %arg9[%swap3A_608], %bitcast3A_607 {strides = array<i32>} : memref<10240xf32, #tpu.memory_space<vmem>>, vector<16xf32>,
          %add3A_610 = arith.constant 0 : i32
          %add3A_611 = arith.addi %mul3A_591, %add3A_610 : i32
          %get3A_612 = arith.index_cast %add3A_611 : i32 to index
          %get3A_613 = tpu.vector_load %arg9[%get3A_612] {strides = array<i32>} : memref<10240xf32, #tpu.memory_space<vmem>>, vector<16xf32>,
          %bitcast3A_614 = vector.bitcast %get3A_613 : vector<16xf32> to vector<32xbf16>
          %max3A_615 = arith.maximumf %bitcast3A_614, %bitcast3A_600 : vector<32xbf16>
          %bitcast3A_616 = vector.bitcast %max3A_615 : vector<32xbf16> to vector<16xf32>
          %swap3A_617 = arith.index_cast %add3A_611 : i32 to index
          %swap3A_618 = tpu.vector_load %arg9[%swap3A_617] {strides = array<i32>} : memref<10240xf32, #tpu.memory_space<vmem>>, vector<16xf32>,
          tpu.vector_store %arg9[%swap3A_617], %bitcast3A_616 {strides = array<i32>} : memref<10240xf32, #tpu.memory_space<vmem>>, vector<16xf32>,
          %mul3A_619 = arith.constant 16 : i32
          %mul3A_620 = arith.muli %scan3A_217, %mul3A_619 : i32
          %add3A_621 = arith.constant 3 : i32
          %add3A_622 = arith.addi %mul3A_620, %add3A_621 : i32
          %get3A_623 = arith.index_cast %select_n3A_186 : i32 to index
          %get3A_624 = arith.index_cast %add3A_622 : i32 to index
          %get3A_625 = arith.constant 16 : index
          %get3A_626 = tpu.vector_load %arg8[%get3A_623, %get3A_624, %get3A_625] {strides = array<i32>} : memref<4x128x64xf32, #tpu.memory_space<vmem>>, vector<16xf32>,
          %bitcast3A_627 = vector.bitcast %get3A_626 : vector<16xf32> to vector<32xbf16>
          %add3A_628 = arith.constant 16 : i32
          %add3A_629 = arith.addi %mul3A_585, %add3A_628 : i32
          %get3A_630 = arith.index_cast %add3A_629 : i32 to index
          %get3A_631 = tpu.vector_load %arg9[%get3A_630] {strides = array<i32>} : memref<10240xf32, #tpu.memory_space<vmem>>, vector<16xf32>,
          %bitcast3A_632 = vector.bitcast %get3A_631 : vector<16xf32> to vector<32xbf16>
          %max3A_633 = arith.maximumf %bitcast3A_632, %bitcast3A_627 : vector<32xbf16>
          %bitcast3A_634 = vector.bitcast %max3A_633 : vector<32xbf16> to vector<16xf32>
          %swap3A_635 = arith.index_cast %add3A_629 : i32 to index
          %swap3A_636 = tpu.vector_load %arg9[%swap3A_635] {strides = array<i32>} : memref<10240xf32, #tpu.memory_space<vmem>>, vector<16xf32>,
          tpu.vector_store %arg9[%swap3A_635], %bitcast3A_634 {strides = array<i32>} : memref<10240xf32, #tpu.memory_space<vmem>>, vector<16xf32>,
          %add3A_637 = arith.constant 16 : i32
          %add3A_638 = arith.addi %mul3A_591, %add3A_637 : i32
          %get3A_639 = arith.index_cast %add3A_638 : i32 to index
          %get3A_640 = tpu.vector_load %arg9[%get3A_639] {strides = array<i32>} : memref<10240xf32, #tpu.memory_space<vmem>>, vector<16xf32>,
          %bitcast3A_641 = vector.bitcast %get3A_640 : vector<16xf32> to vector<32xbf16>
          %max3A_642 = arith.maximumf %bitcast3A_641, %bitcast3A_627 : vector<32xbf16>
          %bitcast3A_643 = vector.bitcast %max3A_642 : vector<32xbf16> to vector<16xf32>
          %swap3A_644 = arith.index_cast %add3A_638 : i32 to index
          %swap3A_645 = tpu.vector_load %arg9[%swap3A_644] {strides = array<i32>} : memref<10240xf32, #tpu.memory_space<vmem>>, vector<16xf32>,
          tpu.vector_store %arg9[%swap3A_644], %bitcast3A_643 {strides = array<i32>} : memref<10240xf32, #tpu.memory_space<vmem>>, vector<16xf32>,
          %mul3A_646 = arith.constant 16 : i32
          %mul3A_647 = arith.muli %scan3A_217, %mul3A_646 : i32
          %add3A_648 = arith.constant 3 : i32
          %add3A_649 = arith.addi %mul3A_647, %add3A_648 : i32
          %get3A_650 = arith.index_cast %select_n3A_186 : i32 to index
          %get3A_651 = arith.index_cast %add3A_649 : i32 to index
          %get3A_652 = arith.constant 32 : index
          %get3A_653 = tpu.vector_load %arg8[%get3A_650, %get3A_651, %get3A_652] {strides = array<i32>} : memref<4x128x64xf32, #tpu.memory_space<vmem>>, vector<16xf32>,
          %bitcast3A_654 = vector.bitcast %get3A_653 : vector<16xf32> to vector<32xbf16>
          %add3A_655 = arith.constant 32 : i32
          %add3A_656 = arith.addi %mul3A_585, %add3A_655 : i32
          %get3A_657 = arith.index_cast %add3A_656 : i32 to index
          %get3A_658 = tpu.vector_load %arg9[%get3A_657] {strides = array<i32>} : memref<10240xf32, #tpu.memory_space<vmem>>, vector<16xf32>,
          %bitcast3A_659 = vector.bitcast %get3A_658 : vector<16xf32> to vector<32xbf16>
          %max3A_660 = arith.maximumf %bitcast3A_659, %bitcast3A_654 : vector<32xbf16>
          %bitcast3A_661 = vector.bitcast %max3A_660 : vector<32xbf16> to vector<16xf32>
          %swap3A_662 = arith.index_cast %add3A_656 : i32 to index
          %swap3A_663 = tpu.vector_load %arg9[%swap3A_662] {strides = array<i32>} : memref<10240xf32, #tpu.memory_space<vmem>>, vector<16xf32>,
          tpu.vector_store %arg9[%swap3A_662], %bitcast3A_661 {strides = array<i32>} : memref<10240xf32, #tpu.memory_space<vmem>>, vector<16xf32>,
          %add3A_664 = arith.constant 32 : i32
          %add3A_665 = arith.addi %mul3A_591, %add3A_664 : i32
          %get3A_666 = arith.index_cast %add3A_665 : i32 to index
          %get3A_667 = tpu.vector_load %arg9[%get3A_666] {strides = array<i32>} : memref<10240xf32, #tpu.memory_space<vmem>>, vector<16xf32>,
          %bitcast3A_668 = vector.bitcast %get3A_667 : vector<16xf32> to vector<32xbf16>
          %max3A_669 = arith.maximumf %bitcast3A_668, %bitcast3A_654 : vector<32xbf16>
          %bitcast3A_670 = vector.bitcast %max3A_669 : vector<32xbf16> to vector<16xf32>
          %swap3A_671 = arith.index_cast %add3A_665 : i32 to index
          %swap3A_672 = tpu.vector_load %arg9[%swap3A_671] {strides = array<i32>} : memref<10240xf32, #tpu.memory_space<vmem>>, vector<16xf32>,
          tpu.vector_store %arg9[%swap3A_671], %bitcast3A_670 {strides = array<i32>} : memref<10240xf32, #tpu.memory_space<vmem>>, vector<16xf32>,
          %mul3A_673 = arith.constant 16 : i32
          %mul3A_674 = arith.muli %scan3A_217, %mul3A_673 : i32
          %add3A_675 = arith.constant 3 : i32
          %add3A_676 = arith.addi %mul3A_674, %add3A_675 : i32
          %get3A_677 = arith.index_cast %select_n3A_186 : i32 to index
          %get3A_678 = arith.index_cast %add3A_676 : i32 to index
          %get3A_679 = arith.constant 48 : index
          %get3A_680 = tpu.vector_load %arg8[%get3A_677, %get3A_678, %get3A_679] {strides = array<i32>} : memref<4x128x64xf32, #tpu.memory_space<vmem>>, vector<16xf32>,
          %bitcast3A_681 = vector.bitcast %get3A_680 : vector<16xf32> to vector<32xbf16>
          %add3A_682 = arith.constant 48 : i32
          %add3A_683 = arith.addi %mul3A_585, %add3A_682 : i32
          %get3A_684 = arith.index_cast %add3A_683 : i32 to index
          %get3A_685 = tpu.vector_load %arg9[%get3A_684] {strides = array<i32>} : memref<10240xf32, #tpu.memory_space<vmem>>, vector<16xf32>,
          %bitcast3A_686 = vector.bitcast %get3A_685 : vector<16xf32> to vector<32xbf16>
          %max3A_687 = arith.maximumf %bitcast3A_686, %bitcast3A_681 : vector<32xbf16>
          %bitcast3A_688 = vector.bitcast %max3A_687 : vector<32xbf16> to vector<16xf32>
          %swap3A_689 = arith.index_cast %add3A_683 : i32 to index
          %swap3A_690 = tpu.vector_load %arg9[%swap3A_689] {strides = array<i32>} : memref<10240xf32, #tpu.memory_space<vmem>>, vector<16xf32>,
          tpu.vector_store %arg9[%swap3A_689], %bitcast3A_688 {strides = array<i32>} : memref<10240xf32, #tpu.memory_space<vmem>>, vector<16xf32>,
          %add3A_691 = arith.constant 48 : i32
          %add3A_692 = arith.addi %mul3A_591, %add3A_691 : i32
          %get3A_693 = arith.index_cast %add3A_692 : i32 to index
          %get3A_694 = tpu.vector_load %arg9[%get3A_693] {strides = array<i32>} : memref<10240xf32, #tpu.memory_space<vmem>>, vector<16xf32>,
          %bitcast3A_695 = vector.bitcast %get3A_694 : vector<16xf32> to vector<32xbf16>
          %max3A_696 = arith.maximumf %bitcast3A_695, %bitcast3A_681 : vector<32xbf16>
          %bitcast3A_697 = vector.bitcast %max3A_696 : vector<32xbf16> to vector<16xf32>
          %swap3A_698 = arith.index_cast %add3A_692 : i32 to index
          %swap3A_699 = tpu.vector_load %arg9[%swap3A_698] {strides = array<i32>} : memref<10240xf32, #tpu.memory_space<vmem>>, vector<16xf32>,
          tpu.vector_store %arg9[%swap3A_698], %bitcast3A_697 {strides = array<i32>} : memref<10240xf32, #tpu.memory_space<vmem>>, vector<16xf32>,
          %slice3A_700 = vector.extract_strided_slice %get3A_224 {offsets = [4], sizes = [1], strides = [1]} : vector<16xi32> to vector<1xi32>
          %squeeze3A_701 = vector.extract %slice3A_700[0] : i32 from vector<1xi32>
          %shift_right_arithmetic3A_702 = arith.constant 7 : i32
          %shift_right_arithmetic3A_703 = arith.shrsi %squeeze3A_701, %shift_right_arithmetic3A_702 : i32
          %mul3A_704 = arith.constant 64 : i32
          %mul3A_705 = arith.muli %shift_right_arithmetic3A_703, %mul3A_704 : i32
          %and3A_706 = arith.constant 127 : i32
          %and3A_707 = arith.andi %squeeze3A_701, %and3A_706 : i32
          %add3A_708 = arith.constant 27 : i32
          %add3A_709 = arith.addi %add3A_708, %and3A_707 : i32
          %mul3A_710 = arith.constant 64 : i32
          %mul3A_711 = arith.muli %add3A_709, %mul3A_710 : i32
          %mul3A_712 = arith.constant 16 : i32
          %mul3A_713 = arith.muli %scan3A_217, %mul3A_712 : i32
          %add3A_714 = arith.constant 4 : i32
          %add3A_715 = arith.addi %mul3A_713, %add3A_714 : i32
          %get3A_716 = arith.index_cast %select_n3A_186 : i32 to index
          %get3A_717 = arith.index_cast %add3A_715 : i32 to index
          %get3A_718 = arith.constant 0 : index
          %get3A_719 = tpu.vector_load %arg8[%get3A_716, %get3A_717, %get3A_718] {strides = array<i32>} : memref<4x128x64xf32, #tpu.memory_space<vmem>>, vector<16xf32>,
          %bitcast3A_720 = vector.bitcast %get3A_719 : vector<16xf32> to vector<32xbf16>
          %add3A_721 = arith.constant 0 : i32
          %add3A_722 = arith.addi %mul3A_705, %add3A_721 : i32
          %get3A_723 = arith.index_cast %add3A_722 : i32 to index
          %get3A_724 = tpu.vector_load %arg9[%get3A_723] {strides = array<i32>} : memref<10240xf32, #tpu.memory_space<vmem>>, vector<16xf32>,
          %bitcast3A_725 = vector.bitcast %get3A_724 : vector<16xf32> to vector<32xbf16>
          %max3A_726 = arith.maximumf %bitcast3A_725, %bitcast3A_720 : vector<32xbf16>
          %bitcast3A_727 = vector.bitcast %max3A_726 : vector<32xbf16> to vector<16xf32>
          %swap3A_728 = arith.index_cast %add3A_722 : i32 to index
          %swap3A_729 = tpu.vector_load %arg9[%swap3A_728] {strides = array<i32>} : memref<10240xf32, #tpu.memory_space<vmem>>, vector<16xf32>,
          tpu.vector_store %arg9[%swap3A_728], %bitcast3A_727 {strides = array<i32>} : memref<10240xf32, #tpu.memory_space<vmem>>, vector<16xf32>,
          %add3A_730 = arith.constant 0 : i32
          %add3A_731 = arith.addi %mul3A_711, %add3A_730 : i32
          %get3A_732 = arith.index_cast %add3A_731 : i32 to index
          %get3A_733 = tpu.vector_load %arg9[%get3A_732] {strides = array<i32>} : memref<10240xf32, #tpu.memory_space<vmem>>, vector<16xf32>,
          %bitcast3A_734 = vector.bitcast %get3A_733 : vector<16xf32> to vector<32xbf16>
          %max3A_735 = arith.maximumf %bitcast3A_734, %bitcast3A_720 : vector<32xbf16>
          %bitcast3A_736 = vector.bitcast %max3A_735 : vector<32xbf16> to vector<16xf32>
          %swap3A_737 = arith.index_cast %add3A_731 : i32 to index
          %swap3A_738 = tpu.vector_load %arg9[%swap3A_737] {strides = array<i32>} : memref<10240xf32, #tpu.memory_space<vmem>>, vector<16xf32>,
          tpu.vector_store %arg9[%swap3A_737], %bitcast3A_736 {strides = array<i32>} : memref<10240xf32, #tpu.memory_space<vmem>>, vector<16xf32>,
          %mul3A_739 = arith.constant 16 : i32
          %mul3A_740 = arith.muli %scan3A_217, %mul3A_739 : i32
          %add3A_741 = arith.constant 4 : i32
          %add3A_742 = arith.addi %mul3A_740, %add3A_741 : i32
          %get3A_743 = arith.index_cast %select_n3A_186 : i32 to index
          %get3A_744 = arith.index_cast %add3A_742 : i32 to index
          %get3A_745 = arith.constant 16 : index
          %get3A_746 = tpu.vector_load %arg8[%get3A_743, %get3A_744, %get3A_745] {strides = array<i32>} : memref<4x128x64xf32, #tpu.memory_space<vmem>>, vector<16xf32>,
          %bitcast3A_747 = vector.bitcast %get3A_746 : vector<16xf32> to vector<32xbf16>
          %add3A_748 = arith.constant 16 : i32
          %add3A_749 = arith.addi %mul3A_705, %add3A_748 : i32
          %get3A_750 = arith.index_cast %add3A_749 : i32 to index
          %get3A_751 = tpu.vector_load %arg9[%get3A_750] {strides = array<i32>} : memref<10240xf32, #tpu.memory_space<vmem>>, vector<16xf32>,
          %bitcast3A_752 = vector.bitcast %get3A_751 : vector<16xf32> to vector<32xbf16>
          %max3A_753 = arith.maximumf %bitcast3A_752, %bitcast3A_747 : vector<32xbf16>
          %bitcast3A_754 = vector.bitcast %max3A_753 : vector<32xbf16> to vector<16xf32>
          %swap3A_755 = arith.index_cast %add3A_749 : i32 to index
          %swap3A_756 = tpu.vector_load %arg9[%swap3A_755] {strides = array<i32>} : memref<10240xf32, #tpu.memory_space<vmem>>, vector<16xf32>,
          tpu.vector_store %arg9[%swap3A_755], %bitcast3A_754 {strides = array<i32>} : memref<10240xf32, #tpu.memory_space<vmem>>, vector<16xf32>,
          %add3A_757 = arith.constant 16 : i32
          %add3A_758 = arith.addi %mul3A_711, %add3A_757 : i32
          %get3A_759 = arith.index_cast %add3A_758 : i32 to index
          %get3A_760 = tpu.vector_load %arg9[%get3A_759] {strides = array<i32>} : memref<10240xf32, #tpu.memory_space<vmem>>, vector<16xf32>,
          %bitcast3A_761 = vector.bitcast %get3A_760 : vector<16xf32> to vector<32xbf16>
          %max3A_762 = arith.maximumf %bitcast3A_761, %bitcast3A_747 : vector<32xbf16>
          %bitcast3A_763 = vector.bitcast %max3A_762 : vector<32xbf16> to vector<16xf32>
          %swap3A_764 = arith.index_cast %add3A_758 : i32 to index
          %swap3A_765 = tpu.vector_load %arg9[%swap3A_764] {strides = array<i32>} : memref<10240xf32, #tpu.memory_space<vmem>>, vector<16xf32>,
          tpu.vector_store %arg9[%swap3A_764], %bitcast3A_763 {strides = array<i32>} : memref<10240xf32, #tpu.memory_space<vmem>>, vector<16xf32>,
          %mul3A_766 = arith.constant 16 : i32
          %mul3A_767 = arith.muli %scan3A_217, %mul3A_766 : i32
          %add3A_768 = arith.constant 4 : i32
          %add3A_769 = arith.addi %mul3A_767, %add3A_768 : i32
          %get3A_770 = arith.index_cast %select_n3A_186 : i32 to index
          %get3A_771 = arith.index_cast %add3A_769 : i32 to index
          %get3A_772 = arith.constant 32 : index
          %get3A_773 = tpu.vector_load %arg8[%get3A_770, %get3A_771, %get3A_772] {strides = array<i32>} : memref<4x128x64xf32, #tpu.memory_space<vmem>>, vector<16xf32>,
          %bitcast3A_774 = vector.bitcast %get3A_773 : vector<16xf32> to vector<32xbf16>
          %add3A_775 = arith.constant 32 : i32
          %add3A_776 = arith.addi %mul3A_705, %add3A_775 : i32
          %get3A_777 = arith.index_cast %add3A_776 : i32 to index
          %get3A_778 = tpu.vector_load %arg9[%get3A_777] {strides = array<i32>} : memref<10240xf32, #tpu.memory_space<vmem>>, vector<16xf32>,
          %bitcast3A_779 = vector.bitcast %get3A_778 : vector<16xf32> to vector<32xbf16>
          %max3A_780 = arith.maximumf %bitcast3A_779, %bitcast3A_774 : vector<32xbf16>
          %bitcast3A_781 = vector.bitcast %max3A_780 : vector<32xbf16> to vector<16xf32>
          %swap3A_782 = arith.index_cast %add3A_776 : i32 to index
          %swap3A_783 = tpu.vector_load %arg9[%swap3A_782] {strides = array<i32>} : memref<10240xf32, #tpu.memory_space<vmem>>, vector<16xf32>,
          tpu.vector_store %arg9[%swap3A_782], %bitcast3A_781 {strides = array<i32>} : memref<10240xf32, #tpu.memory_space<vmem>>, vector<16xf32>,
          %add3A_784 = arith.constant 32 : i32
          %add3A_785 = arith.addi %mul3A_711, %add3A_784 : i32
          %get3A_786 = arith.index_cast %add3A_785 : i32 to index
          %get3A_787 = tpu.vector_load %arg9[%get3A_786] {strides = array<i32>} : memref<10240xf32, #tpu.memory_space<vmem>>, vector<16xf32>,
          %bitcast3A_788 = vector.bitcast %get3A_787 : vector<16xf32> to vector<32xbf16>
          %max3A_789 = arith.maximumf %bitcast3A_788, %bitcast3A_774 : vector<32xbf16>
          %bitcast3A_790 = vector.bitcast %max3A_789 : vector<32xbf16> to vector<16xf32>
          %swap3A_791 = arith.index_cast %add3A_785 : i32 to index
          %swap3A_792 = tpu.vector_load %arg9[%swap3A_791] {strides = array<i32>} : memref<10240xf32, #tpu.memory_space<vmem>>, vector<16xf32>,
          tpu.vector_store %arg9[%swap3A_791], %bitcast3A_790 {strides = array<i32>} : memref<10240xf32, #tpu.memory_space<vmem>>, vector<16xf32>,
          %mul3A_793 = arith.constant 16 : i32
          %mul3A_794 = arith.muli %scan3A_217, %mul3A_793 : i32
          %add3A_795 = arith.constant 4 : i32
          %add3A_796 = arith.addi %mul3A_794, %add3A_795 : i32
          %get3A_797 = arith.index_cast %select_n3A_186 : i32 to index
          %get3A_798 = arith.index_cast %add3A_796 : i32 to index
          %get3A_799 = arith.constant 48 : index
          %get3A_800 = tpu.vector_load %arg8[%get3A_797, %get3A_798, %get3A_799] {strides = array<i32>} : memref<4x128x64xf32, #tpu.memory_space<vmem>>, vector<16xf32>,
          %bitcast3A_801 = vector.bitcast %get3A_800 : vector<16xf32> to vector<32xbf16>
          %add3A_802 = arith.constant 48 : i32
          %add3A_803 = arith.addi %mul3A_705, %add3A_802 : i32
          %get3A_804 = arith.index_cast %add3A_803 : i32 to index
          %get3A_805 = tpu.vector_load %arg9[%get3A_804] {strides = array<i32>} : memref<10240xf32, #tpu.memory_space<vmem>>, vector<16xf32>,
          %bitcast3A_806 = vector.bitcast %get3A_805 : vector<16xf32> to vector<32xbf16>
          %max3A_807 = arith.maximumf %bitcast3A_806, %bitcast3A_801 : vector<32xbf16>
          %bitcast3A_808 = vector.bitcast %max3A_807 : vector<32xbf16> to vector<16xf32>
          %swap3A_809 = arith.index_cast %add3A_803 : i32 to index
          %swap3A_810 = tpu.vector_load %arg9[%swap3A_809] {strides = array<i32>} : memref<10240xf32, #tpu.memory_space<vmem>>, vector<16xf32>,
          tpu.vector_store %arg9[%swap3A_809], %bitcast3A_808 {strides = array<i32>} : memref<10240xf32, #tpu.memory_space<vmem>>, vector<16xf32>,
          %add3A_811 = arith.constant 48 : i32
          %add3A_812 = arith.addi %mul3A_711, %add3A_811 : i32
          %get3A_813 = arith.index_cast %add3A_812 : i32 to index
          %get3A_814 = tpu.vector_load %arg9[%get3A_813] {strides = array<i32>} : memref<10240xf32, #tpu.memory_space<vmem>>, vector<16xf32>,
          %bitcast3A_815 = vector.bitcast %get3A_814 : vector<16xf32> to vector<32xbf16>
          %max3A_816 = arith.maximumf %bitcast3A_815, %bitcast3A_801 : vector<32xbf16>
          %bitcast3A_817 = vector.bitcast %max3A_816 : vector<32xbf16> to vector<16xf32>
          %swap3A_818 = arith.index_cast %add3A_812 : i32 to index
          %swap3A_819 = tpu.vector_load %arg9[%swap3A_818] {strides = array<i32>} : memref<10240xf32, #tpu.memory_space<vmem>>, vector<16xf32>,
          tpu.vector_store %arg9[%swap3A_818], %bitcast3A_817 {strides = array<i32>} : memref<10240xf32, #tpu.memory_space<vmem>>, vector<16xf32>,
          %slice3A_820 = vector.extract_strided_slice %get3A_224 {offsets = [5], sizes = [1], strides = [1]} : vector<16xi32> to vector<1xi32>
          %squeeze3A_821 = vector.extract %slice3A_820[0] : i32 from vector<1xi32>
          %shift_right_arithmetic3A_822 = arith.constant 7 : i32
          %shift_right_arithmetic3A_823 = arith.shrsi %squeeze3A_821, %shift_right_arithmetic3A_822 : i32
          %mul3A_824 = arith.constant 64 : i32
          %mul3A_825 = arith.muli %shift_right_arithmetic3A_823, %mul3A_824 : i32
          %and3A_826 = arith.constant 127 : i32
          %and3A_827 = arith.andi %squeeze3A_821, %and3A_826 : i32
          %add3A_828 = arith.constant 27 : i32
          %add3A_829 = arith.addi %add3A_828, %and3A_827 : i32
          %mul3A_830 = arith.constant 64 : i32
          %mul3A_831 = arith.muli %add3A_829, %mul3A_830 : i32
          %mul3A_832 = arith.constant 16 : i32
          %mul3A_833 = arith.muli %scan3A_217, %mul3A_832 : i32
          %add3A_834 = arith.constant 5 : i32
          %add3A_835 = arith.addi %mul3A_833, %add3A_834 : i32
          %get3A_836 = arith.index_cast %select_n3A_186 : i32 to index
          %get3A_837 = arith.index_cast %add3A_835 : i32 to index
          %get3A_838 = arith.constant 0 : index
          %get3A_839 = tpu.vector_load %arg8[%get3A_836, %get3A_837, %get3A_838] {strides = array<i32>} : memref<4x128x64xf32, #tpu.memory_space<vmem>>, vector<16xf32>,
          %bitcast3A_840 = vector.bitcast %get3A_839 : vector<16xf32> to vector<32xbf16>
          %add3A_841 = arith.constant 0 : i32
          %add3A_842 = arith.addi %mul3A_825, %add3A_841 : i32
          %get3A_843 = arith.index_cast %add3A_842 : i32 to index
          %get3A_844 = tpu.vector_load %arg9[%get3A_843] {strides = array<i32>} : memref<10240xf32, #tpu.memory_space<vmem>>, vector<16xf32>,
          %bitcast3A_845 = vector.bitcast %get3A_844 : vector<16xf32> to vector<32xbf16>
          %max3A_846 = arith.maximumf %bitcast3A_845, %bitcast3A_840 : vector<32xbf16>
          %bitcast3A_847 = vector.bitcast %max3A_846 : vector<32xbf16> to vector<16xf32>
          %swap3A_848 = arith.index_cast %add3A_842 : i32 to index
          %swap3A_849 = tpu.vector_load %arg9[%swap3A_848] {strides = array<i32>} : memref<10240xf32, #tpu.memory_space<vmem>>, vector<16xf32>,
          tpu.vector_store %arg9[%swap3A_848], %bitcast3A_847 {strides = array<i32>} : memref<10240xf32, #tpu.memory_space<vmem>>, vector<16xf32>,
          %add3A_850 = arith.constant 0 : i32
          %add3A_851 = arith.addi %mul3A_831, %add3A_850 : i32
          %get3A_852 = arith.index_cast %add3A_851 : i32 to index
          %get3A_853 = tpu.vector_load %arg9[%get3A_852] {strides = array<i32>} : memref<10240xf32, #tpu.memory_space<vmem>>, vector<16xf32>,
          %bitcast3A_854 = vector.bitcast %get3A_853 : vector<16xf32> to vector<32xbf16>
          %max3A_855 = arith.maximumf %bitcast3A_854, %bitcast3A_840 : vector<32xbf16>
          %bitcast3A_856 = vector.bitcast %max3A_855 : vector<32xbf16> to vector<16xf32>
          %swap3A_857 = arith.index_cast %add3A_851 : i32 to index
          %swap3A_858 = tpu.vector_load %arg9[%swap3A_857] {strides = array<i32>} : memref<10240xf32, #tpu.memory_space<vmem>>, vector<16xf32>,
          tpu.vector_store %arg9[%swap3A_857], %bitcast3A_856 {strides = array<i32>} : memref<10240xf32, #tpu.memory_space<vmem>>, vector<16xf32>,
          %mul3A_859 = arith.constant 16 : i32
          %mul3A_860 = arith.muli %scan3A_217, %mul3A_859 : i32
          %add3A_861 = arith.constant 5 : i32
          %add3A_862 = arith.addi %mul3A_860, %add3A_861 : i32
          %get3A_863 = arith.index_cast %select_n3A_186 : i32 to index
          %get3A_864 = arith.index_cast %add3A_862 : i32 to index
          %get3A_865 = arith.constant 16 : index
          %get3A_866 = tpu.vector_load %arg8[%get3A_863, %get3A_864, %get3A_865] {strides = array<i32>} : memref<4x128x64xf32, #tpu.memory_space<vmem>>, vector<16xf32>,
          %bitcast3A_867 = vector.bitcast %get3A_866 : vector<16xf32> to vector<32xbf16>
          %add3A_868 = arith.constant 16 : i32
          %add3A_869 = arith.addi %mul3A_825, %add3A_868 : i32
          %get3A_870 = arith.index_cast %add3A_869 : i32 to index
          %get3A_871 = tpu.vector_load %arg9[%get3A_870] {strides = array<i32>} : memref<10240xf32, #tpu.memory_space<vmem>>, vector<16xf32>,
          %bitcast3A_872 = vector.bitcast %get3A_871 : vector<16xf32> to vector<32xbf16>
          %max3A_873 = arith.maximumf %bitcast3A_872, %bitcast3A_867 : vector<32xbf16>
          %bitcast3A_874 = vector.bitcast %max3A_873 : vector<32xbf16> to vector<16xf32>
          %swap3A_875 = arith.index_cast %add3A_869 : i32 to index
          %swap3A_876 = tpu.vector_load %arg9[%swap3A_875] {strides = array<i32>} : memref<10240xf32, #tpu.memory_space<vmem>>, vector<16xf32>,
          tpu.vector_store %arg9[%swap3A_875], %bitcast3A_874 {strides = array<i32>} : memref<10240xf32, #tpu.memory_space<vmem>>, vector<16xf32>,
          %add3A_877 = arith.constant 16 : i32
          %add3A_878 = arith.addi %mul3A_831, %add3A_877 : i32
          %get3A_879 = arith.index_cast %add3A_878 : i32 to index
          %get3A_880 = tpu.vector_load %arg9[%get3A_879] {strides = array<i32>} : memref<10240xf32, #tpu.memory_space<vmem>>, vector<16xf32>,
          %bitcast3A_881 = vector.bitcast %get3A_880 : vector<16xf32> to vector<32xbf16>
          %max3A_882 = arith.maximumf %bitcast3A_881, %bitcast3A_867 : vector<32xbf16>
          %bitcast3A_883 = vector.bitcast %max3A_882 : vector<32xbf16> to vector<16xf32>
          %swap3A_884 = arith.index_cast %add3A_878 : i32 to index
          %swap3A_885 = tpu.vector_load %arg9[%swap3A_884] {strides = array<i32>} : memref<10240xf32, #tpu.memory_space<vmem>>, vector<16xf32>,
          tpu.vector_store %arg9[%swap3A_884], %bitcast3A_883 {strides = array<i32>} : memref<10240xf32, #tpu.memory_space<vmem>>, vector<16xf32>,
          %mul3A_886 = arith.constant 16 : i32
          %mul3A_887 = arith.muli %scan3A_217, %mul3A_886 : i32
          %add3A_888 = arith.constant 5 : i32
          %add3A_889 = arith.addi %mul3A_887, %add3A_888 : i32
          %get3A_890 = arith.index_cast %select_n3A_186 : i32 to index
          %get3A_891 = arith.index_cast %add3A_889 : i32 to index
          %get3A_892 = arith.constant 32 : index
          %get3A_893 = tpu.vector_load %arg8[%get3A_890, %get3A_891, %get3A_892] {strides = array<i32>} : memref<4x128x64xf32, #tpu.memory_space<vmem>>, vector<16xf32>,
          %bitcast3A_894 = vector.bitcast %get3A_893 : vector<16xf32> to vector<32xbf16>
          %add3A_895 = arith.constant 32 : i32
          %add3A_896 = arith.addi %mul3A_825, %add3A_895 : i32
          %get3A_897 = arith.index_cast %add3A_896 : i32 to index
          %get3A_898 = tpu.vector_load %arg9[%get3A_897] {strides = array<i32>} : memref<10240xf32, #tpu.memory_space<vmem>>, vector<16xf32>,
          %bitcast3A_899 = vector.bitcast %get3A_898 : vector<16xf32> to vector<32xbf16>
          %max3A_900 = arith.maximumf %bitcast3A_899, %bitcast3A_894 : vector<32xbf16>
          %bitcast3A_901 = vector.bitcast %max3A_900 : vector<32xbf16> to vector<16xf32>
          %swap3A_902 = arith.index_cast %add3A_896 : i32 to index
          %swap3A_903 = tpu.vector_load %arg9[%swap3A_902] {strides = array<i32>} : memref<10240xf32, #tpu.memory_space<vmem>>, vector<16xf32>,
          tpu.vector_store %arg9[%swap3A_902], %bitcast3A_901 {strides = array<i32>} : memref<10240xf32, #tpu.memory_space<vmem>>, vector<16xf32>,
          %add3A_904 = arith.constant 32 : i32
          %add3A_905 = arith.addi %mul3A_831, %add3A_904 : i32
          %get3A_906 = arith.index_cast %add3A_905 : i32 to index
          %get3A_907 = tpu.vector_load %arg9[%get3A_906] {strides = array<i32>} : memref<10240xf32, #tpu.memory_space<vmem>>, vector<16xf32>,
          %bitcast3A_908 = vector.bitcast %get3A_907 : vector<16xf32> to vector<32xbf16>
          %max3A_909 = arith.maximumf %bitcast3A_908, %bitcast3A_894 : vector<32xbf16>
          %bitcast3A_910 = vector.bitcast %max3A_909 : vector<32xbf16> to vector<16xf32>
          %swap3A_911 = arith.index_cast %add3A_905 : i32 to index
          %swap3A_912 = tpu.vector_load %arg9[%swap3A_911] {strides = array<i32>} : memref<10240xf32, #tpu.memory_space<vmem>>, vector<16xf32>,
          tpu.vector_store %arg9[%swap3A_911], %bitcast3A_910 {strides = array<i32>} : memref<10240xf32, #tpu.memory_space<vmem>>, vector<16xf32>,
          %mul3A_913 = arith.constant 16 : i32
          %mul3A_914 = arith.muli %scan3A_217, %mul3A_913 : i32
          %add3A_915 = arith.constant 5 : i32
          %add3A_916 = arith.addi %mul3A_914, %add3A_915 : i32
          %get3A_917 = arith.index_cast %select_n3A_186 : i32 to index
          %get3A_918 = arith.index_cast %add3A_916 : i32 to index
          %get3A_919 = arith.constant 48 : index
          %get3A_920 = tpu.vector_load %arg8[%get3A_917, %get3A_918, %get3A_919] {strides = array<i32>} : memref<4x128x64xf32, #tpu.memory_space<vmem>>, vector<16xf32>,
          %bitcast3A_921 = vector.bitcast %get3A_920 : vector<16xf32> to vector<32xbf16>
          %add3A_922 = arith.constant 48 : i32
          %add3A_923 = arith.addi %mul3A_825, %add3A_922 : i32
          %get3A_924 = arith.index_cast %add3A_923 : i32 to index
          %get3A_925 = tpu.vector_load %arg9[%get3A_924] {strides = array<i32>} : memref<10240xf32, #tpu.memory_space<vmem>>, vector<16xf32>,
          %bitcast3A_926 = vector.bitcast %get3A_925 : vector<16xf32> to vector<32xbf16>
          %max3A_927 = arith.maximumf %bitcast3A_926, %bitcast3A_921 : vector<32xbf16>
          %bitcast3A_928 = vector.bitcast %max3A_927 : vector<32xbf16> to vector<16xf32>
          %swap3A_929 = arith.index_cast %add3A_923 : i32 to index
          %swap3A_930 = tpu.vector_load %arg9[%swap3A_929] {strides = array<i32>} : memref<10240xf32, #tpu.memory_space<vmem>>, vector<16xf32>,
          tpu.vector_store %arg9[%swap3A_929], %bitcast3A_928 {strides = array<i32>} : memref<10240xf32, #tpu.memory_space<vmem>>, vector<16xf32>,
          %add3A_931 = arith.constant 48 : i32
          %add3A_932 = arith.addi %mul3A_831, %add3A_931 : i32
          %get3A_933 = arith.index_cast %add3A_932 : i32 to index
          %get3A_934 = tpu.vector_load %arg9[%get3A_933] {strides = array<i32>} : memref<10240xf32, #tpu.memory_space<vmem>>, vector<16xf32>,
          %bitcast3A_935 = vector.bitcast %get3A_934 : vector<16xf32> to vector<32xbf16>
          %max3A_936 = arith.maximumf %bitcast3A_935, %bitcast3A_921 : vector<32xbf16>
          %bitcast3A_937 = vector.bitcast %max3A_936 : vector<32xbf16> to vector<16xf32>
          %swap3A_938 = arith.index_cast %add3A_932 : i32 to index
          %swap3A_939 = tpu.vector_load %arg9[%swap3A_938] {strides = array<i32>} : memref<10240xf32, #tpu.memory_space<vmem>>, vector<16xf32>,
          tpu.vector_store %arg9[%swap3A_938], %bitcast3A_937 {strides = array<i32>} : memref<10240xf32, #tpu.memory_space<vmem>>, vector<16xf32>,
          %slice3A_940 = vector.extract_strided_slice %get3A_224 {offsets = [6], sizes = [1], strides = [1]} : vector<16xi32> to vector<1xi32>
          %squeeze3A_941 = vector.extract %slice3A_940[0] : i32 from vector<1xi32>
          %shift_right_arithmetic3A_942 = arith.constant 7 : i32
          %shift_right_arithmetic3A_943 = arith.shrsi %squeeze3A_941, %shift_right_arithmetic3A_942 : i32
          %mul3A_944 = arith.constant 64 : i32
          %mul3A_945 = arith.muli %shift_right_arithmetic3A_943, %mul3A_944 : i32
          %and3A_946 = arith.constant 127 : i32
          %and3A_947 = arith.andi %squeeze3A_941, %and3A_946 : i32
          %add3A_948 = arith.constant 27 : i32
          %add3A_949 = arith.addi %add3A_948, %and3A_947 : i32
          %mul3A_950 = arith.constant 64 : i32
          %mul3A_951 = arith.muli %add3A_949, %mul3A_950 : i32
          %mul3A_952 = arith.constant 16 : i32
          %mul3A_953 = arith.muli %scan3A_217, %mul3A_952 : i32
          %add3A_954 = arith.constant 6 : i32
          %add3A_955 = arith.addi %mul3A_953, %add3A_954 : i32
          %get3A_956 = arith.index_cast %select_n3A_186 : i32 to index
          %get3A_957 = arith.index_cast %add3A_955 : i32 to index
          %get3A_958 = arith.constant 0 : index
          %get3A_959 = tpu.vector_load %arg8[%get3A_956, %get3A_957, %get3A_958] {strides = array<i32>} : memref<4x128x64xf32, #tpu.memory_space<vmem>>, vector<16xf32>,
          %bitcast3A_960 = vector.bitcast %get3A_959 : vector<16xf32> to vector<32xbf16>
          %add3A_961 = arith.constant 0 : i32
          %add3A_962 = arith.addi %mul3A_945, %add3A_961 : i32
          %get3A_963 = arith.index_cast %add3A_962 : i32 to index
          %get3A_964 = tpu.vector_load %arg9[%get3A_963] {strides = array<i32>} : memref<10240xf32, #tpu.memory_space<vmem>>, vector<16xf32>,
          %bitcast3A_965 = vector.bitcast %get3A_964 : vector<16xf32> to vector<32xbf16>
          %max3A_966 = arith.maximumf %bitcast3A_965, %bitcast3A_960 : vector<32xbf16>
          %bitcast3A_967 = vector.bitcast %max3A_966 : vector<32xbf16> to vector<16xf32>
          %swap3A_968 = arith.index_cast %add3A_962 : i32 to index
          %swap3A_969 = tpu.vector_load %arg9[%swap3A_968] {strides = array<i32>} : memref<10240xf32, #tpu.memory_space<vmem>>, vector<16xf32>,
          tpu.vector_store %arg9[%swap3A_968], %bitcast3A_967 {strides = array<i32>} : memref<10240xf32, #tpu.memory_space<vmem>>, vector<16xf32>,
          %add3A_970 = arith.constant 0 : i32
          %add3A_971 = arith.addi %mul3A_951, %add3A_970 : i32
          %get3A_972 = arith.index_cast %add3A_971 : i32 to index
          %get3A_973 = tpu.vector_load %arg9[%get3A_972] {strides = array<i32>} : memref<10240xf32, #tpu.memory_space<vmem>>, vector<16xf32>,
          %bitcast3A_974 = vector.bitcast %get3A_973 : vector<16xf32> to vector<32xbf16>
          %max3A_975 = arith.maximumf %bitcast3A_974, %bitcast3A_960 : vector<32xbf16>
          %bitcast3A_976 = vector.bitcast %max3A_975 : vector<32xbf16> to vector<16xf32>
          %swap3A_977 = arith.index_cast %add3A_971 : i32 to index
          %swap3A_978 = tpu.vector_load %arg9[%swap3A_977] {strides = array<i32>} : memref<10240xf32, #tpu.memory_space<vmem>>, vector<16xf32>,
          tpu.vector_store %arg9[%swap3A_977], %bitcast3A_976 {strides = array<i32>} : memref<10240xf32, #tpu.memory_space<vmem>>, vector<16xf32>,
          %mul3A_979 = arith.constant 16 : i32
          %mul3A_980 = arith.muli %scan3A_217, %mul3A_979 : i32
          %add3A_981 = arith.constant 6 : i32
          %add3A_982 = arith.addi %mul3A_980, %add3A_981 : i32
          %get3A_983 = arith.index_cast %select_n3A_186 : i32 to index
          %get3A_984 = arith.index_cast %add3A_982 : i32 to index
          %get3A_985 = arith.constant 16 : index
          %get3A_986 = tpu.vector_load %arg8[%get3A_983, %get3A_984, %get3A_985] {strides = array<i32>} : memref<4x128x64xf32, #tpu.memory_space<vmem>>, vector<16xf32>,
          %bitcast3A_987 = vector.bitcast %get3A_986 : vector<16xf32> to vector<32xbf16>
          %add3A_988 = arith.constant 16 : i32
          %add3A_989 = arith.addi %mul3A_945, %add3A_988 : i32
          %get3A_990 = arith.index_cast %add3A_989 : i32 to index
          %get3A_991 = tpu.vector_load %arg9[%get3A_990] {strides = array<i32>} : memref<10240xf32, #tpu.memory_space<vmem>>, vector<16xf32>,
          %bitcast3A_992 = vector.bitcast %get3A_991 : vector<16xf32> to vector<32xbf16>
          %max3A_993 = arith.maximumf %bitcast3A_992, %bitcast3A_987 : vector<32xbf16>
          %bitcast3A_994 = vector.bitcast %max3A_993 : vector<32xbf16> to vector<16xf32>
          %swap3A_995 = arith.index_cast %add3A_989 : i32 to index
          %swap3A_996 = tpu.vector_load %arg9[%swap3A_995] {strides = array<i32>} : memref<10240xf32, #tpu.memory_space<vmem>>, vector<16xf32>,
          tpu.vector_store %arg9[%swap3A_995], %bitcast3A_994 {strides = array<i32>} : memref<10240xf32, #tpu.memory_space<vmem>>, vector<16xf32>,
          %add3A_997 = arith.constant 16 : i32
          %add3A_998 = arith.addi %mul3A_951, %add3A_997 : i32
          %get3A_999 = arith.index_cast %add3A_998 : i32 to index
          %get3A_1000 = tpu.vector_load %arg9[%get3A_999] {strides = array<i32>} : memref<10240xf32, #tpu.memory_space<vmem>>, vector<16xf32>,
          %bitcast3A_1001 = vector.bitcast %get3A_1000 : vector<16xf32> to vector<32xbf16>
          %max3A_1002 = arith.maximumf %bitcast3A_1001, %bitcast3A_987 : vector<32xbf16>
          %bitcast3A_1003 = vector.bitcast %max3A_1002 : vector<32xbf16> to vector<16xf32>
          %swap3A_1004 = arith.index_cast %add3A_998 : i32 to index
          %swap3A_1005 = tpu.vector_load %arg9[%swap3A_1004] {strides = array<i32>} : memref<10240xf32, #tpu.memory_space<vmem>>, vector<16xf32>,
          tpu.vector_store %arg9[%swap3A_1004], %bitcast3A_1003 {strides = array<i32>} : memref<10240xf32, #tpu.memory_space<vmem>>, vector<16xf32>,
          %mul3A_1006 = arith.constant 16 : i32
          %mul3A_1007 = arith.muli %scan3A_217, %mul3A_1006 : i32
          %add3A_1008 = arith.constant 6 : i32
          %add3A_1009 = arith.addi %mul3A_1007, %add3A_1008 : i32
          %get3A_1010 = arith.index_cast %select_n3A_186 : i32 to index
          %get3A_1011 = arith.index_cast %add3A_1009 : i32 to index
          %get3A_1012 = arith.constant 32 : index
          %get3A_1013 = tpu.vector_load %arg8[%get3A_1010, %get3A_1011, %get3A_1012] {strides = array<i32>} : memref<4x128x64xf32, #tpu.memory_space<vmem>>, vector<16xf32>,
          %bitcast3A_1014 = vector.bitcast %get3A_1013 : vector<16xf32> to vector<32xbf16>
          %add3A_1015 = arith.constant 32 : i32
          %add3A_1016 = arith.addi %mul3A_945, %add3A_1015 : i32
          %get3A_1017 = arith.index_cast %add3A_1016 : i32 to index
          %get3A_1018 = tpu.vector_load %arg9[%get3A_1017] {strides = array<i32>} : memref<10240xf32, #tpu.memory_space<vmem>>, vector<16xf32>,
          %bitcast3A_1019 = vector.bitcast %get3A_1018 : vector<16xf32> to vector<32xbf16>
          %max3A_1020 = arith.maximumf %bitcast3A_1019, %bitcast3A_1014 : vector<32xbf16>
          %bitcast3A_1021 = vector.bitcast %max3A_1020 : vector<32xbf16> to vector<16xf32>
          %swap3A_1022 = arith.index_cast %add3A_1016 : i32 to index
          %swap3A_1023 = tpu.vector_load %arg9[%swap3A_1022] {strides = array<i32>} : memref<10240xf32, #tpu.memory_space<vmem>>, vector<16xf32>,
          tpu.vector_store %arg9[%swap3A_1022], %bitcast3A_1021 {strides = array<i32>} : memref<10240xf32, #tpu.memory_space<vmem>>, vector<16xf32>,
          %add3A_1024 = arith.constant 32 : i32
          %add3A_1025 = arith.addi %mul3A_951, %add3A_1024 : i32
          %get3A_1026 = arith.index_cast %add3A_1025 : i32 to index
          %get3A_1027 = tpu.vector_load %arg9[%get3A_1026] {strides = array<i32>} : memref<10240xf32, #tpu.memory_space<vmem>>, vector<16xf32>,
          %bitcast3A_1028 = vector.bitcast %get3A_1027 : vector<16xf32> to vector<32xbf16>
          %max3A_1029 = arith.maximumf %bitcast3A_1028, %bitcast3A_1014 : vector<32xbf16>
          %bitcast3A_1030 = vector.bitcast %max3A_1029 : vector<32xbf16> to vector<16xf32>
          %swap3A_1031 = arith.index_cast %add3A_1025 : i32 to index
          %swap3A_1032 = tpu.vector_load %arg9[%swap3A_1031] {strides = array<i32>} : memref<10240xf32, #tpu.memory_space<vmem>>, vector<16xf32>,
          tpu.vector_store %arg9[%swap3A_1031], %bitcast3A_1030 {strides = array<i32>} : memref<10240xf32, #tpu.memory_space<vmem>>, vector<16xf32>,
          %mul3A_1033 = arith.constant 16 : i32
          %mul3A_1034 = arith.muli %scan3A_217, %mul3A_1033 : i32
          %add3A_1035 = arith.constant 6 : i32
          %add3A_1036 = arith.addi %mul3A_1034, %add3A_1035 : i32
          %get3A_1037 = arith.index_cast %select_n3A_186 : i32 to index
          %get3A_1038 = arith.index_cast %add3A_1036 : i32 to index
          %get3A_1039 = arith.constant 48 : index
          %get3A_1040 = tpu.vector_load %arg8[%get3A_1037, %get3A_1038, %get3A_1039] {strides = array<i32>} : memref<4x128x64xf32, #tpu.memory_space<vmem>>, vector<16xf32>,
          %bitcast3A_1041 = vector.bitcast %get3A_1040 : vector<16xf32> to vector<32xbf16>
          %add3A_1042 = arith.constant 48 : i32
          %add3A_1043 = arith.addi %mul3A_945, %add3A_1042 : i32
          %get3A_1044 = arith.index_cast %add3A_1043 : i32 to index
          %get3A_1045 = tpu.vector_load %arg9[%get3A_1044] {strides = array<i32>} : memref<10240xf32, #tpu.memory_space<vmem>>, vector<16xf32>,
          %bitcast3A_1046 = vector.bitcast %get3A_1045 : vector<16xf32> to vector<32xbf16>
          %max3A_1047 = arith.maximumf %bitcast3A_1046, %bitcast3A_1041 : vector<32xbf16>
          %bitcast3A_1048 = vector.bitcast %max3A_1047 : vector<32xbf16> to vector<16xf32>
          %swap3A_1049 = arith.index_cast %add3A_1043 : i32 to index
          %swap3A_1050 = tpu.vector_load %arg9[%swap3A_1049] {strides = array<i32>} : memref<10240xf32, #tpu.memory_space<vmem>>, vector<16xf32>,
          tpu.vector_store %arg9[%swap3A_1049], %bitcast3A_1048 {strides = array<i32>} : memref<10240xf32, #tpu.memory_space<vmem>>, vector<16xf32>,
          %add3A_1051 = arith.constant 48 : i32
          %add3A_1052 = arith.addi %mul3A_951, %add3A_1051 : i32
          %get3A_1053 = arith.index_cast %add3A_1052 : i32 to index
          %get3A_1054 = tpu.vector_load %arg9[%get3A_1053] {strides = array<i32>} : memref<10240xf32, #tpu.memory_space<vmem>>, vector<16xf32>,
          %bitcast3A_1055 = vector.bitcast %get3A_1054 : vector<16xf32> to vector<32xbf16>
          %max3A_1056 = arith.maximumf %bitcast3A_1055, %bitcast3A_1041 : vector<32xbf16>
          %bitcast3A_1057 = vector.bitcast %max3A_1056 : vector<32xbf16> to vector<16xf32>
          %swap3A_1058 = arith.index_cast %add3A_1052 : i32 to index
          %swap3A_1059 = tpu.vector_load %arg9[%swap3A_1058] {strides = array<i32>} : memref<10240xf32, #tpu.memory_space<vmem>>, vector<16xf32>,
          tpu.vector_store %arg9[%swap3A_1058], %bitcast3A_1057 {strides = array<i32>} : memref<10240xf32, #tpu.memory_space<vmem>>, vector<16xf32>,
          %slice3A_1060 = vector.extract_strided_slice %get3A_224 {offsets = [7], sizes = [1], strides = [1]} : vector<16xi32> to vector<1xi32>
          %squeeze3A_1061 = vector.extract %slice3A_1060[0] : i32 from vector<1xi32>
          %shift_right_arithmetic3A_1062 = arith.constant 7 : i32
          %shift_right_arithmetic3A_1063 = arith.shrsi %squeeze3A_1061, %shift_right_arithmetic3A_1062 : i32
          %mul3A_1064 = arith.constant 64 : i32
          %mul3A_1065 = arith.muli %shift_right_arithmetic3A_1063, %mul3A_1064 : i32
          %and3A_1066 = arith.constant 127 : i32
          %and3A_1067 = arith.andi %squeeze3A_1061, %and3A_1066 : i32
          %add3A_1068 = arith.constant 27 : i32
          %add3A_1069 = arith.addi %add3A_1068, %and3A_1067 : i32
          %mul3A_1070 = arith.constant 64 : i32
          %mul3A_1071 = arith.muli %add3A_1069, %mul3A_1070 : i32
          %mul3A_1072 = arith.constant 16 : i32
          %mul3A_1073 = arith.muli %scan3A_217, %mul3A_1072 : i32
          %add3A_1074 = arith.constant 7 : i32
          %add3A_1075 = arith.addi %mul3A_1073, %add3A_1074 : i32
          %get3A_1076 = arith.index_cast %select_n3A_186 : i32 to index
          %get3A_1077 = arith.index_cast %add3A_1075 : i32 to index
          %get3A_1078 = arith.constant 0 : index
          %get3A_1079 = tpu.vector_load %arg8[%get3A_1076, %get3A_1077, %get3A_1078] {strides = array<i32>} : memref<4x128x64xf32, #tpu.memory_space<vmem>>, vector<16xf32>,
          %bitcast3A_1080 = vector.bitcast %get3A_1079 : vector<16xf32> to vector<32xbf16>
          %add3A_1081 = arith.constant 0 : i32
          %add3A_1082 = arith.addi %mul3A_1065, %add3A_1081 : i32
          %get3A_1083 = arith.index_cast %add3A_1082 : i32 to index
          %get3A_1084 = tpu.vector_load %arg9[%get3A_1083] {strides = array<i32>} : memref<10240xf32, #tpu.memory_space<vmem>>, vector<16xf32>,
          %bitcast3A_1085 = vector.bitcast %get3A_1084 : vector<16xf32> to vector<32xbf16>
          %max3A_1086 = arith.maximumf %bitcast3A_1085, %bitcast3A_1080 : vector<32xbf16>
          %bitcast3A_1087 = vector.bitcast %max3A_1086 : vector<32xbf16> to vector<16xf32>
          %swap3A_1088 = arith.index_cast %add3A_1082 : i32 to index
          %swap3A_1089 = tpu.vector_load %arg9[%swap3A_1088] {strides = array<i32>} : memref<10240xf32, #tpu.memory_space<vmem>>, vector<16xf32>,
          tpu.vector_store %arg9[%swap3A_1088], %bitcast3A_1087 {strides = array<i32>} : memref<10240xf32, #tpu.memory_space<vmem>>, vector<16xf32>,
          %add3A_1090 = arith.constant 0 : i32
          %add3A_1091 = arith.addi %mul3A_1071, %add3A_1090 : i32
          %get3A_1092 = arith.index_cast %add3A_1091 : i32 to index
          %get3A_1093 = tpu.vector_load %arg9[%get3A_1092] {strides = array<i32>} : memref<10240xf32, #tpu.memory_space<vmem>>, vector<16xf32>,
          %bitcast3A_1094 = vector.bitcast %get3A_1093 : vector<16xf32> to vector<32xbf16>
          %max3A_1095 = arith.maximumf %bitcast3A_1094, %bitcast3A_1080 : vector<32xbf16>
          %bitcast3A_1096 = vector.bitcast %max3A_1095 : vector<32xbf16> to vector<16xf32>
          %swap3A_1097 = arith.index_cast %add3A_1091 : i32 to index
          %swap3A_1098 = tpu.vector_load %arg9[%swap3A_1097] {strides = array<i32>} : memref<10240xf32, #tpu.memory_space<vmem>>, vector<16xf32>,
          tpu.vector_store %arg9[%swap3A_1097], %bitcast3A_1096 {strides = array<i32>} : memref<10240xf32, #tpu.memory_space<vmem>>, vector<16xf32>,
          %mul3A_1099 = arith.constant 16 : i32
          %mul3A_1100 = arith.muli %scan3A_217, %mul3A_1099 : i32
          %add3A_1101 = arith.constant 7 : i32
          %add3A_1102 = arith.addi %mul3A_1100, %add3A_1101 : i32
          %get3A_1103 = arith.index_cast %select_n3A_186 : i32 to index
          %get3A_1104 = arith.index_cast %add3A_1102 : i32 to index
          %get3A_1105 = arith.constant 16 : index
          %get3A_1106 = tpu.vector_load %arg8[%get3A_1103, %get3A_1104, %get3A_1105] {strides = array<i32>} : memref<4x128x64xf32, #tpu.memory_space<vmem>>, vector<16xf32>,
          %bitcast3A_1107 = vector.bitcast %get3A_1106 : vector<16xf32> to vector<32xbf16>
          %add3A_1108 = arith.constant 16 : i32
          %add3A_1109 = arith.addi %mul3A_1065, %add3A_1108 : i32
          %get3A_1110 = arith.index_cast %add3A_1109 : i32 to index
          %get3A_1111 = tpu.vector_load %arg9[%get3A_1110] {strides = array<i32>} : memref<10240xf32, #tpu.memory_space<vmem>>, vector<16xf32>,
          %bitcast3A_1112 = vector.bitcast %get3A_1111 : vector<16xf32> to vector<32xbf16>
          %max3A_1113 = arith.maximumf %bitcast3A_1112, %bitcast3A_1107 : vector<32xbf16>
          %bitcast3A_1114 = vector.bitcast %max3A_1113 : vector<32xbf16> to vector<16xf32>
          %swap3A_1115 = arith.index_cast %add3A_1109 : i32 to index
          %swap3A_1116 = tpu.vector_load %arg9[%swap3A_1115] {strides = array<i32>} : memref<10240xf32, #tpu.memory_space<vmem>>, vector<16xf32>,
          tpu.vector_store %arg9[%swap3A_1115], %bitcast3A_1114 {strides = array<i32>} : memref<10240xf32, #tpu.memory_space<vmem>>, vector<16xf32>,
          %add3A_1117 = arith.constant 16 : i32
          %add3A_1118 = arith.addi %mul3A_1071, %add3A_1117 : i32
          %get3A_1119 = arith.index_cast %add3A_1118 : i32 to index
          %get3A_1120 = tpu.vector_load %arg9[%get3A_1119] {strides = array<i32>} : memref<10240xf32, #tpu.memory_space<vmem>>, vector<16xf32>,
          %bitcast3A_1121 = vector.bitcast %get3A_1120 : vector<16xf32> to vector<32xbf16>
          %max3A_1122 = arith.maximumf %bitcast3A_1121, %bitcast3A_1107 : vector<32xbf16>
          %bitcast3A_1123 = vector.bitcast %max3A_1122 : vector<32xbf16> to vector<16xf32>
          %swap3A_1124 = arith.index_cast %add3A_1118 : i32 to index
          %swap3A_1125 = tpu.vector_load %arg9[%swap3A_1124] {strides = array<i32>} : memref<10240xf32, #tpu.memory_space<vmem>>, vector<16xf32>,
          tpu.vector_store %arg9[%swap3A_1124], %bitcast3A_1123 {strides = array<i32>} : memref<10240xf32, #tpu.memory_space<vmem>>, vector<16xf32>,
          %mul3A_1126 = arith.constant 16 : i32
          %mul3A_1127 = arith.muli %scan3A_217, %mul3A_1126 : i32
          %add3A_1128 = arith.constant 7 : i32
          %add3A_1129 = arith.addi %mul3A_1127, %add3A_1128 : i32
          %get3A_1130 = arith.index_cast %select_n3A_186 : i32 to index
          %get3A_1131 = arith.index_cast %add3A_1129 : i32 to index
          %get3A_1132 = arith.constant 32 : index
          %get3A_1133 = tpu.vector_load %arg8[%get3A_1130, %get3A_1131, %get3A_1132] {strides = array<i32>} : memref<4x128x64xf32, #tpu.memory_space<vmem>>, vector<16xf32>,
          %bitcast3A_1134 = vector.bitcast %get3A_1133 : vector<16xf32> to vector<32xbf16>
          %add3A_1135 = arith.constant 32 : i32
          %add3A_1136 = arith.addi %mul3A_1065, %add3A_1135 : i32
          %get3A_1137 = arith.index_cast %add3A_1136 : i32 to index
          %get3A_1138 = tpu.vector_load %arg9[%get3A_1137] {strides = array<i32>} : memref<10240xf32, #tpu.memory_space<vmem>>, vector<16xf32>,
          %bitcast3A_1139 = vector.bitcast %get3A_1138 : vector<16xf32> to vector<32xbf16>
          %max3A_1140 = arith.maximumf %bitcast3A_1139, %bitcast3A_1134 : vector<32xbf16>
          %bitcast3A_1141 = vector.bitcast %max3A_1140 : vector<32xbf16> to vector<16xf32>
          %swap3A_1142 = arith.index_cast %add3A_1136 : i32 to index
          %swap3A_1143 = tpu.vector_load %arg9[%swap3A_1142] {strides = array<i32>} : memref<10240xf32, #tpu.memory_space<vmem>>, vector<16xf32>,
          tpu.vector_store %arg9[%swap3A_1142], %bitcast3A_1141 {strides = array<i32>} : memref<10240xf32, #tpu.memory_space<vmem>>, vector<16xf32>,
          %add3A_1144 = arith.constant 32 : i32
          %add3A_1145 = arith.addi %mul3A_1071, %add3A_1144 : i32
          %get3A_1146 = arith.index_cast %add3A_1145 : i32 to index
          %get3A_1147 = tpu.vector_load %arg9[%get3A_1146] {strides = array<i32>} : memref<10240xf32, #tpu.memory_space<vmem>>, vector<16xf32>,
          %bitcast3A_1148 = vector.bitcast %get3A_1147 : vector<16xf32> to vector<32xbf16>
          %max3A_1149 = arith.maximumf %bitcast3A_1148, %bitcast3A_1134 : vector<32xbf16>
          %bitcast3A_1150 = vector.bitcast %max3A_1149 : vector<32xbf16> to vector<16xf32>
          %swap3A_1151 = arith.index_cast %add3A_1145 : i32 to index
          %swap3A_1152 = tpu.vector_load %arg9[%swap3A_1151] {strides = array<i32>} : memref<10240xf32, #tpu.memory_space<vmem>>, vector<16xf32>,
          tpu.vector_store %arg9[%swap3A_1151], %bitcast3A_1150 {strides = array<i32>} : memref<10240xf32, #tpu.memory_space<vmem>>, vector<16xf32>,
          %mul3A_1153 = arith.constant 16 : i32
          %mul3A_1154 = arith.muli %scan3A_217, %mul3A_1153 : i32
          %add3A_1155 = arith.constant 7 : i32
          %add3A_1156 = arith.addi %mul3A_1154, %add3A_1155 : i32
          %get3A_1157 = arith.index_cast %select_n3A_186 : i32 to index
          %get3A_1158 = arith.index_cast %add3A_1156 : i32 to index
          %get3A_1159 = arith.constant 48 : index
          %get3A_1160 = tpu.vector_load %arg8[%get3A_1157, %get3A_1158, %get3A_1159] {strides = array<i32>} : memref<4x128x64xf32, #tpu.memory_space<vmem>>, vector<16xf32>,
          %bitcast3A_1161 = vector.bitcast %get3A_1160 : vector<16xf32> to vector<32xbf16>
          %add3A_1162 = arith.constant 48 : i32
          %add3A_1163 = arith.addi %mul3A_1065, %add3A_1162 : i32
          %get3A_1164 = arith.index_cast %add3A_1163 : i32 to index
          %get3A_1165 = tpu.vector_load %arg9[%get3A_1164] {strides = array<i32>} : memref<10240xf32, #tpu.memory_space<vmem>>, vector<16xf32>,
          %bitcast3A_1166 = vector.bitcast %get3A_1165 : vector<16xf32> to vector<32xbf16>
          %max3A_1167 = arith.maximumf %bitcast3A_1166, %bitcast3A_1161 : vector<32xbf16>
          %bitcast3A_1168 = vector.bitcast %max3A_1167 : vector<32xbf16> to vector<16xf32>
          %swap3A_1169 = arith.index_cast %add3A_1163 : i32 to index
          %swap3A_1170 = tpu.vector_load %arg9[%swap3A_1169] {strides = array<i32>} : memref<10240xf32, #tpu.memory_space<vmem>>, vector<16xf32>,
          tpu.vector_store %arg9[%swap3A_1169], %bitcast3A_1168 {strides = array<i32>} : memref<10240xf32, #tpu.memory_space<vmem>>, vector<16xf32>,
          %add3A_1171 = arith.constant 48 : i32
          %add3A_1172 = arith.addi %mul3A_1071, %add3A_1171 : i32
          %get3A_1173 = arith.index_cast %add3A_1172 : i32 to index
          %get3A_1174 = tpu.vector_load %arg9[%get3A_1173] {strides = array<i32>} : memref<10240xf32, #tpu.memory_space<vmem>>, vector<16xf32>,
          %bitcast3A_1175 = vector.bitcast %get3A_1174 : vector<16xf32> to vector<32xbf16>
          %max3A_1176 = arith.maximumf %bitcast3A_1175, %bitcast3A_1161 : vector<32xbf16>
          %bitcast3A_1177 = vector.bitcast %max3A_1176 : vector<32xbf16> to vector<16xf32>
          %swap3A_1178 = arith.index_cast %add3A_1172 : i32 to index
          %swap3A_1179 = tpu.vector_load %arg9[%swap3A_1178] {strides = array<i32>} : memref<10240xf32, #tpu.memory_space<vmem>>, vector<16xf32>,
          tpu.vector_store %arg9[%swap3A_1178], %bitcast3A_1177 {strides = array<i32>} : memref<10240xf32, #tpu.memory_space<vmem>>, vector<16xf32>,
          %slice3A_1180 = vector.extract_strided_slice %get3A_224 {offsets = [8], sizes = [1], strides = [1]} : vector<16xi32> to vector<1xi32>
          %squeeze3A_1181 = vector.extract %slice3A_1180[0] : i32 from vector<1xi32>
          %shift_right_arithmetic3A_1182 = arith.constant 7 : i32
          %shift_right_arithmetic3A_1183 = arith.shrsi %squeeze3A_1181, %shift_right_arithmetic3A_1182 : i32
          %mul3A_1184 = arith.constant 64 : i32
          %mul3A_1185 = arith.muli %shift_right_arithmetic3A_1183, %mul3A_1184 : i32
          %and3A_1186 = arith.constant 127 : i32
          %and3A_1187 = arith.andi %squeeze3A_1181, %and3A_1186 : i32
          %add3A_1188 = arith.constant 27 : i32
          %add3A_1189 = arith.addi %add3A_1188, %and3A_1187 : i32
          %mul3A_1190 = arith.constant 64 : i32
          %mul3A_1191 = arith.muli %add3A_1189, %mul3A_1190 : i32
          %mul3A_1192 = arith.constant 16 : i32
          %mul3A_1193 = arith.muli %scan3A_217, %mul3A_1192 : i32
          %add3A_1194 = arith.constant 8 : i32
          %add3A_1195 = arith.addi %mul3A_1193, %add3A_1194 : i32
          %get3A_1196 = arith.index_cast %select_n3A_186 : i32 to index
          %get3A_1197 = arith.index_cast %add3A_1195 : i32 to index
          %get3A_1198 = arith.constant 0 : index
          %get3A_1199 = tpu.vector_load %arg8[%get3A_1196, %get3A_1197, %get3A_1198] {strides = array<i32>} : memref<4x128x64xf32, #tpu.memory_space<vmem>>, vector<16xf32>,
          %bitcast3A_1200 = vector.bitcast %get3A_1199 : vector<16xf32> to vector<32xbf16>
          %add3A_1201 = arith.constant 0 : i32
          %add3A_1202 = arith.addi %mul3A_1185, %add3A_1201 : i32
          %get3A_1203 = arith.index_cast %add3A_1202 : i32 to index
          %get3A_1204 = tpu.vector_load %arg9[%get3A_1203] {strides = array<i32>} : memref<10240xf32, #tpu.memory_space<vmem>>, vector<16xf32>,
          %bitcast3A_1205 = vector.bitcast %get3A_1204 : vector<16xf32> to vector<32xbf16>
          %max3A_1206 = arith.maximumf %bitcast3A_1205, %bitcast3A_1200 : vector<32xbf16>
          %bitcast3A_1207 = vector.bitcast %max3A_1206 : vector<32xbf16> to vector<16xf32>
          %swap3A_1208 = arith.index_cast %add3A_1202 : i32 to index
          %swap3A_1209 = tpu.vector_load %arg9[%swap3A_1208] {strides = array<i32>} : memref<10240xf32, #tpu.memory_space<vmem>>, vector<16xf32>,
          tpu.vector_store %arg9[%swap3A_1208], %bitcast3A_1207 {strides = array<i32>} : memref<10240xf32, #tpu.memory_space<vmem>>, vector<16xf32>,
          %add3A_1210 = arith.constant 0 : i32
          %add3A_1211 = arith.addi %mul3A_1191, %add3A_1210 : i32
          %get3A_1212 = arith.index_cast %add3A_1211 : i32 to index
          %get3A_1213 = tpu.vector_load %arg9[%get3A_1212] {strides = array<i32>} : memref<10240xf32, #tpu.memory_space<vmem>>, vector<16xf32>,
          %bitcast3A_1214 = vector.bitcast %get3A_1213 : vector<16xf32> to vector<32xbf16>
          %max3A_1215 = arith.maximumf %bitcast3A_1214, %bitcast3A_1200 : vector<32xbf16>
          %bitcast3A_1216 = vector.bitcast %max3A_1215 : vector<32xbf16> to vector<16xf32>
          %swap3A_1217 = arith.index_cast %add3A_1211 : i32 to index
          %swap3A_1218 = tpu.vector_load %arg9[%swap3A_1217] {strides = array<i32>} : memref<10240xf32, #tpu.memory_space<vmem>>, vector<16xf32>,
          tpu.vector_store %arg9[%swap3A_1217], %bitcast3A_1216 {strides = array<i32>} : memref<10240xf32, #tpu.memory_space<vmem>>, vector<16xf32>,
          %mul3A_1219 = arith.constant 16 : i32
          %mul3A_1220 = arith.muli %scan3A_217, %mul3A_1219 : i32
          %add3A_1221 = arith.constant 8 : i32
          %add3A_1222 = arith.addi %mul3A_1220, %add3A_1221 : i32
          %get3A_1223 = arith.index_cast %select_n3A_186 : i32 to index
          %get3A_1224 = arith.index_cast %add3A_1222 : i32 to index
          %get3A_1225 = arith.constant 16 : index
          %get3A_1226 = tpu.vector_load %arg8[%get3A_1223, %get3A_1224, %get3A_1225] {strides = array<i32>} : memref<4x128x64xf32, #tpu.memory_space<vmem>>, vector<16xf32>,
          %bitcast3A_1227 = vector.bitcast %get3A_1226 : vector<16xf32> to vector<32xbf16>
          %add3A_1228 = arith.constant 16 : i32
          %add3A_1229 = arith.addi %mul3A_1185, %add3A_1228 : i32
          %get3A_1230 = arith.index_cast %add3A_1229 : i32 to index
          %get3A_1231 = tpu.vector_load %arg9[%get3A_1230] {strides = array<i32>} : memref<10240xf32, #tpu.memory_space<vmem>>, vector<16xf32>,
          %bitcast3A_1232 = vector.bitcast %get3A_1231 : vector<16xf32> to vector<32xbf16>
          %max3A_1233 = arith.maximumf %bitcast3A_1232, %bitcast3A_1227 : vector<32xbf16>
          %bitcast3A_1234 = vector.bitcast %max3A_1233 : vector<32xbf16> to vector<16xf32>
          %swap3A_1235 = arith.index_cast %add3A_1229 : i32 to index
          %swap3A_1236 = tpu.vector_load %arg9[%swap3A_1235] {strides = array<i32>} : memref<10240xf32, #tpu.memory_space<vmem>>, vector<16xf32>,
          tpu.vector_store %arg9[%swap3A_1235], %bitcast3A_1234 {strides = array<i32>} : memref<10240xf32, #tpu.memory_space<vmem>>, vector<16xf32>,
          %add3A_1237 = arith.constant 16 : i32
          %add3A_1238 = arith.addi %mul3A_1191, %add3A_1237 : i32
          %get3A_1239 = arith.index_cast %add3A_1238 : i32 to index
          %get3A_1240 = tpu.vector_load %arg9[%get3A_1239] {strides = array<i32>} : memref<10240xf32, #tpu.memory_space<vmem>>, vector<16xf32>,
          %bitcast3A_1241 = vector.bitcast %get3A_1240 : vector<16xf32> to vector<32xbf16>
          %max3A_1242 = arith.maximumf %bitcast3A_1241, %bitcast3A_1227 : vector<32xbf16>
          %bitcast3A_1243 = vector.bitcast %max3A_1242 : vector<32xbf16> to vector<16xf32>
          %swap3A_1244 = arith.index_cast %add3A_1238 : i32 to index
          %swap3A_1245 = tpu.vector_load %arg9[%swap3A_1244] {strides = array<i32>} : memref<10240xf32, #tpu.memory_space<vmem>>, vector<16xf32>,
          tpu.vector_store %arg9[%swap3A_1244], %bitcast3A_1243 {strides = array<i32>} : memref<10240xf32, #tpu.memory_space<vmem>>, vector<16xf32>,
          %mul3A_1246 = arith.constant 16 : i32
          %mul3A_1247 = arith.muli %scan3A_217, %mul3A_1246 : i32
          %add3A_1248 = arith.constant 8 : i32
          %add3A_1249 = arith.addi %mul3A_1247, %add3A_1248 : i32
          %get3A_1250 = arith.index_cast %select_n3A_186 : i32 to index
          %get3A_1251 = arith.index_cast %add3A_1249 : i32 to index
          %get3A_1252 = arith.constant 32 : index
          %get3A_1253 = tpu.vector_load %arg8[%get3A_1250, %get3A_1251, %get3A_1252] {strides = array<i32>} : memref<4x128x64xf32, #tpu.memory_space<vmem>>, vector<16xf32>,
          %bitcast3A_1254 = vector.bitcast %get3A_1253 : vector<16xf32> to vector<32xbf16>
          %add3A_1255 = arith.constant 32 : i32
          %add3A_1256 = arith.addi %mul3A_1185, %add3A_1255 : i32
          %get3A_1257 = arith.index_cast %add3A_1256 : i32 to index
          %get3A_1258 = tpu.vector_load %arg9[%get3A_1257] {strides = array<i32>} : memref<10240xf32, #tpu.memory_space<vmem>>, vector<16xf32>,
          %bitcast3A_1259 = vector.bitcast %get3A_1258 : vector<16xf32> to vector<32xbf16>
          %max3A_1260 = arith.maximumf %bitcast3A_1259, %bitcast3A_1254 : vector<32xbf16>
          %bitcast3A_1261 = vector.bitcast %max3A_1260 : vector<32xbf16> to vector<16xf32>
          %swap3A_1262 = arith.index_cast %add3A_1256 : i32 to index
          %swap3A_1263 = tpu.vector_load %arg9[%swap3A_1262] {strides = array<i32>} : memref<10240xf32, #tpu.memory_space<vmem>>, vector<16xf32>,
          tpu.vector_store %arg9[%swap3A_1262], %bitcast3A_1261 {strides = array<i32>} : memref<10240xf32, #tpu.memory_space<vmem>>, vector<16xf32>,
          %add3A_1264 = arith.constant 32 : i32
          %add3A_1265 = arith.addi %mul3A_1191, %add3A_1264 : i32
          %get3A_1266 = arith.index_cast %add3A_1265 : i32 to index
          %get3A_1267 = tpu.vector_load %arg9[%get3A_1266] {strides = array<i32>} : memref<10240xf32, #tpu.memory_space<vmem>>, vector<16xf32>,
          %bitcast3A_1268 = vector.bitcast %get3A_1267 : vector<16xf32> to vector<32xbf16>
          %max3A_1269 = arith.maximumf %bitcast3A_1268, %bitcast3A_1254 : vector<32xbf16>
          %bitcast3A_1270 = vector.bitcast %max3A_1269 : vector<32xbf16> to vector<16xf32>
          %swap3A_1271 = arith.index_cast %add3A_1265 : i32 to index
          %swap3A_1272 = tpu.vector_load %arg9[%swap3A_1271] {strides = array<i32>} : memref<10240xf32, #tpu.memory_space<vmem>>, vector<16xf32>,
          tpu.vector_store %arg9[%swap3A_1271], %bitcast3A_1270 {strides = array<i32>} : memref<10240xf32, #tpu.memory_space<vmem>>, vector<16xf32>,
          %mul3A_1273 = arith.constant 16 : i32
          %mul3A_1274 = arith.muli %scan3A_217, %mul3A_1273 : i32
          %add3A_1275 = arith.constant 8 : i32
          %add3A_1276 = arith.addi %mul3A_1274, %add3A_1275 : i32
          %get3A_1277 = arith.index_cast %select_n3A_186 : i32 to index
          %get3A_1278 = arith.index_cast %add3A_1276 : i32 to index
          %get3A_1279 = arith.constant 48 : index
          %get3A_1280 = tpu.vector_load %arg8[%get3A_1277, %get3A_1278, %get3A_1279] {strides = array<i32>} : memref<4x128x64xf32, #tpu.memory_space<vmem>>, vector<16xf32>,
          %bitcast3A_1281 = vector.bitcast %get3A_1280 : vector<16xf32> to vector<32xbf16>
          %add3A_1282 = arith.constant 48 : i32
          %add3A_1283 = arith.addi %mul3A_1185, %add3A_1282 : i32
          %get3A_1284 = arith.index_cast %add3A_1283 : i32 to index
          %get3A_1285 = tpu.vector_load %arg9[%get3A_1284] {strides = array<i32>} : memref<10240xf32, #tpu.memory_space<vmem>>, vector<16xf32>,
          %bitcast3A_1286 = vector.bitcast %get3A_1285 : vector<16xf32> to vector<32xbf16>
          %max3A_1287 = arith.maximumf %bitcast3A_1286, %bitcast3A_1281 : vector<32xbf16>
          %bitcast3A_1288 = vector.bitcast %max3A_1287 : vector<32xbf16> to vector<16xf32>
          %swap3A_1289 = arith.index_cast %add3A_1283 : i32 to index
          %swap3A_1290 = tpu.vector_load %arg9[%swap3A_1289] {strides = array<i32>} : memref<10240xf32, #tpu.memory_space<vmem>>, vector<16xf32>,
          tpu.vector_store %arg9[%swap3A_1289], %bitcast3A_1288 {strides = array<i32>} : memref<10240xf32, #tpu.memory_space<vmem>>, vector<16xf32>,
          %add3A_1291 = arith.constant 48 : i32
          %add3A_1292 = arith.addi %mul3A_1191, %add3A_1291 : i32
          %get3A_1293 = arith.index_cast %add3A_1292 : i32 to index
          %get3A_1294 = tpu.vector_load %arg9[%get3A_1293] {strides = array<i32>} : memref<10240xf32, #tpu.memory_space<vmem>>, vector<16xf32>,
          %bitcast3A_1295 = vector.bitcast %get3A_1294 : vector<16xf32> to vector<32xbf16>
          %max3A_1296 = arith.maximumf %bitcast3A_1295, %bitcast3A_1281 : vector<32xbf16>
          %bitcast3A_1297 = vector.bitcast %max3A_1296 : vector<32xbf16> to vector<16xf32>
          %swap3A_1298 = arith.index_cast %add3A_1292 : i32 to index
          %swap3A_1299 = tpu.vector_load %arg9[%swap3A_1298] {strides = array<i32>} : memref<10240xf32, #tpu.memory_space<vmem>>, vector<16xf32>,
          tpu.vector_store %arg9[%swap3A_1298], %bitcast3A_1297 {strides = array<i32>} : memref<10240xf32, #tpu.memory_space<vmem>>, vector<16xf32>,
          %slice3A_1300 = vector.extract_strided_slice %get3A_224 {offsets = [9], sizes = [1], strides = [1]} : vector<16xi32> to vector<1xi32>
          %squeeze3A_1301 = vector.extract %slice3A_1300[0] : i32 from vector<1xi32>
          %shift_right_arithmetic3A_1302 = arith.constant 7 : i32
          %shift_right_arithmetic3A_1303 = arith.shrsi %squeeze3A_1301, %shift_right_arithmetic3A_1302 : i32
          %mul3A_1304 = arith.constant 64 : i32
          %mul3A_1305 = arith.muli %shift_right_arithmetic3A_1303, %mul3A_1304 : i32
          %and3A_1306 = arith.constant 127 : i32
          %and3A_1307 = arith.andi %squeeze3A_1301, %and3A_1306 : i32
          %add3A_1308 = arith.constant 27 : i32
          %add3A_1309 = arith.addi %add3A_1308, %and3A_1307 : i32
          %mul3A_1310 = arith.constant 64 : i32
          %mul3A_1311 = arith.muli %add3A_1309, %mul3A_1310 : i32
          %mul3A_1312 = arith.constant 16 : i32
          %mul3A_1313 = arith.muli %scan3A_217, %mul3A_1312 : i32
          %add3A_1314 = arith.constant 9 : i32
          %add3A_1315 = arith.addi %mul3A_1313, %add3A_1314 : i32
          %get3A_1316 = arith.index_cast %select_n3A_186 : i32 to index
          %get3A_1317 = arith.index_cast %add3A_1315 : i32 to index
          %get3A_1318 = arith.constant 0 : index
          %get3A_1319 = tpu.vector_load %arg8[%get3A_1316, %get3A_1317, %get3A_1318] {strides = array<i32>} : memref<4x128x64xf32, #tpu.memory_space<vmem>>, vector<16xf32>,
          %bitcast3A_1320 = vector.bitcast %get3A_1319 : vector<16xf32> to vector<32xbf16>
          %add3A_1321 = arith.constant 0 : i32
          %add3A_1322 = arith.addi %mul3A_1305, %add3A_1321 : i32
          %get3A_1323 = arith.index_cast %add3A_1322 : i32 to index
          %get3A_1324 = tpu.vector_load %arg9[%get3A_1323] {strides = array<i32>} : memref<10240xf32, #tpu.memory_space<vmem>>, vector<16xf32>,
          %bitcast3A_1325 = vector.bitcast %get3A_1324 : vector<16xf32> to vector<32xbf16>
          %max3A_1326 = arith.maximumf %bitcast3A_1325, %bitcast3A_1320 : vector<32xbf16>
          %bitcast3A_1327 = vector.bitcast %max3A_1326 : vector<32xbf16> to vector<16xf32>
          %swap3A_1328 = arith.index_cast %add3A_1322 : i32 to index
          %swap3A_1329 = tpu.vector_load %arg9[%swap3A_1328] {strides = array<i32>} : memref<10240xf32, #tpu.memory_space<vmem>>, vector<16xf32>,
          tpu.vector_store %arg9[%swap3A_1328], %bitcast3A_1327 {strides = array<i32>} : memref<10240xf32, #tpu.memory_space<vmem>>, vector<16xf32>,
          %add3A_1330 = arith.constant 0 : i32
          %add3A_1331 = arith.addi %mul3A_1311, %add3A_1330 : i32
          %get3A_1332 = arith.index_cast %add3A_1331 : i32 to index
          %get3A_1333 = tpu.vector_load %arg9[%get3A_1332] {strides = array<i32>} : memref<10240xf32, #tpu.memory_space<vmem>>, vector<16xf32>,
          %bitcast3A_1334 = vector.bitcast %get3A_1333 : vector<16xf32> to vector<32xbf16>
          %max3A_1335 = arith.maximumf %bitcast3A_1334, %bitcast3A_1320 : vector<32xbf16>
          %bitcast3A_1336 = vector.bitcast %max3A_1335 : vector<32xbf16> to vector<16xf32>
          %swap3A_1337 = arith.index_cast %add3A_1331 : i32 to index
          %swap3A_1338 = tpu.vector_load %arg9[%swap3A_1337] {strides = array<i32>} : memref<10240xf32, #tpu.memory_space<vmem>>, vector<16xf32>,
          tpu.vector_store %arg9[%swap3A_1337], %bitcast3A_1336 {strides = array<i32>} : memref<10240xf32, #tpu.memory_space<vmem>>, vector<16xf32>,
          %mul3A_1339 = arith.constant 16 : i32
          %mul3A_1340 = arith.muli %scan3A_217, %mul3A_1339 : i32
          %add3A_1341 = arith.constant 9 : i32
          %add3A_1342 = arith.addi %mul3A_1340, %add3A_1341 : i32
          %get3A_1343 = arith.index_cast %select_n3A_186 : i32 to index
          %get3A_1344 = arith.index_cast %add3A_1342 : i32 to index
          %get3A_1345 = arith.constant 16 : index
          %get3A_1346 = tpu.vector_load %arg8[%get3A_1343, %get3A_1344, %get3A_1345] {strides = array<i32>} : memref<4x128x64xf32, #tpu.memory_space<vmem>>, vector<16xf32>,
          %bitcast3A_1347 = vector.bitcast %get3A_1346 : vector<16xf32> to vector<32xbf16>
          %add3A_1348 = arith.constant 16 : i32
          %add3A_1349 = arith.addi %mul3A_1305, %add3A_1348 : i32
          %get3A_1350 = arith.index_cast %add3A_1349 : i32 to index
          %get3A_1351 = tpu.vector_load %arg9[%get3A_1350] {strides = array<i32>} : memref<10240xf32, #tpu.memory_space<vmem>>, vector<16xf32>,
          %bitcast3A_1352 = vector.bitcast %get3A_1351 : vector<16xf32> to vector<32xbf16>
          %max3A_1353 = arith.maximumf %bitcast3A_1352, %bitcast3A_1347 : vector<32xbf16>
          %bitcast3A_1354 = vector.bitcast %max3A_1353 : vector<32xbf16> to vector<16xf32>
          %swap3A_1355 = arith.index_cast %add3A_1349 : i32 to index
          %swap3A_1356 = tpu.vector_load %arg9[%swap3A_1355] {strides = array<i32>} : memref<10240xf32, #tpu.memory_space<vmem>>, vector<16xf32>,
          tpu.vector_store %arg9[%swap3A_1355], %bitcast3A_1354 {strides = array<i32>} : memref<10240xf32, #tpu.memory_space<vmem>>, vector<16xf32>,
          %add3A_1357 = arith.constant 16 : i32
          %add3A_1358 = arith.addi %mul3A_1311, %add3A_1357 : i32
          %get3A_1359 = arith.index_cast %add3A_1358 : i32 to index
          %get3A_1360 = tpu.vector_load %arg9[%get3A_1359] {strides = array<i32>} : memref<10240xf32, #tpu.memory_space<vmem>>, vector<16xf32>,
          %bitcast3A_1361 = vector.bitcast %get3A_1360 : vector<16xf32> to vector<32xbf16>
          %max3A_1362 = arith.maximumf %bitcast3A_1361, %bitcast3A_1347 : vector<32xbf16>
          %bitcast3A_1363 = vector.bitcast %max3A_1362 : vector<32xbf16> to vector<16xf32>
          %swap3A_1364 = arith.index_cast %add3A_1358 : i32 to index
          %swap3A_1365 = tpu.vector_load %arg9[%swap3A_1364] {strides = array<i32>} : memref<10240xf32, #tpu.memory_space<vmem>>, vector<16xf32>,
          tpu.vector_store %arg9[%swap3A_1364], %bitcast3A_1363 {strides = array<i32>} : memref<10240xf32, #tpu.memory_space<vmem>>, vector<16xf32>,
          %mul3A_1366 = arith.constant 16 : i32
          %mul3A_1367 = arith.muli %scan3A_217, %mul3A_1366 : i32
          %add3A_1368 = arith.constant 9 : i32
          %add3A_1369 = arith.addi %mul3A_1367, %add3A_1368 : i32
          %get3A_1370 = arith.index_cast %select_n3A_186 : i32 to index
          %get3A_1371 = arith.index_cast %add3A_1369 : i32 to index
          %get3A_1372 = arith.constant 32 : index
          %get3A_1373 = tpu.vector_load %arg8[%get3A_1370, %get3A_1371, %get3A_1372] {strides = array<i32>} : memref<4x128x64xf32, #tpu.memory_space<vmem>>, vector<16xf32>,
          %bitcast3A_1374 = vector.bitcast %get3A_1373 : vector<16xf32> to vector<32xbf16>
          %add3A_1375 = arith.constant 32 : i32
          %add3A_1376 = arith.addi %mul3A_1305, %add3A_1375 : i32
          %get3A_1377 = arith.index_cast %add3A_1376 : i32 to index
          %get3A_1378 = tpu.vector_load %arg9[%get3A_1377] {strides = array<i32>} : memref<10240xf32, #tpu.memory_space<vmem>>, vector<16xf32>,
          %bitcast3A_1379 = vector.bitcast %get3A_1378 : vector<16xf32> to vector<32xbf16>
          %max3A_1380 = arith.maximumf %bitcast3A_1379, %bitcast3A_1374 : vector<32xbf16>
          %bitcast3A_1381 = vector.bitcast %max3A_1380 : vector<32xbf16> to vector<16xf32>
          %swap3A_1382 = arith.index_cast %add3A_1376 : i32 to index
          %swap3A_1383 = tpu.vector_load %arg9[%swap3A_1382] {strides = array<i32>} : memref<10240xf32, #tpu.memory_space<vmem>>, vector<16xf32>,
          tpu.vector_store %arg9[%swap3A_1382], %bitcast3A_1381 {strides = array<i32>} : memref<10240xf32, #tpu.memory_space<vmem>>, vector<16xf32>,
          %add3A_1384 = arith.constant 32 : i32
          %add3A_1385 = arith.addi %mul3A_1311, %add3A_1384 : i32
          %get3A_1386 = arith.index_cast %add3A_1385 : i32 to index
          %get3A_1387 = tpu.vector_load %arg9[%get3A_1386] {strides = array<i32>} : memref<10240xf32, #tpu.memory_space<vmem>>, vector<16xf32>,
          %bitcast3A_1388 = vector.bitcast %get3A_1387 : vector<16xf32> to vector<32xbf16>
          %max3A_1389 = arith.maximumf %bitcast3A_1388, %bitcast3A_1374 : vector<32xbf16>
          %bitcast3A_1390 = vector.bitcast %max3A_1389 : vector<32xbf16> to vector<16xf32>
          %swap3A_1391 = arith.index_cast %add3A_1385 : i32 to index
          %swap3A_1392 = tpu.vector_load %arg9[%swap3A_1391] {strides = array<i32>} : memref<10240xf32, #tpu.memory_space<vmem>>, vector<16xf32>,
          tpu.vector_store %arg9[%swap3A_1391], %bitcast3A_1390 {strides = array<i32>} : memref<10240xf32, #tpu.memory_space<vmem>>, vector<16xf32>,
          %mul3A_1393 = arith.constant 16 : i32
          %mul3A_1394 = arith.muli %scan3A_217, %mul3A_1393 : i32
          %add3A_1395 = arith.constant 9 : i32
          %add3A_1396 = arith.addi %mul3A_1394, %add3A_1395 : i32
          %get3A_1397 = arith.index_cast %select_n3A_186 : i32 to index
          %get3A_1398 = arith.index_cast %add3A_1396 : i32 to index
          %get3A_1399 = arith.constant 48 : index
          %get3A_1400 = tpu.vector_load %arg8[%get3A_1397, %get3A_1398, %get3A_1399] {strides = array<i32>} : memref<4x128x64xf32, #tpu.memory_space<vmem>>, vector<16xf32>,
          %bitcast3A_1401 = vector.bitcast %get3A_1400 : vector<16xf32> to vector<32xbf16>
          %add3A_1402 = arith.constant 48 : i32
          %add3A_1403 = arith.addi %mul3A_1305, %add3A_1402 : i32
          %get3A_1404 = arith.index_cast %add3A_1403 : i32 to index
          %get3A_1405 = tpu.vector_load %arg9[%get3A_1404] {strides = array<i32>} : memref<10240xf32, #tpu.memory_space<vmem>>, vector<16xf32>,
          %bitcast3A_1406 = vector.bitcast %get3A_1405 : vector<16xf32> to vector<32xbf16>
          %max3A_1407 = arith.maximumf %bitcast3A_1406, %bitcast3A_1401 : vector<32xbf16>
          %bitcast3A_1408 = vector.bitcast %max3A_1407 : vector<32xbf16> to vector<16xf32>
          %swap3A_1409 = arith.index_cast %add3A_1403 : i32 to index
          %swap3A_1410 = tpu.vector_load %arg9[%swap3A_1409] {strides = array<i32>} : memref<10240xf32, #tpu.memory_space<vmem>>, vector<16xf32>,
          tpu.vector_store %arg9[%swap3A_1409], %bitcast3A_1408 {strides = array<i32>} : memref<10240xf32, #tpu.memory_space<vmem>>, vector<16xf32>,
          %add3A_1411 = arith.constant 48 : i32
          %add3A_1412 = arith.addi %mul3A_1311, %add3A_1411 : i32
          %get3A_1413 = arith.index_cast %add3A_1412 : i32 to index
          %get3A_1414 = tpu.vector_load %arg9[%get3A_1413] {strides = array<i32>} : memref<10240xf32, #tpu.memory_space<vmem>>, vector<16xf32>,
          %bitcast3A_1415 = vector.bitcast %get3A_1414 : vector<16xf32> to vector<32xbf16>
          %max3A_1416 = arith.maximumf %bitcast3A_1415, %bitcast3A_1401 : vector<32xbf16>
          %bitcast3A_1417 = vector.bitcast %max3A_1416 : vector<32xbf16> to vector<16xf32>
          %swap3A_1418 = arith.index_cast %add3A_1412 : i32 to index
          %swap3A_1419 = tpu.vector_load %arg9[%swap3A_1418] {strides = array<i32>} : memref<10240xf32, #tpu.memory_space<vmem>>, vector<16xf32>,
          tpu.vector_store %arg9[%swap3A_1418], %bitcast3A_1417 {strides = array<i32>} : memref<10240xf32, #tpu.memory_space<vmem>>, vector<16xf32>,
          %slice3A_1420 = vector.extract_strided_slice %get3A_224 {offsets = [10], sizes = [1], strides = [1]} : vector<16xi32> to vector<1xi32>
          %squeeze3A_1421 = vector.extract %slice3A_1420[0] : i32 from vector<1xi32>
          %shift_right_arithmetic3A_1422 = arith.constant 7 : i32
          %shift_right_arithmetic3A_1423 = arith.shrsi %squeeze3A_1421, %shift_right_arithmetic3A_1422 : i32
          %mul3A_1424 = arith.constant 64 : i32
          %mul3A_1425 = arith.muli %shift_right_arithmetic3A_1423, %mul3A_1424 : i32
          %and3A_1426 = arith.constant 127 : i32
          %and3A_1427 = arith.andi %squeeze3A_1421, %and3A_1426 : i32
          %add3A_1428 = arith.constant 27 : i32
          %add3A_1429 = arith.addi %add3A_1428, %and3A_1427 : i32
          %mul3A_1430 = arith.constant 64 : i32
          %mul3A_1431 = arith.muli %add3A_1429, %mul3A_1430 : i32
          %mul3A_1432 = arith.constant 16 : i32
          %mul3A_1433 = arith.muli %scan3A_217, %mul3A_1432 : i32
          %add3A_1434 = arith.constant 10 : i32
          %add3A_1435 = arith.addi %mul3A_1433, %add3A_1434 : i32
          %get3A_1436 = arith.index_cast %select_n3A_186 : i32 to index
          %get3A_1437 = arith.index_cast %add3A_1435 : i32 to index
          %get3A_1438 = arith.constant 0 : index
          %get3A_1439 = tpu.vector_load %arg8[%get3A_1436, %get3A_1437, %get3A_1438] {strides = array<i32>} : memref<4x128x64xf32, #tpu.memory_space<vmem>>, vector<16xf32>,
          %bitcast3A_1440 = vector.bitcast %get3A_1439 : vector<16xf32> to vector<32xbf16>
          %add3A_1441 = arith.constant 0 : i32
          %add3A_1442 = arith.addi %mul3A_1425, %add3A_1441 : i32
          %get3A_1443 = arith.index_cast %add3A_1442 : i32 to index
          %get3A_1444 = tpu.vector_load %arg9[%get3A_1443] {strides = array<i32>} : memref<10240xf32, #tpu.memory_space<vmem>>, vector<16xf32>,
          %bitcast3A_1445 = vector.bitcast %get3A_1444 : vector<16xf32> to vector<32xbf16>
          %max3A_1446 = arith.maximumf %bitcast3A_1445, %bitcast3A_1440 : vector<32xbf16>
          %bitcast3A_1447 = vector.bitcast %max3A_1446 : vector<32xbf16> to vector<16xf32>
          %swap3A_1448 = arith.index_cast %add3A_1442 : i32 to index
          %swap3A_1449 = tpu.vector_load %arg9[%swap3A_1448] {strides = array<i32>} : memref<10240xf32, #tpu.memory_space<vmem>>, vector<16xf32>,
          tpu.vector_store %arg9[%swap3A_1448], %bitcast3A_1447 {strides = array<i32>} : memref<10240xf32, #tpu.memory_space<vmem>>, vector<16xf32>,
          %add3A_1450 = arith.constant 0 : i32
          %add3A_1451 = arith.addi %mul3A_1431, %add3A_1450 : i32
          %get3A_1452 = arith.index_cast %add3A_1451 : i32 to index
          %get3A_1453 = tpu.vector_load %arg9[%get3A_1452] {strides = array<i32>} : memref<10240xf32, #tpu.memory_space<vmem>>, vector<16xf32>,
          %bitcast3A_1454 = vector.bitcast %get3A_1453 : vector<16xf32> to vector<32xbf16>
          %max3A_1455 = arith.maximumf %bitcast3A_1454, %bitcast3A_1440 : vector<32xbf16>
          %bitcast3A_1456 = vector.bitcast %max3A_1455 : vector<32xbf16> to vector<16xf32>
          %swap3A_1457 = arith.index_cast %add3A_1451 : i32 to index
          %swap3A_1458 = tpu.vector_load %arg9[%swap3A_1457] {strides = array<i32>} : memref<10240xf32, #tpu.memory_space<vmem>>, vector<16xf32>,
          tpu.vector_store %arg9[%swap3A_1457], %bitcast3A_1456 {strides = array<i32>} : memref<10240xf32, #tpu.memory_space<vmem>>, vector<16xf32>,
          %mul3A_1459 = arith.constant 16 : i32
          %mul3A_1460 = arith.muli %scan3A_217, %mul3A_1459 : i32
          %add3A_1461 = arith.constant 10 : i32
          %add3A_1462 = arith.addi %mul3A_1460, %add3A_1461 : i32
          %get3A_1463 = arith.index_cast %select_n3A_186 : i32 to index
          %get3A_1464 = arith.index_cast %add3A_1462 : i32 to index
          %get3A_1465 = arith.constant 16 : index
          %get3A_1466 = tpu.vector_load %arg8[%get3A_1463, %get3A_1464, %get3A_1465] {strides = array<i32>} : memref<4x128x64xf32, #tpu.memory_space<vmem>>, vector<16xf32>,
          %bitcast3A_1467 = vector.bitcast %get3A_1466 : vector<16xf32> to vector<32xbf16>
          %add3A_1468 = arith.constant 16 : i32
          %add3A_1469 = arith.addi %mul3A_1425, %add3A_1468 : i32
          %get3A_1470 = arith.index_cast %add3A_1469 : i32 to index
          %get3A_1471 = tpu.vector_load %arg9[%get3A_1470] {strides = array<i32>} : memref<10240xf32, #tpu.memory_space<vmem>>, vector<16xf32>,
          %bitcast3A_1472 = vector.bitcast %get3A_1471 : vector<16xf32> to vector<32xbf16>
          %max3A_1473 = arith.maximumf %bitcast3A_1472, %bitcast3A_1467 : vector<32xbf16>
          %bitcast3A_1474 = vector.bitcast %max3A_1473 : vector<32xbf16> to vector<16xf32>
          %swap3A_1475 = arith.index_cast %add3A_1469 : i32 to index
          %swap3A_1476 = tpu.vector_load %arg9[%swap3A_1475] {strides = array<i32>} : memref<10240xf32, #tpu.memory_space<vmem>>, vector<16xf32>,
          tpu.vector_store %arg9[%swap3A_1475], %bitcast3A_1474 {strides = array<i32>} : memref<10240xf32, #tpu.memory_space<vmem>>, vector<16xf32>,
          %add3A_1477 = arith.constant 16 : i32
          %add3A_1478 = arith.addi %mul3A_1431, %add3A_1477 : i32
          %get3A_1479 = arith.index_cast %add3A_1478 : i32 to index
          %get3A_1480 = tpu.vector_load %arg9[%get3A_1479] {strides = array<i32>} : memref<10240xf32, #tpu.memory_space<vmem>>, vector<16xf32>,
          %bitcast3A_1481 = vector.bitcast %get3A_1480 : vector<16xf32> to vector<32xbf16>
          %max3A_1482 = arith.maximumf %bitcast3A_1481, %bitcast3A_1467 : vector<32xbf16>
          %bitcast3A_1483 = vector.bitcast %max3A_1482 : vector<32xbf16> to vector<16xf32>
          %swap3A_1484 = arith.index_cast %add3A_1478 : i32 to index
          %swap3A_1485 = tpu.vector_load %arg9[%swap3A_1484] {strides = array<i32>} : memref<10240xf32, #tpu.memory_space<vmem>>, vector<16xf32>,
          tpu.vector_store %arg9[%swap3A_1484], %bitcast3A_1483 {strides = array<i32>} : memref<10240xf32, #tpu.memory_space<vmem>>, vector<16xf32>,
          %mul3A_1486 = arith.constant 16 : i32
          %mul3A_1487 = arith.muli %scan3A_217, %mul3A_1486 : i32
          %add3A_1488 = arith.constant 10 : i32
          %add3A_1489 = arith.addi %mul3A_1487, %add3A_1488 : i32
          %get3A_1490 = arith.index_cast %select_n3A_186 : i32 to index
          %get3A_1491 = arith.index_cast %add3A_1489 : i32 to index
          %get3A_1492 = arith.constant 32 : index
          %get3A_1493 = tpu.vector_load %arg8[%get3A_1490, %get3A_1491, %get3A_1492] {strides = array<i32>} : memref<4x128x64xf32, #tpu.memory_space<vmem>>, vector<16xf32>,
          %bitcast3A_1494 = vector.bitcast %get3A_1493 : vector<16xf32> to vector<32xbf16>
          %add3A_1495 = arith.constant 32 : i32
          %add3A_1496 = arith.addi %mul3A_1425, %add3A_1495 : i32
          %get3A_1497 = arith.index_cast %add3A_1496 : i32 to index
          %get3A_1498 = tpu.vector_load %arg9[%get3A_1497] {strides = array<i32>} : memref<10240xf32, #tpu.memory_space<vmem>>, vector<16xf32>,
          %bitcast3A_1499 = vector.bitcast %get3A_1498 : vector<16xf32> to vector<32xbf16>
          %max3A_1500 = arith.maximumf %bitcast3A_1499, %bitcast3A_1494 : vector<32xbf16>
          %bitcast3A_1501 = vector.bitcast %max3A_1500 : vector<32xbf16> to vector<16xf32>
          %swap3A_1502 = arith.index_cast %add3A_1496 : i32 to index
          %swap3A_1503 = tpu.vector_load %arg9[%swap3A_1502] {strides = array<i32>} : memref<10240xf32, #tpu.memory_space<vmem>>, vector<16xf32>,
          tpu.vector_store %arg9[%swap3A_1502], %bitcast3A_1501 {strides = array<i32>} : memref<10240xf32, #tpu.memory_space<vmem>>, vector<16xf32>,
          %add3A_1504 = arith.constant 32 : i32
          %add3A_1505 = arith.addi %mul3A_1431, %add3A_1504 : i32
          %get3A_1506 = arith.index_cast %add3A_1505 : i32 to index
          %get3A_1507 = tpu.vector_load %arg9[%get3A_1506] {strides = array<i32>} : memref<10240xf32, #tpu.memory_space<vmem>>, vector<16xf32>,
          %bitcast3A_1508 = vector.bitcast %get3A_1507 : vector<16xf32> to vector<32xbf16>
          %max3A_1509 = arith.maximumf %bitcast3A_1508, %bitcast3A_1494 : vector<32xbf16>
          %bitcast3A_1510 = vector.bitcast %max3A_1509 : vector<32xbf16> to vector<16xf32>
          %swap3A_1511 = arith.index_cast %add3A_1505 : i32 to index
          %swap3A_1512 = tpu.vector_load %arg9[%swap3A_1511] {strides = array<i32>} : memref<10240xf32, #tpu.memory_space<vmem>>, vector<16xf32>,
          tpu.vector_store %arg9[%swap3A_1511], %bitcast3A_1510 {strides = array<i32>} : memref<10240xf32, #tpu.memory_space<vmem>>, vector<16xf32>,
          %mul3A_1513 = arith.constant 16 : i32
          %mul3A_1514 = arith.muli %scan3A_217, %mul3A_1513 : i32
          %add3A_1515 = arith.constant 10 : i32
          %add3A_1516 = arith.addi %mul3A_1514, %add3A_1515 : i32
          %get3A_1517 = arith.index_cast %select_n3A_186 : i32 to index
          %get3A_1518 = arith.index_cast %add3A_1516 : i32 to index
          %get3A_1519 = arith.constant 48 : index
          %get3A_1520 = tpu.vector_load %arg8[%get3A_1517, %get3A_1518, %get3A_1519] {strides = array<i32>} : memref<4x128x64xf32, #tpu.memory_space<vmem>>, vector<16xf32>,
          %bitcast3A_1521 = vector.bitcast %get3A_1520 : vector<16xf32> to vector<32xbf16>
          %add3A_1522 = arith.constant 48 : i32
          %add3A_1523 = arith.addi %mul3A_1425, %add3A_1522 : i32
          %get3A_1524 = arith.index_cast %add3A_1523 : i32 to index
          %get3A_1525 = tpu.vector_load %arg9[%get3A_1524] {strides = array<i32>} : memref<10240xf32, #tpu.memory_space<vmem>>, vector<16xf32>,
          %bitcast3A_1526 = vector.bitcast %get3A_1525 : vector<16xf32> to vector<32xbf16>
          %max3A_1527 = arith.maximumf %bitcast3A_1526, %bitcast3A_1521 : vector<32xbf16>
          %bitcast3A_1528 = vector.bitcast %max3A_1527 : vector<32xbf16> to vector<16xf32>
          %swap3A_1529 = arith.index_cast %add3A_1523 : i32 to index
          %swap3A_1530 = tpu.vector_load %arg9[%swap3A_1529] {strides = array<i32>} : memref<10240xf32, #tpu.memory_space<vmem>>, vector<16xf32>,
          tpu.vector_store %arg9[%swap3A_1529], %bitcast3A_1528 {strides = array<i32>} : memref<10240xf32, #tpu.memory_space<vmem>>, vector<16xf32>,
          %add3A_1531 = arith.constant 48 : i32
          %add3A_1532 = arith.addi %mul3A_1431, %add3A_1531 : i32
          %get3A_1533 = arith.index_cast %add3A_1532 : i32 to index
          %get3A_1534 = tpu.vector_load %arg9[%get3A_1533] {strides = array<i32>} : memref<10240xf32, #tpu.memory_space<vmem>>, vector<16xf32>,
          %bitcast3A_1535 = vector.bitcast %get3A_1534 : vector<16xf32> to vector<32xbf16>
          %max3A_1536 = arith.maximumf %bitcast3A_1535, %bitcast3A_1521 : vector<32xbf16>
          %bitcast3A_1537 = vector.bitcast %max3A_1536 : vector<32xbf16> to vector<16xf32>
          %swap3A_1538 = arith.index_cast %add3A_1532 : i32 to index
          %swap3A_1539 = tpu.vector_load %arg9[%swap3A_1538] {strides = array<i32>} : memref<10240xf32, #tpu.memory_space<vmem>>, vector<16xf32>,
          tpu.vector_store %arg9[%swap3A_1538], %bitcast3A_1537 {strides = array<i32>} : memref<10240xf32, #tpu.memory_space<vmem>>, vector<16xf32>,
          %slice3A_1540 = vector.extract_strided_slice %get3A_224 {offsets = [11], sizes = [1], strides = [1]} : vector<16xi32> to vector<1xi32>
          %squeeze3A_1541 = vector.extract %slice3A_1540[0] : i32 from vector<1xi32>
          %shift_right_arithmetic3A_1542 = arith.constant 7 : i32
          %shift_right_arithmetic3A_1543 = arith.shrsi %squeeze3A_1541, %shift_right_arithmetic3A_1542 : i32
          %mul3A_1544 = arith.constant 64 : i32
          %mul3A_1545 = arith.muli %shift_right_arithmetic3A_1543, %mul3A_1544 : i32
          %and3A_1546 = arith.constant 127 : i32
          %and3A_1547 = arith.andi %squeeze3A_1541, %and3A_1546 : i32
          %add3A_1548 = arith.constant 27 : i32
          %add3A_1549 = arith.addi %add3A_1548, %and3A_1547 : i32
          %mul3A_1550 = arith.constant 64 : i32
          %mul3A_1551 = arith.muli %add3A_1549, %mul3A_1550 : i32
          %mul3A_1552 = arith.constant 16 : i32
          %mul3A_1553 = arith.muli %scan3A_217, %mul3A_1552 : i32
          %add3A_1554 = arith.constant 11 : i32
          %add3A_1555 = arith.addi %mul3A_1553, %add3A_1554 : i32
          %get3A_1556 = arith.index_cast %select_n3A_186 : i32 to index
          %get3A_1557 = arith.index_cast %add3A_1555 : i32 to index
          %get3A_1558 = arith.constant 0 : index
          %get3A_1559 = tpu.vector_load %arg8[%get3A_1556, %get3A_1557, %get3A_1558] {strides = array<i32>} : memref<4x128x64xf32, #tpu.memory_space<vmem>>, vector<16xf32>,
          %bitcast3A_1560 = vector.bitcast %get3A_1559 : vector<16xf32> to vector<32xbf16>
          %add3A_1561 = arith.constant 0 : i32
          %add3A_1562 = arith.addi %mul3A_1545, %add3A_1561 : i32
          %get3A_1563 = arith.index_cast %add3A_1562 : i32 to index
          %get3A_1564 = tpu.vector_load %arg9[%get3A_1563] {strides = array<i32>} : memref<10240xf32, #tpu.memory_space<vmem>>, vector<16xf32>,
          %bitcast3A_1565 = vector.bitcast %get3A_1564 : vector<16xf32> to vector<32xbf16>
          %max3A_1566 = arith.maximumf %bitcast3A_1565, %bitcast3A_1560 : vector<32xbf16>
          %bitcast3A_1567 = vector.bitcast %max3A_1566 : vector<32xbf16> to vector<16xf32>
          %swap3A_1568 = arith.index_cast %add3A_1562 : i32 to index
          %swap3A_1569 = tpu.vector_load %arg9[%swap3A_1568] {strides = array<i32>} : memref<10240xf32, #tpu.memory_space<vmem>>, vector<16xf32>,
          tpu.vector_store %arg9[%swap3A_1568], %bitcast3A_1567 {strides = array<i32>} : memref<10240xf32, #tpu.memory_space<vmem>>, vector<16xf32>,
          %add3A_1570 = arith.constant 0 : i32
          %add3A_1571 = arith.addi %mul3A_1551, %add3A_1570 : i32
          %get3A_1572 = arith.index_cast %add3A_1571 : i32 to index
          %get3A_1573 = tpu.vector_load %arg9[%get3A_1572] {strides = array<i32>} : memref<10240xf32, #tpu.memory_space<vmem>>, vector<16xf32>,
          %bitcast3A_1574 = vector.bitcast %get3A_1573 : vector<16xf32> to vector<32xbf16>
          %max3A_1575 = arith.maximumf %bitcast3A_1574, %bitcast3A_1560 : vector<32xbf16>
          %bitcast3A_1576 = vector.bitcast %max3A_1575 : vector<32xbf16> to vector<16xf32>
          %swap3A_1577 = arith.index_cast %add3A_1571 : i32 to index
          %swap3A_1578 = tpu.vector_load %arg9[%swap3A_1577] {strides = array<i32>} : memref<10240xf32, #tpu.memory_space<vmem>>, vector<16xf32>,
          tpu.vector_store %arg9[%swap3A_1577], %bitcast3A_1576 {strides = array<i32>} : memref<10240xf32, #tpu.memory_space<vmem>>, vector<16xf32>,
          %mul3A_1579 = arith.constant 16 : i32
          %mul3A_1580 = arith.muli %scan3A_217, %mul3A_1579 : i32
          %add3A_1581 = arith.constant 11 : i32
          %add3A_1582 = arith.addi %mul3A_1580, %add3A_1581 : i32
          %get3A_1583 = arith.index_cast %select_n3A_186 : i32 to index
          %get3A_1584 = arith.index_cast %add3A_1582 : i32 to index
          %get3A_1585 = arith.constant 16 : index
          %get3A_1586 = tpu.vector_load %arg8[%get3A_1583, %get3A_1584, %get3A_1585] {strides = array<i32>} : memref<4x128x64xf32, #tpu.memory_space<vmem>>, vector<16xf32>,
          %bitcast3A_1587 = vector.bitcast %get3A_1586 : vector<16xf32> to vector<32xbf16>
          %add3A_1588 = arith.constant 16 : i32
          %add3A_1589 = arith.addi %mul3A_1545, %add3A_1588 : i32
          %get3A_1590 = arith.index_cast %add3A_1589 : i32 to index
          %get3A_1591 = tpu.vector_load %arg9[%get3A_1590] {strides = array<i32>} : memref<10240xf32, #tpu.memory_space<vmem>>, vector<16xf32>,
          %bitcast3A_1592 = vector.bitcast %get3A_1591 : vector<16xf32> to vector<32xbf16>
          %max3A_1593 = arith.maximumf %bitcast3A_1592, %bitcast3A_1587 : vector<32xbf16>
          %bitcast3A_1594 = vector.bitcast %max3A_1593 : vector<32xbf16> to vector<16xf32>
          %swap3A_1595 = arith.index_cast %add3A_1589 : i32 to index
          %swap3A_1596 = tpu.vector_load %arg9[%swap3A_1595] {strides = array<i32>} : memref<10240xf32, #tpu.memory_space<vmem>>, vector<16xf32>,
          tpu.vector_store %arg9[%swap3A_1595], %bitcast3A_1594 {strides = array<i32>} : memref<10240xf32, #tpu.memory_space<vmem>>, vector<16xf32>,
          %add3A_1597 = arith.constant 16 : i32
          %add3A_1598 = arith.addi %mul3A_1551, %add3A_1597 : i32
          %get3A_1599 = arith.index_cast %add3A_1598 : i32 to index
          %get3A_1600 = tpu.vector_load %arg9[%get3A_1599] {strides = array<i32>} : memref<10240xf32, #tpu.memory_space<vmem>>, vector<16xf32>,
          %bitcast3A_1601 = vector.bitcast %get3A_1600 : vector<16xf32> to vector<32xbf16>
          %max3A_1602 = arith.maximumf %bitcast3A_1601, %bitcast3A_1587 : vector<32xbf16>
          %bitcast3A_1603 = vector.bitcast %max3A_1602 : vector<32xbf16> to vector<16xf32>
          %swap3A_1604 = arith.index_cast %add3A_1598 : i32 to index
          %swap3A_1605 = tpu.vector_load %arg9[%swap3A_1604] {strides = array<i32>} : memref<10240xf32, #tpu.memory_space<vmem>>, vector<16xf32>,
          tpu.vector_store %arg9[%swap3A_1604], %bitcast3A_1603 {strides = array<i32>} : memref<10240xf32, #tpu.memory_space<vmem>>, vector<16xf32>,
          %mul3A_1606 = arith.constant 16 : i32
          %mul3A_1607 = arith.muli %scan3A_217, %mul3A_1606 : i32
          %add3A_1608 = arith.constant 11 : i32
          %add3A_1609 = arith.addi %mul3A_1607, %add3A_1608 : i32
          %get3A_1610 = arith.index_cast %select_n3A_186 : i32 to index
          %get3A_1611 = arith.index_cast %add3A_1609 : i32 to index
          %get3A_1612 = arith.constant 32 : index
          %get3A_1613 = tpu.vector_load %arg8[%get3A_1610, %get3A_1611, %get3A_1612] {strides = array<i32>} : memref<4x128x64xf32, #tpu.memory_space<vmem>>, vector<16xf32>,
          %bitcast3A_1614 = vector.bitcast %get3A_1613 : vector<16xf32> to vector<32xbf16>
          %add3A_1615 = arith.constant 32 : i32
          %add3A_1616 = arith.addi %mul3A_1545, %add3A_1615 : i32
          %get3A_1617 = arith.index_cast %add3A_1616 : i32 to index
          %get3A_1618 = tpu.vector_load %arg9[%get3A_1617] {strides = array<i32>} : memref<10240xf32, #tpu.memory_space<vmem>>, vector<16xf32>,
          %bitcast3A_1619 = vector.bitcast %get3A_1618 : vector<16xf32> to vector<32xbf16>
          %max3A_1620 = arith.maximumf %bitcast3A_1619, %bitcast3A_1614 : vector<32xbf16>
          %bitcast3A_1621 = vector.bitcast %max3A_1620 : vector<32xbf16> to vector<16xf32>
          %swap3A_1622 = arith.index_cast %add3A_1616 : i32 to index
          %swap3A_1623 = tpu.vector_load %arg9[%swap3A_1622] {strides = array<i32>} : memref<10240xf32, #tpu.memory_space<vmem>>, vector<16xf32>,
          tpu.vector_store %arg9[%swap3A_1622], %bitcast3A_1621 {strides = array<i32>} : memref<10240xf32, #tpu.memory_space<vmem>>, vector<16xf32>,
          %add3A_1624 = arith.constant 32 : i32
          %add3A_1625 = arith.addi %mul3A_1551, %add3A_1624 : i32
          %get3A_1626 = arith.index_cast %add3A_1625 : i32 to index
          %get3A_1627 = tpu.vector_load %arg9[%get3A_1626] {strides = array<i32>} : memref<10240xf32, #tpu.memory_space<vmem>>, vector<16xf32>,
          %bitcast3A_1628 = vector.bitcast %get3A_1627 : vector<16xf32> to vector<32xbf16>
          %max3A_1629 = arith.maximumf %bitcast3A_1628, %bitcast3A_1614 : vector<32xbf16>
          %bitcast3A_1630 = vector.bitcast %max3A_1629 : vector<32xbf16> to vector<16xf32>
          %swap3A_1631 = arith.index_cast %add3A_1625 : i32 to index
          %swap3A_1632 = tpu.vector_load %arg9[%swap3A_1631] {strides = array<i32>} : memref<10240xf32, #tpu.memory_space<vmem>>, vector<16xf32>,
          tpu.vector_store %arg9[%swap3A_1631], %bitcast3A_1630 {strides = array<i32>} : memref<10240xf32, #tpu.memory_space<vmem>>, vector<16xf32>,
          %mul3A_1633 = arith.constant 16 : i32
          %mul3A_1634 = arith.muli %scan3A_217, %mul3A_1633 : i32
          %add3A_1635 = arith.constant 11 : i32
          %add3A_1636 = arith.addi %mul3A_1634, %add3A_1635 : i32
          %get3A_1637 = arith.index_cast %select_n3A_186 : i32 to index
          %get3A_1638 = arith.index_cast %add3A_1636 : i32 to index
          %get3A_1639 = arith.constant 48 : index
          %get3A_1640 = tpu.vector_load %arg8[%get3A_1637, %get3A_1638, %get3A_1639] {strides = array<i32>} : memref<4x128x64xf32, #tpu.memory_space<vmem>>, vector<16xf32>,
          %bitcast3A_1641 = vector.bitcast %get3A_1640 : vector<16xf32> to vector<32xbf16>
          %add3A_1642 = arith.constant 48 : i32
          %add3A_1643 = arith.addi %mul3A_1545, %add3A_1642 : i32
          %get3A_1644 = arith.index_cast %add3A_1643 : i32 to index
          %get3A_1645 = tpu.vector_load %arg9[%get3A_1644] {strides = array<i32>} : memref<10240xf32, #tpu.memory_space<vmem>>, vector<16xf32>,
          %bitcast3A_1646 = vector.bitcast %get3A_1645 : vector<16xf32> to vector<32xbf16>
          %max3A_1647 = arith.maximumf %bitcast3A_1646, %bitcast3A_1641 : vector<32xbf16>
          %bitcast3A_1648 = vector.bitcast %max3A_1647 : vector<32xbf16> to vector<16xf32>
          %swap3A_1649 = arith.index_cast %add3A_1643 : i32 to index
          %swap3A_1650 = tpu.vector_load %arg9[%swap3A_1649] {strides = array<i32>} : memref<10240xf32, #tpu.memory_space<vmem>>, vector<16xf32>,
          tpu.vector_store %arg9[%swap3A_1649], %bitcast3A_1648 {strides = array<i32>} : memref<10240xf32, #tpu.memory_space<vmem>>, vector<16xf32>,
          %add3A_1651 = arith.constant 48 : i32
          %add3A_1652 = arith.addi %mul3A_1551, %add3A_1651 : i32
          %get3A_1653 = arith.index_cast %add3A_1652 : i32 to index
          %get3A_1654 = tpu.vector_load %arg9[%get3A_1653] {strides = array<i32>} : memref<10240xf32, #tpu.memory_space<vmem>>, vector<16xf32>,
          %bitcast3A_1655 = vector.bitcast %get3A_1654 : vector<16xf32> to vector<32xbf16>
          %max3A_1656 = arith.maximumf %bitcast3A_1655, %bitcast3A_1641 : vector<32xbf16>
          %bitcast3A_1657 = vector.bitcast %max3A_1656 : vector<32xbf16> to vector<16xf32>
          %swap3A_1658 = arith.index_cast %add3A_1652 : i32 to index
          %swap3A_1659 = tpu.vector_load %arg9[%swap3A_1658] {strides = array<i32>} : memref<10240xf32, #tpu.memory_space<vmem>>, vector<16xf32>,
          tpu.vector_store %arg9[%swap3A_1658], %bitcast3A_1657 {strides = array<i32>} : memref<10240xf32, #tpu.memory_space<vmem>>, vector<16xf32>,
          %slice3A_1660 = vector.extract_strided_slice %get3A_224 {offsets = [12], sizes = [1], strides = [1]} : vector<16xi32> to vector<1xi32>
          %squeeze3A_1661 = vector.extract %slice3A_1660[0] : i32 from vector<1xi32>
          %shift_right_arithmetic3A_1662 = arith.constant 7 : i32
          %shift_right_arithmetic3A_1663 = arith.shrsi %squeeze3A_1661, %shift_right_arithmetic3A_1662 : i32
          %mul3A_1664 = arith.constant 64 : i32
          %mul3A_1665 = arith.muli %shift_right_arithmetic3A_1663, %mul3A_1664 : i32
          %and3A_1666 = arith.constant 127 : i32
          %and3A_1667 = arith.andi %squeeze3A_1661, %and3A_1666 : i32
          %add3A_1668 = arith.constant 27 : i32
          %add3A_1669 = arith.addi %add3A_1668, %and3A_1667 : i32
          %mul3A_1670 = arith.constant 64 : i32
          %mul3A_1671 = arith.muli %add3A_1669, %mul3A_1670 : i32
          %mul3A_1672 = arith.constant 16 : i32
          %mul3A_1673 = arith.muli %scan3A_217, %mul3A_1672 : i32
          %add3A_1674 = arith.constant 12 : i32
          %add3A_1675 = arith.addi %mul3A_1673, %add3A_1674 : i32
          %get3A_1676 = arith.index_cast %select_n3A_186 : i32 to index
          %get3A_1677 = arith.index_cast %add3A_1675 : i32 to index
          %get3A_1678 = arith.constant 0 : index
          %get3A_1679 = tpu.vector_load %arg8[%get3A_1676, %get3A_1677, %get3A_1678] {strides = array<i32>} : memref<4x128x64xf32, #tpu.memory_space<vmem>>, vector<16xf32>,
          %bitcast3A_1680 = vector.bitcast %get3A_1679 : vector<16xf32> to vector<32xbf16>
          %add3A_1681 = arith.constant 0 : i32
          %add3A_1682 = arith.addi %mul3A_1665, %add3A_1681 : i32
          %get3A_1683 = arith.index_cast %add3A_1682 : i32 to index
          %get3A_1684 = tpu.vector_load %arg9[%get3A_1683] {strides = array<i32>} : memref<10240xf32, #tpu.memory_space<vmem>>, vector<16xf32>,
          %bitcast3A_1685 = vector.bitcast %get3A_1684 : vector<16xf32> to vector<32xbf16>
          %max3A_1686 = arith.maximumf %bitcast3A_1685, %bitcast3A_1680 : vector<32xbf16>
          %bitcast3A_1687 = vector.bitcast %max3A_1686 : vector<32xbf16> to vector<16xf32>
          %swap3A_1688 = arith.index_cast %add3A_1682 : i32 to index
          %swap3A_1689 = tpu.vector_load %arg9[%swap3A_1688] {strides = array<i32>} : memref<10240xf32, #tpu.memory_space<vmem>>, vector<16xf32>,
          tpu.vector_store %arg9[%swap3A_1688], %bitcast3A_1687 {strides = array<i32>} : memref<10240xf32, #tpu.memory_space<vmem>>, vector<16xf32>,
          %add3A_1690 = arith.constant 0 : i32
          %add3A_1691 = arith.addi %mul3A_1671, %add3A_1690 : i32
          %get3A_1692 = arith.index_cast %add3A_1691 : i32 to index
          %get3A_1693 = tpu.vector_load %arg9[%get3A_1692] {strides = array<i32>} : memref<10240xf32, #tpu.memory_space<vmem>>, vector<16xf32>,
          %bitcast3A_1694 = vector.bitcast %get3A_1693 : vector<16xf32> to vector<32xbf16>
          %max3A_1695 = arith.maximumf %bitcast3A_1694, %bitcast3A_1680 : vector<32xbf16>
          %bitcast3A_1696 = vector.bitcast %max3A_1695 : vector<32xbf16> to vector<16xf32>
          %swap3A_1697 = arith.index_cast %add3A_1691 : i32 to index
          %swap3A_1698 = tpu.vector_load %arg9[%swap3A_1697] {strides = array<i32>} : memref<10240xf32, #tpu.memory_space<vmem>>, vector<16xf32>,
          tpu.vector_store %arg9[%swap3A_1697], %bitcast3A_1696 {strides = array<i32>} : memref<10240xf32, #tpu.memory_space<vmem>>, vector<16xf32>,
          %mul3A_1699 = arith.constant 16 : i32
          %mul3A_1700 = arith.muli %scan3A_217, %mul3A_1699 : i32
          %add3A_1701 = arith.constant 12 : i32
          %add3A_1702 = arith.addi %mul3A_1700, %add3A_1701 : i32
          %get3A_1703 = arith.index_cast %select_n3A_186 : i32 to index
          %get3A_1704 = arith.index_cast %add3A_1702 : i32 to index
          %get3A_1705 = arith.constant 16 : index
          %get3A_1706 = tpu.vector_load %arg8[%get3A_1703, %get3A_1704, %get3A_1705] {strides = array<i32>} : memref<4x128x64xf32, #tpu.memory_space<vmem>>, vector<16xf32>,
          %bitcast3A_1707 = vector.bitcast %get3A_1706 : vector<16xf32> to vector<32xbf16>
          %add3A_1708 = arith.constant 16 : i32
          %add3A_1709 = arith.addi %mul3A_1665, %add3A_1708 : i32
          %get3A_1710 = arith.index_cast %add3A_1709 : i32 to index
          %get3A_1711 = tpu.vector_load %arg9[%get3A_1710] {strides = array<i32>} : memref<10240xf32, #tpu.memory_space<vmem>>, vector<16xf32>,
          %bitcast3A_1712 = vector.bitcast %get3A_1711 : vector<16xf32> to vector<32xbf16>
          %max3A_1713 = arith.maximumf %bitcast3A_1712, %bitcast3A_1707 : vector<32xbf16>
          %bitcast3A_1714 = vector.bitcast %max3A_1713 : vector<32xbf16> to vector<16xf32>
          %swap3A_1715 = arith.index_cast %add3A_1709 : i32 to index
          %swap3A_1716 = tpu.vector_load %arg9[%swap3A_1715] {strides = array<i32>} : memref<10240xf32, #tpu.memory_space<vmem>>, vector<16xf32>,
          tpu.vector_store %arg9[%swap3A_1715], %bitcast3A_1714 {strides = array<i32>} : memref<10240xf32, #tpu.memory_space<vmem>>, vector<16xf32>,
          %add3A_1717 = arith.constant 16 : i32
          %add3A_1718 = arith.addi %mul3A_1671, %add3A_1717 : i32
          %get3A_1719 = arith.index_cast %add3A_1718 : i32 to index
          %get3A_1720 = tpu.vector_load %arg9[%get3A_1719] {strides = array<i32>} : memref<10240xf32, #tpu.memory_space<vmem>>, vector<16xf32>,
          %bitcast3A_1721 = vector.bitcast %get3A_1720 : vector<16xf32> to vector<32xbf16>
          %max3A_1722 = arith.maximumf %bitcast3A_1721, %bitcast3A_1707 : vector<32xbf16>
          %bitcast3A_1723 = vector.bitcast %max3A_1722 : vector<32xbf16> to vector<16xf32>
          %swap3A_1724 = arith.index_cast %add3A_1718 : i32 to index
          %swap3A_1725 = tpu.vector_load %arg9[%swap3A_1724] {strides = array<i32>} : memref<10240xf32, #tpu.memory_space<vmem>>, vector<16xf32>,
          tpu.vector_store %arg9[%swap3A_1724], %bitcast3A_1723 {strides = array<i32>} : memref<10240xf32, #tpu.memory_space<vmem>>, vector<16xf32>,
          %mul3A_1726 = arith.constant 16 : i32
          %mul3A_1727 = arith.muli %scan3A_217, %mul3A_1726 : i32
          %add3A_1728 = arith.constant 12 : i32
          %add3A_1729 = arith.addi %mul3A_1727, %add3A_1728 : i32
          %get3A_1730 = arith.index_cast %select_n3A_186 : i32 to index
          %get3A_1731 = arith.index_cast %add3A_1729 : i32 to index
          %get3A_1732 = arith.constant 32 : index
          %get3A_1733 = tpu.vector_load %arg8[%get3A_1730, %get3A_1731, %get3A_1732] {strides = array<i32>} : memref<4x128x64xf32, #tpu.memory_space<vmem>>, vector<16xf32>,
          %bitcast3A_1734 = vector.bitcast %get3A_1733 : vector<16xf32> to vector<32xbf16>
          %add3A_1735 = arith.constant 32 : i32
          %add3A_1736 = arith.addi %mul3A_1665, %add3A_1735 : i32
          %get3A_1737 = arith.index_cast %add3A_1736 : i32 to index
          %get3A_1738 = tpu.vector_load %arg9[%get3A_1737] {strides = array<i32>} : memref<10240xf32, #tpu.memory_space<vmem>>, vector<16xf32>,
          %bitcast3A_1739 = vector.bitcast %get3A_1738 : vector<16xf32> to vector<32xbf16>
          %max3A_1740 = arith.maximumf %bitcast3A_1739, %bitcast3A_1734 : vector<32xbf16>
          %bitcast3A_1741 = vector.bitcast %max3A_1740 : vector<32xbf16> to vector<16xf32>
          %swap3A_1742 = arith.index_cast %add3A_1736 : i32 to index
          %swap3A_1743 = tpu.vector_load %arg9[%swap3A_1742] {strides = array<i32>} : memref<10240xf32, #tpu.memory_space<vmem>>, vector<16xf32>,
          tpu.vector_store %arg9[%swap3A_1742], %bitcast3A_1741 {strides = array<i32>} : memref<10240xf32, #tpu.memory_space<vmem>>, vector<16xf32>,
          %add3A_1744 = arith.constant 32 : i32
          %add3A_1745 = arith.addi %mul3A_1671, %add3A_1744 : i32
          %get3A_1746 = arith.index_cast %add3A_1745 : i32 to index
          %get3A_1747 = tpu.vector_load %arg9[%get3A_1746] {strides = array<i32>} : memref<10240xf32, #tpu.memory_space<vmem>>, vector<16xf32>,
          %bitcast3A_1748 = vector.bitcast %get3A_1747 : vector<16xf32> to vector<32xbf16>
          %max3A_1749 = arith.maximumf %bitcast3A_1748, %bitcast3A_1734 : vector<32xbf16>
          %bitcast3A_1750 = vector.bitcast %max3A_1749 : vector<32xbf16> to vector<16xf32>
          %swap3A_1751 = arith.index_cast %add3A_1745 : i32 to index
          %swap3A_1752 = tpu.vector_load %arg9[%swap3A_1751] {strides = array<i32>} : memref<10240xf32, #tpu.memory_space<vmem>>, vector<16xf32>,
          tpu.vector_store %arg9[%swap3A_1751], %bitcast3A_1750 {strides = array<i32>} : memref<10240xf32, #tpu.memory_space<vmem>>, vector<16xf32>,
          %mul3A_1753 = arith.constant 16 : i32
          %mul3A_1754 = arith.muli %scan3A_217, %mul3A_1753 : i32
          %add3A_1755 = arith.constant 12 : i32
          %add3A_1756 = arith.addi %mul3A_1754, %add3A_1755 : i32
          %get3A_1757 = arith.index_cast %select_n3A_186 : i32 to index
          %get3A_1758 = arith.index_cast %add3A_1756 : i32 to index
          %get3A_1759 = arith.constant 48 : index
          %get3A_1760 = tpu.vector_load %arg8[%get3A_1757, %get3A_1758, %get3A_1759] {strides = array<i32>} : memref<4x128x64xf32, #tpu.memory_space<vmem>>, vector<16xf32>,
          %bitcast3A_1761 = vector.bitcast %get3A_1760 : vector<16xf32> to vector<32xbf16>
          %add3A_1762 = arith.constant 48 : i32
          %add3A_1763 = arith.addi %mul3A_1665, %add3A_1762 : i32
          %get3A_1764 = arith.index_cast %add3A_1763 : i32 to index
          %get3A_1765 = tpu.vector_load %arg9[%get3A_1764] {strides = array<i32>} : memref<10240xf32, #tpu.memory_space<vmem>>, vector<16xf32>,
          %bitcast3A_1766 = vector.bitcast %get3A_1765 : vector<16xf32> to vector<32xbf16>
          %max3A_1767 = arith.maximumf %bitcast3A_1766, %bitcast3A_1761 : vector<32xbf16>
          %bitcast3A_1768 = vector.bitcast %max3A_1767 : vector<32xbf16> to vector<16xf32>
          %swap3A_1769 = arith.index_cast %add3A_1763 : i32 to index
          %swap3A_1770 = tpu.vector_load %arg9[%swap3A_1769] {strides = array<i32>} : memref<10240xf32, #tpu.memory_space<vmem>>, vector<16xf32>,
          tpu.vector_store %arg9[%swap3A_1769], %bitcast3A_1768 {strides = array<i32>} : memref<10240xf32, #tpu.memory_space<vmem>>, vector<16xf32>,
          %add3A_1771 = arith.constant 48 : i32
          %add3A_1772 = arith.addi %mul3A_1671, %add3A_1771 : i32
          %get3A_1773 = arith.index_cast %add3A_1772 : i32 to index
          %get3A_1774 = tpu.vector_load %arg9[%get3A_1773] {strides = array<i32>} : memref<10240xf32, #tpu.memory_space<vmem>>, vector<16xf32>,
          %bitcast3A_1775 = vector.bitcast %get3A_1774 : vector<16xf32> to vector<32xbf16>
          %max3A_1776 = arith.maximumf %bitcast3A_1775, %bitcast3A_1761 : vector<32xbf16>
          %bitcast3A_1777 = vector.bitcast %max3A_1776 : vector<32xbf16> to vector<16xf32>
          %swap3A_1778 = arith.index_cast %add3A_1772 : i32 to index
          %swap3A_1779 = tpu.vector_load %arg9[%swap3A_1778] {strides = array<i32>} : memref<10240xf32, #tpu.memory_space<vmem>>, vector<16xf32>,
          tpu.vector_store %arg9[%swap3A_1778], %bitcast3A_1777 {strides = array<i32>} : memref<10240xf32, #tpu.memory_space<vmem>>, vector<16xf32>,
          %slice3A_1780 = vector.extract_strided_slice %get3A_224 {offsets = [13], sizes = [1], strides = [1]} : vector<16xi32> to vector<1xi32>
          %squeeze3A_1781 = vector.extract %slice3A_1780[0] : i32 from vector<1xi32>
          %shift_right_arithmetic3A_1782 = arith.constant 7 : i32
          %shift_right_arithmetic3A_1783 = arith.shrsi %squeeze3A_1781, %shift_right_arithmetic3A_1782 : i32
          %mul3A_1784 = arith.constant 64 : i32
          %mul3A_1785 = arith.muli %shift_right_arithmetic3A_1783, %mul3A_1784 : i32
          %and3A_1786 = arith.constant 127 : i32
          %and3A_1787 = arith.andi %squeeze3A_1781, %and3A_1786 : i32
          %add3A_1788 = arith.constant 27 : i32
          %add3A_1789 = arith.addi %add3A_1788, %and3A_1787 : i32
          %mul3A_1790 = arith.constant 64 : i32
          %mul3A_1791 = arith.muli %add3A_1789, %mul3A_1790 : i32
          %mul3A_1792 = arith.constant 16 : i32
          %mul3A_1793 = arith.muli %scan3A_217, %mul3A_1792 : i32
          %add3A_1794 = arith.constant 13 : i32
          %add3A_1795 = arith.addi %mul3A_1793, %add3A_1794 : i32
          %get3A_1796 = arith.index_cast %select_n3A_186 : i32 to index
          %get3A_1797 = arith.index_cast %add3A_1795 : i32 to index
          %get3A_1798 = arith.constant 0 : index
          %get3A_1799 = tpu.vector_load %arg8[%get3A_1796, %get3A_1797, %get3A_1798] {strides = array<i32>} : memref<4x128x64xf32, #tpu.memory_space<vmem>>, vector<16xf32>,
          %bitcast3A_1800 = vector.bitcast %get3A_1799 : vector<16xf32> to vector<32xbf16>
          %add3A_1801 = arith.constant 0 : i32
          %add3A_1802 = arith.addi %mul3A_1785, %add3A_1801 : i32
          %get3A_1803 = arith.index_cast %add3A_1802 : i32 to index
          %get3A_1804 = tpu.vector_load %arg9[%get3A_1803] {strides = array<i32>} : memref<10240xf32, #tpu.memory_space<vmem>>, vector<16xf32>,
          %bitcast3A_1805 = vector.bitcast %get3A_1804 : vector<16xf32> to vector<32xbf16>
          %max3A_1806 = arith.maximumf %bitcast3A_1805, %bitcast3A_1800 : vector<32xbf16>
          %bitcast3A_1807 = vector.bitcast %max3A_1806 : vector<32xbf16> to vector<16xf32>
          %swap3A_1808 = arith.index_cast %add3A_1802 : i32 to index
          %swap3A_1809 = tpu.vector_load %arg9[%swap3A_1808] {strides = array<i32>} : memref<10240xf32, #tpu.memory_space<vmem>>, vector<16xf32>,
          tpu.vector_store %arg9[%swap3A_1808], %bitcast3A_1807 {strides = array<i32>} : memref<10240xf32, #tpu.memory_space<vmem>>, vector<16xf32>,
          %add3A_1810 = arith.constant 0 : i32
          %add3A_1811 = arith.addi %mul3A_1791, %add3A_1810 : i32
          %get3A_1812 = arith.index_cast %add3A_1811 : i32 to index
          %get3A_1813 = tpu.vector_load %arg9[%get3A_1812] {strides = array<i32>} : memref<10240xf32, #tpu.memory_space<vmem>>, vector<16xf32>,
          %bitcast3A_1814 = vector.bitcast %get3A_1813 : vector<16xf32> to vector<32xbf16>
          %max3A_1815 = arith.maximumf %bitcast3A_1814, %bitcast3A_1800 : vector<32xbf16>
          %bitcast3A_1816 = vector.bitcast %max3A_1815 : vector<32xbf16> to vector<16xf32>
          %swap3A_1817 = arith.index_cast %add3A_1811 : i32 to index
          %swap3A_1818 = tpu.vector_load %arg9[%swap3A_1817] {strides = array<i32>} : memref<10240xf32, #tpu.memory_space<vmem>>, vector<16xf32>,
          tpu.vector_store %arg9[%swap3A_1817], %bitcast3A_1816 {strides = array<i32>} : memref<10240xf32, #tpu.memory_space<vmem>>, vector<16xf32>,
          %mul3A_1819 = arith.constant 16 : i32
          %mul3A_1820 = arith.muli %scan3A_217, %mul3A_1819 : i32
          %add3A_1821 = arith.constant 13 : i32
          %add3A_1822 = arith.addi %mul3A_1820, %add3A_1821 : i32
          %get3A_1823 = arith.index_cast %select_n3A_186 : i32 to index
          %get3A_1824 = arith.index_cast %add3A_1822 : i32 to index
          %get3A_1825 = arith.constant 16 : index
          %get3A_1826 = tpu.vector_load %arg8[%get3A_1823, %get3A_1824, %get3A_1825] {strides = array<i32>} : memref<4x128x64xf32, #tpu.memory_space<vmem>>, vector<16xf32>,
          %bitcast3A_1827 = vector.bitcast %get3A_1826 : vector<16xf32> to vector<32xbf16>
          %add3A_1828 = arith.constant 16 : i32
          %add3A_1829 = arith.addi %mul3A_1785, %add3A_1828 : i32
          %get3A_1830 = arith.index_cast %add3A_1829 : i32 to index
          %get3A_1831 = tpu.vector_load %arg9[%get3A_1830] {strides = array<i32>} : memref<10240xf32, #tpu.memory_space<vmem>>, vector<16xf32>,
          %bitcast3A_1832 = vector.bitcast %get3A_1831 : vector<16xf32> to vector<32xbf16>
          %max3A_1833 = arith.maximumf %bitcast3A_1832, %bitcast3A_1827 : vector<32xbf16>
          %bitcast3A_1834 = vector.bitcast %max3A_1833 : vector<32xbf16> to vector<16xf32>
          %swap3A_1835 = arith.index_cast %add3A_1829 : i32 to index
          %swap3A_1836 = tpu.vector_load %arg9[%swap3A_1835] {strides = array<i32>} : memref<10240xf32, #tpu.memory_space<vmem>>, vector<16xf32>,
          tpu.vector_store %arg9[%swap3A_1835], %bitcast3A_1834 {strides = array<i32>} : memref<10240xf32, #tpu.memory_space<vmem>>, vector<16xf32>,
          %add3A_1837 = arith.constant 16 : i32
          %add3A_1838 = arith.addi %mul3A_1791, %add3A_1837 : i32
          %get3A_1839 = arith.index_cast %add3A_1838 : i32 to index
          %get3A_1840 = tpu.vector_load %arg9[%get3A_1839] {strides = array<i32>} : memref<10240xf32, #tpu.memory_space<vmem>>, vector<16xf32>,
          %bitcast3A_1841 = vector.bitcast %get3A_1840 : vector<16xf32> to vector<32xbf16>
          %max3A_1842 = arith.maximumf %bitcast3A_1841, %bitcast3A_1827 : vector<32xbf16>
          %bitcast3A_1843 = vector.bitcast %max3A_1842 : vector<32xbf16> to vector<16xf32>
          %swap3A_1844 = arith.index_cast %add3A_1838 : i32 to index
          %swap3A_1845 = tpu.vector_load %arg9[%swap3A_1844] {strides = array<i32>} : memref<10240xf32, #tpu.memory_space<vmem>>, vector<16xf32>,
          tpu.vector_store %arg9[%swap3A_1844], %bitcast3A_1843 {strides = array<i32>} : memref<10240xf32, #tpu.memory_space<vmem>>, vector<16xf32>,
          %mul3A_1846 = arith.constant 16 : i32
          %mul3A_1847 = arith.muli %scan3A_217, %mul3A_1846 : i32
          %add3A_1848 = arith.constant 13 : i32
          %add3A_1849 = arith.addi %mul3A_1847, %add3A_1848 : i32
          %get3A_1850 = arith.index_cast %select_n3A_186 : i32 to index
          %get3A_1851 = arith.index_cast %add3A_1849 : i32 to index
          %get3A_1852 = arith.constant 32 : index
          %get3A_1853 = tpu.vector_load %arg8[%get3A_1850, %get3A_1851, %get3A_1852] {strides = array<i32>} : memref<4x128x64xf32, #tpu.memory_space<vmem>>, vector<16xf32>,
          %bitcast3A_1854 = vector.bitcast %get3A_1853 : vector<16xf32> to vector<32xbf16>
          %add3A_1855 = arith.constant 32 : i32
          %add3A_1856 = arith.addi %mul3A_1785, %add3A_1855 : i32
          %get3A_1857 = arith.index_cast %add3A_1856 : i32 to index
          %get3A_1858 = tpu.vector_load %arg9[%get3A_1857] {strides = array<i32>} : memref<10240xf32, #tpu.memory_space<vmem>>, vector<16xf32>,
          %bitcast3A_1859 = vector.bitcast %get3A_1858 : vector<16xf32> to vector<32xbf16>
          %max3A_1860 = arith.maximumf %bitcast3A_1859, %bitcast3A_1854 : vector<32xbf16>
          %bitcast3A_1861 = vector.bitcast %max3A_1860 : vector<32xbf16> to vector<16xf32>
          %swap3A_1862 = arith.index_cast %add3A_1856 : i32 to index
          %swap3A_1863 = tpu.vector_load %arg9[%swap3A_1862] {strides = array<i32>} : memref<10240xf32, #tpu.memory_space<vmem>>, vector<16xf32>,
          tpu.vector_store %arg9[%swap3A_1862], %bitcast3A_1861 {strides = array<i32>} : memref<10240xf32, #tpu.memory_space<vmem>>, vector<16xf32>,
          %add3A_1864 = arith.constant 32 : i32
          %add3A_1865 = arith.addi %mul3A_1791, %add3A_1864 : i32
          %get3A_1866 = arith.index_cast %add3A_1865 : i32 to index
          %get3A_1867 = tpu.vector_load %arg9[%get3A_1866] {strides = array<i32>} : memref<10240xf32, #tpu.memory_space<vmem>>, vector<16xf32>,
          %bitcast3A_1868 = vector.bitcast %get3A_1867 : vector<16xf32> to vector<32xbf16>
          %max3A_1869 = arith.maximumf %bitcast3A_1868, %bitcast3A_1854 : vector<32xbf16>
          %bitcast3A_1870 = vector.bitcast %max3A_1869 : vector<32xbf16> to vector<16xf32>
          %swap3A_1871 = arith.index_cast %add3A_1865 : i32 to index
          %swap3A_1872 = tpu.vector_load %arg9[%swap3A_1871] {strides = array<i32>} : memref<10240xf32, #tpu.memory_space<vmem>>, vector<16xf32>,
          tpu.vector_store %arg9[%swap3A_1871], %bitcast3A_1870 {strides = array<i32>} : memref<10240xf32, #tpu.memory_space<vmem>>, vector<16xf32>,
          %mul3A_1873 = arith.constant 16 : i32
          %mul3A_1874 = arith.muli %scan3A_217, %mul3A_1873 : i32
          %add3A_1875 = arith.constant 13 : i32
          %add3A_1876 = arith.addi %mul3A_1874, %add3A_1875 : i32
          %get3A_1877 = arith.index_cast %select_n3A_186 : i32 to index
          %get3A_1878 = arith.index_cast %add3A_1876 : i32 to index
          %get3A_1879 = arith.constant 48 : index
          %get3A_1880 = tpu.vector_load %arg8[%get3A_1877, %get3A_1878, %get3A_1879] {strides = array<i32>} : memref<4x128x64xf32, #tpu.memory_space<vmem>>, vector<16xf32>,
          %bitcast3A_1881 = vector.bitcast %get3A_1880 : vector<16xf32> to vector<32xbf16>
          %add3A_1882 = arith.constant 48 : i32
          %add3A_1883 = arith.addi %mul3A_1785, %add3A_1882 : i32
          %get3A_1884 = arith.index_cast %add3A_1883 : i32 to index
          %get3A_1885 = tpu.vector_load %arg9[%get3A_1884] {strides = array<i32>} : memref<10240xf32, #tpu.memory_space<vmem>>, vector<16xf32>,
          %bitcast3A_1886 = vector.bitcast %get3A_1885 : vector<16xf32> to vector<32xbf16>
          %max3A_1887 = arith.maximumf %bitcast3A_1886, %bitcast3A_1881 : vector<32xbf16>
          %bitcast3A_1888 = vector.bitcast %max3A_1887 : vector<32xbf16> to vector<16xf32>
          %swap3A_1889 = arith.index_cast %add3A_1883 : i32 to index
          %swap3A_1890 = tpu.vector_load %arg9[%swap3A_1889] {strides = array<i32>} : memref<10240xf32, #tpu.memory_space<vmem>>, vector<16xf32>,
          tpu.vector_store %arg9[%swap3A_1889], %bitcast3A_1888 {strides = array<i32>} : memref<10240xf32, #tpu.memory_space<vmem>>, vector<16xf32>,
          %add3A_1891 = arith.constant 48 : i32
          %add3A_1892 = arith.addi %mul3A_1791, %add3A_1891 : i32
          %get3A_1893 = arith.index_cast %add3A_1892 : i32 to index
          %get3A_1894 = tpu.vector_load %arg9[%get3A_1893] {strides = array<i32>} : memref<10240xf32, #tpu.memory_space<vmem>>, vector<16xf32>,
          %bitcast3A_1895 = vector.bitcast %get3A_1894 : vector<16xf32> to vector<32xbf16>
          %max3A_1896 = arith.maximumf %bitcast3A_1895, %bitcast3A_1881 : vector<32xbf16>
          %bitcast3A_1897 = vector.bitcast %max3A_1896 : vector<32xbf16> to vector<16xf32>
          %swap3A_1898 = arith.index_cast %add3A_1892 : i32 to index
          %swap3A_1899 = tpu.vector_load %arg9[%swap3A_1898] {strides = array<i32>} : memref<10240xf32, #tpu.memory_space<vmem>>, vector<16xf32>,
          tpu.vector_store %arg9[%swap3A_1898], %bitcast3A_1897 {strides = array<i32>} : memref<10240xf32, #tpu.memory_space<vmem>>, vector<16xf32>,
          %slice3A_1900 = vector.extract_strided_slice %get3A_224 {offsets = [14], sizes = [1], strides = [1]} : vector<16xi32> to vector<1xi32>
          %squeeze3A_1901 = vector.extract %slice3A_1900[0] : i32 from vector<1xi32>
          %shift_right_arithmetic3A_1902 = arith.constant 7 : i32
          %shift_right_arithmetic3A_1903 = arith.shrsi %squeeze3A_1901, %shift_right_arithmetic3A_1902 : i32
          %mul3A_1904 = arith.constant 64 : i32
          %mul3A_1905 = arith.muli %shift_right_arithmetic3A_1903, %mul3A_1904 : i32
          %and3A_1906 = arith.constant 127 : i32
          %and3A_1907 = arith.andi %squeeze3A_1901, %and3A_1906 : i32
          %add3A_1908 = arith.constant 27 : i32
          %add3A_1909 = arith.addi %add3A_1908, %and3A_1907 : i32
          %mul3A_1910 = arith.constant 64 : i32
          %mul3A_1911 = arith.muli %add3A_1909, %mul3A_1910 : i32
          %mul3A_1912 = arith.constant 16 : i32
          %mul3A_1913 = arith.muli %scan3A_217, %mul3A_1912 : i32
          %add3A_1914 = arith.constant 14 : i32
          %add3A_1915 = arith.addi %mul3A_1913, %add3A_1914 : i32
          %get3A_1916 = arith.index_cast %select_n3A_186 : i32 to index
          %get3A_1917 = arith.index_cast %add3A_1915 : i32 to index
          %get3A_1918 = arith.constant 0 : index
          %get3A_1919 = tpu.vector_load %arg8[%get3A_1916, %get3A_1917, %get3A_1918] {strides = array<i32>} : memref<4x128x64xf32, #tpu.memory_space<vmem>>, vector<16xf32>,
          %bitcast3A_1920 = vector.bitcast %get3A_1919 : vector<16xf32> to vector<32xbf16>
          %add3A_1921 = arith.constant 0 : i32
          %add3A_1922 = arith.addi %mul3A_1905, %add3A_1921 : i32
          %get3A_1923 = arith.index_cast %add3A_1922 : i32 to index
          %get3A_1924 = tpu.vector_load %arg9[%get3A_1923] {strides = array<i32>} : memref<10240xf32, #tpu.memory_space<vmem>>, vector<16xf32>,
          %bitcast3A_1925 = vector.bitcast %get3A_1924 : vector<16xf32> to vector<32xbf16>
          %max3A_1926 = arith.maximumf %bitcast3A_1925, %bitcast3A_1920 : vector<32xbf16>
          %bitcast3A_1927 = vector.bitcast %max3A_1926 : vector<32xbf16> to vector<16xf32>
          %swap3A_1928 = arith.index_cast %add3A_1922 : i32 to index
          %swap3A_1929 = tpu.vector_load %arg9[%swap3A_1928] {strides = array<i32>} : memref<10240xf32, #tpu.memory_space<vmem>>, vector<16xf32>,
          tpu.vector_store %arg9[%swap3A_1928], %bitcast3A_1927 {strides = array<i32>} : memref<10240xf32, #tpu.memory_space<vmem>>, vector<16xf32>,
          %add3A_1930 = arith.constant 0 : i32
          %add3A_1931 = arith.addi %mul3A_1911, %add3A_1930 : i32
          %get3A_1932 = arith.index_cast %add3A_1931 : i32 to index
          %get3A_1933 = tpu.vector_load %arg9[%get3A_1932] {strides = array<i32>} : memref<10240xf32, #tpu.memory_space<vmem>>, vector<16xf32>,
          %bitcast3A_1934 = vector.bitcast %get3A_1933 : vector<16xf32> to vector<32xbf16>
          %max3A_1935 = arith.maximumf %bitcast3A_1934, %bitcast3A_1920 : vector<32xbf16>
          %bitcast3A_1936 = vector.bitcast %max3A_1935 : vector<32xbf16> to vector<16xf32>
          %swap3A_1937 = arith.index_cast %add3A_1931 : i32 to index
          %swap3A_1938 = tpu.vector_load %arg9[%swap3A_1937] {strides = array<i32>} : memref<10240xf32, #tpu.memory_space<vmem>>, vector<16xf32>,
          tpu.vector_store %arg9[%swap3A_1937], %bitcast3A_1936 {strides = array<i32>} : memref<10240xf32, #tpu.memory_space<vmem>>, vector<16xf32>,
          %mul3A_1939 = arith.constant 16 : i32
          %mul3A_1940 = arith.muli %scan3A_217, %mul3A_1939 : i32
          %add3A_1941 = arith.constant 14 : i32
          %add3A_1942 = arith.addi %mul3A_1940, %add3A_1941 : i32
          %get3A_1943 = arith.index_cast %select_n3A_186 : i32 to index
          %get3A_1944 = arith.index_cast %add3A_1942 : i32 to index
          %get3A_1945 = arith.constant 16 : index
          %get3A_1946 = tpu.vector_load %arg8[%get3A_1943, %get3A_1944, %get3A_1945] {strides = array<i32>} : memref<4x128x64xf32, #tpu.memory_space<vmem>>, vector<16xf32>,
          %bitcast3A_1947 = vector.bitcast %get3A_1946 : vector<16xf32> to vector<32xbf16>
          %add3A_1948 = arith.constant 16 : i32
          %add3A_1949 = arith.addi %mul3A_1905, %add3A_1948 : i32
          %get3A_1950 = arith.index_cast %add3A_1949 : i32 to index
          %get3A_1951 = tpu.vector_load %arg9[%get3A_1950] {strides = array<i32>} : memref<10240xf32, #tpu.memory_space<vmem>>, vector<16xf32>,
          %bitcast3A_1952 = vector.bitcast %get3A_1951 : vector<16xf32> to vector<32xbf16>
          %max3A_1953 = arith.maximumf %bitcast3A_1952, %bitcast3A_1947 : vector<32xbf16>
          %bitcast3A_1954 = vector.bitcast %max3A_1953 : vector<32xbf16> to vector<16xf32>
          %swap3A_1955 = arith.index_cast %add3A_1949 : i32 to index
          %swap3A_1956 = tpu.vector_load %arg9[%swap3A_1955] {strides = array<i32>} : memref<10240xf32, #tpu.memory_space<vmem>>, vector<16xf32>,
          tpu.vector_store %arg9[%swap3A_1955], %bitcast3A_1954 {strides = array<i32>} : memref<10240xf32, #tpu.memory_space<vmem>>, vector<16xf32>,
          %add3A_1957 = arith.constant 16 : i32
          %add3A_1958 = arith.addi %mul3A_1911, %add3A_1957 : i32
          %get3A_1959 = arith.index_cast %add3A_1958 : i32 to index
          %get3A_1960 = tpu.vector_load %arg9[%get3A_1959] {strides = array<i32>} : memref<10240xf32, #tpu.memory_space<vmem>>, vector<16xf32>,
          %bitcast3A_1961 = vector.bitcast %get3A_1960 : vector<16xf32> to vector<32xbf16>
          %max3A_1962 = arith.maximumf %bitcast3A_1961, %bitcast3A_1947 : vector<32xbf16>
          %bitcast3A_1963 = vector.bitcast %max3A_1962 : vector<32xbf16> to vector<16xf32>
          %swap3A_1964 = arith.index_cast %add3A_1958 : i32 to index
          %swap3A_1965 = tpu.vector_load %arg9[%swap3A_1964] {strides = array<i32>} : memref<10240xf32, #tpu.memory_space<vmem>>, vector<16xf32>,
          tpu.vector_store %arg9[%swap3A_1964], %bitcast3A_1963 {strides = array<i32>} : memref<10240xf32, #tpu.memory_space<vmem>>, vector<16xf32>,
          %mul3A_1966 = arith.constant 16 : i32
          %mul3A_1967 = arith.muli %scan3A_217, %mul3A_1966 : i32
          %add3A_1968 = arith.constant 14 : i32
          %add3A_1969 = arith.addi %mul3A_1967, %add3A_1968 : i32
          %get3A_1970 = arith.index_cast %select_n3A_186 : i32 to index
          %get3A_1971 = arith.index_cast %add3A_1969 : i32 to index
          %get3A_1972 = arith.constant 32 : index
          %get3A_1973 = tpu.vector_load %arg8[%get3A_1970, %get3A_1971, %get3A_1972] {strides = array<i32>} : memref<4x128x64xf32, #tpu.memory_space<vmem>>, vector<16xf32>,
          %bitcast3A_1974 = vector.bitcast %get3A_1973 : vector<16xf32> to vector<32xbf16>
          %add3A_1975 = arith.constant 32 : i32
          %add3A_1976 = arith.addi %mul3A_1905, %add3A_1975 : i32
          %get3A_1977 = arith.index_cast %add3A_1976 : i32 to index
          %get3A_1978 = tpu.vector_load %arg9[%get3A_1977] {strides = array<i32>} : memref<10240xf32, #tpu.memory_space<vmem>>, vector<16xf32>,
          %bitcast3A_1979 = vector.bitcast %get3A_1978 : vector<16xf32> to vector<32xbf16>
          %max3A_1980 = arith.maximumf %bitcast3A_1979, %bitcast3A_1974 : vector<32xbf16>
          %bitcast3A_1981 = vector.bitcast %max3A_1980 : vector<32xbf16> to vector<16xf32>
          %swap3A_1982 = arith.index_cast %add3A_1976 : i32 to index
          %swap3A_1983 = tpu.vector_load %arg9[%swap3A_1982] {strides = array<i32>} : memref<10240xf32, #tpu.memory_space<vmem>>, vector<16xf32>,
          tpu.vector_store %arg9[%swap3A_1982], %bitcast3A_1981 {strides = array<i32>} : memref<10240xf32, #tpu.memory_space<vmem>>, vector<16xf32>,
          %add3A_1984 = arith.constant 32 : i32
          %add3A_1985 = arith.addi %mul3A_1911, %add3A_1984 : i32
          %get3A_1986 = arith.index_cast %add3A_1985 : i32 to index
          %get3A_1987 = tpu.vector_load %arg9[%get3A_1986] {strides = array<i32>} : memref<10240xf32, #tpu.memory_space<vmem>>, vector<16xf32>,
          %bitcast3A_1988 = vector.bitcast %get3A_1987 : vector<16xf32> to vector<32xbf16>
          %max3A_1989 = arith.maximumf %bitcast3A_1988, %bitcast3A_1974 : vector<32xbf16>
          %bitcast3A_1990 = vector.bitcast %max3A_1989 : vector<32xbf16> to vector<16xf32>
          %swap3A_1991 = arith.index_cast %add3A_1985 : i32 to index
          %swap3A_1992 = tpu.vector_load %arg9[%swap3A_1991] {strides = array<i32>} : memref<10240xf32, #tpu.memory_space<vmem>>, vector<16xf32>,
          tpu.vector_store %arg9[%swap3A_1991], %bitcast3A_1990 {strides = array<i32>} : memref<10240xf32, #tpu.memory_space<vmem>>, vector<16xf32>,
          %mul3A_1993 = arith.constant 16 : i32
          %mul3A_1994 = arith.muli %scan3A_217, %mul3A_1993 : i32
          %add3A_1995 = arith.constant 14 : i32
          %add3A_1996 = arith.addi %mul3A_1994, %add3A_1995 : i32
          %get3A_1997 = arith.index_cast %select_n3A_186 : i32 to index
          %get3A_1998 = arith.index_cast %add3A_1996 : i32 to index
          %get3A_1999 = arith.constant 48 : index
          %get3A_2000 = tpu.vector_load %arg8[%get3A_1997, %get3A_1998, %get3A_1999] {strides = array<i32>} : memref<4x128x64xf32, #tpu.memory_space<vmem>>, vector<16xf32>,
          %bitcast3A_2001 = vector.bitcast %get3A_2000 : vector<16xf32> to vector<32xbf16>
          %add3A_2002 = arith.constant 48 : i32
          %add3A_2003 = arith.addi %mul3A_1905, %add3A_2002 : i32
          %get3A_2004 = arith.index_cast %add3A_2003 : i32 to index
          %get3A_2005 = tpu.vector_load %arg9[%get3A_2004] {strides = array<i32>} : memref<10240xf32, #tpu.memory_space<vmem>>, vector<16xf32>,
          %bitcast3A_2006 = vector.bitcast %get3A_2005 : vector<16xf32> to vector<32xbf16>
          %max3A_2007 = arith.maximumf %bitcast3A_2006, %bitcast3A_2001 : vector<32xbf16>
          %bitcast3A_2008 = vector.bitcast %max3A_2007 : vector<32xbf16> to vector<16xf32>
          %swap3A_2009 = arith.index_cast %add3A_2003 : i32 to index
          %swap3A_2010 = tpu.vector_load %arg9[%swap3A_2009] {strides = array<i32>} : memref<10240xf32, #tpu.memory_space<vmem>>, vector<16xf32>,
          tpu.vector_store %arg9[%swap3A_2009], %bitcast3A_2008 {strides = array<i32>} : memref<10240xf32, #tpu.memory_space<vmem>>, vector<16xf32>,
          %add3A_2011 = arith.constant 48 : i32
          %add3A_2012 = arith.addi %mul3A_1911, %add3A_2011 : i32
          %get3A_2013 = arith.index_cast %add3A_2012 : i32 to index
          %get3A_2014 = tpu.vector_load %arg9[%get3A_2013] {strides = array<i32>} : memref<10240xf32, #tpu.memory_space<vmem>>, vector<16xf32>,
          %bitcast3A_2015 = vector.bitcast %get3A_2014 : vector<16xf32> to vector<32xbf16>
          %max3A_2016 = arith.maximumf %bitcast3A_2015, %bitcast3A_2001 : vector<32xbf16>
          %bitcast3A_2017 = vector.bitcast %max3A_2016 : vector<32xbf16> to vector<16xf32>
          %swap3A_2018 = arith.index_cast %add3A_2012 : i32 to index
          %swap3A_2019 = tpu.vector_load %arg9[%swap3A_2018] {strides = array<i32>} : memref<10240xf32, #tpu.memory_space<vmem>>, vector<16xf32>,
          tpu.vector_store %arg9[%swap3A_2018], %bitcast3A_2017 {strides = array<i32>} : memref<10240xf32, #tpu.memory_space<vmem>>, vector<16xf32>,
          %slice3A_2020 = vector.extract_strided_slice %get3A_224 {offsets = [15], sizes = [1], strides = [1]} : vector<16xi32> to vector<1xi32>
          %squeeze3A_2021 = vector.extract %slice3A_2020[0] : i32 from vector<1xi32>
          %shift_right_arithmetic3A_2022 = arith.constant 7 : i32
          %shift_right_arithmetic3A_2023 = arith.shrsi %squeeze3A_2021, %shift_right_arithmetic3A_2022 : i32
          %mul3A_2024 = arith.constant 64 : i32
          %mul3A_2025 = arith.muli %shift_right_arithmetic3A_2023, %mul3A_2024 : i32
          %and3A_2026 = arith.constant 127 : i32
          %and3A_2027 = arith.andi %squeeze3A_2021, %and3A_2026 : i32
          %add3A_2028 = arith.constant 27 : i32
          %add3A_2029 = arith.addi %add3A_2028, %and3A_2027 : i32
          %mul3A_2030 = arith.constant 64 : i32
          %mul3A_2031 = arith.muli %add3A_2029, %mul3A_2030 : i32
          %mul3A_2032 = arith.constant 16 : i32
          %mul3A_2033 = arith.muli %scan3A_217, %mul3A_2032 : i32
          %add3A_2034 = arith.constant 15 : i32
          %add3A_2035 = arith.addi %mul3A_2033, %add3A_2034 : i32
          %get3A_2036 = arith.index_cast %select_n3A_186 : i32 to index
          %get3A_2037 = arith.index_cast %add3A_2035 : i32 to index
          %get3A_2038 = arith.constant 0 : index
          %get3A_2039 = tpu.vector_load %arg8[%get3A_2036, %get3A_2037, %get3A_2038] {strides = array<i32>} : memref<4x128x64xf32, #tpu.memory_space<vmem>>, vector<16xf32>,
          %bitcast3A_2040 = vector.bitcast %get3A_2039 : vector<16xf32> to vector<32xbf16>
          %add3A_2041 = arith.constant 0 : i32
          %add3A_2042 = arith.addi %mul3A_2025, %add3A_2041 : i32
          %get3A_2043 = arith.index_cast %add3A_2042 : i32 to index
          %get3A_2044 = tpu.vector_load %arg9[%get3A_2043] {strides = array<i32>} : memref<10240xf32, #tpu.memory_space<vmem>>, vector<16xf32>,
          %bitcast3A_2045 = vector.bitcast %get3A_2044 : vector<16xf32> to vector<32xbf16>
          %max3A_2046 = arith.maximumf %bitcast3A_2045, %bitcast3A_2040 : vector<32xbf16>
          %bitcast3A_2047 = vector.bitcast %max3A_2046 : vector<32xbf16> to vector<16xf32>
          %swap3A_2048 = arith.index_cast %add3A_2042 : i32 to index
          %swap3A_2049 = tpu.vector_load %arg9[%swap3A_2048] {strides = array<i32>} : memref<10240xf32, #tpu.memory_space<vmem>>, vector<16xf32>,
          tpu.vector_store %arg9[%swap3A_2048], %bitcast3A_2047 {strides = array<i32>} : memref<10240xf32, #tpu.memory_space<vmem>>, vector<16xf32>,
          %add3A_2050 = arith.constant 0 : i32
          %add3A_2051 = arith.addi %mul3A_2031, %add3A_2050 : i32
          %get3A_2052 = arith.index_cast %add3A_2051 : i32 to index
          %get3A_2053 = tpu.vector_load %arg9[%get3A_2052] {strides = array<i32>} : memref<10240xf32, #tpu.memory_space<vmem>>, vector<16xf32>,
          %bitcast3A_2054 = vector.bitcast %get3A_2053 : vector<16xf32> to vector<32xbf16>
          %max3A_2055 = arith.maximumf %bitcast3A_2054, %bitcast3A_2040 : vector<32xbf16>
          %bitcast3A_2056 = vector.bitcast %max3A_2055 : vector<32xbf16> to vector<16xf32>
          %swap3A_2057 = arith.index_cast %add3A_2051 : i32 to index
          %swap3A_2058 = tpu.vector_load %arg9[%swap3A_2057] {strides = array<i32>} : memref<10240xf32, #tpu.memory_space<vmem>>, vector<16xf32>,
          tpu.vector_store %arg9[%swap3A_2057], %bitcast3A_2056 {strides = array<i32>} : memref<10240xf32, #tpu.memory_space<vmem>>, vector<16xf32>,
          %mul3A_2059 = arith.constant 16 : i32
          %mul3A_2060 = arith.muli %scan3A_217, %mul3A_2059 : i32
          %add3A_2061 = arith.constant 15 : i32
          %add3A_2062 = arith.addi %mul3A_2060, %add3A_2061 : i32
          %get3A_2063 = arith.index_cast %select_n3A_186 : i32 to index
          %get3A_2064 = arith.index_cast %add3A_2062 : i32 to index
          %get3A_2065 = arith.constant 16 : index
          %get3A_2066 = tpu.vector_load %arg8[%get3A_2063, %get3A_2064, %get3A_2065] {strides = array<i32>} : memref<4x128x64xf32, #tpu.memory_space<vmem>>, vector<16xf32>,
          %bitcast3A_2067 = vector.bitcast %get3A_2066 : vector<16xf32> to vector<32xbf16>
          %add3A_2068 = arith.constant 16 : i32
          %add3A_2069 = arith.addi %mul3A_2025, %add3A_2068 : i32
          %get3A_2070 = arith.index_cast %add3A_2069 : i32 to index
          %get3A_2071 = tpu.vector_load %arg9[%get3A_2070] {strides = array<i32>} : memref<10240xf32, #tpu.memory_space<vmem>>, vector<16xf32>,
          %bitcast3A_2072 = vector.bitcast %get3A_2071 : vector<16xf32> to vector<32xbf16>
          %max3A_2073 = arith.maximumf %bitcast3A_2072, %bitcast3A_2067 : vector<32xbf16>
          %bitcast3A_2074 = vector.bitcast %max3A_2073 : vector<32xbf16> to vector<16xf32>
          %swap3A_2075 = arith.index_cast %add3A_2069 : i32 to index
          %swap3A_2076 = tpu.vector_load %arg9[%swap3A_2075] {strides = array<i32>} : memref<10240xf32, #tpu.memory_space<vmem>>, vector<16xf32>,
          tpu.vector_store %arg9[%swap3A_2075], %bitcast3A_2074 {strides = array<i32>} : memref<10240xf32, #tpu.memory_space<vmem>>, vector<16xf32>,
          %add3A_2077 = arith.constant 16 : i32
          %add3A_2078 = arith.addi %mul3A_2031, %add3A_2077 : i32
          %get3A_2079 = arith.index_cast %add3A_2078 : i32 to index
          %get3A_2080 = tpu.vector_load %arg9[%get3A_2079] {strides = array<i32>} : memref<10240xf32, #tpu.memory_space<vmem>>, vector<16xf32>,
          %bitcast3A_2081 = vector.bitcast %get3A_2080 : vector<16xf32> to vector<32xbf16>
          %max3A_2082 = arith.maximumf %bitcast3A_2081, %bitcast3A_2067 : vector<32xbf16>
          %bitcast3A_2083 = vector.bitcast %max3A_2082 : vector<32xbf16> to vector<16xf32>
          %swap3A_2084 = arith.index_cast %add3A_2078 : i32 to index
          %swap3A_2085 = tpu.vector_load %arg9[%swap3A_2084] {strides = array<i32>} : memref<10240xf32, #tpu.memory_space<vmem>>, vector<16xf32>,
          tpu.vector_store %arg9[%swap3A_2084], %bitcast3A_2083 {strides = array<i32>} : memref<10240xf32, #tpu.memory_space<vmem>>, vector<16xf32>,
          %mul3A_2086 = arith.constant 16 : i32
          %mul3A_2087 = arith.muli %scan3A_217, %mul3A_2086 : i32
          %add3A_2088 = arith.constant 15 : i32
          %add3A_2089 = arith.addi %mul3A_2087, %add3A_2088 : i32
          %get3A_2090 = arith.index_cast %select_n3A_186 : i32 to index
          %get3A_2091 = arith.index_cast %add3A_2089 : i32 to index
          %get3A_2092 = arith.constant 32 : index
          %get3A_2093 = tpu.vector_load %arg8[%get3A_2090, %get3A_2091, %get3A_2092] {strides = array<i32>} : memref<4x128x64xf32, #tpu.memory_space<vmem>>, vector<16xf32>,
          %bitcast3A_2094 = vector.bitcast %get3A_2093 : vector<16xf32> to vector<32xbf16>
          %add3A_2095 = arith.constant 32 : i32
          %add3A_2096 = arith.addi %mul3A_2025, %add3A_2095 : i32
          %get3A_2097 = arith.index_cast %add3A_2096 : i32 to index
          %get3A_2098 = tpu.vector_load %arg9[%get3A_2097] {strides = array<i32>} : memref<10240xf32, #tpu.memory_space<vmem>>, vector<16xf32>,
          %bitcast3A_2099 = vector.bitcast %get3A_2098 : vector<16xf32> to vector<32xbf16>
          %max3A_2100 = arith.maximumf %bitcast3A_2099, %bitcast3A_2094 : vector<32xbf16>
          %bitcast3A_2101 = vector.bitcast %max3A_2100 : vector<32xbf16> to vector<16xf32>
          %swap3A_2102 = arith.index_cast %add3A_2096 : i32 to index
          %swap3A_2103 = tpu.vector_load %arg9[%swap3A_2102] {strides = array<i32>} : memref<10240xf32, #tpu.memory_space<vmem>>, vector<16xf32>,
          tpu.vector_store %arg9[%swap3A_2102], %bitcast3A_2101 {strides = array<i32>} : memref<10240xf32, #tpu.memory_space<vmem>>, vector<16xf32>,
          %add3A_2104 = arith.constant 32 : i32
          %add3A_2105 = arith.addi %mul3A_2031, %add3A_2104 : i32
          %get3A_2106 = arith.index_cast %add3A_2105 : i32 to index
          %get3A_2107 = tpu.vector_load %arg9[%get3A_2106] {strides = array<i32>} : memref<10240xf32, #tpu.memory_space<vmem>>, vector<16xf32>,
          %bitcast3A_2108 = vector.bitcast %get3A_2107 : vector<16xf32> to vector<32xbf16>
          %max3A_2109 = arith.maximumf %bitcast3A_2108, %bitcast3A_2094 : vector<32xbf16>
          %bitcast3A_2110 = vector.bitcast %max3A_2109 : vector<32xbf16> to vector<16xf32>
          %swap3A_2111 = arith.index_cast %add3A_2105 : i32 to index
          %swap3A_2112 = tpu.vector_load %arg9[%swap3A_2111] {strides = array<i32>} : memref<10240xf32, #tpu.memory_space<vmem>>, vector<16xf32>,
          tpu.vector_store %arg9[%swap3A_2111], %bitcast3A_2110 {strides = array<i32>} : memref<10240xf32, #tpu.memory_space<vmem>>, vector<16xf32>,
          %mul3A_2113 = arith.constant 16 : i32
          %mul3A_2114 = arith.muli %scan3A_217, %mul3A_2113 : i32
          %add3A_2115 = arith.constant 15 : i32
          %add3A_2116 = arith.addi %mul3A_2114, %add3A_2115 : i32
          %get3A_2117 = arith.index_cast %select_n3A_186 : i32 to index
          %get3A_2118 = arith.index_cast %add3A_2116 : i32 to index
          %get3A_2119 = arith.constant 48 : index
          %get3A_2120 = tpu.vector_load %arg8[%get3A_2117, %get3A_2118, %get3A_2119] {strides = array<i32>} : memref<4x128x64xf32, #tpu.memory_space<vmem>>, vector<16xf32>,
          %bitcast3A_2121 = vector.bitcast %get3A_2120 : vector<16xf32> to vector<32xbf16>
          %add3A_2122 = arith.constant 48 : i32
          %add3A_2123 = arith.addi %mul3A_2025, %add3A_2122 : i32
          %get3A_2124 = arith.index_cast %add3A_2123 : i32 to index
          %get3A_2125 = tpu.vector_load %arg9[%get3A_2124] {strides = array<i32>} : memref<10240xf32, #tpu.memory_space<vmem>>, vector<16xf32>,
          %bitcast3A_2126 = vector.bitcast %get3A_2125 : vector<16xf32> to vector<32xbf16>
          %max3A_2127 = arith.maximumf %bitcast3A_2126, %bitcast3A_2121 : vector<32xbf16>
          %bitcast3A_2128 = vector.bitcast %max3A_2127 : vector<32xbf16> to vector<16xf32>
          %swap3A_2129 = arith.index_cast %add3A_2123 : i32 to index
          %swap3A_2130 = tpu.vector_load %arg9[%swap3A_2129] {strides = array<i32>} : memref<10240xf32, #tpu.memory_space<vmem>>, vector<16xf32>,
          tpu.vector_store %arg9[%swap3A_2129], %bitcast3A_2128 {strides = array<i32>} : memref<10240xf32, #tpu.memory_space<vmem>>, vector<16xf32>,
          %add3A_2131 = arith.constant 48 : i32
          %add3A_2132 = arith.addi %mul3A_2031, %add3A_2131 : i32
          %get3A_2133 = arith.index_cast %add3A_2132 : i32 to index
          %get3A_2134 = tpu.vector_load %arg9[%get3A_2133] {strides = array<i32>} : memref<10240xf32, #tpu.memory_space<vmem>>, vector<16xf32>,
          %bitcast3A_2135 = vector.bitcast %get3A_2134 : vector<16xf32> to vector<32xbf16>
          %max3A_2136 = arith.maximumf %bitcast3A_2135, %bitcast3A_2121 : vector<32xbf16>
          %bitcast3A_2137 = vector.bitcast %max3A_2136 : vector<32xbf16> to vector<16xf32>
          %swap3A_2138 = arith.index_cast %add3A_2132 : i32 to index
          %swap3A_2139 = tpu.vector_load %arg9[%swap3A_2138] {strides = array<i32>} : memref<10240xf32, #tpu.memory_space<vmem>>, vector<16xf32>,
          tpu.vector_store %arg9[%swap3A_2138], %bitcast3A_2137 {strides = array<i32>} : memref<10240xf32, #tpu.memory_space<vmem>>, vector<16xf32>,
          %scan3A_2140 = arith.constant 0 : i32
          scf.yield %scan3A_2140 : i32
        }
        %scan3A_215 = arith.constant 8 : i32
        %while3A_216 = arith.constant 0 : i32
        scf.yield %while3A_216 : i32
      }
      %while3A_141 = arith.constant 1 : i32
      %while3A_142 = scf.for %while3A_170 = %while3A_138 to %while3A_134 step %while3A_141 iter_args(%while3A_171 = %while3A_140) -> (i32)  : i32 {
        %jit3A_172 = arith.constant 4 : i32
        %eq3A_173 = arith.constant 0 : i32
        %eq3A_174 = arith.cmpi eq, %jit3A_172, %eq3A_173 : i32
        %jit3A_175 = arith.constant 1 : i32
        %select_n3A_176 = arith.select %eq3A_174, %jit3A_175, %jit3A_172 : i32
        %rem3A_177 = arith.remsi %while3A_170, %select_n3A_176 : i32
        %ne3A_178 = arith.constant 0 : i32
        %ne3A_179 = arith.cmpi ne, %rem3A_177, %ne3A_178 : i32
        %lt3A = arith.constant 0 : i32
        %lt3A_180 = arith.cmpi slt, %rem3A_177, %lt3A : i32
        %lt3A_181 = arith.constant 0 : i32
        %lt3A_182 = arith.cmpi slt, %select_n3A_176, %lt3A_181 : i32
        %ne3A_183 = arith.xori %lt3A_180, %lt3A_182 : i1
        %and3A_184 = arith.andi %ne3A_183, %ne3A_179 : i1
        %add3A_185 = arith.addi %rem3A_177, %select_n3A_176 : i32
        %select_n3A_186 = arith.select %and3A_184, %add3A_185, %rem3A_177 : i32
        %dma_wait3A_187 = arith.constant 0 : i32
        %dma_wait3A_188 = arith.constant 0 : i32
        %dma_wait3A_189 = tpu.memref_slice %arg8[%select_n3A_186, %dma_wait3A_187, %dma_wait3A_188] : memref<4x128x64xf32, #tpu.memory_space<vmem>> -> memref<1x128x64xf32, #tpu.memory_space<vmem>>
        %dma_wait3A_190 = tpu.memref_squeeze %dma_wait3A_189 : memref<1x128x64xf32, #tpu.memory_space<vmem>> -> memref<128x64xf32, #tpu.memory_space<vmem>>
        %dma_wait3A_191 = arith.constant 0 : i32
        %dma_wait3A_192 = arith.constant 0 : i32
        %dma_wait3A_193 = tpu.memref_slice %arg3[%dma_wait3A_191, %dma_wait3A_192] : memref<65536x64xf32, #tpu.memory_space<hbm>> -> memref<128x64xf32, #tpu.memory_space<hbm>>
        %dma_wait3A_194 = tpu.memref_slice %arg11[%select_n3A_186] : memref<4x!tpu.dma_semaphore, #tpu.memory_space<semaphore_mem>> -> memref<1x!tpu.dma_semaphore, #tpu.memory_space<semaphore_mem>>
        %dma_wait3A_195 = tpu.memref_squeeze %dma_wait3A_194 : memref<1x!tpu.dma_semaphore, #tpu.memory_space<semaphore_mem>> -> memref<!tpu.dma_semaphore, #tpu.memory_space<semaphore_mem>>
        %dma_wait3A_196 = arith.constant 0 : i32
        %dma_wait3A_197 = arith.constant 0 : i32
        %dma_wait3A_198 = tpu.memref_slice %arg8[%select_n3A_186, %dma_wait3A_196, %dma_wait3A_197] : memref<4x128x64xf32, #tpu.memory_space<vmem>> -> memref<1x128x64xf32, #tpu.memory_space<vmem>>
        %dma_wait3A_199 = tpu.memref_squeeze %dma_wait3A_198 : memref<1x128x64xf32, #tpu.memory_space<vmem>> -> memref<128x64xf32, #tpu.memory_space<vmem>>
        %dma_wait3A_200 = arith.constant 0 : i32
        %dma_wait3A_201 = arith.constant 0 : i32
        %dma_wait3A_202 = tpu.memref_slice %arg3[%dma_wait3A_200, %dma_wait3A_201] : memref<65536x64xf32, #tpu.memory_space<hbm>> -> memref<128x64xf32, #tpu.memory_space<hbm>>
        tpu.wait_dma2 semaphore(%dma_wait3A_195 : memref<!tpu.dma_semaphore, #tpu.memory_space<semaphore_mem>>) src(%dma_wait3A_202 : memref<128x64xf32, #tpu.memory_space<hbm>>) dst(%dma_wait3A_199 : memref<128x64xf32, #tpu.memory_space<vmem>>)
        %add3A_203 = arith.constant 3 : i32
        %add3A_204 = arith.addi %while3A_170, %add3A_203 : i32
        %lt3A_205 = arith.cmpi slt, %add3A_204, %select_n3A_116 : i32
        %convert_element_type3A_206 = arith.extui %lt3A_205 : i1 to i32
        %cond3A_207 = arith.constant 0 : i32
        %cond3A_208 = arith.cmpi ne, %convert_element_type3A_206, %cond3A_207 : i32
        scf.if %cond3A_208 {
          %add3A_217 = arith.constant 3 : i32
          %add3A_218 = arith.addi %while3A_170, %add3A_217 : i32
          %add3A_219 = arith.constant 3 : i32
          %add3A_220 = arith.addi %while3A_170, %add3A_219 : i32
          %jit3A_221 = arith.constant 4 : i32
          %eq3A_222 = arith.constant 0 : i32
          %eq3A_223 = arith.cmpi eq, %jit3A_221, %eq3A_222 : i32
          %jit3A_224 = arith.constant 1 : i32
          %select_n3A_225 = arith.select %eq3A_223, %jit3A_224, %jit3A_221 : i32
          %rem3A_226 = arith.remsi %add3A_220, %select_n3A_225 : i32
          %ne3A_227 = arith.constant 0 : i32
          %ne3A_228 = arith.cmpi ne, %rem3A_226, %ne3A_227 : i32
          %lt3A_229 = arith.constant 0 : i32
          %lt3A_230 = arith.cmpi slt, %rem3A_226, %lt3A_229 : i32
          %lt3A_231 = arith.constant 0 : i32
          %lt3A_232 = arith.cmpi slt, %select_n3A_225, %lt3A_231 : i32
          %ne3A_233 = arith.xori %lt3A_230, %lt3A_232 : i1
          %and3A_234 = arith.andi %ne3A_233, %ne3A_228 : i1
          %add3A_235 = arith.addi %rem3A_226, %select_n3A_225 : i32
          %select_n3A_236 = arith.select %and3A_234, %add3A_235, %rem3A_226 : i32
          %mul3A_237 = arith.constant 128 : i32
          %mul3A_238 = arith.muli %add3A_218, %mul3A_237 : i32
          %dma_start3A_239 = arith.constant 0 : i32
          %dma_start3A_240 = arith.constant 0 : i32
          %dma_start3A_241 = tpu.memref_slice %arg8[%select_n3A_236, %dma_start3A_239, %dma_start3A_240] : memref<4x128x64xf32, #tpu.memory_space<vmem>> -> memref<1x128x64xf32, #tpu.memory_space<vmem>>
          %dma_start3A_242 = tpu.memref_squeeze %dma_start3A_241 : memref<1x128x64xf32, #tpu.memory_space<vmem>> -> memref<128x64xf32, #tpu.memory_space<vmem>>
          %dma_start3A_243 = tpu.memref_slice %arg6[%mul3A_238] : memref<16512xi32, #tpu.memory_space<vmem>> -> memref<128xi32, #tpu.memory_space<vmem>>
          %dma_start3A_244 = arith.constant 0 : i32
          %dma_start3A_245 = arith.constant 0 : i32
          %dma_start3A_246 = tpu.memref_slice %arg3[%dma_start3A_244, %dma_start3A_245] : memref<65536x64xf32, #tpu.memory_space<hbm>> -> memref<65536x64xf32, #tpu.memory_space<hbm>>
          %dma_start3A_247 = tpu.memref_slice %arg11[%select_n3A_236] : memref<4x!tpu.dma_semaphore, #tpu.memory_space<semaphore_mem>> -> memref<1x!tpu.dma_semaphore, #tpu.memory_space<semaphore_mem>>
          %dma_start3A_248 = tpu.memref_squeeze %dma_start3A_247 : memref<1x!tpu.dma_semaphore, #tpu.memory_space<semaphore_mem>> -> memref<!tpu.dma_semaphore, #tpu.memory_space<semaphore_mem>>
          tpu.enqueue_indirect_dma source(%dma_start3A_246 : memref<65536x64xf32, #tpu.memory_space<hbm>>) target(%dma_start3A_242 : memref<128x64xf32, #tpu.memory_space<vmem>>) offsets(%dma_start3A_243 : memref<128xi32, #tpu.memory_space<vmem>>) semaphore(%dma_start3A_248 : memref<!tpu.dma_semaphore, #tpu.memory_space<semaphore_mem>>)
        } else {
        }
        %scan3A_209 = arith.constant 0 : i32
        %scan3A_210 = arith.constant 0 : i32
        %scan3A_211 = arith.constant 8 : i32
        %scan3A_212 = arith.addi %scan3A_210, %scan3A_211 : i32
        %scan3A_213 = arith.constant 1 : i32
        %scan3A_214 = scf.for %scan3A_217 = %scan3A_210 to %scan3A_212 step %scan3A_213 iter_args(%scan3A_218 = %scan3A_209) -> (i32)  : i32 {
          %mul3A_219 = arith.constant 128 : i32
          %mul3A_220 = arith.muli %while3A_170, %mul3A_219 : i32
          %mul3A_221 = arith.constant 16 : i32
          %mul3A_222 = arith.muli %scan3A_217, %mul3A_221 : i32
          %add3A_223 = arith.addi %mul3A_220, %mul3A_222 : i32
          %get3A = arith.index_cast %add3A_223 : i32 to index
          %get3A_224 = tpu.vector_load %arg7[%get3A] {strides = array<i32>} : memref<16512xi32, #tpu.memory_space<vmem>>, vector<16xi32>,
          %slice3A = vector.extract_strided_slice %get3A_224 {offsets = [0], sizes = [1], strides = [1]} : vector<16xi32> to vector<1xi32>
          %squeeze3A = vector.extract %slice3A[0] : i32 from vector<1xi32>
          %shift_right_arithmetic3A = arith.constant 7 : i32
          %shift_right_arithmetic3A_225 = arith.shrsi %squeeze3A, %shift_right_arithmetic3A : i32
          %mul3A_226 = arith.constant 64 : i32
          %mul3A_227 = arith.muli %shift_right_arithmetic3A_225, %mul3A_226 : i32
          %and3A_228 = arith.constant 127 : i32
          %and3A_229 = arith.andi %squeeze3A, %and3A_228 : i32
          %add3A_230 = arith.constant 27 : i32
          %add3A_231 = arith.addi %add3A_230, %and3A_229 : i32
          %mul3A_232 = arith.constant 64 : i32
          %mul3A_233 = arith.muli %add3A_231, %mul3A_232 : i32
          %mul3A_234 = arith.constant 16 : i32
          %mul3A_235 = arith.muli %scan3A_217, %mul3A_234 : i32
          %add3A_236 = arith.constant 0 : i32
          %add3A_237 = arith.addi %mul3A_235, %add3A_236 : i32
          %get3A_238 = arith.index_cast %select_n3A_186 : i32 to index
          %get3A_239 = arith.index_cast %add3A_237 : i32 to index
          %get3A_240 = arith.constant 0 : index
          %get3A_241 = tpu.vector_load %arg8[%get3A_238, %get3A_239, %get3A_240] {strides = array<i32>} : memref<4x128x64xf32, #tpu.memory_space<vmem>>, vector<16xf32>,
          %bitcast3A_242 = vector.bitcast %get3A_241 : vector<16xf32> to vector<32xbf16>
          %add3A_243 = arith.constant 0 : i32
          %add3A_244 = arith.addi %mul3A_227, %add3A_243 : i32
          %get3A_245 = arith.index_cast %add3A_244 : i32 to index
          %get3A_246 = tpu.vector_load %arg9[%get3A_245] {strides = array<i32>} : memref<10240xf32, #tpu.memory_space<vmem>>, vector<16xf32>,
          %bitcast3A_247 = vector.bitcast %get3A_246 : vector<16xf32> to vector<32xbf16>
          %max3A = arith.maximumf %bitcast3A_247, %bitcast3A_242 : vector<32xbf16>
          %bitcast3A_248 = vector.bitcast %max3A : vector<32xbf16> to vector<16xf32>
          %swap3A = arith.index_cast %add3A_244 : i32 to index
          %swap3A_249 = tpu.vector_load %arg9[%swap3A] {strides = array<i32>} : memref<10240xf32, #tpu.memory_space<vmem>>, vector<16xf32>,
          tpu.vector_store %arg9[%swap3A], %bitcast3A_248 {strides = array<i32>} : memref<10240xf32, #tpu.memory_space<vmem>>, vector<16xf32>,
          %add3A_250 = arith.constant 0 : i32
          %add3A_251 = arith.addi %mul3A_233, %add3A_250 : i32
          %get3A_252 = arith.index_cast %add3A_251 : i32 to index
          %get3A_253 = tpu.vector_load %arg9[%get3A_252] {strides = array<i32>} : memref<10240xf32, #tpu.memory_space<vmem>>, vector<16xf32>,
          %bitcast3A_254 = vector.bitcast %get3A_253 : vector<16xf32> to vector<32xbf16>
          %max3A_255 = arith.maximumf %bitcast3A_254, %bitcast3A_242 : vector<32xbf16>
          %bitcast3A_256 = vector.bitcast %max3A_255 : vector<32xbf16> to vector<16xf32>
          %swap3A_257 = arith.index_cast %add3A_251 : i32 to index
          %swap3A_258 = tpu.vector_load %arg9[%swap3A_257] {strides = array<i32>} : memref<10240xf32, #tpu.memory_space<vmem>>, vector<16xf32>,
          tpu.vector_store %arg9[%swap3A_257], %bitcast3A_256 {strides = array<i32>} : memref<10240xf32, #tpu.memory_space<vmem>>, vector<16xf32>,
          %mul3A_259 = arith.constant 16 : i32
          %mul3A_260 = arith.muli %scan3A_217, %mul3A_259 : i32
          %add3A_261 = arith.constant 0 : i32
          %add3A_262 = arith.addi %mul3A_260, %add3A_261 : i32
          %get3A_263 = arith.index_cast %select_n3A_186 : i32 to index
          %get3A_264 = arith.index_cast %add3A_262 : i32 to index
          %get3A_265 = arith.constant 16 : index
          %get3A_266 = tpu.vector_load %arg8[%get3A_263, %get3A_264, %get3A_265] {strides = array<i32>} : memref<4x128x64xf32, #tpu.memory_space<vmem>>, vector<16xf32>,
          %bitcast3A_267 = vector.bitcast %get3A_266 : vector<16xf32> to vector<32xbf16>
          %add3A_268 = arith.constant 16 : i32
          %add3A_269 = arith.addi %mul3A_227, %add3A_268 : i32
          %get3A_270 = arith.index_cast %add3A_269 : i32 to index
          %get3A_271 = tpu.vector_load %arg9[%get3A_270] {strides = array<i32>} : memref<10240xf32, #tpu.memory_space<vmem>>, vector<16xf32>,
          %bitcast3A_272 = vector.bitcast %get3A_271 : vector<16xf32> to vector<32xbf16>
          %max3A_273 = arith.maximumf %bitcast3A_272, %bitcast3A_267 : vector<32xbf16>
          %bitcast3A_274 = vector.bitcast %max3A_273 : vector<32xbf16> to vector<16xf32>
          %swap3A_275 = arith.index_cast %add3A_269 : i32 to index
          %swap3A_276 = tpu.vector_load %arg9[%swap3A_275] {strides = array<i32>} : memref<10240xf32, #tpu.memory_space<vmem>>, vector<16xf32>,
          tpu.vector_store %arg9[%swap3A_275], %bitcast3A_274 {strides = array<i32>} : memref<10240xf32, #tpu.memory_space<vmem>>, vector<16xf32>,
          %add3A_277 = arith.constant 16 : i32
          %add3A_278 = arith.addi %mul3A_233, %add3A_277 : i32
          %get3A_279 = arith.index_cast %add3A_278 : i32 to index
          %get3A_280 = tpu.vector_load %arg9[%get3A_279] {strides = array<i32>} : memref<10240xf32, #tpu.memory_space<vmem>>, vector<16xf32>,
          %bitcast3A_281 = vector.bitcast %get3A_280 : vector<16xf32> to vector<32xbf16>
          %max3A_282 = arith.maximumf %bitcast3A_281, %bitcast3A_267 : vector<32xbf16>
          %bitcast3A_283 = vector.bitcast %max3A_282 : vector<32xbf16> to vector<16xf32>
          %swap3A_284 = arith.index_cast %add3A_278 : i32 to index
          %swap3A_285 = tpu.vector_load %arg9[%swap3A_284] {strides = array<i32>} : memref<10240xf32, #tpu.memory_space<vmem>>, vector<16xf32>,
          tpu.vector_store %arg9[%swap3A_284], %bitcast3A_283 {strides = array<i32>} : memref<10240xf32, #tpu.memory_space<vmem>>, vector<16xf32>,
          %mul3A_286 = arith.constant 16 : i32
          %mul3A_287 = arith.muli %scan3A_217, %mul3A_286 : i32
          %add3A_288 = arith.constant 0 : i32
          %add3A_289 = arith.addi %mul3A_287, %add3A_288 : i32
          %get3A_290 = arith.index_cast %select_n3A_186 : i32 to index
          %get3A_291 = arith.index_cast %add3A_289 : i32 to index
          %get3A_292 = arith.constant 32 : index
          %get3A_293 = tpu.vector_load %arg8[%get3A_290, %get3A_291, %get3A_292] {strides = array<i32>} : memref<4x128x64xf32, #tpu.memory_space<vmem>>, vector<16xf32>,
          %bitcast3A_294 = vector.bitcast %get3A_293 : vector<16xf32> to vector<32xbf16>
          %add3A_295 = arith.constant 32 : i32
          %add3A_296 = arith.addi %mul3A_227, %add3A_295 : i32
          %get3A_297 = arith.index_cast %add3A_296 : i32 to index
          %get3A_298 = tpu.vector_load %arg9[%get3A_297] {strides = array<i32>} : memref<10240xf32, #tpu.memory_space<vmem>>, vector<16xf32>,
          %bitcast3A_299 = vector.bitcast %get3A_298 : vector<16xf32> to vector<32xbf16>
          %max3A_300 = arith.maximumf %bitcast3A_299, %bitcast3A_294 : vector<32xbf16>
          %bitcast3A_301 = vector.bitcast %max3A_300 : vector<32xbf16> to vector<16xf32>
          %swap3A_302 = arith.index_cast %add3A_296 : i32 to index
          %swap3A_303 = tpu.vector_load %arg9[%swap3A_302] {strides = array<i32>} : memref<10240xf32, #tpu.memory_space<vmem>>, vector<16xf32>,
          tpu.vector_store %arg9[%swap3A_302], %bitcast3A_301 {strides = array<i32>} : memref<10240xf32, #tpu.memory_space<vmem>>, vector<16xf32>,
          %add3A_304 = arith.constant 32 : i32
          %add3A_305 = arith.addi %mul3A_233, %add3A_304 : i32
          %get3A_306 = arith.index_cast %add3A_305 : i32 to index
          %get3A_307 = tpu.vector_load %arg9[%get3A_306] {strides = array<i32>} : memref<10240xf32, #tpu.memory_space<vmem>>, vector<16xf32>,
          %bitcast3A_308 = vector.bitcast %get3A_307 : vector<16xf32> to vector<32xbf16>
          %max3A_309 = arith.maximumf %bitcast3A_308, %bitcast3A_294 : vector<32xbf16>
          %bitcast3A_310 = vector.bitcast %max3A_309 : vector<32xbf16> to vector<16xf32>
          %swap3A_311 = arith.index_cast %add3A_305 : i32 to index
          %swap3A_312 = tpu.vector_load %arg9[%swap3A_311] {strides = array<i32>} : memref<10240xf32, #tpu.memory_space<vmem>>, vector<16xf32>,
          tpu.vector_store %arg9[%swap3A_311], %bitcast3A_310 {strides = array<i32>} : memref<10240xf32, #tpu.memory_space<vmem>>, vector<16xf32>,
          %mul3A_313 = arith.constant 16 : i32
          %mul3A_314 = arith.muli %scan3A_217, %mul3A_313 : i32
          %add3A_315 = arith.constant 0 : i32
          %add3A_316 = arith.addi %mul3A_314, %add3A_315 : i32
          %get3A_317 = arith.index_cast %select_n3A_186 : i32 to index
          %get3A_318 = arith.index_cast %add3A_316 : i32 to index
          %get3A_319 = arith.constant 48 : index
          %get3A_320 = tpu.vector_load %arg8[%get3A_317, %get3A_318, %get3A_319] {strides = array<i32>} : memref<4x128x64xf32, #tpu.memory_space<vmem>>, vector<16xf32>,
          %bitcast3A_321 = vector.bitcast %get3A_320 : vector<16xf32> to vector<32xbf16>
          %add3A_322 = arith.constant 48 : i32
          %add3A_323 = arith.addi %mul3A_227, %add3A_322 : i32
          %get3A_324 = arith.index_cast %add3A_323 : i32 to index
          %get3A_325 = tpu.vector_load %arg9[%get3A_324] {strides = array<i32>} : memref<10240xf32, #tpu.memory_space<vmem>>, vector<16xf32>,
          %bitcast3A_326 = vector.bitcast %get3A_325 : vector<16xf32> to vector<32xbf16>
          %max3A_327 = arith.maximumf %bitcast3A_326, %bitcast3A_321 : vector<32xbf16>
          %bitcast3A_328 = vector.bitcast %max3A_327 : vector<32xbf16> to vector<16xf32>
          %swap3A_329 = arith.index_cast %add3A_323 : i32 to index
          %swap3A_330 = tpu.vector_load %arg9[%swap3A_329] {strides = array<i32>} : memref<10240xf32, #tpu.memory_space<vmem>>, vector<16xf32>,
          tpu.vector_store %arg9[%swap3A_329], %bitcast3A_328 {strides = array<i32>} : memref<10240xf32, #tpu.memory_space<vmem>>, vector<16xf32>,
          %add3A_331 = arith.constant 48 : i32
          %add3A_332 = arith.addi %mul3A_233, %add3A_331 : i32
          %get3A_333 = arith.index_cast %add3A_332 : i32 to index
          %get3A_334 = tpu.vector_load %arg9[%get3A_333] {strides = array<i32>} : memref<10240xf32, #tpu.memory_space<vmem>>, vector<16xf32>,
          %bitcast3A_335 = vector.bitcast %get3A_334 : vector<16xf32> to vector<32xbf16>
          %max3A_336 = arith.maximumf %bitcast3A_335, %bitcast3A_321 : vector<32xbf16>
          %bitcast3A_337 = vector.bitcast %max3A_336 : vector<32xbf16> to vector<16xf32>
          %swap3A_338 = arith.index_cast %add3A_332 : i32 to index
          %swap3A_339 = tpu.vector_load %arg9[%swap3A_338] {strides = array<i32>} : memref<10240xf32, #tpu.memory_space<vmem>>, vector<16xf32>,
          tpu.vector_store %arg9[%swap3A_338], %bitcast3A_337 {strides = array<i32>} : memref<10240xf32, #tpu.memory_space<vmem>>, vector<16xf32>,
          %slice3A_340 = vector.extract_strided_slice %get3A_224 {offsets = [1], sizes = [1], strides = [1]} : vector<16xi32> to vector<1xi32>
          %squeeze3A_341 = vector.extract %slice3A_340[0] : i32 from vector<1xi32>
          %shift_right_arithmetic3A_342 = arith.constant 7 : i32
          %shift_right_arithmetic3A_343 = arith.shrsi %squeeze3A_341, %shift_right_arithmetic3A_342 : i32
          %mul3A_344 = arith.constant 64 : i32
          %mul3A_345 = arith.muli %shift_right_arithmetic3A_343, %mul3A_344 : i32
          %and3A_346 = arith.constant 127 : i32
          %and3A_347 = arith.andi %squeeze3A_341, %and3A_346 : i32
          %add3A_348 = arith.constant 27 : i32
          %add3A_349 = arith.addi %add3A_348, %and3A_347 : i32
          %mul3A_350 = arith.constant 64 : i32
          %mul3A_351 = arith.muli %add3A_349, %mul3A_350 : i32
          %mul3A_352 = arith.constant 16 : i32
          %mul3A_353 = arith.muli %scan3A_217, %mul3A_352 : i32
          %add3A_354 = arith.constant 1 : i32
          %add3A_355 = arith.addi %mul3A_353, %add3A_354 : i32
          %get3A_356 = arith.index_cast %select_n3A_186 : i32 to index
          %get3A_357 = arith.index_cast %add3A_355 : i32 to index
          %get3A_358 = arith.constant 0 : index
          %get3A_359 = tpu.vector_load %arg8[%get3A_356, %get3A_357, %get3A_358] {strides = array<i32>} : memref<4x128x64xf32, #tpu.memory_space<vmem>>, vector<16xf32>,
          %bitcast3A_360 = vector.bitcast %get3A_359 : vector<16xf32> to vector<32xbf16>
          %add3A_361 = arith.constant 0 : i32
          %add3A_362 = arith.addi %mul3A_345, %add3A_361 : i32
          %get3A_363 = arith.index_cast %add3A_362 : i32 to index
          %get3A_364 = tpu.vector_load %arg9[%get3A_363] {strides = array<i32>} : memref<10240xf32, #tpu.memory_space<vmem>>, vector<16xf32>,
          %bitcast3A_365 = vector.bitcast %get3A_364 : vector<16xf32> to vector<32xbf16>
          %max3A_366 = arith.maximumf %bitcast3A_365, %bitcast3A_360 : vector<32xbf16>
          %bitcast3A_367 = vector.bitcast %max3A_366 : vector<32xbf16> to vector<16xf32>
          %swap3A_368 = arith.index_cast %add3A_362 : i32 to index
          %swap3A_369 = tpu.vector_load %arg9[%swap3A_368] {strides = array<i32>} : memref<10240xf32, #tpu.memory_space<vmem>>, vector<16xf32>,
          tpu.vector_store %arg9[%swap3A_368], %bitcast3A_367 {strides = array<i32>} : memref<10240xf32, #tpu.memory_space<vmem>>, vector<16xf32>,
          %add3A_370 = arith.constant 0 : i32
          %add3A_371 = arith.addi %mul3A_351, %add3A_370 : i32
          %get3A_372 = arith.index_cast %add3A_371 : i32 to index
          %get3A_373 = tpu.vector_load %arg9[%get3A_372] {strides = array<i32>} : memref<10240xf32, #tpu.memory_space<vmem>>, vector<16xf32>,
          %bitcast3A_374 = vector.bitcast %get3A_373 : vector<16xf32> to vector<32xbf16>
          %max3A_375 = arith.maximumf %bitcast3A_374, %bitcast3A_360 : vector<32xbf16>
          %bitcast3A_376 = vector.bitcast %max3A_375 : vector<32xbf16> to vector<16xf32>
          %swap3A_377 = arith.index_cast %add3A_371 : i32 to index
          %swap3A_378 = tpu.vector_load %arg9[%swap3A_377] {strides = array<i32>} : memref<10240xf32, #tpu.memory_space<vmem>>, vector<16xf32>,
          tpu.vector_store %arg9[%swap3A_377], %bitcast3A_376 {strides = array<i32>} : memref<10240xf32, #tpu.memory_space<vmem>>, vector<16xf32>,
          %mul3A_379 = arith.constant 16 : i32
          %mul3A_380 = arith.muli %scan3A_217, %mul3A_379 : i32
          %add3A_381 = arith.constant 1 : i32
          %add3A_382 = arith.addi %mul3A_380, %add3A_381 : i32
          %get3A_383 = arith.index_cast %select_n3A_186 : i32 to index
          %get3A_384 = arith.index_cast %add3A_382 : i32 to index
          %get3A_385 = arith.constant 16 : index
          %get3A_386 = tpu.vector_load %arg8[%get3A_383, %get3A_384, %get3A_385] {strides = array<i32>} : memref<4x128x64xf32, #tpu.memory_space<vmem>>, vector<16xf32>,
          %bitcast3A_387 = vector.bitcast %get3A_386 : vector<16xf32> to vector<32xbf16>
          %add3A_388 = arith.constant 16 : i32
          %add3A_389 = arith.addi %mul3A_345, %add3A_388 : i32
          %get3A_390 = arith.index_cast %add3A_389 : i32 to index
          %get3A_391 = tpu.vector_load %arg9[%get3A_390] {strides = array<i32>} : memref<10240xf32, #tpu.memory_space<vmem>>, vector<16xf32>,
          %bitcast3A_392 = vector.bitcast %get3A_391 : vector<16xf32> to vector<32xbf16>
          %max3A_393 = arith.maximumf %bitcast3A_392, %bitcast3A_387 : vector<32xbf16>
          %bitcast3A_394 = vector.bitcast %max3A_393 : vector<32xbf16> to vector<16xf32>
          %swap3A_395 = arith.index_cast %add3A_389 : i32 to index
          %swap3A_396 = tpu.vector_load %arg9[%swap3A_395] {strides = array<i32>} : memref<10240xf32, #tpu.memory_space<vmem>>, vector<16xf32>,
          tpu.vector_store %arg9[%swap3A_395], %bitcast3A_394 {strides = array<i32>} : memref<10240xf32, #tpu.memory_space<vmem>>, vector<16xf32>,
          %add3A_397 = arith.constant 16 : i32
          %add3A_398 = arith.addi %mul3A_351, %add3A_397 : i32
          %get3A_399 = arith.index_cast %add3A_398 : i32 to index
          %get3A_400 = tpu.vector_load %arg9[%get3A_399] {strides = array<i32>} : memref<10240xf32, #tpu.memory_space<vmem>>, vector<16xf32>,
          %bitcast3A_401 = vector.bitcast %get3A_400 : vector<16xf32> to vector<32xbf16>
          %max3A_402 = arith.maximumf %bitcast3A_401, %bitcast3A_387 : vector<32xbf16>
          %bitcast3A_403 = vector.bitcast %max3A_402 : vector<32xbf16> to vector<16xf32>
          %swap3A_404 = arith.index_cast %add3A_398 : i32 to index
          %swap3A_405 = tpu.vector_load %arg9[%swap3A_404] {strides = array<i32>} : memref<10240xf32, #tpu.memory_space<vmem>>, vector<16xf32>,
          tpu.vector_store %arg9[%swap3A_404], %bitcast3A_403 {strides = array<i32>} : memref<10240xf32, #tpu.memory_space<vmem>>, vector<16xf32>,
          %mul3A_406 = arith.constant 16 : i32
          %mul3A_407 = arith.muli %scan3A_217, %mul3A_406 : i32
          %add3A_408 = arith.constant 1 : i32
          %add3A_409 = arith.addi %mul3A_407, %add3A_408 : i32
          %get3A_410 = arith.index_cast %select_n3A_186 : i32 to index
          %get3A_411 = arith.index_cast %add3A_409 : i32 to index
          %get3A_412 = arith.constant 32 : index
          %get3A_413 = tpu.vector_load %arg8[%get3A_410, %get3A_411, %get3A_412] {strides = array<i32>} : memref<4x128x64xf32, #tpu.memory_space<vmem>>, vector<16xf32>,
          %bitcast3A_414 = vector.bitcast %get3A_413 : vector<16xf32> to vector<32xbf16>
          %add3A_415 = arith.constant 32 : i32
          %add3A_416 = arith.addi %mul3A_345, %add3A_415 : i32
          %get3A_417 = arith.index_cast %add3A_416 : i32 to index
          %get3A_418 = tpu.vector_load %arg9[%get3A_417] {strides = array<i32>} : memref<10240xf32, #tpu.memory_space<vmem>>, vector<16xf32>,
          %bitcast3A_419 = vector.bitcast %get3A_418 : vector<16xf32> to vector<32xbf16>
          %max3A_420 = arith.maximumf %bitcast3A_419, %bitcast3A_414 : vector<32xbf16>
          %bitcast3A_421 = vector.bitcast %max3A_420 : vector<32xbf16> to vector<16xf32>
          %swap3A_422 = arith.index_cast %add3A_416 : i32 to index
          %swap3A_423 = tpu.vector_load %arg9[%swap3A_422] {strides = array<i32>} : memref<10240xf32, #tpu.memory_space<vmem>>, vector<16xf32>,
          tpu.vector_store %arg9[%swap3A_422], %bitcast3A_421 {strides = array<i32>} : memref<10240xf32, #tpu.memory_space<vmem>>, vector<16xf32>,
          %add3A_424 = arith.constant 32 : i32
          %add3A_425 = arith.addi %mul3A_351, %add3A_424 : i32
          %get3A_426 = arith.index_cast %add3A_425 : i32 to index
          %get3A_427 = tpu.vector_load %arg9[%get3A_426] {strides = array<i32>} : memref<10240xf32, #tpu.memory_space<vmem>>, vector<16xf32>,
          %bitcast3A_428 = vector.bitcast %get3A_427 : vector<16xf32> to vector<32xbf16>
          %max3A_429 = arith.maximumf %bitcast3A_428, %bitcast3A_414 : vector<32xbf16>
          %bitcast3A_430 = vector.bitcast %max3A_429 : vector<32xbf16> to vector<16xf32>
          %swap3A_431 = arith.index_cast %add3A_425 : i32 to index
          %swap3A_432 = tpu.vector_load %arg9[%swap3A_431] {strides = array<i32>} : memref<10240xf32, #tpu.memory_space<vmem>>, vector<16xf32>,
          tpu.vector_store %arg9[%swap3A_431], %bitcast3A_430 {strides = array<i32>} : memref<10240xf32, #tpu.memory_space<vmem>>, vector<16xf32>,
          %mul3A_433 = arith.constant 16 : i32
          %mul3A_434 = arith.muli %scan3A_217, %mul3A_433 : i32
          %add3A_435 = arith.constant 1 : i32
          %add3A_436 = arith.addi %mul3A_434, %add3A_435 : i32
          %get3A_437 = arith.index_cast %select_n3A_186 : i32 to index
          %get3A_438 = arith.index_cast %add3A_436 : i32 to index
          %get3A_439 = arith.constant 48 : index
          %get3A_440 = tpu.vector_load %arg8[%get3A_437, %get3A_438, %get3A_439] {strides = array<i32>} : memref<4x128x64xf32, #tpu.memory_space<vmem>>, vector<16xf32>,
          %bitcast3A_441 = vector.bitcast %get3A_440 : vector<16xf32> to vector<32xbf16>
          %add3A_442 = arith.constant 48 : i32
          %add3A_443 = arith.addi %mul3A_345, %add3A_442 : i32
          %get3A_444 = arith.index_cast %add3A_443 : i32 to index
          %get3A_445 = tpu.vector_load %arg9[%get3A_444] {strides = array<i32>} : memref<10240xf32, #tpu.memory_space<vmem>>, vector<16xf32>,
          %bitcast3A_446 = vector.bitcast %get3A_445 : vector<16xf32> to vector<32xbf16>
          %max3A_447 = arith.maximumf %bitcast3A_446, %bitcast3A_441 : vector<32xbf16>
          %bitcast3A_448 = vector.bitcast %max3A_447 : vector<32xbf16> to vector<16xf32>
          %swap3A_449 = arith.index_cast %add3A_443 : i32 to index
          %swap3A_450 = tpu.vector_load %arg9[%swap3A_449] {strides = array<i32>} : memref<10240xf32, #tpu.memory_space<vmem>>, vector<16xf32>,
          tpu.vector_store %arg9[%swap3A_449], %bitcast3A_448 {strides = array<i32>} : memref<10240xf32, #tpu.memory_space<vmem>>, vector<16xf32>,
          %add3A_451 = arith.constant 48 : i32
          %add3A_452 = arith.addi %mul3A_351, %add3A_451 : i32
          %get3A_453 = arith.index_cast %add3A_452 : i32 to index
          %get3A_454 = tpu.vector_load %arg9[%get3A_453] {strides = array<i32>} : memref<10240xf32, #tpu.memory_space<vmem>>, vector<16xf32>,
          %bitcast3A_455 = vector.bitcast %get3A_454 : vector<16xf32> to vector<32xbf16>
          %max3A_456 = arith.maximumf %bitcast3A_455, %bitcast3A_441 : vector<32xbf16>
          %bitcast3A_457 = vector.bitcast %max3A_456 : vector<32xbf16> to vector<16xf32>
          %swap3A_458 = arith.index_cast %add3A_452 : i32 to index
          %swap3A_459 = tpu.vector_load %arg9[%swap3A_458] {strides = array<i32>} : memref<10240xf32, #tpu.memory_space<vmem>>, vector<16xf32>,
          tpu.vector_store %arg9[%swap3A_458], %bitcast3A_457 {strides = array<i32>} : memref<10240xf32, #tpu.memory_space<vmem>>, vector<16xf32>,
          %slice3A_460 = vector.extract_strided_slice %get3A_224 {offsets = [2], sizes = [1], strides = [1]} : vector<16xi32> to vector<1xi32>
          %squeeze3A_461 = vector.extract %slice3A_460[0] : i32 from vector<1xi32>
          %shift_right_arithmetic3A_462 = arith.constant 7 : i32
          %shift_right_arithmetic3A_463 = arith.shrsi %squeeze3A_461, %shift_right_arithmetic3A_462 : i32
          %mul3A_464 = arith.constant 64 : i32
          %mul3A_465 = arith.muli %shift_right_arithmetic3A_463, %mul3A_464 : i32
          %and3A_466 = arith.constant 127 : i32
          %and3A_467 = arith.andi %squeeze3A_461, %and3A_466 : i32
          %add3A_468 = arith.constant 27 : i32
          %add3A_469 = arith.addi %add3A_468, %and3A_467 : i32
          %mul3A_470 = arith.constant 64 : i32
          %mul3A_471 = arith.muli %add3A_469, %mul3A_470 : i32
          %mul3A_472 = arith.constant 16 : i32
          %mul3A_473 = arith.muli %scan3A_217, %mul3A_472 : i32
          %add3A_474 = arith.constant 2 : i32
          %add3A_475 = arith.addi %mul3A_473, %add3A_474 : i32
          %get3A_476 = arith.index_cast %select_n3A_186 : i32 to index
          %get3A_477 = arith.index_cast %add3A_475 : i32 to index
          %get3A_478 = arith.constant 0 : index
          %get3A_479 = tpu.vector_load %arg8[%get3A_476, %get3A_477, %get3A_478] {strides = array<i32>} : memref<4x128x64xf32, #tpu.memory_space<vmem>>, vector<16xf32>,
          %bitcast3A_480 = vector.bitcast %get3A_479 : vector<16xf32> to vector<32xbf16>
          %add3A_481 = arith.constant 0 : i32
          %add3A_482 = arith.addi %mul3A_465, %add3A_481 : i32
          %get3A_483 = arith.index_cast %add3A_482 : i32 to index
          %get3A_484 = tpu.vector_load %arg9[%get3A_483] {strides = array<i32>} : memref<10240xf32, #tpu.memory_space<vmem>>, vector<16xf32>,
          %bitcast3A_485 = vector.bitcast %get3A_484 : vector<16xf32> to vector<32xbf16>
          %max3A_486 = arith.maximumf %bitcast3A_485, %bitcast3A_480 : vector<32xbf16>
          %bitcast3A_487 = vector.bitcast %max3A_486 : vector<32xbf16> to vector<16xf32>
          %swap3A_488 = arith.index_cast %add3A_482 : i32 to index
          %swap3A_489 = tpu.vector_load %arg9[%swap3A_488] {strides = array<i32>} : memref<10240xf32, #tpu.memory_space<vmem>>, vector<16xf32>,
          tpu.vector_store %arg9[%swap3A_488], %bitcast3A_487 {strides = array<i32>} : memref<10240xf32, #tpu.memory_space<vmem>>, vector<16xf32>,
          %add3A_490 = arith.constant 0 : i32
          %add3A_491 = arith.addi %mul3A_471, %add3A_490 : i32
          %get3A_492 = arith.index_cast %add3A_491 : i32 to index
          %get3A_493 = tpu.vector_load %arg9[%get3A_492] {strides = array<i32>} : memref<10240xf32, #tpu.memory_space<vmem>>, vector<16xf32>,
          %bitcast3A_494 = vector.bitcast %get3A_493 : vector<16xf32> to vector<32xbf16>
          %max3A_495 = arith.maximumf %bitcast3A_494, %bitcast3A_480 : vector<32xbf16>
          %bitcast3A_496 = vector.bitcast %max3A_495 : vector<32xbf16> to vector<16xf32>
          %swap3A_497 = arith.index_cast %add3A_491 : i32 to index
          %swap3A_498 = tpu.vector_load %arg9[%swap3A_497] {strides = array<i32>} : memref<10240xf32, #tpu.memory_space<vmem>>, vector<16xf32>,
          tpu.vector_store %arg9[%swap3A_497], %bitcast3A_496 {strides = array<i32>} : memref<10240xf32, #tpu.memory_space<vmem>>, vector<16xf32>,
          %mul3A_499 = arith.constant 16 : i32
          %mul3A_500 = arith.muli %scan3A_217, %mul3A_499 : i32
          %add3A_501 = arith.constant 2 : i32
          %add3A_502 = arith.addi %mul3A_500, %add3A_501 : i32
          %get3A_503 = arith.index_cast %select_n3A_186 : i32 to index
          %get3A_504 = arith.index_cast %add3A_502 : i32 to index
          %get3A_505 = arith.constant 16 : index
          %get3A_506 = tpu.vector_load %arg8[%get3A_503, %get3A_504, %get3A_505] {strides = array<i32>} : memref<4x128x64xf32, #tpu.memory_space<vmem>>, vector<16xf32>,
          %bitcast3A_507 = vector.bitcast %get3A_506 : vector<16xf32> to vector<32xbf16>
          %add3A_508 = arith.constant 16 : i32
          %add3A_509 = arith.addi %mul3A_465, %add3A_508 : i32
          %get3A_510 = arith.index_cast %add3A_509 : i32 to index
          %get3A_511 = tpu.vector_load %arg9[%get3A_510] {strides = array<i32>} : memref<10240xf32, #tpu.memory_space<vmem>>, vector<16xf32>,
          %bitcast3A_512 = vector.bitcast %get3A_511 : vector<16xf32> to vector<32xbf16>
          %max3A_513 = arith.maximumf %bitcast3A_512, %bitcast3A_507 : vector<32xbf16>
          %bitcast3A_514 = vector.bitcast %max3A_513 : vector<32xbf16> to vector<16xf32>
          %swap3A_515 = arith.index_cast %add3A_509 : i32 to index
          %swap3A_516 = tpu.vector_load %arg9[%swap3A_515] {strides = array<i32>} : memref<10240xf32, #tpu.memory_space<vmem>>, vector<16xf32>,
          tpu.vector_store %arg9[%swap3A_515], %bitcast3A_514 {strides = array<i32>} : memref<10240xf32, #tpu.memory_space<vmem>>, vector<16xf32>,
          %add3A_517 = arith.constant 16 : i32
          %add3A_518 = arith.addi %mul3A_471, %add3A_517 : i32
          %get3A_519 = arith.index_cast %add3A_518 : i32 to index
          %get3A_520 = tpu.vector_load %arg9[%get3A_519] {strides = array<i32>} : memref<10240xf32, #tpu.memory_space<vmem>>, vector<16xf32>,
          %bitcast3A_521 = vector.bitcast %get3A_520 : vector<16xf32> to vector<32xbf16>
          %max3A_522 = arith.maximumf %bitcast3A_521, %bitcast3A_507 : vector<32xbf16>
          %bitcast3A_523 = vector.bitcast %max3A_522 : vector<32xbf16> to vector<16xf32>
          %swap3A_524 = arith.index_cast %add3A_518 : i32 to index
          %swap3A_525 = tpu.vector_load %arg9[%swap3A_524] {strides = array<i32>} : memref<10240xf32, #tpu.memory_space<vmem>>, vector<16xf32>,
          tpu.vector_store %arg9[%swap3A_524], %bitcast3A_523 {strides = array<i32>} : memref<10240xf32, #tpu.memory_space<vmem>>, vector<16xf32>,
          %mul3A_526 = arith.constant 16 : i32
          %mul3A_527 = arith.muli %scan3A_217, %mul3A_526 : i32
          %add3A_528 = arith.constant 2 : i32
          %add3A_529 = arith.addi %mul3A_527, %add3A_528 : i32
          %get3A_530 = arith.index_cast %select_n3A_186 : i32 to index
          %get3A_531 = arith.index_cast %add3A_529 : i32 to index
          %get3A_532 = arith.constant 32 : index
          %get3A_533 = tpu.vector_load %arg8[%get3A_530, %get3A_531, %get3A_532] {strides = array<i32>} : memref<4x128x64xf32, #tpu.memory_space<vmem>>, vector<16xf32>,
          %bitcast3A_534 = vector.bitcast %get3A_533 : vector<16xf32> to vector<32xbf16>
          %add3A_535 = arith.constant 32 : i32
          %add3A_536 = arith.addi %mul3A_465, %add3A_535 : i32
          %get3A_537 = arith.index_cast %add3A_536 : i32 to index
          %get3A_538 = tpu.vector_load %arg9[%get3A_537] {strides = array<i32>} : memref<10240xf32, #tpu.memory_space<vmem>>, vector<16xf32>,
          %bitcast3A_539 = vector.bitcast %get3A_538 : vector<16xf32> to vector<32xbf16>
          %max3A_540 = arith.maximumf %bitcast3A_539, %bitcast3A_534 : vector<32xbf16>
          %bitcast3A_541 = vector.bitcast %max3A_540 : vector<32xbf16> to vector<16xf32>
          %swap3A_542 = arith.index_cast %add3A_536 : i32 to index
          %swap3A_543 = tpu.vector_load %arg9[%swap3A_542] {strides = array<i32>} : memref<10240xf32, #tpu.memory_space<vmem>>, vector<16xf32>,
          tpu.vector_store %arg9[%swap3A_542], %bitcast3A_541 {strides = array<i32>} : memref<10240xf32, #tpu.memory_space<vmem>>, vector<16xf32>,
          %add3A_544 = arith.constant 32 : i32
          %add3A_545 = arith.addi %mul3A_471, %add3A_544 : i32
          %get3A_546 = arith.index_cast %add3A_545 : i32 to index
          %get3A_547 = tpu.vector_load %arg9[%get3A_546] {strides = array<i32>} : memref<10240xf32, #tpu.memory_space<vmem>>, vector<16xf32>,
          %bitcast3A_548 = vector.bitcast %get3A_547 : vector<16xf32> to vector<32xbf16>
          %max3A_549 = arith.maximumf %bitcast3A_548, %bitcast3A_534 : vector<32xbf16>
          %bitcast3A_550 = vector.bitcast %max3A_549 : vector<32xbf16> to vector<16xf32>
          %swap3A_551 = arith.index_cast %add3A_545 : i32 to index
          %swap3A_552 = tpu.vector_load %arg9[%swap3A_551] {strides = array<i32>} : memref<10240xf32, #tpu.memory_space<vmem>>, vector<16xf32>,
          tpu.vector_store %arg9[%swap3A_551], %bitcast3A_550 {strides = array<i32>} : memref<10240xf32, #tpu.memory_space<vmem>>, vector<16xf32>,
          %mul3A_553 = arith.constant 16 : i32
          %mul3A_554 = arith.muli %scan3A_217, %mul3A_553 : i32
          %add3A_555 = arith.constant 2 : i32
          %add3A_556 = arith.addi %mul3A_554, %add3A_555 : i32
          %get3A_557 = arith.index_cast %select_n3A_186 : i32 to index
          %get3A_558 = arith.index_cast %add3A_556 : i32 to index
          %get3A_559 = arith.constant 48 : index
          %get3A_560 = tpu.vector_load %arg8[%get3A_557, %get3A_558, %get3A_559] {strides = array<i32>} : memref<4x128x64xf32, #tpu.memory_space<vmem>>, vector<16xf32>,
          %bitcast3A_561 = vector.bitcast %get3A_560 : vector<16xf32> to vector<32xbf16>
          %add3A_562 = arith.constant 48 : i32
          %add3A_563 = arith.addi %mul3A_465, %add3A_562 : i32
          %get3A_564 = arith.index_cast %add3A_563 : i32 to index
          %get3A_565 = tpu.vector_load %arg9[%get3A_564] {strides = array<i32>} : memref<10240xf32, #tpu.memory_space<vmem>>, vector<16xf32>,
          %bitcast3A_566 = vector.bitcast %get3A_565 : vector<16xf32> to vector<32xbf16>
          %max3A_567 = arith.maximumf %bitcast3A_566, %bitcast3A_561 : vector<32xbf16>
          %bitcast3A_568 = vector.bitcast %max3A_567 : vector<32xbf16> to vector<16xf32>
          %swap3A_569 = arith.index_cast %add3A_563 : i32 to index
          %swap3A_570 = tpu.vector_load %arg9[%swap3A_569] {strides = array<i32>} : memref<10240xf32, #tpu.memory_space<vmem>>, vector<16xf32>,
          tpu.vector_store %arg9[%swap3A_569], %bitcast3A_568 {strides = array<i32>} : memref<10240xf32, #tpu.memory_space<vmem>>, vector<16xf32>,
          %add3A_571 = arith.constant 48 : i32
          %add3A_572 = arith.addi %mul3A_471, %add3A_571 : i32
          %get3A_573 = arith.index_cast %add3A_572 : i32 to index
          %get3A_574 = tpu.vector_load %arg9[%get3A_573] {strides = array<i32>} : memref<10240xf32, #tpu.memory_space<vmem>>, vector<16xf32>,
          %bitcast3A_575 = vector.bitcast %get3A_574 : vector<16xf32> to vector<32xbf16>
          %max3A_576 = arith.maximumf %bitcast3A_575, %bitcast3A_561 : vector<32xbf16>
          %bitcast3A_577 = vector.bitcast %max3A_576 : vector<32xbf16> to vector<16xf32>
          %swap3A_578 = arith.index_cast %add3A_572 : i32 to index
          %swap3A_579 = tpu.vector_load %arg9[%swap3A_578] {strides = array<i32>} : memref<10240xf32, #tpu.memory_space<vmem>>, vector<16xf32>,
          tpu.vector_store %arg9[%swap3A_578], %bitcast3A_577 {strides = array<i32>} : memref<10240xf32, #tpu.memory_space<vmem>>, vector<16xf32>,
          %slice3A_580 = vector.extract_strided_slice %get3A_224 {offsets = [3], sizes = [1], strides = [1]} : vector<16xi32> to vector<1xi32>
          %squeeze3A_581 = vector.extract %slice3A_580[0] : i32 from vector<1xi32>
          %shift_right_arithmetic3A_582 = arith.constant 7 : i32
          %shift_right_arithmetic3A_583 = arith.shrsi %squeeze3A_581, %shift_right_arithmetic3A_582 : i32
          %mul3A_584 = arith.constant 64 : i32
          %mul3A_585 = arith.muli %shift_right_arithmetic3A_583, %mul3A_584 : i32
          %and3A_586 = arith.constant 127 : i32
          %and3A_587 = arith.andi %squeeze3A_581, %and3A_586 : i32
          %add3A_588 = arith.constant 27 : i32
          %add3A_589 = arith.addi %add3A_588, %and3A_587 : i32
          %mul3A_590 = arith.constant 64 : i32
          %mul3A_591 = arith.muli %add3A_589, %mul3A_590 : i32
          %mul3A_592 = arith.constant 16 : i32
          %mul3A_593 = arith.muli %scan3A_217, %mul3A_592 : i32
          %add3A_594 = arith.constant 3 : i32
          %add3A_595 = arith.addi %mul3A_593, %add3A_594 : i32
          %get3A_596 = arith.index_cast %select_n3A_186 : i32 to index
          %get3A_597 = arith.index_cast %add3A_595 : i32 to index
          %get3A_598 = arith.constant 0 : index
          %get3A_599 = tpu.vector_load %arg8[%get3A_596, %get3A_597, %get3A_598] {strides = array<i32>} : memref<4x128x64xf32, #tpu.memory_space<vmem>>, vector<16xf32>,
          %bitcast3A_600 = vector.bitcast %get3A_599 : vector<16xf32> to vector<32xbf16>
          %add3A_601 = arith.constant 0 : i32
          %add3A_602 = arith.addi %mul3A_585, %add3A_601 : i32
          %get3A_603 = arith.index_cast %add3A_602 : i32 to index
          %get3A_604 = tpu.vector_load %arg9[%get3A_603] {strides = array<i32>} : memref<10240xf32, #tpu.memory_space<vmem>>, vector<16xf32>,
          %bitcast3A_605 = vector.bitcast %get3A_604 : vector<16xf32> to vector<32xbf16>
          %max3A_606 = arith.maximumf %bitcast3A_605, %bitcast3A_600 : vector<32xbf16>
          %bitcast3A_607 = vector.bitcast %max3A_606 : vector<32xbf16> to vector<16xf32>
          %swap3A_608 = arith.index_cast %add3A_602 : i32 to index
          %swap3A_609 = tpu.vector_load %arg9[%swap3A_608] {strides = array<i32>} : memref<10240xf32, #tpu.memory_space<vmem>>, vector<16xf32>,
          tpu.vector_store %arg9[%swap3A_608], %bitcast3A_607 {strides = array<i32>} : memref<10240xf32, #tpu.memory_space<vmem>>, vector<16xf32>,
          %add3A_610 = arith.constant 0 : i32
          %add3A_611 = arith.addi %mul3A_591, %add3A_610 : i32
          %get3A_612 = arith.index_cast %add3A_611 : i32 to index
          %get3A_613 = tpu.vector_load %arg9[%get3A_612] {strides = array<i32>} : memref<10240xf32, #tpu.memory_space<vmem>>, vector<16xf32>,
          %bitcast3A_614 = vector.bitcast %get3A_613 : vector<16xf32> to vector<32xbf16>
          %max3A_615 = arith.maximumf %bitcast3A_614, %bitcast3A_600 : vector<32xbf16>
          %bitcast3A_616 = vector.bitcast %max3A_615 : vector<32xbf16> to vector<16xf32>
          %swap3A_617 = arith.index_cast %add3A_611 : i32 to index
          %swap3A_618 = tpu.vector_load %arg9[%swap3A_617] {strides = array<i32>} : memref<10240xf32, #tpu.memory_space<vmem>>, vector<16xf32>,
          tpu.vector_store %arg9[%swap3A_617], %bitcast3A_616 {strides = array<i32>} : memref<10240xf32, #tpu.memory_space<vmem>>, vector<16xf32>,
          %mul3A_619 = arith.constant 16 : i32
          %mul3A_620 = arith.muli %scan3A_217, %mul3A_619 : i32
          %add3A_621 = arith.constant 3 : i32
          %add3A_622 = arith.addi %mul3A_620, %add3A_621 : i32
          %get3A_623 = arith.index_cast %select_n3A_186 : i32 to index
          %get3A_624 = arith.index_cast %add3A_622 : i32 to index
          %get3A_625 = arith.constant 16 : index
          %get3A_626 = tpu.vector_load %arg8[%get3A_623, %get3A_624, %get3A_625] {strides = array<i32>} : memref<4x128x64xf32, #tpu.memory_space<vmem>>, vector<16xf32>,
          %bitcast3A_627 = vector.bitcast %get3A_626 : vector<16xf32> to vector<32xbf16>
          %add3A_628 = arith.constant 16 : i32
          %add3A_629 = arith.addi %mul3A_585, %add3A_628 : i32
          %get3A_630 = arith.index_cast %add3A_629 : i32 to index
          %get3A_631 = tpu.vector_load %arg9[%get3A_630] {strides = array<i32>} : memref<10240xf32, #tpu.memory_space<vmem>>, vector<16xf32>,
          %bitcast3A_632 = vector.bitcast %get3A_631 : vector<16xf32> to vector<32xbf16>
          %max3A_633 = arith.maximumf %bitcast3A_632, %bitcast3A_627 : vector<32xbf16>
          %bitcast3A_634 = vector.bitcast %max3A_633 : vector<32xbf16> to vector<16xf32>
          %swap3A_635 = arith.index_cast %add3A_629 : i32 to index
          %swap3A_636 = tpu.vector_load %arg9[%swap3A_635] {strides = array<i32>} : memref<10240xf32, #tpu.memory_space<vmem>>, vector<16xf32>,
          tpu.vector_store %arg9[%swap3A_635], %bitcast3A_634 {strides = array<i32>} : memref<10240xf32, #tpu.memory_space<vmem>>, vector<16xf32>,
          %add3A_637 = arith.constant 16 : i32
          %add3A_638 = arith.addi %mul3A_591, %add3A_637 : i32
          %get3A_639 = arith.index_cast %add3A_638 : i32 to index
          %get3A_640 = tpu.vector_load %arg9[%get3A_639] {strides = array<i32>} : memref<10240xf32, #tpu.memory_space<vmem>>, vector<16xf32>,
          %bitcast3A_641 = vector.bitcast %get3A_640 : vector<16xf32> to vector<32xbf16>
          %max3A_642 = arith.maximumf %bitcast3A_641, %bitcast3A_627 : vector<32xbf16>
          %bitcast3A_643 = vector.bitcast %max3A_642 : vector<32xbf16> to vector<16xf32>
          %swap3A_644 = arith.index_cast %add3A_638 : i32 to index
          %swap3A_645 = tpu.vector_load %arg9[%swap3A_644] {strides = array<i32>} : memref<10240xf32, #tpu.memory_space<vmem>>, vector<16xf32>,
          tpu.vector_store %arg9[%swap3A_644], %bitcast3A_643 {strides = array<i32>} : memref<10240xf32, #tpu.memory_space<vmem>>, vector<16xf32>,
          %mul3A_646 = arith.constant 16 : i32
          %mul3A_647 = arith.muli %scan3A_217, %mul3A_646 : i32
          %add3A_648 = arith.constant 3 : i32
          %add3A_649 = arith.addi %mul3A_647, %add3A_648 : i32
          %get3A_650 = arith.index_cast %select_n3A_186 : i32 to index
          %get3A_651 = arith.index_cast %add3A_649 : i32 to index
          %get3A_652 = arith.constant 32 : index
          %get3A_653 = tpu.vector_load %arg8[%get3A_650, %get3A_651, %get3A_652] {strides = array<i32>} : memref<4x128x64xf32, #tpu.memory_space<vmem>>, vector<16xf32>,
          %bitcast3A_654 = vector.bitcast %get3A_653 : vector<16xf32> to vector<32xbf16>
          %add3A_655 = arith.constant 32 : i32
          %add3A_656 = arith.addi %mul3A_585, %add3A_655 : i32
          %get3A_657 = arith.index_cast %add3A_656 : i32 to index
          %get3A_658 = tpu.vector_load %arg9[%get3A_657] {strides = array<i32>} : memref<10240xf32, #tpu.memory_space<vmem>>, vector<16xf32>,
          %bitcast3A_659 = vector.bitcast %get3A_658 : vector<16xf32> to vector<32xbf16>
          %max3A_660 = arith.maximumf %bitcast3A_659, %bitcast3A_654 : vector<32xbf16>
          %bitcast3A_661 = vector.bitcast %max3A_660 : vector<32xbf16> to vector<16xf32>
          %swap3A_662 = arith.index_cast %add3A_656 : i32 to index
          %swap3A_663 = tpu.vector_load %arg9[%swap3A_662] {strides = array<i32>} : memref<10240xf32, #tpu.memory_space<vmem>>, vector<16xf32>,
          tpu.vector_store %arg9[%swap3A_662], %bitcast3A_661 {strides = array<i32>} : memref<10240xf32, #tpu.memory_space<vmem>>, vector<16xf32>,
          %add3A_664 = arith.constant 32 : i32
          %add3A_665 = arith.addi %mul3A_591, %add3A_664 : i32
          %get3A_666 = arith.index_cast %add3A_665 : i32 to index
          %get3A_667 = tpu.vector_load %arg9[%get3A_666] {strides = array<i32>} : memref<10240xf32, #tpu.memory_space<vmem>>, vector<16xf32>,
          %bitcast3A_668 = vector.bitcast %get3A_667 : vector<16xf32> to vector<32xbf16>
          %max3A_669 = arith.maximumf %bitcast3A_668, %bitcast3A_654 : vector<32xbf16>
          %bitcast3A_670 = vector.bitcast %max3A_669 : vector<32xbf16> to vector<16xf32>
          %swap3A_671 = arith.index_cast %add3A_665 : i32 to index
          %swap3A_672 = tpu.vector_load %arg9[%swap3A_671] {strides = array<i32>} : memref<10240xf32, #tpu.memory_space<vmem>>, vector<16xf32>,
          tpu.vector_store %arg9[%swap3A_671], %bitcast3A_670 {strides = array<i32>} : memref<10240xf32, #tpu.memory_space<vmem>>, vector<16xf32>,
          %mul3A_673 = arith.constant 16 : i32
          %mul3A_674 = arith.muli %scan3A_217, %mul3A_673 : i32
          %add3A_675 = arith.constant 3 : i32
          %add3A_676 = arith.addi %mul3A_674, %add3A_675 : i32
          %get3A_677 = arith.index_cast %select_n3A_186 : i32 to index
          %get3A_678 = arith.index_cast %add3A_676 : i32 to index
          %get3A_679 = arith.constant 48 : index
          %get3A_680 = tpu.vector_load %arg8[%get3A_677, %get3A_678, %get3A_679] {strides = array<i32>} : memref<4x128x64xf32, #tpu.memory_space<vmem>>, vector<16xf32>,
          %bitcast3A_681 = vector.bitcast %get3A_680 : vector<16xf32> to vector<32xbf16>
          %add3A_682 = arith.constant 48 : i32
          %add3A_683 = arith.addi %mul3A_585, %add3A_682 : i32
          %get3A_684 = arith.index_cast %add3A_683 : i32 to index
          %get3A_685 = tpu.vector_load %arg9[%get3A_684] {strides = array<i32>} : memref<10240xf32, #tpu.memory_space<vmem>>, vector<16xf32>,
          %bitcast3A_686 = vector.bitcast %get3A_685 : vector<16xf32> to vector<32xbf16>
          %max3A_687 = arith.maximumf %bitcast3A_686, %bitcast3A_681 : vector<32xbf16>
          %bitcast3A_688 = vector.bitcast %max3A_687 : vector<32xbf16> to vector<16xf32>
          %swap3A_689 = arith.index_cast %add3A_683 : i32 to index
          %swap3A_690 = tpu.vector_load %arg9[%swap3A_689] {strides = array<i32>} : memref<10240xf32, #tpu.memory_space<vmem>>, vector<16xf32>,
          tpu.vector_store %arg9[%swap3A_689], %bitcast3A_688 {strides = array<i32>} : memref<10240xf32, #tpu.memory_space<vmem>>, vector<16xf32>,
          %add3A_691 = arith.constant 48 : i32
          %add3A_692 = arith.addi %mul3A_591, %add3A_691 : i32
          %get3A_693 = arith.index_cast %add3A_692 : i32 to index
          %get3A_694 = tpu.vector_load %arg9[%get3A_693] {strides = array<i32>} : memref<10240xf32, #tpu.memory_space<vmem>>, vector<16xf32>,
          %bitcast3A_695 = vector.bitcast %get3A_694 : vector<16xf32> to vector<32xbf16>
          %max3A_696 = arith.maximumf %bitcast3A_695, %bitcast3A_681 : vector<32xbf16>
          %bitcast3A_697 = vector.bitcast %max3A_696 : vector<32xbf16> to vector<16xf32>
          %swap3A_698 = arith.index_cast %add3A_692 : i32 to index
          %swap3A_699 = tpu.vector_load %arg9[%swap3A_698] {strides = array<i32>} : memref<10240xf32, #tpu.memory_space<vmem>>, vector<16xf32>,
          tpu.vector_store %arg9[%swap3A_698], %bitcast3A_697 {strides = array<i32>} : memref<10240xf32, #tpu.memory_space<vmem>>, vector<16xf32>,
          %slice3A_700 = vector.extract_strided_slice %get3A_224 {offsets = [4], sizes = [1], strides = [1]} : vector<16xi32> to vector<1xi32>
          %squeeze3A_701 = vector.extract %slice3A_700[0] : i32 from vector<1xi32>
          %shift_right_arithmetic3A_702 = arith.constant 7 : i32
          %shift_right_arithmetic3A_703 = arith.shrsi %squeeze3A_701, %shift_right_arithmetic3A_702 : i32
          %mul3A_704 = arith.constant 64 : i32
          %mul3A_705 = arith.muli %shift_right_arithmetic3A_703, %mul3A_704 : i32
          %and3A_706 = arith.constant 127 : i32
          %and3A_707 = arith.andi %squeeze3A_701, %and3A_706 : i32
          %add3A_708 = arith.constant 27 : i32
          %add3A_709 = arith.addi %add3A_708, %and3A_707 : i32
          %mul3A_710 = arith.constant 64 : i32
          %mul3A_711 = arith.muli %add3A_709, %mul3A_710 : i32
          %mul3A_712 = arith.constant 16 : i32
          %mul3A_713 = arith.muli %scan3A_217, %mul3A_712 : i32
          %add3A_714 = arith.constant 4 : i32
          %add3A_715 = arith.addi %mul3A_713, %add3A_714 : i32
          %get3A_716 = arith.index_cast %select_n3A_186 : i32 to index
          %get3A_717 = arith.index_cast %add3A_715 : i32 to index
          %get3A_718 = arith.constant 0 : index
          %get3A_719 = tpu.vector_load %arg8[%get3A_716, %get3A_717, %get3A_718] {strides = array<i32>} : memref<4x128x64xf32, #tpu.memory_space<vmem>>, vector<16xf32>,
          %bitcast3A_720 = vector.bitcast %get3A_719 : vector<16xf32> to vector<32xbf16>
          %add3A_721 = arith.constant 0 : i32
          %add3A_722 = arith.addi %mul3A_705, %add3A_721 : i32
          %get3A_723 = arith.index_cast %add3A_722 : i32 to index
          %get3A_724 = tpu.vector_load %arg9[%get3A_723] {strides = array<i32>} : memref<10240xf32, #tpu.memory_space<vmem>>, vector<16xf32>,
          %bitcast3A_725 = vector.bitcast %get3A_724 : vector<16xf32> to vector<32xbf16>
          %max3A_726 = arith.maximumf %bitcast3A_725, %bitcast3A_720 : vector<32xbf16>
          %bitcast3A_727 = vector.bitcast %max3A_726 : vector<32xbf16> to vector<16xf32>
          %swap3A_728 = arith.index_cast %add3A_722 : i32 to index
          %swap3A_729 = tpu.vector_load %arg9[%swap3A_728] {strides = array<i32>} : memref<10240xf32, #tpu.memory_space<vmem>>, vector<16xf32>,
          tpu.vector_store %arg9[%swap3A_728], %bitcast3A_727 {strides = array<i32>} : memref<10240xf32, #tpu.memory_space<vmem>>, vector<16xf32>,
          %add3A_730 = arith.constant 0 : i32
          %add3A_731 = arith.addi %mul3A_711, %add3A_730 : i32
          %get3A_732 = arith.index_cast %add3A_731 : i32 to index
          %get3A_733 = tpu.vector_load %arg9[%get3A_732] {strides = array<i32>} : memref<10240xf32, #tpu.memory_space<vmem>>, vector<16xf32>,
          %bitcast3A_734 = vector.bitcast %get3A_733 : vector<16xf32> to vector<32xbf16>
          %max3A_735 = arith.maximumf %bitcast3A_734, %bitcast3A_720 : vector<32xbf16>
          %bitcast3A_736 = vector.bitcast %max3A_735 : vector<32xbf16> to vector<16xf32>
          %swap3A_737 = arith.index_cast %add3A_731 : i32 to index
          %swap3A_738 = tpu.vector_load %arg9[%swap3A_737] {strides = array<i32>} : memref<10240xf32, #tpu.memory_space<vmem>>, vector<16xf32>,
          tpu.vector_store %arg9[%swap3A_737], %bitcast3A_736 {strides = array<i32>} : memref<10240xf32, #tpu.memory_space<vmem>>, vector<16xf32>,
          %mul3A_739 = arith.constant 16 : i32
          %mul3A_740 = arith.muli %scan3A_217, %mul3A_739 : i32
          %add3A_741 = arith.constant 4 : i32
          %add3A_742 = arith.addi %mul3A_740, %add3A_741 : i32
          %get3A_743 = arith.index_cast %select_n3A_186 : i32 to index
          %get3A_744 = arith.index_cast %add3A_742 : i32 to index
          %get3A_745 = arith.constant 16 : index
          %get3A_746 = tpu.vector_load %arg8[%get3A_743, %get3A_744, %get3A_745] {strides = array<i32>} : memref<4x128x64xf32, #tpu.memory_space<vmem>>, vector<16xf32>,
          %bitcast3A_747 = vector.bitcast %get3A_746 : vector<16xf32> to vector<32xbf16>
          %add3A_748 = arith.constant 16 : i32
          %add3A_749 = arith.addi %mul3A_705, %add3A_748 : i32
          %get3A_750 = arith.index_cast %add3A_749 : i32 to index
          %get3A_751 = tpu.vector_load %arg9[%get3A_750] {strides = array<i32>} : memref<10240xf32, #tpu.memory_space<vmem>>, vector<16xf32>,
          %bitcast3A_752 = vector.bitcast %get3A_751 : vector<16xf32> to vector<32xbf16>
          %max3A_753 = arith.maximumf %bitcast3A_752, %bitcast3A_747 : vector<32xbf16>
          %bitcast3A_754 = vector.bitcast %max3A_753 : vector<32xbf16> to vector<16xf32>
          %swap3A_755 = arith.index_cast %add3A_749 : i32 to index
          %swap3A_756 = tpu.vector_load %arg9[%swap3A_755] {strides = array<i32>} : memref<10240xf32, #tpu.memory_space<vmem>>, vector<16xf32>,
          tpu.vector_store %arg9[%swap3A_755], %bitcast3A_754 {strides = array<i32>} : memref<10240xf32, #tpu.memory_space<vmem>>, vector<16xf32>,
          %add3A_757 = arith.constant 16 : i32
          %add3A_758 = arith.addi %mul3A_711, %add3A_757 : i32
          %get3A_759 = arith.index_cast %add3A_758 : i32 to index
          %get3A_760 = tpu.vector_load %arg9[%get3A_759] {strides = array<i32>} : memref<10240xf32, #tpu.memory_space<vmem>>, vector<16xf32>,
          %bitcast3A_761 = vector.bitcast %get3A_760 : vector<16xf32> to vector<32xbf16>
          %max3A_762 = arith.maximumf %bitcast3A_761, %bitcast3A_747 : vector<32xbf16>
          %bitcast3A_763 = vector.bitcast %max3A_762 : vector<32xbf16> to vector<16xf32>
          %swap3A_764 = arith.index_cast %add3A_758 : i32 to index
          %swap3A_765 = tpu.vector_load %arg9[%swap3A_764] {strides = array<i32>} : memref<10240xf32, #tpu.memory_space<vmem>>, vector<16xf32>,
          tpu.vector_store %arg9[%swap3A_764], %bitcast3A_763 {strides = array<i32>} : memref<10240xf32, #tpu.memory_space<vmem>>, vector<16xf32>,
          %mul3A_766 = arith.constant 16 : i32
          %mul3A_767 = arith.muli %scan3A_217, %mul3A_766 : i32
          %add3A_768 = arith.constant 4 : i32
          %add3A_769 = arith.addi %mul3A_767, %add3A_768 : i32
          %get3A_770 = arith.index_cast %select_n3A_186 : i32 to index
          %get3A_771 = arith.index_cast %add3A_769 : i32 to index
          %get3A_772 = arith.constant 32 : index
          %get3A_773 = tpu.vector_load %arg8[%get3A_770, %get3A_771, %get3A_772] {strides = array<i32>} : memref<4x128x64xf32, #tpu.memory_space<vmem>>, vector<16xf32>,
          %bitcast3A_774 = vector.bitcast %get3A_773 : vector<16xf32> to vector<32xbf16>
          %add3A_775 = arith.constant 32 : i32
          %add3A_776 = arith.addi %mul3A_705, %add3A_775 : i32
          %get3A_777 = arith.index_cast %add3A_776 : i32 to index
          %get3A_778 = tpu.vector_load %arg9[%get3A_777] {strides = array<i32>} : memref<10240xf32, #tpu.memory_space<vmem>>, vector<16xf32>,
          %bitcast3A_779 = vector.bitcast %get3A_778 : vector<16xf32> to vector<32xbf16>
          %max3A_780 = arith.maximumf %bitcast3A_779, %bitcast3A_774 : vector<32xbf16>
          %bitcast3A_781 = vector.bitcast %max3A_780 : vector<32xbf16> to vector<16xf32>
          %swap3A_782 = arith.index_cast %add3A_776 : i32 to index
          %swap3A_783 = tpu.vector_load %arg9[%swap3A_782] {strides = array<i32>} : memref<10240xf32, #tpu.memory_space<vmem>>, vector<16xf32>,
          tpu.vector_store %arg9[%swap3A_782], %bitcast3A_781 {strides = array<i32>} : memref<10240xf32, #tpu.memory_space<vmem>>, vector<16xf32>,
          %add3A_784 = arith.constant 32 : i32
          %add3A_785 = arith.addi %mul3A_711, %add3A_784 : i32
          %get3A_786 = arith.index_cast %add3A_785 : i32 to index
          %get3A_787 = tpu.vector_load %arg9[%get3A_786] {strides = array<i32>} : memref<10240xf32, #tpu.memory_space<vmem>>, vector<16xf32>,
          %bitcast3A_788 = vector.bitcast %get3A_787 : vector<16xf32> to vector<32xbf16>
          %max3A_789 = arith.maximumf %bitcast3A_788, %bitcast3A_774 : vector<32xbf16>
          %bitcast3A_790 = vector.bitcast %max3A_789 : vector<32xbf16> to vector<16xf32>
          %swap3A_791 = arith.index_cast %add3A_785 : i32 to index
          %swap3A_792 = tpu.vector_load %arg9[%swap3A_791] {strides = array<i32>} : memref<10240xf32, #tpu.memory_space<vmem>>, vector<16xf32>,
          tpu.vector_store %arg9[%swap3A_791], %bitcast3A_790 {strides = array<i32>} : memref<10240xf32, #tpu.memory_space<vmem>>, vector<16xf32>,
          %mul3A_793 = arith.constant 16 : i32
          %mul3A_794 = arith.muli %scan3A_217, %mul3A_793 : i32
          %add3A_795 = arith.constant 4 : i32
          %add3A_796 = arith.addi %mul3A_794, %add3A_795 : i32
          %get3A_797 = arith.index_cast %select_n3A_186 : i32 to index
          %get3A_798 = arith.index_cast %add3A_796 : i32 to index
          %get3A_799 = arith.constant 48 : index
          %get3A_800 = tpu.vector_load %arg8[%get3A_797, %get3A_798, %get3A_799] {strides = array<i32>} : memref<4x128x64xf32, #tpu.memory_space<vmem>>, vector<16xf32>,
          %bitcast3A_801 = vector.bitcast %get3A_800 : vector<16xf32> to vector<32xbf16>
          %add3A_802 = arith.constant 48 : i32
          %add3A_803 = arith.addi %mul3A_705, %add3A_802 : i32
          %get3A_804 = arith.index_cast %add3A_803 : i32 to index
          %get3A_805 = tpu.vector_load %arg9[%get3A_804] {strides = array<i32>} : memref<10240xf32, #tpu.memory_space<vmem>>, vector<16xf32>,
          %bitcast3A_806 = vector.bitcast %get3A_805 : vector<16xf32> to vector<32xbf16>
          %max3A_807 = arith.maximumf %bitcast3A_806, %bitcast3A_801 : vector<32xbf16>
          %bitcast3A_808 = vector.bitcast %max3A_807 : vector<32xbf16> to vector<16xf32>
          %swap3A_809 = arith.index_cast %add3A_803 : i32 to index
          %swap3A_810 = tpu.vector_load %arg9[%swap3A_809] {strides = array<i32>} : memref<10240xf32, #tpu.memory_space<vmem>>, vector<16xf32>,
          tpu.vector_store %arg9[%swap3A_809], %bitcast3A_808 {strides = array<i32>} : memref<10240xf32, #tpu.memory_space<vmem>>, vector<16xf32>,
          %add3A_811 = arith.constant 48 : i32
          %add3A_812 = arith.addi %mul3A_711, %add3A_811 : i32
          %get3A_813 = arith.index_cast %add3A_812 : i32 to index
          %get3A_814 = tpu.vector_load %arg9[%get3A_813] {strides = array<i32>} : memref<10240xf32, #tpu.memory_space<vmem>>, vector<16xf32>,
          %bitcast3A_815 = vector.bitcast %get3A_814 : vector<16xf32> to vector<32xbf16>
          %max3A_816 = arith.maximumf %bitcast3A_815, %bitcast3A_801 : vector<32xbf16>
          %bitcast3A_817 = vector.bitcast %max3A_816 : vector<32xbf16> to vector<16xf32>
          %swap3A_818 = arith.index_cast %add3A_812 : i32 to index
          %swap3A_819 = tpu.vector_load %arg9[%swap3A_818] {strides = array<i32>} : memref<10240xf32, #tpu.memory_space<vmem>>, vector<16xf32>,
          tpu.vector_store %arg9[%swap3A_818], %bitcast3A_817 {strides = array<i32>} : memref<10240xf32, #tpu.memory_space<vmem>>, vector<16xf32>,
          %slice3A_820 = vector.extract_strided_slice %get3A_224 {offsets = [5], sizes = [1], strides = [1]} : vector<16xi32> to vector<1xi32>
          %squeeze3A_821 = vector.extract %slice3A_820[0] : i32 from vector<1xi32>
          %shift_right_arithmetic3A_822 = arith.constant 7 : i32
          %shift_right_arithmetic3A_823 = arith.shrsi %squeeze3A_821, %shift_right_arithmetic3A_822 : i32
          %mul3A_824 = arith.constant 64 : i32
          %mul3A_825 = arith.muli %shift_right_arithmetic3A_823, %mul3A_824 : i32
          %and3A_826 = arith.constant 127 : i32
          %and3A_827 = arith.andi %squeeze3A_821, %and3A_826 : i32
          %add3A_828 = arith.constant 27 : i32
          %add3A_829 = arith.addi %add3A_828, %and3A_827 : i32
          %mul3A_830 = arith.constant 64 : i32
          %mul3A_831 = arith.muli %add3A_829, %mul3A_830 : i32
          %mul3A_832 = arith.constant 16 : i32
          %mul3A_833 = arith.muli %scan3A_217, %mul3A_832 : i32
          %add3A_834 = arith.constant 5 : i32
          %add3A_835 = arith.addi %mul3A_833, %add3A_834 : i32
          %get3A_836 = arith.index_cast %select_n3A_186 : i32 to index
          %get3A_837 = arith.index_cast %add3A_835 : i32 to index
          %get3A_838 = arith.constant 0 : index
          %get3A_839 = tpu.vector_load %arg8[%get3A_836, %get3A_837, %get3A_838] {strides = array<i32>} : memref<4x128x64xf32, #tpu.memory_space<vmem>>, vector<16xf32>,
          %bitcast3A_840 = vector.bitcast %get3A_839 : vector<16xf32> to vector<32xbf16>
          %add3A_841 = arith.constant 0 : i32
          %add3A_842 = arith.addi %mul3A_825, %add3A_841 : i32
          %get3A_843 = arith.index_cast %add3A_842 : i32 to index
          %get3A_844 = tpu.vector_load %arg9[%get3A_843] {strides = array<i32>} : memref<10240xf32, #tpu.memory_space<vmem>>, vector<16xf32>,
          %bitcast3A_845 = vector.bitcast %get3A_844 : vector<16xf32> to vector<32xbf16>
          %max3A_846 = arith.maximumf %bitcast3A_845, %bitcast3A_840 : vector<32xbf16>
          %bitcast3A_847 = vector.bitcast %max3A_846 : vector<32xbf16> to vector<16xf32>
          %swap3A_848 = arith.index_cast %add3A_842 : i32 to index
          %swap3A_849 = tpu.vector_load %arg9[%swap3A_848] {strides = array<i32>} : memref<10240xf32, #tpu.memory_space<vmem>>, vector<16xf32>,
          tpu.vector_store %arg9[%swap3A_848], %bitcast3A_847 {strides = array<i32>} : memref<10240xf32, #tpu.memory_space<vmem>>, vector<16xf32>,
          %add3A_850 = arith.constant 0 : i32
          %add3A_851 = arith.addi %mul3A_831, %add3A_850 : i32
          %get3A_852 = arith.index_cast %add3A_851 : i32 to index
          %get3A_853 = tpu.vector_load %arg9[%get3A_852] {strides = array<i32>} : memref<10240xf32, #tpu.memory_space<vmem>>, vector<16xf32>,
          %bitcast3A_854 = vector.bitcast %get3A_853 : vector<16xf32> to vector<32xbf16>
          %max3A_855 = arith.maximumf %bitcast3A_854, %bitcast3A_840 : vector<32xbf16>
          %bitcast3A_856 = vector.bitcast %max3A_855 : vector<32xbf16> to vector<16xf32>
          %swap3A_857 = arith.index_cast %add3A_851 : i32 to index
          %swap3A_858 = tpu.vector_load %arg9[%swap3A_857] {strides = array<i32>} : memref<10240xf32, #tpu.memory_space<vmem>>, vector<16xf32>,
          tpu.vector_store %arg9[%swap3A_857], %bitcast3A_856 {strides = array<i32>} : memref<10240xf32, #tpu.memory_space<vmem>>, vector<16xf32>,
          %mul3A_859 = arith.constant 16 : i32
          %mul3A_860 = arith.muli %scan3A_217, %mul3A_859 : i32
          %add3A_861 = arith.constant 5 : i32
          %add3A_862 = arith.addi %mul3A_860, %add3A_861 : i32
          %get3A_863 = arith.index_cast %select_n3A_186 : i32 to index
          %get3A_864 = arith.index_cast %add3A_862 : i32 to index
          %get3A_865 = arith.constant 16 : index
          %get3A_866 = tpu.vector_load %arg8[%get3A_863, %get3A_864, %get3A_865] {strides = array<i32>} : memref<4x128x64xf32, #tpu.memory_space<vmem>>, vector<16xf32>,
          %bitcast3A_867 = vector.bitcast %get3A_866 : vector<16xf32> to vector<32xbf16>
          %add3A_868 = arith.constant 16 : i32
          %add3A_869 = arith.addi %mul3A_825, %add3A_868 : i32
          %get3A_870 = arith.index_cast %add3A_869 : i32 to index
          %get3A_871 = tpu.vector_load %arg9[%get3A_870] {strides = array<i32>} : memref<10240xf32, #tpu.memory_space<vmem>>, vector<16xf32>,
          %bitcast3A_872 = vector.bitcast %get3A_871 : vector<16xf32> to vector<32xbf16>
          %max3A_873 = arith.maximumf %bitcast3A_872, %bitcast3A_867 : vector<32xbf16>
          %bitcast3A_874 = vector.bitcast %max3A_873 : vector<32xbf16> to vector<16xf32>
          %swap3A_875 = arith.index_cast %add3A_869 : i32 to index
          %swap3A_876 = tpu.vector_load %arg9[%swap3A_875] {strides = array<i32>} : memref<10240xf32, #tpu.memory_space<vmem>>, vector<16xf32>,
          tpu.vector_store %arg9[%swap3A_875], %bitcast3A_874 {strides = array<i32>} : memref<10240xf32, #tpu.memory_space<vmem>>, vector<16xf32>,
          %add3A_877 = arith.constant 16 : i32
          %add3A_878 = arith.addi %mul3A_831, %add3A_877 : i32
          %get3A_879 = arith.index_cast %add3A_878 : i32 to index
          %get3A_880 = tpu.vector_load %arg9[%get3A_879] {strides = array<i32>} : memref<10240xf32, #tpu.memory_space<vmem>>, vector<16xf32>,
          %bitcast3A_881 = vector.bitcast %get3A_880 : vector<16xf32> to vector<32xbf16>
          %max3A_882 = arith.maximumf %bitcast3A_881, %bitcast3A_867 : vector<32xbf16>
          %bitcast3A_883 = vector.bitcast %max3A_882 : vector<32xbf16> to vector<16xf32>
          %swap3A_884 = arith.index_cast %add3A_878 : i32 to index
          %swap3A_885 = tpu.vector_load %arg9[%swap3A_884] {strides = array<i32>} : memref<10240xf32, #tpu.memory_space<vmem>>, vector<16xf32>,
          tpu.vector_store %arg9[%swap3A_884], %bitcast3A_883 {strides = array<i32>} : memref<10240xf32, #tpu.memory_space<vmem>>, vector<16xf32>,
          %mul3A_886 = arith.constant 16 : i32
          %mul3A_887 = arith.muli %scan3A_217, %mul3A_886 : i32
          %add3A_888 = arith.constant 5 : i32
          %add3A_889 = arith.addi %mul3A_887, %add3A_888 : i32
          %get3A_890 = arith.index_cast %select_n3A_186 : i32 to index
          %get3A_891 = arith.index_cast %add3A_889 : i32 to index
          %get3A_892 = arith.constant 32 : index
          %get3A_893 = tpu.vector_load %arg8[%get3A_890, %get3A_891, %get3A_892] {strides = array<i32>} : memref<4x128x64xf32, #tpu.memory_space<vmem>>, vector<16xf32>,
          %bitcast3A_894 = vector.bitcast %get3A_893 : vector<16xf32> to vector<32xbf16>
          %add3A_895 = arith.constant 32 : i32
          %add3A_896 = arith.addi %mul3A_825, %add3A_895 : i32
          %get3A_897 = arith.index_cast %add3A_896 : i32 to index
          %get3A_898 = tpu.vector_load %arg9[%get3A_897] {strides = array<i32>} : memref<10240xf32, #tpu.memory_space<vmem>>, vector<16xf32>,
          %bitcast3A_899 = vector.bitcast %get3A_898 : vector<16xf32> to vector<32xbf16>
          %max3A_900 = arith.maximumf %bitcast3A_899, %bitcast3A_894 : vector<32xbf16>
          %bitcast3A_901 = vector.bitcast %max3A_900 : vector<32xbf16> to vector<16xf32>
          %swap3A_902 = arith.index_cast %add3A_896 : i32 to index
          %swap3A_903 = tpu.vector_load %arg9[%swap3A_902] {strides = array<i32>} : memref<10240xf32, #tpu.memory_space<vmem>>, vector<16xf32>,
          tpu.vector_store %arg9[%swap3A_902], %bitcast3A_901 {strides = array<i32>} : memref<10240xf32, #tpu.memory_space<vmem>>, vector<16xf32>,
          %add3A_904 = arith.constant 32 : i32
          %add3A_905 = arith.addi %mul3A_831, %add3A_904 : i32
          %get3A_906 = arith.index_cast %add3A_905 : i32 to index
          %get3A_907 = tpu.vector_load %arg9[%get3A_906] {strides = array<i32>} : memref<10240xf32, #tpu.memory_space<vmem>>, vector<16xf32>,
          %bitcast3A_908 = vector.bitcast %get3A_907 : vector<16xf32> to vector<32xbf16>
          %max3A_909 = arith.maximumf %bitcast3A_908, %bitcast3A_894 : vector<32xbf16>
          %bitcast3A_910 = vector.bitcast %max3A_909 : vector<32xbf16> to vector<16xf32>
          %swap3A_911 = arith.index_cast %add3A_905 : i32 to index
          %swap3A_912 = tpu.vector_load %arg9[%swap3A_911] {strides = array<i32>} : memref<10240xf32, #tpu.memory_space<vmem>>, vector<16xf32>,
          tpu.vector_store %arg9[%swap3A_911], %bitcast3A_910 {strides = array<i32>} : memref<10240xf32, #tpu.memory_space<vmem>>, vector<16xf32>,
          %mul3A_913 = arith.constant 16 : i32
          %mul3A_914 = arith.muli %scan3A_217, %mul3A_913 : i32
          %add3A_915 = arith.constant 5 : i32
          %add3A_916 = arith.addi %mul3A_914, %add3A_915 : i32
          %get3A_917 = arith.index_cast %select_n3A_186 : i32 to index
          %get3A_918 = arith.index_cast %add3A_916 : i32 to index
          %get3A_919 = arith.constant 48 : index
          %get3A_920 = tpu.vector_load %arg8[%get3A_917, %get3A_918, %get3A_919] {strides = array<i32>} : memref<4x128x64xf32, #tpu.memory_space<vmem>>, vector<16xf32>,
          %bitcast3A_921 = vector.bitcast %get3A_920 : vector<16xf32> to vector<32xbf16>
          %add3A_922 = arith.constant 48 : i32
          %add3A_923 = arith.addi %mul3A_825, %add3A_922 : i32
          %get3A_924 = arith.index_cast %add3A_923 : i32 to index
          %get3A_925 = tpu.vector_load %arg9[%get3A_924] {strides = array<i32>} : memref<10240xf32, #tpu.memory_space<vmem>>, vector<16xf32>,
          %bitcast3A_926 = vector.bitcast %get3A_925 : vector<16xf32> to vector<32xbf16>
          %max3A_927 = arith.maximumf %bitcast3A_926, %bitcast3A_921 : vector<32xbf16>
          %bitcast3A_928 = vector.bitcast %max3A_927 : vector<32xbf16> to vector<16xf32>
          %swap3A_929 = arith.index_cast %add3A_923 : i32 to index
          %swap3A_930 = tpu.vector_load %arg9[%swap3A_929] {strides = array<i32>} : memref<10240xf32, #tpu.memory_space<vmem>>, vector<16xf32>,
          tpu.vector_store %arg9[%swap3A_929], %bitcast3A_928 {strides = array<i32>} : memref<10240xf32, #tpu.memory_space<vmem>>, vector<16xf32>,
          %add3A_931 = arith.constant 48 : i32
          %add3A_932 = arith.addi %mul3A_831, %add3A_931 : i32
          %get3A_933 = arith.index_cast %add3A_932 : i32 to index
          %get3A_934 = tpu.vector_load %arg9[%get3A_933] {strides = array<i32>} : memref<10240xf32, #tpu.memory_space<vmem>>, vector<16xf32>,
          %bitcast3A_935 = vector.bitcast %get3A_934 : vector<16xf32> to vector<32xbf16>
          %max3A_936 = arith.maximumf %bitcast3A_935, %bitcast3A_921 : vector<32xbf16>
          %bitcast3A_937 = vector.bitcast %max3A_936 : vector<32xbf16> to vector<16xf32>
          %swap3A_938 = arith.index_cast %add3A_932 : i32 to index
          %swap3A_939 = tpu.vector_load %arg9[%swap3A_938] {strides = array<i32>} : memref<10240xf32, #tpu.memory_space<vmem>>, vector<16xf32>,
          tpu.vector_store %arg9[%swap3A_938], %bitcast3A_937 {strides = array<i32>} : memref<10240xf32, #tpu.memory_space<vmem>>, vector<16xf32>,
          %slice3A_940 = vector.extract_strided_slice %get3A_224 {offsets = [6], sizes = [1], strides = [1]} : vector<16xi32> to vector<1xi32>
          %squeeze3A_941 = vector.extract %slice3A_940[0] : i32 from vector<1xi32>
          %shift_right_arithmetic3A_942 = arith.constant 7 : i32
          %shift_right_arithmetic3A_943 = arith.shrsi %squeeze3A_941, %shift_right_arithmetic3A_942 : i32
          %mul3A_944 = arith.constant 64 : i32
          %mul3A_945 = arith.muli %shift_right_arithmetic3A_943, %mul3A_944 : i32
          %and3A_946 = arith.constant 127 : i32
          %and3A_947 = arith.andi %squeeze3A_941, %and3A_946 : i32
          %add3A_948 = arith.constant 27 : i32
          %add3A_949 = arith.addi %add3A_948, %and3A_947 : i32
          %mul3A_950 = arith.constant 64 : i32
          %mul3A_951 = arith.muli %add3A_949, %mul3A_950 : i32
          %mul3A_952 = arith.constant 16 : i32
          %mul3A_953 = arith.muli %scan3A_217, %mul3A_952 : i32
          %add3A_954 = arith.constant 6 : i32
          %add3A_955 = arith.addi %mul3A_953, %add3A_954 : i32
          %get3A_956 = arith.index_cast %select_n3A_186 : i32 to index
          %get3A_957 = arith.index_cast %add3A_955 : i32 to index
          %get3A_958 = arith.constant 0 : index
          %get3A_959 = tpu.vector_load %arg8[%get3A_956, %get3A_957, %get3A_958] {strides = array<i32>} : memref<4x128x64xf32, #tpu.memory_space<vmem>>, vector<16xf32>,
          %bitcast3A_960 = vector.bitcast %get3A_959 : vector<16xf32> to vector<32xbf16>
          %add3A_961 = arith.constant 0 : i32
          %add3A_962 = arith.addi %mul3A_945, %add3A_961 : i32
          %get3A_963 = arith.index_cast %add3A_962 : i32 to index
          %get3A_964 = tpu.vector_load %arg9[%get3A_963] {strides = array<i32>} : memref<10240xf32, #tpu.memory_space<vmem>>, vector<16xf32>,
          %bitcast3A_965 = vector.bitcast %get3A_964 : vector<16xf32> to vector<32xbf16>
          %max3A_966 = arith.maximumf %bitcast3A_965, %bitcast3A_960 : vector<32xbf16>
          %bitcast3A_967 = vector.bitcast %max3A_966 : vector<32xbf16> to vector<16xf32>
          %swap3A_968 = arith.index_cast %add3A_962 : i32 to index
          %swap3A_969 = tpu.vector_load %arg9[%swap3A_968] {strides = array<i32>} : memref<10240xf32, #tpu.memory_space<vmem>>, vector<16xf32>,
          tpu.vector_store %arg9[%swap3A_968], %bitcast3A_967 {strides = array<i32>} : memref<10240xf32, #tpu.memory_space<vmem>>, vector<16xf32>,
          %add3A_970 = arith.constant 0 : i32
          %add3A_971 = arith.addi %mul3A_951, %add3A_970 : i32
          %get3A_972 = arith.index_cast %add3A_971 : i32 to index
          %get3A_973 = tpu.vector_load %arg9[%get3A_972] {strides = array<i32>} : memref<10240xf32, #tpu.memory_space<vmem>>, vector<16xf32>,
          %bitcast3A_974 = vector.bitcast %get3A_973 : vector<16xf32> to vector<32xbf16>
          %max3A_975 = arith.maximumf %bitcast3A_974, %bitcast3A_960 : vector<32xbf16>
          %bitcast3A_976 = vector.bitcast %max3A_975 : vector<32xbf16> to vector<16xf32>
          %swap3A_977 = arith.index_cast %add3A_971 : i32 to index
          %swap3A_978 = tpu.vector_load %arg9[%swap3A_977] {strides = array<i32>} : memref<10240xf32, #tpu.memory_space<vmem>>, vector<16xf32>,
          tpu.vector_store %arg9[%swap3A_977], %bitcast3A_976 {strides = array<i32>} : memref<10240xf32, #tpu.memory_space<vmem>>, vector<16xf32>,
          %mul3A_979 = arith.constant 16 : i32
          %mul3A_980 = arith.muli %scan3A_217, %mul3A_979 : i32
          %add3A_981 = arith.constant 6 : i32
          %add3A_982 = arith.addi %mul3A_980, %add3A_981 : i32
          %get3A_983 = arith.index_cast %select_n3A_186 : i32 to index
          %get3A_984 = arith.index_cast %add3A_982 : i32 to index
          %get3A_985 = arith.constant 16 : index
          %get3A_986 = tpu.vector_load %arg8[%get3A_983, %get3A_984, %get3A_985] {strides = array<i32>} : memref<4x128x64xf32, #tpu.memory_space<vmem>>, vector<16xf32>,
          %bitcast3A_987 = vector.bitcast %get3A_986 : vector<16xf32> to vector<32xbf16>
          %add3A_988 = arith.constant 16 : i32
          %add3A_989 = arith.addi %mul3A_945, %add3A_988 : i32
          %get3A_990 = arith.index_cast %add3A_989 : i32 to index
          %get3A_991 = tpu.vector_load %arg9[%get3A_990] {strides = array<i32>} : memref<10240xf32, #tpu.memory_space<vmem>>, vector<16xf32>,
          %bitcast3A_992 = vector.bitcast %get3A_991 : vector<16xf32> to vector<32xbf16>
          %max3A_993 = arith.maximumf %bitcast3A_992, %bitcast3A_987 : vector<32xbf16>
          %bitcast3A_994 = vector.bitcast %max3A_993 : vector<32xbf16> to vector<16xf32>
          %swap3A_995 = arith.index_cast %add3A_989 : i32 to index
          %swap3A_996 = tpu.vector_load %arg9[%swap3A_995] {strides = array<i32>} : memref<10240xf32, #tpu.memory_space<vmem>>, vector<16xf32>,
          tpu.vector_store %arg9[%swap3A_995], %bitcast3A_994 {strides = array<i32>} : memref<10240xf32, #tpu.memory_space<vmem>>, vector<16xf32>,
          %add3A_997 = arith.constant 16 : i32
          %add3A_998 = arith.addi %mul3A_951, %add3A_997 : i32
          %get3A_999 = arith.index_cast %add3A_998 : i32 to index
          %get3A_1000 = tpu.vector_load %arg9[%get3A_999] {strides = array<i32>} : memref<10240xf32, #tpu.memory_space<vmem>>, vector<16xf32>,
          %bitcast3A_1001 = vector.bitcast %get3A_1000 : vector<16xf32> to vector<32xbf16>
          %max3A_1002 = arith.maximumf %bitcast3A_1001, %bitcast3A_987 : vector<32xbf16>
          %bitcast3A_1003 = vector.bitcast %max3A_1002 : vector<32xbf16> to vector<16xf32>
          %swap3A_1004 = arith.index_cast %add3A_998 : i32 to index
          %swap3A_1005 = tpu.vector_load %arg9[%swap3A_1004] {strides = array<i32>} : memref<10240xf32, #tpu.memory_space<vmem>>, vector<16xf32>,
          tpu.vector_store %arg9[%swap3A_1004], %bitcast3A_1003 {strides = array<i32>} : memref<10240xf32, #tpu.memory_space<vmem>>, vector<16xf32>,
          %mul3A_1006 = arith.constant 16 : i32
          %mul3A_1007 = arith.muli %scan3A_217, %mul3A_1006 : i32
          %add3A_1008 = arith.constant 6 : i32
          %add3A_1009 = arith.addi %mul3A_1007, %add3A_1008 : i32
          %get3A_1010 = arith.index_cast %select_n3A_186 : i32 to index
          %get3A_1011 = arith.index_cast %add3A_1009 : i32 to index
          %get3A_1012 = arith.constant 32 : index
          %get3A_1013 = tpu.vector_load %arg8[%get3A_1010, %get3A_1011, %get3A_1012] {strides = array<i32>} : memref<4x128x64xf32, #tpu.memory_space<vmem>>, vector<16xf32>,
          %bitcast3A_1014 = vector.bitcast %get3A_1013 : vector<16xf32> to vector<32xbf16>
          %add3A_1015 = arith.constant 32 : i32
          %add3A_1016 = arith.addi %mul3A_945, %add3A_1015 : i32
          %get3A_1017 = arith.index_cast %add3A_1016 : i32 to index
          %get3A_1018 = tpu.vector_load %arg9[%get3A_1017] {strides = array<i32>} : memref<10240xf32, #tpu.memory_space<vmem>>, vector<16xf32>,
          %bitcast3A_1019 = vector.bitcast %get3A_1018 : vector<16xf32> to vector<32xbf16>
          %max3A_1020 = arith.maximumf %bitcast3A_1019, %bitcast3A_1014 : vector<32xbf16>
          %bitcast3A_1021 = vector.bitcast %max3A_1020 : vector<32xbf16> to vector<16xf32>
          %swap3A_1022 = arith.index_cast %add3A_1016 : i32 to index
          %swap3A_1023 = tpu.vector_load %arg9[%swap3A_1022] {strides = array<i32>} : memref<10240xf32, #tpu.memory_space<vmem>>, vector<16xf32>,
          tpu.vector_store %arg9[%swap3A_1022], %bitcast3A_1021 {strides = array<i32>} : memref<10240xf32, #tpu.memory_space<vmem>>, vector<16xf32>,
          %add3A_1024 = arith.constant 32 : i32
          %add3A_1025 = arith.addi %mul3A_951, %add3A_1024 : i32
          %get3A_1026 = arith.index_cast %add3A_1025 : i32 to index
          %get3A_1027 = tpu.vector_load %arg9[%get3A_1026] {strides = array<i32>} : memref<10240xf32, #tpu.memory_space<vmem>>, vector<16xf32>,
          %bitcast3A_1028 = vector.bitcast %get3A_1027 : vector<16xf32> to vector<32xbf16>
          %max3A_1029 = arith.maximumf %bitcast3A_1028, %bitcast3A_1014 : vector<32xbf16>
          %bitcast3A_1030 = vector.bitcast %max3A_1029 : vector<32xbf16> to vector<16xf32>
          %swap3A_1031 = arith.index_cast %add3A_1025 : i32 to index
          %swap3A_1032 = tpu.vector_load %arg9[%swap3A_1031] {strides = array<i32>} : memref<10240xf32, #tpu.memory_space<vmem>>, vector<16xf32>,
          tpu.vector_store %arg9[%swap3A_1031], %bitcast3A_1030 {strides = array<i32>} : memref<10240xf32, #tpu.memory_space<vmem>>, vector<16xf32>,
          %mul3A_1033 = arith.constant 16 : i32
          %mul3A_1034 = arith.muli %scan3A_217, %mul3A_1033 : i32
          %add3A_1035 = arith.constant 6 : i32
          %add3A_1036 = arith.addi %mul3A_1034, %add3A_1035 : i32
          %get3A_1037 = arith.index_cast %select_n3A_186 : i32 to index
          %get3A_1038 = arith.index_cast %add3A_1036 : i32 to index
          %get3A_1039 = arith.constant 48 : index
          %get3A_1040 = tpu.vector_load %arg8[%get3A_1037, %get3A_1038, %get3A_1039] {strides = array<i32>} : memref<4x128x64xf32, #tpu.memory_space<vmem>>, vector<16xf32>,
          %bitcast3A_1041 = vector.bitcast %get3A_1040 : vector<16xf32> to vector<32xbf16>
          %add3A_1042 = arith.constant 48 : i32
          %add3A_1043 = arith.addi %mul3A_945, %add3A_1042 : i32
          %get3A_1044 = arith.index_cast %add3A_1043 : i32 to index
          %get3A_1045 = tpu.vector_load %arg9[%get3A_1044] {strides = array<i32>} : memref<10240xf32, #tpu.memory_space<vmem>>, vector<16xf32>,
          %bitcast3A_1046 = vector.bitcast %get3A_1045 : vector<16xf32> to vector<32xbf16>
          %max3A_1047 = arith.maximumf %bitcast3A_1046, %bitcast3A_1041 : vector<32xbf16>
          %bitcast3A_1048 = vector.bitcast %max3A_1047 : vector<32xbf16> to vector<16xf32>
          %swap3A_1049 = arith.index_cast %add3A_1043 : i32 to index
          %swap3A_1050 = tpu.vector_load %arg9[%swap3A_1049] {strides = array<i32>} : memref<10240xf32, #tpu.memory_space<vmem>>, vector<16xf32>,
          tpu.vector_store %arg9[%swap3A_1049], %bitcast3A_1048 {strides = array<i32>} : memref<10240xf32, #tpu.memory_space<vmem>>, vector<16xf32>,
          %add3A_1051 = arith.constant 48 : i32
          %add3A_1052 = arith.addi %mul3A_951, %add3A_1051 : i32
          %get3A_1053 = arith.index_cast %add3A_1052 : i32 to index
          %get3A_1054 = tpu.vector_load %arg9[%get3A_1053] {strides = array<i32>} : memref<10240xf32, #tpu.memory_space<vmem>>, vector<16xf32>,
          %bitcast3A_1055 = vector.bitcast %get3A_1054 : vector<16xf32> to vector<32xbf16>
          %max3A_1056 = arith.maximumf %bitcast3A_1055, %bitcast3A_1041 : vector<32xbf16>
          %bitcast3A_1057 = vector.bitcast %max3A_1056 : vector<32xbf16> to vector<16xf32>
          %swap3A_1058 = arith.index_cast %add3A_1052 : i32 to index
          %swap3A_1059 = tpu.vector_load %arg9[%swap3A_1058] {strides = array<i32>} : memref<10240xf32, #tpu.memory_space<vmem>>, vector<16xf32>,
          tpu.vector_store %arg9[%swap3A_1058], %bitcast3A_1057 {strides = array<i32>} : memref<10240xf32, #tpu.memory_space<vmem>>, vector<16xf32>,
          %slice3A_1060 = vector.extract_strided_slice %get3A_224 {offsets = [7], sizes = [1], strides = [1]} : vector<16xi32> to vector<1xi32>
          %squeeze3A_1061 = vector.extract %slice3A_1060[0] : i32 from vector<1xi32>
          %shift_right_arithmetic3A_1062 = arith.constant 7 : i32
          %shift_right_arithmetic3A_1063 = arith.shrsi %squeeze3A_1061, %shift_right_arithmetic3A_1062 : i32
          %mul3A_1064 = arith.constant 64 : i32
          %mul3A_1065 = arith.muli %shift_right_arithmetic3A_1063, %mul3A_1064 : i32
          %and3A_1066 = arith.constant 127 : i32
          %and3A_1067 = arith.andi %squeeze3A_1061, %and3A_1066 : i32
          %add3A_1068 = arith.constant 27 : i32
          %add3A_1069 = arith.addi %add3A_1068, %and3A_1067 : i32
          %mul3A_1070 = arith.constant 64 : i32
          %mul3A_1071 = arith.muli %add3A_1069, %mul3A_1070 : i32
          %mul3A_1072 = arith.constant 16 : i32
          %mul3A_1073 = arith.muli %scan3A_217, %mul3A_1072 : i32
          %add3A_1074 = arith.constant 7 : i32
          %add3A_1075 = arith.addi %mul3A_1073, %add3A_1074 : i32
          %get3A_1076 = arith.index_cast %select_n3A_186 : i32 to index
          %get3A_1077 = arith.index_cast %add3A_1075 : i32 to index
          %get3A_1078 = arith.constant 0 : index
          %get3A_1079 = tpu.vector_load %arg8[%get3A_1076, %get3A_1077, %get3A_1078] {strides = array<i32>} : memref<4x128x64xf32, #tpu.memory_space<vmem>>, vector<16xf32>,
          %bitcast3A_1080 = vector.bitcast %get3A_1079 : vector<16xf32> to vector<32xbf16>
          %add3A_1081 = arith.constant 0 : i32
          %add3A_1082 = arith.addi %mul3A_1065, %add3A_1081 : i32
          %get3A_1083 = arith.index_cast %add3A_1082 : i32 to index
          %get3A_1084 = tpu.vector_load %arg9[%get3A_1083] {strides = array<i32>} : memref<10240xf32, #tpu.memory_space<vmem>>, vector<16xf32>,
          %bitcast3A_1085 = vector.bitcast %get3A_1084 : vector<16xf32> to vector<32xbf16>
          %max3A_1086 = arith.maximumf %bitcast3A_1085, %bitcast3A_1080 : vector<32xbf16>
          %bitcast3A_1087 = vector.bitcast %max3A_1086 : vector<32xbf16> to vector<16xf32>
          %swap3A_1088 = arith.index_cast %add3A_1082 : i32 to index
          %swap3A_1089 = tpu.vector_load %arg9[%swap3A_1088] {strides = array<i32>} : memref<10240xf32, #tpu.memory_space<vmem>>, vector<16xf32>,
          tpu.vector_store %arg9[%swap3A_1088], %bitcast3A_1087 {strides = array<i32>} : memref<10240xf32, #tpu.memory_space<vmem>>, vector<16xf32>,
          %add3A_1090 = arith.constant 0 : i32
          %add3A_1091 = arith.addi %mul3A_1071, %add3A_1090 : i32
          %get3A_1092 = arith.index_cast %add3A_1091 : i32 to index
          %get3A_1093 = tpu.vector_load %arg9[%get3A_1092] {strides = array<i32>} : memref<10240xf32, #tpu.memory_space<vmem>>, vector<16xf32>,
          %bitcast3A_1094 = vector.bitcast %get3A_1093 : vector<16xf32> to vector<32xbf16>
          %max3A_1095 = arith.maximumf %bitcast3A_1094, %bitcast3A_1080 : vector<32xbf16>
          %bitcast3A_1096 = vector.bitcast %max3A_1095 : vector<32xbf16> to vector<16xf32>
          %swap3A_1097 = arith.index_cast %add3A_1091 : i32 to index
          %swap3A_1098 = tpu.vector_load %arg9[%swap3A_1097] {strides = array<i32>} : memref<10240xf32, #tpu.memory_space<vmem>>, vector<16xf32>,
          tpu.vector_store %arg9[%swap3A_1097], %bitcast3A_1096 {strides = array<i32>} : memref<10240xf32, #tpu.memory_space<vmem>>, vector<16xf32>,
          %mul3A_1099 = arith.constant 16 : i32
          %mul3A_1100 = arith.muli %scan3A_217, %mul3A_1099 : i32
          %add3A_1101 = arith.constant 7 : i32
          %add3A_1102 = arith.addi %mul3A_1100, %add3A_1101 : i32
          %get3A_1103 = arith.index_cast %select_n3A_186 : i32 to index
          %get3A_1104 = arith.index_cast %add3A_1102 : i32 to index
          %get3A_1105 = arith.constant 16 : index
          %get3A_1106 = tpu.vector_load %arg8[%get3A_1103, %get3A_1104, %get3A_1105] {strides = array<i32>} : memref<4x128x64xf32, #tpu.memory_space<vmem>>, vector<16xf32>,
          %bitcast3A_1107 = vector.bitcast %get3A_1106 : vector<16xf32> to vector<32xbf16>
          %add3A_1108 = arith.constant 16 : i32
          %add3A_1109 = arith.addi %mul3A_1065, %add3A_1108 : i32
          %get3A_1110 = arith.index_cast %add3A_1109 : i32 to index
          %get3A_1111 = tpu.vector_load %arg9[%get3A_1110] {strides = array<i32>} : memref<10240xf32, #tpu.memory_space<vmem>>, vector<16xf32>,
          %bitcast3A_1112 = vector.bitcast %get3A_1111 : vector<16xf32> to vector<32xbf16>
          %max3A_1113 = arith.maximumf %bitcast3A_1112, %bitcast3A_1107 : vector<32xbf16>
          %bitcast3A_1114 = vector.bitcast %max3A_1113 : vector<32xbf16> to vector<16xf32>
          %swap3A_1115 = arith.index_cast %add3A_1109 : i32 to index
          %swap3A_1116 = tpu.vector_load %arg9[%swap3A_1115] {strides = array<i32>} : memref<10240xf32, #tpu.memory_space<vmem>>, vector<16xf32>,
          tpu.vector_store %arg9[%swap3A_1115], %bitcast3A_1114 {strides = array<i32>} : memref<10240xf32, #tpu.memory_space<vmem>>, vector<16xf32>,
          %add3A_1117 = arith.constant 16 : i32
          %add3A_1118 = arith.addi %mul3A_1071, %add3A_1117 : i32
          %get3A_1119 = arith.index_cast %add3A_1118 : i32 to index
          %get3A_1120 = tpu.vector_load %arg9[%get3A_1119] {strides = array<i32>} : memref<10240xf32, #tpu.memory_space<vmem>>, vector<16xf32>,
          %bitcast3A_1121 = vector.bitcast %get3A_1120 : vector<16xf32> to vector<32xbf16>
          %max3A_1122 = arith.maximumf %bitcast3A_1121, %bitcast3A_1107 : vector<32xbf16>
          %bitcast3A_1123 = vector.bitcast %max3A_1122 : vector<32xbf16> to vector<16xf32>
          %swap3A_1124 = arith.index_cast %add3A_1118 : i32 to index
          %swap3A_1125 = tpu.vector_load %arg9[%swap3A_1124] {strides = array<i32>} : memref<10240xf32, #tpu.memory_space<vmem>>, vector<16xf32>,
          tpu.vector_store %arg9[%swap3A_1124], %bitcast3A_1123 {strides = array<i32>} : memref<10240xf32, #tpu.memory_space<vmem>>, vector<16xf32>,
          %mul3A_1126 = arith.constant 16 : i32
          %mul3A_1127 = arith.muli %scan3A_217, %mul3A_1126 : i32
          %add3A_1128 = arith.constant 7 : i32
          %add3A_1129 = arith.addi %mul3A_1127, %add3A_1128 : i32
          %get3A_1130 = arith.index_cast %select_n3A_186 : i32 to index
          %get3A_1131 = arith.index_cast %add3A_1129 : i32 to index
          %get3A_1132 = arith.constant 32 : index
          %get3A_1133 = tpu.vector_load %arg8[%get3A_1130, %get3A_1131, %get3A_1132] {strides = array<i32>} : memref<4x128x64xf32, #tpu.memory_space<vmem>>, vector<16xf32>,
          %bitcast3A_1134 = vector.bitcast %get3A_1133 : vector<16xf32> to vector<32xbf16>
          %add3A_1135 = arith.constant 32 : i32
          %add3A_1136 = arith.addi %mul3A_1065, %add3A_1135 : i32
          %get3A_1137 = arith.index_cast %add3A_1136 : i32 to index
          %get3A_1138 = tpu.vector_load %arg9[%get3A_1137] {strides = array<i32>} : memref<10240xf32, #tpu.memory_space<vmem>>, vector<16xf32>,
          %bitcast3A_1139 = vector.bitcast %get3A_1138 : vector<16xf32> to vector<32xbf16>
          %max3A_1140 = arith.maximumf %bitcast3A_1139, %bitcast3A_1134 : vector<32xbf16>
          %bitcast3A_1141 = vector.bitcast %max3A_1140 : vector<32xbf16> to vector<16xf32>
          %swap3A_1142 = arith.index_cast %add3A_1136 : i32 to index
          %swap3A_1143 = tpu.vector_load %arg9[%swap3A_1142] {strides = array<i32>} : memref<10240xf32, #tpu.memory_space<vmem>>, vector<16xf32>,
          tpu.vector_store %arg9[%swap3A_1142], %bitcast3A_1141 {strides = array<i32>} : memref<10240xf32, #tpu.memory_space<vmem>>, vector<16xf32>,
          %add3A_1144 = arith.constant 32 : i32
          %add3A_1145 = arith.addi %mul3A_1071, %add3A_1144 : i32
          %get3A_1146 = arith.index_cast %add3A_1145 : i32 to index
          %get3A_1147 = tpu.vector_load %arg9[%get3A_1146] {strides = array<i32>} : memref<10240xf32, #tpu.memory_space<vmem>>, vector<16xf32>,
          %bitcast3A_1148 = vector.bitcast %get3A_1147 : vector<16xf32> to vector<32xbf16>
          %max3A_1149 = arith.maximumf %bitcast3A_1148, %bitcast3A_1134 : vector<32xbf16>
          %bitcast3A_1150 = vector.bitcast %max3A_1149 : vector<32xbf16> to vector<16xf32>
          %swap3A_1151 = arith.index_cast %add3A_1145 : i32 to index
          %swap3A_1152 = tpu.vector_load %arg9[%swap3A_1151] {strides = array<i32>} : memref<10240xf32, #tpu.memory_space<vmem>>, vector<16xf32>,
          tpu.vector_store %arg9[%swap3A_1151], %bitcast3A_1150 {strides = array<i32>} : memref<10240xf32, #tpu.memory_space<vmem>>, vector<16xf32>,
          %mul3A_1153 = arith.constant 16 : i32
          %mul3A_1154 = arith.muli %scan3A_217, %mul3A_1153 : i32
          %add3A_1155 = arith.constant 7 : i32
          %add3A_1156 = arith.addi %mul3A_1154, %add3A_1155 : i32
          %get3A_1157 = arith.index_cast %select_n3A_186 : i32 to index
          %get3A_1158 = arith.index_cast %add3A_1156 : i32 to index
          %get3A_1159 = arith.constant 48 : index
          %get3A_1160 = tpu.vector_load %arg8[%get3A_1157, %get3A_1158, %get3A_1159] {strides = array<i32>} : memref<4x128x64xf32, #tpu.memory_space<vmem>>, vector<16xf32>,
          %bitcast3A_1161 = vector.bitcast %get3A_1160 : vector<16xf32> to vector<32xbf16>
          %add3A_1162 = arith.constant 48 : i32
          %add3A_1163 = arith.addi %mul3A_1065, %add3A_1162 : i32
          %get3A_1164 = arith.index_cast %add3A_1163 : i32 to index
          %get3A_1165 = tpu.vector_load %arg9[%get3A_1164] {strides = array<i32>} : memref<10240xf32, #tpu.memory_space<vmem>>, vector<16xf32>,
          %bitcast3A_1166 = vector.bitcast %get3A_1165 : vector<16xf32> to vector<32xbf16>
          %max3A_1167 = arith.maximumf %bitcast3A_1166, %bitcast3A_1161 : vector<32xbf16>
          %bitcast3A_1168 = vector.bitcast %max3A_1167 : vector<32xbf16> to vector<16xf32>
          %swap3A_1169 = arith.index_cast %add3A_1163 : i32 to index
          %swap3A_1170 = tpu.vector_load %arg9[%swap3A_1169] {strides = array<i32>} : memref<10240xf32, #tpu.memory_space<vmem>>, vector<16xf32>,
          tpu.vector_store %arg9[%swap3A_1169], %bitcast3A_1168 {strides = array<i32>} : memref<10240xf32, #tpu.memory_space<vmem>>, vector<16xf32>,
          %add3A_1171 = arith.constant 48 : i32
          %add3A_1172 = arith.addi %mul3A_1071, %add3A_1171 : i32
          %get3A_1173 = arith.index_cast %add3A_1172 : i32 to index
          %get3A_1174 = tpu.vector_load %arg9[%get3A_1173] {strides = array<i32>} : memref<10240xf32, #tpu.memory_space<vmem>>, vector<16xf32>,
          %bitcast3A_1175 = vector.bitcast %get3A_1174 : vector<16xf32> to vector<32xbf16>
          %max3A_1176 = arith.maximumf %bitcast3A_1175, %bitcast3A_1161 : vector<32xbf16>
          %bitcast3A_1177 = vector.bitcast %max3A_1176 : vector<32xbf16> to vector<16xf32>
          %swap3A_1178 = arith.index_cast %add3A_1172 : i32 to index
          %swap3A_1179 = tpu.vector_load %arg9[%swap3A_1178] {strides = array<i32>} : memref<10240xf32, #tpu.memory_space<vmem>>, vector<16xf32>,
          tpu.vector_store %arg9[%swap3A_1178], %bitcast3A_1177 {strides = array<i32>} : memref<10240xf32, #tpu.memory_space<vmem>>, vector<16xf32>,
          %slice3A_1180 = vector.extract_strided_slice %get3A_224 {offsets = [8], sizes = [1], strides = [1]} : vector<16xi32> to vector<1xi32>
          %squeeze3A_1181 = vector.extract %slice3A_1180[0] : i32 from vector<1xi32>
          %shift_right_arithmetic3A_1182 = arith.constant 7 : i32
          %shift_right_arithmetic3A_1183 = arith.shrsi %squeeze3A_1181, %shift_right_arithmetic3A_1182 : i32
          %mul3A_1184 = arith.constant 64 : i32
          %mul3A_1185 = arith.muli %shift_right_arithmetic3A_1183, %mul3A_1184 : i32
          %and3A_1186 = arith.constant 127 : i32
          %and3A_1187 = arith.andi %squeeze3A_1181, %and3A_1186 : i32
          %add3A_1188 = arith.constant 27 : i32
          %add3A_1189 = arith.addi %add3A_1188, %and3A_1187 : i32
          %mul3A_1190 = arith.constant 64 : i32
          %mul3A_1191 = arith.muli %add3A_1189, %mul3A_1190 : i32
          %mul3A_1192 = arith.constant 16 : i32
          %mul3A_1193 = arith.muli %scan3A_217, %mul3A_1192 : i32
          %add3A_1194 = arith.constant 8 : i32
          %add3A_1195 = arith.addi %mul3A_1193, %add3A_1194 : i32
          %get3A_1196 = arith.index_cast %select_n3A_186 : i32 to index
          %get3A_1197 = arith.index_cast %add3A_1195 : i32 to index
          %get3A_1198 = arith.constant 0 : index
          %get3A_1199 = tpu.vector_load %arg8[%get3A_1196, %get3A_1197, %get3A_1198] {strides = array<i32>} : memref<4x128x64xf32, #tpu.memory_space<vmem>>, vector<16xf32>,
          %bitcast3A_1200 = vector.bitcast %get3A_1199 : vector<16xf32> to vector<32xbf16>
          %add3A_1201 = arith.constant 0 : i32
          %add3A_1202 = arith.addi %mul3A_1185, %add3A_1201 : i32
          %get3A_1203 = arith.index_cast %add3A_1202 : i32 to index
          %get3A_1204 = tpu.vector_load %arg9[%get3A_1203] {strides = array<i32>} : memref<10240xf32, #tpu.memory_space<vmem>>, vector<16xf32>,
          %bitcast3A_1205 = vector.bitcast %get3A_1204 : vector<16xf32> to vector<32xbf16>
          %max3A_1206 = arith.maximumf %bitcast3A_1205, %bitcast3A_1200 : vector<32xbf16>
          %bitcast3A_1207 = vector.bitcast %max3A_1206 : vector<32xbf16> to vector<16xf32>
          %swap3A_1208 = arith.index_cast %add3A_1202 : i32 to index
          %swap3A_1209 = tpu.vector_load %arg9[%swap3A_1208] {strides = array<i32>} : memref<10240xf32, #tpu.memory_space<vmem>>, vector<16xf32>,
          tpu.vector_store %arg9[%swap3A_1208], %bitcast3A_1207 {strides = array<i32>} : memref<10240xf32, #tpu.memory_space<vmem>>, vector<16xf32>,
          %add3A_1210 = arith.constant 0 : i32
          %add3A_1211 = arith.addi %mul3A_1191, %add3A_1210 : i32
          %get3A_1212 = arith.index_cast %add3A_1211 : i32 to index
          %get3A_1213 = tpu.vector_load %arg9[%get3A_1212] {strides = array<i32>} : memref<10240xf32, #tpu.memory_space<vmem>>, vector<16xf32>,
          %bitcast3A_1214 = vector.bitcast %get3A_1213 : vector<16xf32> to vector<32xbf16>
          %max3A_1215 = arith.maximumf %bitcast3A_1214, %bitcast3A_1200 : vector<32xbf16>
          %bitcast3A_1216 = vector.bitcast %max3A_1215 : vector<32xbf16> to vector<16xf32>
          %swap3A_1217 = arith.index_cast %add3A_1211 : i32 to index
          %swap3A_1218 = tpu.vector_load %arg9[%swap3A_1217] {strides = array<i32>} : memref<10240xf32, #tpu.memory_space<vmem>>, vector<16xf32>,
          tpu.vector_store %arg9[%swap3A_1217], %bitcast3A_1216 {strides = array<i32>} : memref<10240xf32, #tpu.memory_space<vmem>>, vector<16xf32>,
          %mul3A_1219 = arith.constant 16 : i32
          %mul3A_1220 = arith.muli %scan3A_217, %mul3A_1219 : i32
          %add3A_1221 = arith.constant 8 : i32
          %add3A_1222 = arith.addi %mul3A_1220, %add3A_1221 : i32
          %get3A_1223 = arith.index_cast %select_n3A_186 : i32 to index
          %get3A_1224 = arith.index_cast %add3A_1222 : i32 to index
          %get3A_1225 = arith.constant 16 : index
          %get3A_1226 = tpu.vector_load %arg8[%get3A_1223, %get3A_1224, %get3A_1225] {strides = array<i32>} : memref<4x128x64xf32, #tpu.memory_space<vmem>>, vector<16xf32>,
          %bitcast3A_1227 = vector.bitcast %get3A_1226 : vector<16xf32> to vector<32xbf16>
          %add3A_1228 = arith.constant 16 : i32
          %add3A_1229 = arith.addi %mul3A_1185, %add3A_1228 : i32
          %get3A_1230 = arith.index_cast %add3A_1229 : i32 to index
          %get3A_1231 = tpu.vector_load %arg9[%get3A_1230] {strides = array<i32>} : memref<10240xf32, #tpu.memory_space<vmem>>, vector<16xf32>,
          %bitcast3A_1232 = vector.bitcast %get3A_1231 : vector<16xf32> to vector<32xbf16>
          %max3A_1233 = arith.maximumf %bitcast3A_1232, %bitcast3A_1227 : vector<32xbf16>
          %bitcast3A_1234 = vector.bitcast %max3A_1233 : vector<32xbf16> to vector<16xf32>
          %swap3A_1235 = arith.index_cast %add3A_1229 : i32 to index
          %swap3A_1236 = tpu.vector_load %arg9[%swap3A_1235] {strides = array<i32>} : memref<10240xf32, #tpu.memory_space<vmem>>, vector<16xf32>,
          tpu.vector_store %arg9[%swap3A_1235], %bitcast3A_1234 {strides = array<i32>} : memref<10240xf32, #tpu.memory_space<vmem>>, vector<16xf32>,
          %add3A_1237 = arith.constant 16 : i32
          %add3A_1238 = arith.addi %mul3A_1191, %add3A_1237 : i32
          %get3A_1239 = arith.index_cast %add3A_1238 : i32 to index
          %get3A_1240 = tpu.vector_load %arg9[%get3A_1239] {strides = array<i32>} : memref<10240xf32, #tpu.memory_space<vmem>>, vector<16xf32>,
          %bitcast3A_1241 = vector.bitcast %get3A_1240 : vector<16xf32> to vector<32xbf16>
          %max3A_1242 = arith.maximumf %bitcast3A_1241, %bitcast3A_1227 : vector<32xbf16>
          %bitcast3A_1243 = vector.bitcast %max3A_1242 : vector<32xbf16> to vector<16xf32>
          %swap3A_1244 = arith.index_cast %add3A_1238 : i32 to index
          %swap3A_1245 = tpu.vector_load %arg9[%swap3A_1244] {strides = array<i32>} : memref<10240xf32, #tpu.memory_space<vmem>>, vector<16xf32>,
          tpu.vector_store %arg9[%swap3A_1244], %bitcast3A_1243 {strides = array<i32>} : memref<10240xf32, #tpu.memory_space<vmem>>, vector<16xf32>,
          %mul3A_1246 = arith.constant 16 : i32
          %mul3A_1247 = arith.muli %scan3A_217, %mul3A_1246 : i32
          %add3A_1248 = arith.constant 8 : i32
          %add3A_1249 = arith.addi %mul3A_1247, %add3A_1248 : i32
          %get3A_1250 = arith.index_cast %select_n3A_186 : i32 to index
          %get3A_1251 = arith.index_cast %add3A_1249 : i32 to index
          %get3A_1252 = arith.constant 32 : index
          %get3A_1253 = tpu.vector_load %arg8[%get3A_1250, %get3A_1251, %get3A_1252] {strides = array<i32>} : memref<4x128x64xf32, #tpu.memory_space<vmem>>, vector<16xf32>,
          %bitcast3A_1254 = vector.bitcast %get3A_1253 : vector<16xf32> to vector<32xbf16>
          %add3A_1255 = arith.constant 32 : i32
          %add3A_1256 = arith.addi %mul3A_1185, %add3A_1255 : i32
          %get3A_1257 = arith.index_cast %add3A_1256 : i32 to index
          %get3A_1258 = tpu.vector_load %arg9[%get3A_1257] {strides = array<i32>} : memref<10240xf32, #tpu.memory_space<vmem>>, vector<16xf32>,
          %bitcast3A_1259 = vector.bitcast %get3A_1258 : vector<16xf32> to vector<32xbf16>
          %max3A_1260 = arith.maximumf %bitcast3A_1259, %bitcast3A_1254 : vector<32xbf16>
          %bitcast3A_1261 = vector.bitcast %max3A_1260 : vector<32xbf16> to vector<16xf32>
          %swap3A_1262 = arith.index_cast %add3A_1256 : i32 to index
          %swap3A_1263 = tpu.vector_load %arg9[%swap3A_1262] {strides = array<i32>} : memref<10240xf32, #tpu.memory_space<vmem>>, vector<16xf32>,
          tpu.vector_store %arg9[%swap3A_1262], %bitcast3A_1261 {strides = array<i32>} : memref<10240xf32, #tpu.memory_space<vmem>>, vector<16xf32>,
          %add3A_1264 = arith.constant 32 : i32
          %add3A_1265 = arith.addi %mul3A_1191, %add3A_1264 : i32
          %get3A_1266 = arith.index_cast %add3A_1265 : i32 to index
          %get3A_1267 = tpu.vector_load %arg9[%get3A_1266] {strides = array<i32>} : memref<10240xf32, #tpu.memory_space<vmem>>, vector<16xf32>,
          %bitcast3A_1268 = vector.bitcast %get3A_1267 : vector<16xf32> to vector<32xbf16>
          %max3A_1269 = arith.maximumf %bitcast3A_1268, %bitcast3A_1254 : vector<32xbf16>
          %bitcast3A_1270 = vector.bitcast %max3A_1269 : vector<32xbf16> to vector<16xf32>
          %swap3A_1271 = arith.index_cast %add3A_1265 : i32 to index
          %swap3A_1272 = tpu.vector_load %arg9[%swap3A_1271] {strides = array<i32>} : memref<10240xf32, #tpu.memory_space<vmem>>, vector<16xf32>,
          tpu.vector_store %arg9[%swap3A_1271], %bitcast3A_1270 {strides = array<i32>} : memref<10240xf32, #tpu.memory_space<vmem>>, vector<16xf32>,
          %mul3A_1273 = arith.constant 16 : i32
          %mul3A_1274 = arith.muli %scan3A_217, %mul3A_1273 : i32
          %add3A_1275 = arith.constant 8 : i32
          %add3A_1276 = arith.addi %mul3A_1274, %add3A_1275 : i32
          %get3A_1277 = arith.index_cast %select_n3A_186 : i32 to index
          %get3A_1278 = arith.index_cast %add3A_1276 : i32 to index
          %get3A_1279 = arith.constant 48 : index
          %get3A_1280 = tpu.vector_load %arg8[%get3A_1277, %get3A_1278, %get3A_1279] {strides = array<i32>} : memref<4x128x64xf32, #tpu.memory_space<vmem>>, vector<16xf32>,
          %bitcast3A_1281 = vector.bitcast %get3A_1280 : vector<16xf32> to vector<32xbf16>
          %add3A_1282 = arith.constant 48 : i32
          %add3A_1283 = arith.addi %mul3A_1185, %add3A_1282 : i32
          %get3A_1284 = arith.index_cast %add3A_1283 : i32 to index
          %get3A_1285 = tpu.vector_load %arg9[%get3A_1284] {strides = array<i32>} : memref<10240xf32, #tpu.memory_space<vmem>>, vector<16xf32>,
          %bitcast3A_1286 = vector.bitcast %get3A_1285 : vector<16xf32> to vector<32xbf16>
          %max3A_1287 = arith.maximumf %bitcast3A_1286, %bitcast3A_1281 : vector<32xbf16>
          %bitcast3A_1288 = vector.bitcast %max3A_1287 : vector<32xbf16> to vector<16xf32>
          %swap3A_1289 = arith.index_cast %add3A_1283 : i32 to index
          %swap3A_1290 = tpu.vector_load %arg9[%swap3A_1289] {strides = array<i32>} : memref<10240xf32, #tpu.memory_space<vmem>>, vector<16xf32>,
          tpu.vector_store %arg9[%swap3A_1289], %bitcast3A_1288 {strides = array<i32>} : memref<10240xf32, #tpu.memory_space<vmem>>, vector<16xf32>,
          %add3A_1291 = arith.constant 48 : i32
          %add3A_1292 = arith.addi %mul3A_1191, %add3A_1291 : i32
          %get3A_1293 = arith.index_cast %add3A_1292 : i32 to index
          %get3A_1294 = tpu.vector_load %arg9[%get3A_1293] {strides = array<i32>} : memref<10240xf32, #tpu.memory_space<vmem>>, vector<16xf32>,
          %bitcast3A_1295 = vector.bitcast %get3A_1294 : vector<16xf32> to vector<32xbf16>
          %max3A_1296 = arith.maximumf %bitcast3A_1295, %bitcast3A_1281 : vector<32xbf16>
          %bitcast3A_1297 = vector.bitcast %max3A_1296 : vector<32xbf16> to vector<16xf32>
          %swap3A_1298 = arith.index_cast %add3A_1292 : i32 to index
          %swap3A_1299 = tpu.vector_load %arg9[%swap3A_1298] {strides = array<i32>} : memref<10240xf32, #tpu.memory_space<vmem>>, vector<16xf32>,
          tpu.vector_store %arg9[%swap3A_1298], %bitcast3A_1297 {strides = array<i32>} : memref<10240xf32, #tpu.memory_space<vmem>>, vector<16xf32>,
          %slice3A_1300 = vector.extract_strided_slice %get3A_224 {offsets = [9], sizes = [1], strides = [1]} : vector<16xi32> to vector<1xi32>
          %squeeze3A_1301 = vector.extract %slice3A_1300[0] : i32 from vector<1xi32>
          %shift_right_arithmetic3A_1302 = arith.constant 7 : i32
          %shift_right_arithmetic3A_1303 = arith.shrsi %squeeze3A_1301, %shift_right_arithmetic3A_1302 : i32
          %mul3A_1304 = arith.constant 64 : i32
          %mul3A_1305 = arith.muli %shift_right_arithmetic3A_1303, %mul3A_1304 : i32
          %and3A_1306 = arith.constant 127 : i32
          %and3A_1307 = arith.andi %squeeze3A_1301, %and3A_1306 : i32
          %add3A_1308 = arith.constant 27 : i32
          %add3A_1309 = arith.addi %add3A_1308, %and3A_1307 : i32
          %mul3A_1310 = arith.constant 64 : i32
          %mul3A_1311 = arith.muli %add3A_1309, %mul3A_1310 : i32
          %mul3A_1312 = arith.constant 16 : i32
          %mul3A_1313 = arith.muli %scan3A_217, %mul3A_1312 : i32
          %add3A_1314 = arith.constant 9 : i32
          %add3A_1315 = arith.addi %mul3A_1313, %add3A_1314 : i32
          %get3A_1316 = arith.index_cast %select_n3A_186 : i32 to index
          %get3A_1317 = arith.index_cast %add3A_1315 : i32 to index
          %get3A_1318 = arith.constant 0 : index
          %get3A_1319 = tpu.vector_load %arg8[%get3A_1316, %get3A_1317, %get3A_1318] {strides = array<i32>} : memref<4x128x64xf32, #tpu.memory_space<vmem>>, vector<16xf32>,
          %bitcast3A_1320 = vector.bitcast %get3A_1319 : vector<16xf32> to vector<32xbf16>
          %add3A_1321 = arith.constant 0 : i32
          %add3A_1322 = arith.addi %mul3A_1305, %add3A_1321 : i32
          %get3A_1323 = arith.index_cast %add3A_1322 : i32 to index
          %get3A_1324 = tpu.vector_load %arg9[%get3A_1323] {strides = array<i32>} : memref<10240xf32, #tpu.memory_space<vmem>>, vector<16xf32>,
          %bitcast3A_1325 = vector.bitcast %get3A_1324 : vector<16xf32> to vector<32xbf16>
          %max3A_1326 = arith.maximumf %bitcast3A_1325, %bitcast3A_1320 : vector<32xbf16>
          %bitcast3A_1327 = vector.bitcast %max3A_1326 : vector<32xbf16> to vector<16xf32>
          %swap3A_1328 = arith.index_cast %add3A_1322 : i32 to index
          %swap3A_1329 = tpu.vector_load %arg9[%swap3A_1328] {strides = array<i32>} : memref<10240xf32, #tpu.memory_space<vmem>>, vector<16xf32>,
          tpu.vector_store %arg9[%swap3A_1328], %bitcast3A_1327 {strides = array<i32>} : memref<10240xf32, #tpu.memory_space<vmem>>, vector<16xf32>,
          %add3A_1330 = arith.constant 0 : i32
          %add3A_1331 = arith.addi %mul3A_1311, %add3A_1330 : i32
          %get3A_1332 = arith.index_cast %add3A_1331 : i32 to index
          %get3A_1333 = tpu.vector_load %arg9[%get3A_1332] {strides = array<i32>} : memref<10240xf32, #tpu.memory_space<vmem>>, vector<16xf32>,
          %bitcast3A_1334 = vector.bitcast %get3A_1333 : vector<16xf32> to vector<32xbf16>
          %max3A_1335 = arith.maximumf %bitcast3A_1334, %bitcast3A_1320 : vector<32xbf16>
          %bitcast3A_1336 = vector.bitcast %max3A_1335 : vector<32xbf16> to vector<16xf32>
          %swap3A_1337 = arith.index_cast %add3A_1331 : i32 to index
          %swap3A_1338 = tpu.vector_load %arg9[%swap3A_1337] {strides = array<i32>} : memref<10240xf32, #tpu.memory_space<vmem>>, vector<16xf32>,
          tpu.vector_store %arg9[%swap3A_1337], %bitcast3A_1336 {strides = array<i32>} : memref<10240xf32, #tpu.memory_space<vmem>>, vector<16xf32>,
          %mul3A_1339 = arith.constant 16 : i32
          %mul3A_1340 = arith.muli %scan3A_217, %mul3A_1339 : i32
          %add3A_1341 = arith.constant 9 : i32
          %add3A_1342 = arith.addi %mul3A_1340, %add3A_1341 : i32
          %get3A_1343 = arith.index_cast %select_n3A_186 : i32 to index
          %get3A_1344 = arith.index_cast %add3A_1342 : i32 to index
          %get3A_1345 = arith.constant 16 : index
          %get3A_1346 = tpu.vector_load %arg8[%get3A_1343, %get3A_1344, %get3A_1345] {strides = array<i32>} : memref<4x128x64xf32, #tpu.memory_space<vmem>>, vector<16xf32>,
          %bitcast3A_1347 = vector.bitcast %get3A_1346 : vector<16xf32> to vector<32xbf16>
          %add3A_1348 = arith.constant 16 : i32
          %add3A_1349 = arith.addi %mul3A_1305, %add3A_1348 : i32
          %get3A_1350 = arith.index_cast %add3A_1349 : i32 to index
          %get3A_1351 = tpu.vector_load %arg9[%get3A_1350] {strides = array<i32>} : memref<10240xf32, #tpu.memory_space<vmem>>, vector<16xf32>,
          %bitcast3A_1352 = vector.bitcast %get3A_1351 : vector<16xf32> to vector<32xbf16>
          %max3A_1353 = arith.maximumf %bitcast3A_1352, %bitcast3A_1347 : vector<32xbf16>
          %bitcast3A_1354 = vector.bitcast %max3A_1353 : vector<32xbf16> to vector<16xf32>
          %swap3A_1355 = arith.index_cast %add3A_1349 : i32 to index
          %swap3A_1356 = tpu.vector_load %arg9[%swap3A_1355] {strides = array<i32>} : memref<10240xf32, #tpu.memory_space<vmem>>, vector<16xf32>,
          tpu.vector_store %arg9[%swap3A_1355], %bitcast3A_1354 {strides = array<i32>} : memref<10240xf32, #tpu.memory_space<vmem>>, vector<16xf32>,
          %add3A_1357 = arith.constant 16 : i32
          %add3A_1358 = arith.addi %mul3A_1311, %add3A_1357 : i32
          %get3A_1359 = arith.index_cast %add3A_1358 : i32 to index
          %get3A_1360 = tpu.vector_load %arg9[%get3A_1359] {strides = array<i32>} : memref<10240xf32, #tpu.memory_space<vmem>>, vector<16xf32>,
          %bitcast3A_1361 = vector.bitcast %get3A_1360 : vector<16xf32> to vector<32xbf16>
          %max3A_1362 = arith.maximumf %bitcast3A_1361, %bitcast3A_1347 : vector<32xbf16>
          %bitcast3A_1363 = vector.bitcast %max3A_1362 : vector<32xbf16> to vector<16xf32>
          %swap3A_1364 = arith.index_cast %add3A_1358 : i32 to index
          %swap3A_1365 = tpu.vector_load %arg9[%swap3A_1364] {strides = array<i32>} : memref<10240xf32, #tpu.memory_space<vmem>>, vector<16xf32>,
          tpu.vector_store %arg9[%swap3A_1364], %bitcast3A_1363 {strides = array<i32>} : memref<10240xf32, #tpu.memory_space<vmem>>, vector<16xf32>,
          %mul3A_1366 = arith.constant 16 : i32
          %mul3A_1367 = arith.muli %scan3A_217, %mul3A_1366 : i32
          %add3A_1368 = arith.constant 9 : i32
          %add3A_1369 = arith.addi %mul3A_1367, %add3A_1368 : i32
          %get3A_1370 = arith.index_cast %select_n3A_186 : i32 to index
          %get3A_1371 = arith.index_cast %add3A_1369 : i32 to index
          %get3A_1372 = arith.constant 32 : index
          %get3A_1373 = tpu.vector_load %arg8[%get3A_1370, %get3A_1371, %get3A_1372] {strides = array<i32>} : memref<4x128x64xf32, #tpu.memory_space<vmem>>, vector<16xf32>,
          %bitcast3A_1374 = vector.bitcast %get3A_1373 : vector<16xf32> to vector<32xbf16>
          %add3A_1375 = arith.constant 32 : i32
          %add3A_1376 = arith.addi %mul3A_1305, %add3A_1375 : i32
          %get3A_1377 = arith.index_cast %add3A_1376 : i32 to index
          %get3A_1378 = tpu.vector_load %arg9[%get3A_1377] {strides = array<i32>} : memref<10240xf32, #tpu.memory_space<vmem>>, vector<16xf32>,
          %bitcast3A_1379 = vector.bitcast %get3A_1378 : vector<16xf32> to vector<32xbf16>
          %max3A_1380 = arith.maximumf %bitcast3A_1379, %bitcast3A_1374 : vector<32xbf16>
          %bitcast3A_1381 = vector.bitcast %max3A_1380 : vector<32xbf16> to vector<16xf32>
          %swap3A_1382 = arith.index_cast %add3A_1376 : i32 to index
          %swap3A_1383 = tpu.vector_load %arg9[%swap3A_1382] {strides = array<i32>} : memref<10240xf32, #tpu.memory_space<vmem>>, vector<16xf32>,
          tpu.vector_store %arg9[%swap3A_1382], %bitcast3A_1381 {strides = array<i32>} : memref<10240xf32, #tpu.memory_space<vmem>>, vector<16xf32>,
          %add3A_1384 = arith.constant 32 : i32
          %add3A_1385 = arith.addi %mul3A_1311, %add3A_1384 : i32
          %get3A_1386 = arith.index_cast %add3A_1385 : i32 to index
          %get3A_1387 = tpu.vector_load %arg9[%get3A_1386] {strides = array<i32>} : memref<10240xf32, #tpu.memory_space<vmem>>, vector<16xf32>,
          %bitcast3A_1388 = vector.bitcast %get3A_1387 : vector<16xf32> to vector<32xbf16>
          %max3A_1389 = arith.maximumf %bitcast3A_1388, %bitcast3A_1374 : vector<32xbf16>
          %bitcast3A_1390 = vector.bitcast %max3A_1389 : vector<32xbf16> to vector<16xf32>
          %swap3A_1391 = arith.index_cast %add3A_1385 : i32 to index
          %swap3A_1392 = tpu.vector_load %arg9[%swap3A_1391] {strides = array<i32>} : memref<10240xf32, #tpu.memory_space<vmem>>, vector<16xf32>,
          tpu.vector_store %arg9[%swap3A_1391], %bitcast3A_1390 {strides = array<i32>} : memref<10240xf32, #tpu.memory_space<vmem>>, vector<16xf32>,
          %mul3A_1393 = arith.constant 16 : i32
          %mul3A_1394 = arith.muli %scan3A_217, %mul3A_1393 : i32
          %add3A_1395 = arith.constant 9 : i32
          %add3A_1396 = arith.addi %mul3A_1394, %add3A_1395 : i32
          %get3A_1397 = arith.index_cast %select_n3A_186 : i32 to index
          %get3A_1398 = arith.index_cast %add3A_1396 : i32 to index
          %get3A_1399 = arith.constant 48 : index
          %get3A_1400 = tpu.vector_load %arg8[%get3A_1397, %get3A_1398, %get3A_1399] {strides = array<i32>} : memref<4x128x64xf32, #tpu.memory_space<vmem>>, vector<16xf32>,
          %bitcast3A_1401 = vector.bitcast %get3A_1400 : vector<16xf32> to vector<32xbf16>
          %add3A_1402 = arith.constant 48 : i32
          %add3A_1403 = arith.addi %mul3A_1305, %add3A_1402 : i32
          %get3A_1404 = arith.index_cast %add3A_1403 : i32 to index
          %get3A_1405 = tpu.vector_load %arg9[%get3A_1404] {strides = array<i32>} : memref<10240xf32, #tpu.memory_space<vmem>>, vector<16xf32>,
          %bitcast3A_1406 = vector.bitcast %get3A_1405 : vector<16xf32> to vector<32xbf16>
          %max3A_1407 = arith.maximumf %bitcast3A_1406, %bitcast3A_1401 : vector<32xbf16>
          %bitcast3A_1408 = vector.bitcast %max3A_1407 : vector<32xbf16> to vector<16xf32>
          %swap3A_1409 = arith.index_cast %add3A_1403 : i32 to index
          %swap3A_1410 = tpu.vector_load %arg9[%swap3A_1409] {strides = array<i32>} : memref<10240xf32, #tpu.memory_space<vmem>>, vector<16xf32>,
          tpu.vector_store %arg9[%swap3A_1409], %bitcast3A_1408 {strides = array<i32>} : memref<10240xf32, #tpu.memory_space<vmem>>, vector<16xf32>,
          %add3A_1411 = arith.constant 48 : i32
          %add3A_1412 = arith.addi %mul3A_1311, %add3A_1411 : i32
          %get3A_1413 = arith.index_cast %add3A_1412 : i32 to index
          %get3A_1414 = tpu.vector_load %arg9[%get3A_1413] {strides = array<i32>} : memref<10240xf32, #tpu.memory_space<vmem>>, vector<16xf32>,
          %bitcast3A_1415 = vector.bitcast %get3A_1414 : vector<16xf32> to vector<32xbf16>
          %max3A_1416 = arith.maximumf %bitcast3A_1415, %bitcast3A_1401 : vector<32xbf16>
          %bitcast3A_1417 = vector.bitcast %max3A_1416 : vector<32xbf16> to vector<16xf32>
          %swap3A_1418 = arith.index_cast %add3A_1412 : i32 to index
          %swap3A_1419 = tpu.vector_load %arg9[%swap3A_1418] {strides = array<i32>} : memref<10240xf32, #tpu.memory_space<vmem>>, vector<16xf32>,
          tpu.vector_store %arg9[%swap3A_1418], %bitcast3A_1417 {strides = array<i32>} : memref<10240xf32, #tpu.memory_space<vmem>>, vector<16xf32>,
          %slice3A_1420 = vector.extract_strided_slice %get3A_224 {offsets = [10], sizes = [1], strides = [1]} : vector<16xi32> to vector<1xi32>
          %squeeze3A_1421 = vector.extract %slice3A_1420[0] : i32 from vector<1xi32>
          %shift_right_arithmetic3A_1422 = arith.constant 7 : i32
          %shift_right_arithmetic3A_1423 = arith.shrsi %squeeze3A_1421, %shift_right_arithmetic3A_1422 : i32
          %mul3A_1424 = arith.constant 64 : i32
          %mul3A_1425 = arith.muli %shift_right_arithmetic3A_1423, %mul3A_1424 : i32
          %and3A_1426 = arith.constant 127 : i32
          %and3A_1427 = arith.andi %squeeze3A_1421, %and3A_1426 : i32
          %add3A_1428 = arith.constant 27 : i32
          %add3A_1429 = arith.addi %add3A_1428, %and3A_1427 : i32
          %mul3A_1430 = arith.constant 64 : i32
          %mul3A_1431 = arith.muli %add3A_1429, %mul3A_1430 : i32
          %mul3A_1432 = arith.constant 16 : i32
          %mul3A_1433 = arith.muli %scan3A_217, %mul3A_1432 : i32
          %add3A_1434 = arith.constant 10 : i32
          %add3A_1435 = arith.addi %mul3A_1433, %add3A_1434 : i32
          %get3A_1436 = arith.index_cast %select_n3A_186 : i32 to index
          %get3A_1437 = arith.index_cast %add3A_1435 : i32 to index
          %get3A_1438 = arith.constant 0 : index
          %get3A_1439 = tpu.vector_load %arg8[%get3A_1436, %get3A_1437, %get3A_1438] {strides = array<i32>} : memref<4x128x64xf32, #tpu.memory_space<vmem>>, vector<16xf32>,
          %bitcast3A_1440 = vector.bitcast %get3A_1439 : vector<16xf32> to vector<32xbf16>
          %add3A_1441 = arith.constant 0 : i32
          %add3A_1442 = arith.addi %mul3A_1425, %add3A_1441 : i32
          %get3A_1443 = arith.index_cast %add3A_1442 : i32 to index
          %get3A_1444 = tpu.vector_load %arg9[%get3A_1443] {strides = array<i32>} : memref<10240xf32, #tpu.memory_space<vmem>>, vector<16xf32>,
          %bitcast3A_1445 = vector.bitcast %get3A_1444 : vector<16xf32> to vector<32xbf16>
          %max3A_1446 = arith.maximumf %bitcast3A_1445, %bitcast3A_1440 : vector<32xbf16>
          %bitcast3A_1447 = vector.bitcast %max3A_1446 : vector<32xbf16> to vector<16xf32>
          %swap3A_1448 = arith.index_cast %add3A_1442 : i32 to index
          %swap3A_1449 = tpu.vector_load %arg9[%swap3A_1448] {strides = array<i32>} : memref<10240xf32, #tpu.memory_space<vmem>>, vector<16xf32>,
          tpu.vector_store %arg9[%swap3A_1448], %bitcast3A_1447 {strides = array<i32>} : memref<10240xf32, #tpu.memory_space<vmem>>, vector<16xf32>,
          %add3A_1450 = arith.constant 0 : i32
          %add3A_1451 = arith.addi %mul3A_1431, %add3A_1450 : i32
          %get3A_1452 = arith.index_cast %add3A_1451 : i32 to index
          %get3A_1453 = tpu.vector_load %arg9[%get3A_1452] {strides = array<i32>} : memref<10240xf32, #tpu.memory_space<vmem>>, vector<16xf32>,
          %bitcast3A_1454 = vector.bitcast %get3A_1453 : vector<16xf32> to vector<32xbf16>
          %max3A_1455 = arith.maximumf %bitcast3A_1454, %bitcast3A_1440 : vector<32xbf16>
          %bitcast3A_1456 = vector.bitcast %max3A_1455 : vector<32xbf16> to vector<16xf32>
          %swap3A_1457 = arith.index_cast %add3A_1451 : i32 to index
          %swap3A_1458 = tpu.vector_load %arg9[%swap3A_1457] {strides = array<i32>} : memref<10240xf32, #tpu.memory_space<vmem>>, vector<16xf32>,
          tpu.vector_store %arg9[%swap3A_1457], %bitcast3A_1456 {strides = array<i32>} : memref<10240xf32, #tpu.memory_space<vmem>>, vector<16xf32>,
          %mul3A_1459 = arith.constant 16 : i32
          %mul3A_1460 = arith.muli %scan3A_217, %mul3A_1459 : i32
          %add3A_1461 = arith.constant 10 : i32
          %add3A_1462 = arith.addi %mul3A_1460, %add3A_1461 : i32
          %get3A_1463 = arith.index_cast %select_n3A_186 : i32 to index
          %get3A_1464 = arith.index_cast %add3A_1462 : i32 to index
          %get3A_1465 = arith.constant 16 : index
          %get3A_1466 = tpu.vector_load %arg8[%get3A_1463, %get3A_1464, %get3A_1465] {strides = array<i32>} : memref<4x128x64xf32, #tpu.memory_space<vmem>>, vector<16xf32>,
          %bitcast3A_1467 = vector.bitcast %get3A_1466 : vector<16xf32> to vector<32xbf16>
          %add3A_1468 = arith.constant 16 : i32
          %add3A_1469 = arith.addi %mul3A_1425, %add3A_1468 : i32
          %get3A_1470 = arith.index_cast %add3A_1469 : i32 to index
          %get3A_1471 = tpu.vector_load %arg9[%get3A_1470] {strides = array<i32>} : memref<10240xf32, #tpu.memory_space<vmem>>, vector<16xf32>,
          %bitcast3A_1472 = vector.bitcast %get3A_1471 : vector<16xf32> to vector<32xbf16>
          %max3A_1473 = arith.maximumf %bitcast3A_1472, %bitcast3A_1467 : vector<32xbf16>
          %bitcast3A_1474 = vector.bitcast %max3A_1473 : vector<32xbf16> to vector<16xf32>
          %swap3A_1475 = arith.index_cast %add3A_1469 : i32 to index
          %swap3A_1476 = tpu.vector_load %arg9[%swap3A_1475] {strides = array<i32>} : memref<10240xf32, #tpu.memory_space<vmem>>, vector<16xf32>,
          tpu.vector_store %arg9[%swap3A_1475], %bitcast3A_1474 {strides = array<i32>} : memref<10240xf32, #tpu.memory_space<vmem>>, vector<16xf32>,
          %add3A_1477 = arith.constant 16 : i32
          %add3A_1478 = arith.addi %mul3A_1431, %add3A_1477 : i32
          %get3A_1479 = arith.index_cast %add3A_1478 : i32 to index
          %get3A_1480 = tpu.vector_load %arg9[%get3A_1479] {strides = array<i32>} : memref<10240xf32, #tpu.memory_space<vmem>>, vector<16xf32>,
          %bitcast3A_1481 = vector.bitcast %get3A_1480 : vector<16xf32> to vector<32xbf16>
          %max3A_1482 = arith.maximumf %bitcast3A_1481, %bitcast3A_1467 : vector<32xbf16>
          %bitcast3A_1483 = vector.bitcast %max3A_1482 : vector<32xbf16> to vector<16xf32>
          %swap3A_1484 = arith.index_cast %add3A_1478 : i32 to index
          %swap3A_1485 = tpu.vector_load %arg9[%swap3A_1484] {strides = array<i32>} : memref<10240xf32, #tpu.memory_space<vmem>>, vector<16xf32>,
          tpu.vector_store %arg9[%swap3A_1484], %bitcast3A_1483 {strides = array<i32>} : memref<10240xf32, #tpu.memory_space<vmem>>, vector<16xf32>,
          %mul3A_1486 = arith.constant 16 : i32
          %mul3A_1487 = arith.muli %scan3A_217, %mul3A_1486 : i32
          %add3A_1488 = arith.constant 10 : i32
          %add3A_1489 = arith.addi %mul3A_1487, %add3A_1488 : i32
          %get3A_1490 = arith.index_cast %select_n3A_186 : i32 to index
          %get3A_1491 = arith.index_cast %add3A_1489 : i32 to index
          %get3A_1492 = arith.constant 32 : index
          %get3A_1493 = tpu.vector_load %arg8[%get3A_1490, %get3A_1491, %get3A_1492] {strides = array<i32>} : memref<4x128x64xf32, #tpu.memory_space<vmem>>, vector<16xf32>,
          %bitcast3A_1494 = vector.bitcast %get3A_1493 : vector<16xf32> to vector<32xbf16>
          %add3A_1495 = arith.constant 32 : i32
          %add3A_1496 = arith.addi %mul3A_1425, %add3A_1495 : i32
          %get3A_1497 = arith.index_cast %add3A_1496 : i32 to index
          %get3A_1498 = tpu.vector_load %arg9[%get3A_1497] {strides = array<i32>} : memref<10240xf32, #tpu.memory_space<vmem>>, vector<16xf32>,
          %bitcast3A_1499 = vector.bitcast %get3A_1498 : vector<16xf32> to vector<32xbf16>
          %max3A_1500 = arith.maximumf %bitcast3A_1499, %bitcast3A_1494 : vector<32xbf16>
          %bitcast3A_1501 = vector.bitcast %max3A_1500 : vector<32xbf16> to vector<16xf32>
          %swap3A_1502 = arith.index_cast %add3A_1496 : i32 to index
          %swap3A_1503 = tpu.vector_load %arg9[%swap3A_1502] {strides = array<i32>} : memref<10240xf32, #tpu.memory_space<vmem>>, vector<16xf32>,
          tpu.vector_store %arg9[%swap3A_1502], %bitcast3A_1501 {strides = array<i32>} : memref<10240xf32, #tpu.memory_space<vmem>>, vector<16xf32>,
          %add3A_1504 = arith.constant 32 : i32
          %add3A_1505 = arith.addi %mul3A_1431, %add3A_1504 : i32
          %get3A_1506 = arith.index_cast %add3A_1505 : i32 to index
          %get3A_1507 = tpu.vector_load %arg9[%get3A_1506] {strides = array<i32>} : memref<10240xf32, #tpu.memory_space<vmem>>, vector<16xf32>,
          %bitcast3A_1508 = vector.bitcast %get3A_1507 : vector<16xf32> to vector<32xbf16>
          %max3A_1509 = arith.maximumf %bitcast3A_1508, %bitcast3A_1494 : vector<32xbf16>
          %bitcast3A_1510 = vector.bitcast %max3A_1509 : vector<32xbf16> to vector<16xf32>
          %swap3A_1511 = arith.index_cast %add3A_1505 : i32 to index
          %swap3A_1512 = tpu.vector_load %arg9[%swap3A_1511] {strides = array<i32>} : memref<10240xf32, #tpu.memory_space<vmem>>, vector<16xf32>,
          tpu.vector_store %arg9[%swap3A_1511], %bitcast3A_1510 {strides = array<i32>} : memref<10240xf32, #tpu.memory_space<vmem>>, vector<16xf32>,
          %mul3A_1513 = arith.constant 16 : i32
          %mul3A_1514 = arith.muli %scan3A_217, %mul3A_1513 : i32
          %add3A_1515 = arith.constant 10 : i32
          %add3A_1516 = arith.addi %mul3A_1514, %add3A_1515 : i32
          %get3A_1517 = arith.index_cast %select_n3A_186 : i32 to index
          %get3A_1518 = arith.index_cast %add3A_1516 : i32 to index
          %get3A_1519 = arith.constant 48 : index
          %get3A_1520 = tpu.vector_load %arg8[%get3A_1517, %get3A_1518, %get3A_1519] {strides = array<i32>} : memref<4x128x64xf32, #tpu.memory_space<vmem>>, vector<16xf32>,
          %bitcast3A_1521 = vector.bitcast %get3A_1520 : vector<16xf32> to vector<32xbf16>
          %add3A_1522 = arith.constant 48 : i32
          %add3A_1523 = arith.addi %mul3A_1425, %add3A_1522 : i32
          %get3A_1524 = arith.index_cast %add3A_1523 : i32 to index
          %get3A_1525 = tpu.vector_load %arg9[%get3A_1524] {strides = array<i32>} : memref<10240xf32, #tpu.memory_space<vmem>>, vector<16xf32>,
          %bitcast3A_1526 = vector.bitcast %get3A_1525 : vector<16xf32> to vector<32xbf16>
          %max3A_1527 = arith.maximumf %bitcast3A_1526, %bitcast3A_1521 : vector<32xbf16>
          %bitcast3A_1528 = vector.bitcast %max3A_1527 : vector<32xbf16> to vector<16xf32>
          %swap3A_1529 = arith.index_cast %add3A_1523 : i32 to index
          %swap3A_1530 = tpu.vector_load %arg9[%swap3A_1529] {strides = array<i32>} : memref<10240xf32, #tpu.memory_space<vmem>>, vector<16xf32>,
          tpu.vector_store %arg9[%swap3A_1529], %bitcast3A_1528 {strides = array<i32>} : memref<10240xf32, #tpu.memory_space<vmem>>, vector<16xf32>,
          %add3A_1531 = arith.constant 48 : i32
          %add3A_1532 = arith.addi %mul3A_1431, %add3A_1531 : i32
          %get3A_1533 = arith.index_cast %add3A_1532 : i32 to index
          %get3A_1534 = tpu.vector_load %arg9[%get3A_1533] {strides = array<i32>} : memref<10240xf32, #tpu.memory_space<vmem>>, vector<16xf32>,
          %bitcast3A_1535 = vector.bitcast %get3A_1534 : vector<16xf32> to vector<32xbf16>
          %max3A_1536 = arith.maximumf %bitcast3A_1535, %bitcast3A_1521 : vector<32xbf16>
          %bitcast3A_1537 = vector.bitcast %max3A_1536 : vector<32xbf16> to vector<16xf32>
          %swap3A_1538 = arith.index_cast %add3A_1532 : i32 to index
          %swap3A_1539 = tpu.vector_load %arg9[%swap3A_1538] {strides = array<i32>} : memref<10240xf32, #tpu.memory_space<vmem>>, vector<16xf32>,
          tpu.vector_store %arg9[%swap3A_1538], %bitcast3A_1537 {strides = array<i32>} : memref<10240xf32, #tpu.memory_space<vmem>>, vector<16xf32>,
          %slice3A_1540 = vector.extract_strided_slice %get3A_224 {offsets = [11], sizes = [1], strides = [1]} : vector<16xi32> to vector<1xi32>
          %squeeze3A_1541 = vector.extract %slice3A_1540[0] : i32 from vector<1xi32>
          %shift_right_arithmetic3A_1542 = arith.constant 7 : i32
          %shift_right_arithmetic3A_1543 = arith.shrsi %squeeze3A_1541, %shift_right_arithmetic3A_1542 : i32
          %mul3A_1544 = arith.constant 64 : i32
          %mul3A_1545 = arith.muli %shift_right_arithmetic3A_1543, %mul3A_1544 : i32
          %and3A_1546 = arith.constant 127 : i32
          %and3A_1547 = arith.andi %squeeze3A_1541, %and3A_1546 : i32
          %add3A_1548 = arith.constant 27 : i32
          %add3A_1549 = arith.addi %add3A_1548, %and3A_1547 : i32
          %mul3A_1550 = arith.constant 64 : i32
          %mul3A_1551 = arith.muli %add3A_1549, %mul3A_1550 : i32
          %mul3A_1552 = arith.constant 16 : i32
          %mul3A_1553 = arith.muli %scan3A_217, %mul3A_1552 : i32
          %add3A_1554 = arith.constant 11 : i32
          %add3A_1555 = arith.addi %mul3A_1553, %add3A_1554 : i32
          %get3A_1556 = arith.index_cast %select_n3A_186 : i32 to index
          %get3A_1557 = arith.index_cast %add3A_1555 : i32 to index
          %get3A_1558 = arith.constant 0 : index
          %get3A_1559 = tpu.vector_load %arg8[%get3A_1556, %get3A_1557, %get3A_1558] {strides = array<i32>} : memref<4x128x64xf32, #tpu.memory_space<vmem>>, vector<16xf32>,
          %bitcast3A_1560 = vector.bitcast %get3A_1559 : vector<16xf32> to vector<32xbf16>
          %add3A_1561 = arith.constant 0 : i32
          %add3A_1562 = arith.addi %mul3A_1545, %add3A_1561 : i32
          %get3A_1563 = arith.index_cast %add3A_1562 : i32 to index
          %get3A_1564 = tpu.vector_load %arg9[%get3A_1563] {strides = array<i32>} : memref<10240xf32, #tpu.memory_space<vmem>>, vector<16xf32>,
          %bitcast3A_1565 = vector.bitcast %get3A_1564 : vector<16xf32> to vector<32xbf16>
          %max3A_1566 = arith.maximumf %bitcast3A_1565, %bitcast3A_1560 : vector<32xbf16>
          %bitcast3A_1567 = vector.bitcast %max3A_1566 : vector<32xbf16> to vector<16xf32>
          %swap3A_1568 = arith.index_cast %add3A_1562 : i32 to index
          %swap3A_1569 = tpu.vector_load %arg9[%swap3A_1568] {strides = array<i32>} : memref<10240xf32, #tpu.memory_space<vmem>>, vector<16xf32>,
          tpu.vector_store %arg9[%swap3A_1568], %bitcast3A_1567 {strides = array<i32>} : memref<10240xf32, #tpu.memory_space<vmem>>, vector<16xf32>,
          %add3A_1570 = arith.constant 0 : i32
          %add3A_1571 = arith.addi %mul3A_1551, %add3A_1570 : i32
          %get3A_1572 = arith.index_cast %add3A_1571 : i32 to index
          %get3A_1573 = tpu.vector_load %arg9[%get3A_1572] {strides = array<i32>} : memref<10240xf32, #tpu.memory_space<vmem>>, vector<16xf32>,
          %bitcast3A_1574 = vector.bitcast %get3A_1573 : vector<16xf32> to vector<32xbf16>
          %max3A_1575 = arith.maximumf %bitcast3A_1574, %bitcast3A_1560 : vector<32xbf16>
          %bitcast3A_1576 = vector.bitcast %max3A_1575 : vector<32xbf16> to vector<16xf32>
          %swap3A_1577 = arith.index_cast %add3A_1571 : i32 to index
          %swap3A_1578 = tpu.vector_load %arg9[%swap3A_1577] {strides = array<i32>} : memref<10240xf32, #tpu.memory_space<vmem>>, vector<16xf32>,
          tpu.vector_store %arg9[%swap3A_1577], %bitcast3A_1576 {strides = array<i32>} : memref<10240xf32, #tpu.memory_space<vmem>>, vector<16xf32>,
          %mul3A_1579 = arith.constant 16 : i32
          %mul3A_1580 = arith.muli %scan3A_217, %mul3A_1579 : i32
          %add3A_1581 = arith.constant 11 : i32
          %add3A_1582 = arith.addi %mul3A_1580, %add3A_1581 : i32
          %get3A_1583 = arith.index_cast %select_n3A_186 : i32 to index
          %get3A_1584 = arith.index_cast %add3A_1582 : i32 to index
          %get3A_1585 = arith.constant 16 : index
          %get3A_1586 = tpu.vector_load %arg8[%get3A_1583, %get3A_1584, %get3A_1585] {strides = array<i32>} : memref<4x128x64xf32, #tpu.memory_space<vmem>>, vector<16xf32>,
          %bitcast3A_1587 = vector.bitcast %get3A_1586 : vector<16xf32> to vector<32xbf16>
          %add3A_1588 = arith.constant 16 : i32
          %add3A_1589 = arith.addi %mul3A_1545, %add3A_1588 : i32
          %get3A_1590 = arith.index_cast %add3A_1589 : i32 to index
          %get3A_1591 = tpu.vector_load %arg9[%get3A_1590] {strides = array<i32>} : memref<10240xf32, #tpu.memory_space<vmem>>, vector<16xf32>,
          %bitcast3A_1592 = vector.bitcast %get3A_1591 : vector<16xf32> to vector<32xbf16>
          %max3A_1593 = arith.maximumf %bitcast3A_1592, %bitcast3A_1587 : vector<32xbf16>
          %bitcast3A_1594 = vector.bitcast %max3A_1593 : vector<32xbf16> to vector<16xf32>
          %swap3A_1595 = arith.index_cast %add3A_1589 : i32 to index
          %swap3A_1596 = tpu.vector_load %arg9[%swap3A_1595] {strides = array<i32>} : memref<10240xf32, #tpu.memory_space<vmem>>, vector<16xf32>,
          tpu.vector_store %arg9[%swap3A_1595], %bitcast3A_1594 {strides = array<i32>} : memref<10240xf32, #tpu.memory_space<vmem>>, vector<16xf32>,
          %add3A_1597 = arith.constant 16 : i32
          %add3A_1598 = arith.addi %mul3A_1551, %add3A_1597 : i32
          %get3A_1599 = arith.index_cast %add3A_1598 : i32 to index
          %get3A_1600 = tpu.vector_load %arg9[%get3A_1599] {strides = array<i32>} : memref<10240xf32, #tpu.memory_space<vmem>>, vector<16xf32>,
          %bitcast3A_1601 = vector.bitcast %get3A_1600 : vector<16xf32> to vector<32xbf16>
          %max3A_1602 = arith.maximumf %bitcast3A_1601, %bitcast3A_1587 : vector<32xbf16>
          %bitcast3A_1603 = vector.bitcast %max3A_1602 : vector<32xbf16> to vector<16xf32>
          %swap3A_1604 = arith.index_cast %add3A_1598 : i32 to index
          %swap3A_1605 = tpu.vector_load %arg9[%swap3A_1604] {strides = array<i32>} : memref<10240xf32, #tpu.memory_space<vmem>>, vector<16xf32>,
          tpu.vector_store %arg9[%swap3A_1604], %bitcast3A_1603 {strides = array<i32>} : memref<10240xf32, #tpu.memory_space<vmem>>, vector<16xf32>,
          %mul3A_1606 = arith.constant 16 : i32
          %mul3A_1607 = arith.muli %scan3A_217, %mul3A_1606 : i32
          %add3A_1608 = arith.constant 11 : i32
          %add3A_1609 = arith.addi %mul3A_1607, %add3A_1608 : i32
          %get3A_1610 = arith.index_cast %select_n3A_186 : i32 to index
          %get3A_1611 = arith.index_cast %add3A_1609 : i32 to index
          %get3A_1612 = arith.constant 32 : index
          %get3A_1613 = tpu.vector_load %arg8[%get3A_1610, %get3A_1611, %get3A_1612] {strides = array<i32>} : memref<4x128x64xf32, #tpu.memory_space<vmem>>, vector<16xf32>,
          %bitcast3A_1614 = vector.bitcast %get3A_1613 : vector<16xf32> to vector<32xbf16>
          %add3A_1615 = arith.constant 32 : i32
          %add3A_1616 = arith.addi %mul3A_1545, %add3A_1615 : i32
          %get3A_1617 = arith.index_cast %add3A_1616 : i32 to index
          %get3A_1618 = tpu.vector_load %arg9[%get3A_1617] {strides = array<i32>} : memref<10240xf32, #tpu.memory_space<vmem>>, vector<16xf32>,
          %bitcast3A_1619 = vector.bitcast %get3A_1618 : vector<16xf32> to vector<32xbf16>
          %max3A_1620 = arith.maximumf %bitcast3A_1619, %bitcast3A_1614 : vector<32xbf16>
          %bitcast3A_1621 = vector.bitcast %max3A_1620 : vector<32xbf16> to vector<16xf32>
          %swap3A_1622 = arith.index_cast %add3A_1616 : i32 to index
          %swap3A_1623 = tpu.vector_load %arg9[%swap3A_1622] {strides = array<i32>} : memref<10240xf32, #tpu.memory_space<vmem>>, vector<16xf32>,
          tpu.vector_store %arg9[%swap3A_1622], %bitcast3A_1621 {strides = array<i32>} : memref<10240xf32, #tpu.memory_space<vmem>>, vector<16xf32>,
          %add3A_1624 = arith.constant 32 : i32
          %add3A_1625 = arith.addi %mul3A_1551, %add3A_1624 : i32
          %get3A_1626 = arith.index_cast %add3A_1625 : i32 to index
          %get3A_1627 = tpu.vector_load %arg9[%get3A_1626] {strides = array<i32>} : memref<10240xf32, #tpu.memory_space<vmem>>, vector<16xf32>,
          %bitcast3A_1628 = vector.bitcast %get3A_1627 : vector<16xf32> to vector<32xbf16>
          %max3A_1629 = arith.maximumf %bitcast3A_1628, %bitcast3A_1614 : vector<32xbf16>
          %bitcast3A_1630 = vector.bitcast %max3A_1629 : vector<32xbf16> to vector<16xf32>
          %swap3A_1631 = arith.index_cast %add3A_1625 : i32 to index
          %swap3A_1632 = tpu.vector_load %arg9[%swap3A_1631] {strides = array<i32>} : memref<10240xf32, #tpu.memory_space<vmem>>, vector<16xf32>,
          tpu.vector_store %arg9[%swap3A_1631], %bitcast3A_1630 {strides = array<i32>} : memref<10240xf32, #tpu.memory_space<vmem>>, vector<16xf32>,
          %mul3A_1633 = arith.constant 16 : i32
          %mul3A_1634 = arith.muli %scan3A_217, %mul3A_1633 : i32
          %add3A_1635 = arith.constant 11 : i32
          %add3A_1636 = arith.addi %mul3A_1634, %add3A_1635 : i32
          %get3A_1637 = arith.index_cast %select_n3A_186 : i32 to index
          %get3A_1638 = arith.index_cast %add3A_1636 : i32 to index
          %get3A_1639 = arith.constant 48 : index
          %get3A_1640 = tpu.vector_load %arg8[%get3A_1637, %get3A_1638, %get3A_1639] {strides = array<i32>} : memref<4x128x64xf32, #tpu.memory_space<vmem>>, vector<16xf32>,
          %bitcast3A_1641 = vector.bitcast %get3A_1640 : vector<16xf32> to vector<32xbf16>
          %add3A_1642 = arith.constant 48 : i32
          %add3A_1643 = arith.addi %mul3A_1545, %add3A_1642 : i32
          %get3A_1644 = arith.index_cast %add3A_1643 : i32 to index
          %get3A_1645 = tpu.vector_load %arg9[%get3A_1644] {strides = array<i32>} : memref<10240xf32, #tpu.memory_space<vmem>>, vector<16xf32>,
          %bitcast3A_1646 = vector.bitcast %get3A_1645 : vector<16xf32> to vector<32xbf16>
          %max3A_1647 = arith.maximumf %bitcast3A_1646, %bitcast3A_1641 : vector<32xbf16>
          %bitcast3A_1648 = vector.bitcast %max3A_1647 : vector<32xbf16> to vector<16xf32>
          %swap3A_1649 = arith.index_cast %add3A_1643 : i32 to index
          %swap3A_1650 = tpu.vector_load %arg9[%swap3A_1649] {strides = array<i32>} : memref<10240xf32, #tpu.memory_space<vmem>>, vector<16xf32>,
          tpu.vector_store %arg9[%swap3A_1649], %bitcast3A_1648 {strides = array<i32>} : memref<10240xf32, #tpu.memory_space<vmem>>, vector<16xf32>,
          %add3A_1651 = arith.constant 48 : i32
          %add3A_1652 = arith.addi %mul3A_1551, %add3A_1651 : i32
          %get3A_1653 = arith.index_cast %add3A_1652 : i32 to index
          %get3A_1654 = tpu.vector_load %arg9[%get3A_1653] {strides = array<i32>} : memref<10240xf32, #tpu.memory_space<vmem>>, vector<16xf32>,
          %bitcast3A_1655 = vector.bitcast %get3A_1654 : vector<16xf32> to vector<32xbf16>
          %max3A_1656 = arith.maximumf %bitcast3A_1655, %bitcast3A_1641 : vector<32xbf16>
          %bitcast3A_1657 = vector.bitcast %max3A_1656 : vector<32xbf16> to vector<16xf32>
          %swap3A_1658 = arith.index_cast %add3A_1652 : i32 to index
          %swap3A_1659 = tpu.vector_load %arg9[%swap3A_1658] {strides = array<i32>} : memref<10240xf32, #tpu.memory_space<vmem>>, vector<16xf32>,
          tpu.vector_store %arg9[%swap3A_1658], %bitcast3A_1657 {strides = array<i32>} : memref<10240xf32, #tpu.memory_space<vmem>>, vector<16xf32>,
          %slice3A_1660 = vector.extract_strided_slice %get3A_224 {offsets = [12], sizes = [1], strides = [1]} : vector<16xi32> to vector<1xi32>
          %squeeze3A_1661 = vector.extract %slice3A_1660[0] : i32 from vector<1xi32>
          %shift_right_arithmetic3A_1662 = arith.constant 7 : i32
          %shift_right_arithmetic3A_1663 = arith.shrsi %squeeze3A_1661, %shift_right_arithmetic3A_1662 : i32
          %mul3A_1664 = arith.constant 64 : i32
          %mul3A_1665 = arith.muli %shift_right_arithmetic3A_1663, %mul3A_1664 : i32
          %and3A_1666 = arith.constant 127 : i32
          %and3A_1667 = arith.andi %squeeze3A_1661, %and3A_1666 : i32
          %add3A_1668 = arith.constant 27 : i32
          %add3A_1669 = arith.addi %add3A_1668, %and3A_1667 : i32
          %mul3A_1670 = arith.constant 64 : i32
          %mul3A_1671 = arith.muli %add3A_1669, %mul3A_1670 : i32
          %mul3A_1672 = arith.constant 16 : i32
          %mul3A_1673 = arith.muli %scan3A_217, %mul3A_1672 : i32
          %add3A_1674 = arith.constant 12 : i32
          %add3A_1675 = arith.addi %mul3A_1673, %add3A_1674 : i32
          %get3A_1676 = arith.index_cast %select_n3A_186 : i32 to index
          %get3A_1677 = arith.index_cast %add3A_1675 : i32 to index
          %get3A_1678 = arith.constant 0 : index
          %get3A_1679 = tpu.vector_load %arg8[%get3A_1676, %get3A_1677, %get3A_1678] {strides = array<i32>} : memref<4x128x64xf32, #tpu.memory_space<vmem>>, vector<16xf32>,
          %bitcast3A_1680 = vector.bitcast %get3A_1679 : vector<16xf32> to vector<32xbf16>
          %add3A_1681 = arith.constant 0 : i32
          %add3A_1682 = arith.addi %mul3A_1665, %add3A_1681 : i32
          %get3A_1683 = arith.index_cast %add3A_1682 : i32 to index
          %get3A_1684 = tpu.vector_load %arg9[%get3A_1683] {strides = array<i32>} : memref<10240xf32, #tpu.memory_space<vmem>>, vector<16xf32>,
          %bitcast3A_1685 = vector.bitcast %get3A_1684 : vector<16xf32> to vector<32xbf16>
          %max3A_1686 = arith.maximumf %bitcast3A_1685, %bitcast3A_1680 : vector<32xbf16>
          %bitcast3A_1687 = vector.bitcast %max3A_1686 : vector<32xbf16> to vector<16xf32>
          %swap3A_1688 = arith.index_cast %add3A_1682 : i32 to index
          %swap3A_1689 = tpu.vector_load %arg9[%swap3A_1688] {strides = array<i32>} : memref<10240xf32, #tpu.memory_space<vmem>>, vector<16xf32>,
          tpu.vector_store %arg9[%swap3A_1688], %bitcast3A_1687 {strides = array<i32>} : memref<10240xf32, #tpu.memory_space<vmem>>, vector<16xf32>,
          %add3A_1690 = arith.constant 0 : i32
          %add3A_1691 = arith.addi %mul3A_1671, %add3A_1690 : i32
          %get3A_1692 = arith.index_cast %add3A_1691 : i32 to index
          %get3A_1693 = tpu.vector_load %arg9[%get3A_1692] {strides = array<i32>} : memref<10240xf32, #tpu.memory_space<vmem>>, vector<16xf32>,
          %bitcast3A_1694 = vector.bitcast %get3A_1693 : vector<16xf32> to vector<32xbf16>
          %max3A_1695 = arith.maximumf %bitcast3A_1694, %bitcast3A_1680 : vector<32xbf16>
          %bitcast3A_1696 = vector.bitcast %max3A_1695 : vector<32xbf16> to vector<16xf32>
          %swap3A_1697 = arith.index_cast %add3A_1691 : i32 to index
          %swap3A_1698 = tpu.vector_load %arg9[%swap3A_1697] {strides = array<i32>} : memref<10240xf32, #tpu.memory_space<vmem>>, vector<16xf32>,
          tpu.vector_store %arg9[%swap3A_1697], %bitcast3A_1696 {strides = array<i32>} : memref<10240xf32, #tpu.memory_space<vmem>>, vector<16xf32>,
          %mul3A_1699 = arith.constant 16 : i32
          %mul3A_1700 = arith.muli %scan3A_217, %mul3A_1699 : i32
          %add3A_1701 = arith.constant 12 : i32
          %add3A_1702 = arith.addi %mul3A_1700, %add3A_1701 : i32
          %get3A_1703 = arith.index_cast %select_n3A_186 : i32 to index
          %get3A_1704 = arith.index_cast %add3A_1702 : i32 to index
          %get3A_1705 = arith.constant 16 : index
          %get3A_1706 = tpu.vector_load %arg8[%get3A_1703, %get3A_1704, %get3A_1705] {strides = array<i32>} : memref<4x128x64xf32, #tpu.memory_space<vmem>>, vector<16xf32>,
          %bitcast3A_1707 = vector.bitcast %get3A_1706 : vector<16xf32> to vector<32xbf16>
          %add3A_1708 = arith.constant 16 : i32
          %add3A_1709 = arith.addi %mul3A_1665, %add3A_1708 : i32
          %get3A_1710 = arith.index_cast %add3A_1709 : i32 to index
          %get3A_1711 = tpu.vector_load %arg9[%get3A_1710] {strides = array<i32>} : memref<10240xf32, #tpu.memory_space<vmem>>, vector<16xf32>,
          %bitcast3A_1712 = vector.bitcast %get3A_1711 : vector<16xf32> to vector<32xbf16>
          %max3A_1713 = arith.maximumf %bitcast3A_1712, %bitcast3A_1707 : vector<32xbf16>
          %bitcast3A_1714 = vector.bitcast %max3A_1713 : vector<32xbf16> to vector<16xf32>
          %swap3A_1715 = arith.index_cast %add3A_1709 : i32 to index
          %swap3A_1716 = tpu.vector_load %arg9[%swap3A_1715] {strides = array<i32>} : memref<10240xf32, #tpu.memory_space<vmem>>, vector<16xf32>,
          tpu.vector_store %arg9[%swap3A_1715], %bitcast3A_1714 {strides = array<i32>} : memref<10240xf32, #tpu.memory_space<vmem>>, vector<16xf32>,
          %add3A_1717 = arith.constant 16 : i32
          %add3A_1718 = arith.addi %mul3A_1671, %add3A_1717 : i32
          %get3A_1719 = arith.index_cast %add3A_1718 : i32 to index
          %get3A_1720 = tpu.vector_load %arg9[%get3A_1719] {strides = array<i32>} : memref<10240xf32, #tpu.memory_space<vmem>>, vector<16xf32>,
          %bitcast3A_1721 = vector.bitcast %get3A_1720 : vector<16xf32> to vector<32xbf16>
          %max3A_1722 = arith.maximumf %bitcast3A_1721, %bitcast3A_1707 : vector<32xbf16>
          %bitcast3A_1723 = vector.bitcast %max3A_1722 : vector<32xbf16> to vector<16xf32>
          %swap3A_1724 = arith.index_cast %add3A_1718 : i32 to index
          %swap3A_1725 = tpu.vector_load %arg9[%swap3A_1724] {strides = array<i32>} : memref<10240xf32, #tpu.memory_space<vmem>>, vector<16xf32>,
          tpu.vector_store %arg9[%swap3A_1724], %bitcast3A_1723 {strides = array<i32>} : memref<10240xf32, #tpu.memory_space<vmem>>, vector<16xf32>,
          %mul3A_1726 = arith.constant 16 : i32
          %mul3A_1727 = arith.muli %scan3A_217, %mul3A_1726 : i32
          %add3A_1728 = arith.constant 12 : i32
          %add3A_1729 = arith.addi %mul3A_1727, %add3A_1728 : i32
          %get3A_1730 = arith.index_cast %select_n3A_186 : i32 to index
          %get3A_1731 = arith.index_cast %add3A_1729 : i32 to index
          %get3A_1732 = arith.constant 32 : index
          %get3A_1733 = tpu.vector_load %arg8[%get3A_1730, %get3A_1731, %get3A_1732] {strides = array<i32>} : memref<4x128x64xf32, #tpu.memory_space<vmem>>, vector<16xf32>,
          %bitcast3A_1734 = vector.bitcast %get3A_1733 : vector<16xf32> to vector<32xbf16>
          %add3A_1735 = arith.constant 32 : i32
          %add3A_1736 = arith.addi %mul3A_1665, %add3A_1735 : i32
          %get3A_1737 = arith.index_cast %add3A_1736 : i32 to index
          %get3A_1738 = tpu.vector_load %arg9[%get3A_1737] {strides = array<i32>} : memref<10240xf32, #tpu.memory_space<vmem>>, vector<16xf32>,
          %bitcast3A_1739 = vector.bitcast %get3A_1738 : vector<16xf32> to vector<32xbf16>
          %max3A_1740 = arith.maximumf %bitcast3A_1739, %bitcast3A_1734 : vector<32xbf16>
          %bitcast3A_1741 = vector.bitcast %max3A_1740 : vector<32xbf16> to vector<16xf32>
          %swap3A_1742 = arith.index_cast %add3A_1736 : i32 to index
          %swap3A_1743 = tpu.vector_load %arg9[%swap3A_1742] {strides = array<i32>} : memref<10240xf32, #tpu.memory_space<vmem>>, vector<16xf32>,
          tpu.vector_store %arg9[%swap3A_1742], %bitcast3A_1741 {strides = array<i32>} : memref<10240xf32, #tpu.memory_space<vmem>>, vector<16xf32>,
          %add3A_1744 = arith.constant 32 : i32
          %add3A_1745 = arith.addi %mul3A_1671, %add3A_1744 : i32
          %get3A_1746 = arith.index_cast %add3A_1745 : i32 to index
          %get3A_1747 = tpu.vector_load %arg9[%get3A_1746] {strides = array<i32>} : memref<10240xf32, #tpu.memory_space<vmem>>, vector<16xf32>,
          %bitcast3A_1748 = vector.bitcast %get3A_1747 : vector<16xf32> to vector<32xbf16>
          %max3A_1749 = arith.maximumf %bitcast3A_1748, %bitcast3A_1734 : vector<32xbf16>
          %bitcast3A_1750 = vector.bitcast %max3A_1749 : vector<32xbf16> to vector<16xf32>
          %swap3A_1751 = arith.index_cast %add3A_1745 : i32 to index
          %swap3A_1752 = tpu.vector_load %arg9[%swap3A_1751] {strides = array<i32>} : memref<10240xf32, #tpu.memory_space<vmem>>, vector<16xf32>,
          tpu.vector_store %arg9[%swap3A_1751], %bitcast3A_1750 {strides = array<i32>} : memref<10240xf32, #tpu.memory_space<vmem>>, vector<16xf32>,
          %mul3A_1753 = arith.constant 16 : i32
          %mul3A_1754 = arith.muli %scan3A_217, %mul3A_1753 : i32
          %add3A_1755 = arith.constant 12 : i32
          %add3A_1756 = arith.addi %mul3A_1754, %add3A_1755 : i32
          %get3A_1757 = arith.index_cast %select_n3A_186 : i32 to index
          %get3A_1758 = arith.index_cast %add3A_1756 : i32 to index
          %get3A_1759 = arith.constant 48 : index
          %get3A_1760 = tpu.vector_load %arg8[%get3A_1757, %get3A_1758, %get3A_1759] {strides = array<i32>} : memref<4x128x64xf32, #tpu.memory_space<vmem>>, vector<16xf32>,
          %bitcast3A_1761 = vector.bitcast %get3A_1760 : vector<16xf32> to vector<32xbf16>
          %add3A_1762 = arith.constant 48 : i32
          %add3A_1763 = arith.addi %mul3A_1665, %add3A_1762 : i32
          %get3A_1764 = arith.index_cast %add3A_1763 : i32 to index
          %get3A_1765 = tpu.vector_load %arg9[%get3A_1764] {strides = array<i32>} : memref<10240xf32, #tpu.memory_space<vmem>>, vector<16xf32>,
          %bitcast3A_1766 = vector.bitcast %get3A_1765 : vector<16xf32> to vector<32xbf16>
          %max3A_1767 = arith.maximumf %bitcast3A_1766, %bitcast3A_1761 : vector<32xbf16>
          %bitcast3A_1768 = vector.bitcast %max3A_1767 : vector<32xbf16> to vector<16xf32>
          %swap3A_1769 = arith.index_cast %add3A_1763 : i32 to index
          %swap3A_1770 = tpu.vector_load %arg9[%swap3A_1769] {strides = array<i32>} : memref<10240xf32, #tpu.memory_space<vmem>>, vector<16xf32>,
          tpu.vector_store %arg9[%swap3A_1769], %bitcast3A_1768 {strides = array<i32>} : memref<10240xf32, #tpu.memory_space<vmem>>, vector<16xf32>,
          %add3A_1771 = arith.constant 48 : i32
          %add3A_1772 = arith.addi %mul3A_1671, %add3A_1771 : i32
          %get3A_1773 = arith.index_cast %add3A_1772 : i32 to index
          %get3A_1774 = tpu.vector_load %arg9[%get3A_1773] {strides = array<i32>} : memref<10240xf32, #tpu.memory_space<vmem>>, vector<16xf32>,
          %bitcast3A_1775 = vector.bitcast %get3A_1774 : vector<16xf32> to vector<32xbf16>
          %max3A_1776 = arith.maximumf %bitcast3A_1775, %bitcast3A_1761 : vector<32xbf16>
          %bitcast3A_1777 = vector.bitcast %max3A_1776 : vector<32xbf16> to vector<16xf32>
          %swap3A_1778 = arith.index_cast %add3A_1772 : i32 to index
          %swap3A_1779 = tpu.vector_load %arg9[%swap3A_1778] {strides = array<i32>} : memref<10240xf32, #tpu.memory_space<vmem>>, vector<16xf32>,
          tpu.vector_store %arg9[%swap3A_1778], %bitcast3A_1777 {strides = array<i32>} : memref<10240xf32, #tpu.memory_space<vmem>>, vector<16xf32>,
          %slice3A_1780 = vector.extract_strided_slice %get3A_224 {offsets = [13], sizes = [1], strides = [1]} : vector<16xi32> to vector<1xi32>
          %squeeze3A_1781 = vector.extract %slice3A_1780[0] : i32 from vector<1xi32>
          %shift_right_arithmetic3A_1782 = arith.constant 7 : i32
          %shift_right_arithmetic3A_1783 = arith.shrsi %squeeze3A_1781, %shift_right_arithmetic3A_1782 : i32
          %mul3A_1784 = arith.constant 64 : i32
          %mul3A_1785 = arith.muli %shift_right_arithmetic3A_1783, %mul3A_1784 : i32
          %and3A_1786 = arith.constant 127 : i32
          %and3A_1787 = arith.andi %squeeze3A_1781, %and3A_1786 : i32
          %add3A_1788 = arith.constant 27 : i32
          %add3A_1789 = arith.addi %add3A_1788, %and3A_1787 : i32
          %mul3A_1790 = arith.constant 64 : i32
          %mul3A_1791 = arith.muli %add3A_1789, %mul3A_1790 : i32
          %mul3A_1792 = arith.constant 16 : i32
          %mul3A_1793 = arith.muli %scan3A_217, %mul3A_1792 : i32
          %add3A_1794 = arith.constant 13 : i32
          %add3A_1795 = arith.addi %mul3A_1793, %add3A_1794 : i32
          %get3A_1796 = arith.index_cast %select_n3A_186 : i32 to index
          %get3A_1797 = arith.index_cast %add3A_1795 : i32 to index
          %get3A_1798 = arith.constant 0 : index
          %get3A_1799 = tpu.vector_load %arg8[%get3A_1796, %get3A_1797, %get3A_1798] {strides = array<i32>} : memref<4x128x64xf32, #tpu.memory_space<vmem>>, vector<16xf32>,
          %bitcast3A_1800 = vector.bitcast %get3A_1799 : vector<16xf32> to vector<32xbf16>
          %add3A_1801 = arith.constant 0 : i32
          %add3A_1802 = arith.addi %mul3A_1785, %add3A_1801 : i32
          %get3A_1803 = arith.index_cast %add3A_1802 : i32 to index
          %get3A_1804 = tpu.vector_load %arg9[%get3A_1803] {strides = array<i32>} : memref<10240xf32, #tpu.memory_space<vmem>>, vector<16xf32>,
          %bitcast3A_1805 = vector.bitcast %get3A_1804 : vector<16xf32> to vector<32xbf16>
          %max3A_1806 = arith.maximumf %bitcast3A_1805, %bitcast3A_1800 : vector<32xbf16>
          %bitcast3A_1807 = vector.bitcast %max3A_1806 : vector<32xbf16> to vector<16xf32>
          %swap3A_1808 = arith.index_cast %add3A_1802 : i32 to index
          %swap3A_1809 = tpu.vector_load %arg9[%swap3A_1808] {strides = array<i32>} : memref<10240xf32, #tpu.memory_space<vmem>>, vector<16xf32>,
          tpu.vector_store %arg9[%swap3A_1808], %bitcast3A_1807 {strides = array<i32>} : memref<10240xf32, #tpu.memory_space<vmem>>, vector<16xf32>,
          %add3A_1810 = arith.constant 0 : i32
          %add3A_1811 = arith.addi %mul3A_1791, %add3A_1810 : i32
          %get3A_1812 = arith.index_cast %add3A_1811 : i32 to index
          %get3A_1813 = tpu.vector_load %arg9[%get3A_1812] {strides = array<i32>} : memref<10240xf32, #tpu.memory_space<vmem>>, vector<16xf32>,
          %bitcast3A_1814 = vector.bitcast %get3A_1813 : vector<16xf32> to vector<32xbf16>
          %max3A_1815 = arith.maximumf %bitcast3A_1814, %bitcast3A_1800 : vector<32xbf16>
          %bitcast3A_1816 = vector.bitcast %max3A_1815 : vector<32xbf16> to vector<16xf32>
          %swap3A_1817 = arith.index_cast %add3A_1811 : i32 to index
          %swap3A_1818 = tpu.vector_load %arg9[%swap3A_1817] {strides = array<i32>} : memref<10240xf32, #tpu.memory_space<vmem>>, vector<16xf32>,
          tpu.vector_store %arg9[%swap3A_1817], %bitcast3A_1816 {strides = array<i32>} : memref<10240xf32, #tpu.memory_space<vmem>>, vector<16xf32>,
          %mul3A_1819 = arith.constant 16 : i32
          %mul3A_1820 = arith.muli %scan3A_217, %mul3A_1819 : i32
          %add3A_1821 = arith.constant 13 : i32
          %add3A_1822 = arith.addi %mul3A_1820, %add3A_1821 : i32
          %get3A_1823 = arith.index_cast %select_n3A_186 : i32 to index
          %get3A_1824 = arith.index_cast %add3A_1822 : i32 to index
          %get3A_1825 = arith.constant 16 : index
          %get3A_1826 = tpu.vector_load %arg8[%get3A_1823, %get3A_1824, %get3A_1825] {strides = array<i32>} : memref<4x128x64xf32, #tpu.memory_space<vmem>>, vector<16xf32>,
          %bitcast3A_1827 = vector.bitcast %get3A_1826 : vector<16xf32> to vector<32xbf16>
          %add3A_1828 = arith.constant 16 : i32
          %add3A_1829 = arith.addi %mul3A_1785, %add3A_1828 : i32
          %get3A_1830 = arith.index_cast %add3A_1829 : i32 to index
          %get3A_1831 = tpu.vector_load %arg9[%get3A_1830] {strides = array<i32>} : memref<10240xf32, #tpu.memory_space<vmem>>, vector<16xf32>,
          %bitcast3A_1832 = vector.bitcast %get3A_1831 : vector<16xf32> to vector<32xbf16>
          %max3A_1833 = arith.maximumf %bitcast3A_1832, %bitcast3A_1827 : vector<32xbf16>
          %bitcast3A_1834 = vector.bitcast %max3A_1833 : vector<32xbf16> to vector<16xf32>
          %swap3A_1835 = arith.index_cast %add3A_1829 : i32 to index
          %swap3A_1836 = tpu.vector_load %arg9[%swap3A_1835] {strides = array<i32>} : memref<10240xf32, #tpu.memory_space<vmem>>, vector<16xf32>,
          tpu.vector_store %arg9[%swap3A_1835], %bitcast3A_1834 {strides = array<i32>} : memref<10240xf32, #tpu.memory_space<vmem>>, vector<16xf32>,
          %add3A_1837 = arith.constant 16 : i32
          %add3A_1838 = arith.addi %mul3A_1791, %add3A_1837 : i32
          %get3A_1839 = arith.index_cast %add3A_1838 : i32 to index
          %get3A_1840 = tpu.vector_load %arg9[%get3A_1839] {strides = array<i32>} : memref<10240xf32, #tpu.memory_space<vmem>>, vector<16xf32>,
          %bitcast3A_1841 = vector.bitcast %get3A_1840 : vector<16xf32> to vector<32xbf16>
          %max3A_1842 = arith.maximumf %bitcast3A_1841, %bitcast3A_1827 : vector<32xbf16>
          %bitcast3A_1843 = vector.bitcast %max3A_1842 : vector<32xbf16> to vector<16xf32>
          %swap3A_1844 = arith.index_cast %add3A_1838 : i32 to index
          %swap3A_1845 = tpu.vector_load %arg9[%swap3A_1844] {strides = array<i32>} : memref<10240xf32, #tpu.memory_space<vmem>>, vector<16xf32>,
          tpu.vector_store %arg9[%swap3A_1844], %bitcast3A_1843 {strides = array<i32>} : memref<10240xf32, #tpu.memory_space<vmem>>, vector<16xf32>,
          %mul3A_1846 = arith.constant 16 : i32
          %mul3A_1847 = arith.muli %scan3A_217, %mul3A_1846 : i32
          %add3A_1848 = arith.constant 13 : i32
          %add3A_1849 = arith.addi %mul3A_1847, %add3A_1848 : i32
          %get3A_1850 = arith.index_cast %select_n3A_186 : i32 to index
          %get3A_1851 = arith.index_cast %add3A_1849 : i32 to index
          %get3A_1852 = arith.constant 32 : index
          %get3A_1853 = tpu.vector_load %arg8[%get3A_1850, %get3A_1851, %get3A_1852] {strides = array<i32>} : memref<4x128x64xf32, #tpu.memory_space<vmem>>, vector<16xf32>,
          %bitcast3A_1854 = vector.bitcast %get3A_1853 : vector<16xf32> to vector<32xbf16>
          %add3A_1855 = arith.constant 32 : i32
          %add3A_1856 = arith.addi %mul3A_1785, %add3A_1855 : i32
          %get3A_1857 = arith.index_cast %add3A_1856 : i32 to index
          %get3A_1858 = tpu.vector_load %arg9[%get3A_1857] {strides = array<i32>} : memref<10240xf32, #tpu.memory_space<vmem>>, vector<16xf32>,
          %bitcast3A_1859 = vector.bitcast %get3A_1858 : vector<16xf32> to vector<32xbf16>
          %max3A_1860 = arith.maximumf %bitcast3A_1859, %bitcast3A_1854 : vector<32xbf16>
          %bitcast3A_1861 = vector.bitcast %max3A_1860 : vector<32xbf16> to vector<16xf32>
          %swap3A_1862 = arith.index_cast %add3A_1856 : i32 to index
          %swap3A_1863 = tpu.vector_load %arg9[%swap3A_1862] {strides = array<i32>} : memref<10240xf32, #tpu.memory_space<vmem>>, vector<16xf32>,
          tpu.vector_store %arg9[%swap3A_1862], %bitcast3A_1861 {strides = array<i32>} : memref<10240xf32, #tpu.memory_space<vmem>>, vector<16xf32>,
          %add3A_1864 = arith.constant 32 : i32
          %add3A_1865 = arith.addi %mul3A_1791, %add3A_1864 : i32
          %get3A_1866 = arith.index_cast %add3A_1865 : i32 to index
          %get3A_1867 = tpu.vector_load %arg9[%get3A_1866] {strides = array<i32>} : memref<10240xf32, #tpu.memory_space<vmem>>, vector<16xf32>,
          %bitcast3A_1868 = vector.bitcast %get3A_1867 : vector<16xf32> to vector<32xbf16>
          %max3A_1869 = arith.maximumf %bitcast3A_1868, %bitcast3A_1854 : vector<32xbf16>
          %bitcast3A_1870 = vector.bitcast %max3A_1869 : vector<32xbf16> to vector<16xf32>
          %swap3A_1871 = arith.index_cast %add3A_1865 : i32 to index
          %swap3A_1872 = tpu.vector_load %arg9[%swap3A_1871] {strides = array<i32>} : memref<10240xf32, #tpu.memory_space<vmem>>, vector<16xf32>,
          tpu.vector_store %arg9[%swap3A_1871], %bitcast3A_1870 {strides = array<i32>} : memref<10240xf32, #tpu.memory_space<vmem>>, vector<16xf32>,
          %mul3A_1873 = arith.constant 16 : i32
          %mul3A_1874 = arith.muli %scan3A_217, %mul3A_1873 : i32
          %add3A_1875 = arith.constant 13 : i32
          %add3A_1876 = arith.addi %mul3A_1874, %add3A_1875 : i32
          %get3A_1877 = arith.index_cast %select_n3A_186 : i32 to index
          %get3A_1878 = arith.index_cast %add3A_1876 : i32 to index
          %get3A_1879 = arith.constant 48 : index
          %get3A_1880 = tpu.vector_load %arg8[%get3A_1877, %get3A_1878, %get3A_1879] {strides = array<i32>} : memref<4x128x64xf32, #tpu.memory_space<vmem>>, vector<16xf32>,
          %bitcast3A_1881 = vector.bitcast %get3A_1880 : vector<16xf32> to vector<32xbf16>
          %add3A_1882 = arith.constant 48 : i32
          %add3A_1883 = arith.addi %mul3A_1785, %add3A_1882 : i32
          %get3A_1884 = arith.index_cast %add3A_1883 : i32 to index
          %get3A_1885 = tpu.vector_load %arg9[%get3A_1884] {strides = array<i32>} : memref<10240xf32, #tpu.memory_space<vmem>>, vector<16xf32>,
          %bitcast3A_1886 = vector.bitcast %get3A_1885 : vector<16xf32> to vector<32xbf16>
          %max3A_1887 = arith.maximumf %bitcast3A_1886, %bitcast3A_1881 : vector<32xbf16>
          %bitcast3A_1888 = vector.bitcast %max3A_1887 : vector<32xbf16> to vector<16xf32>
          %swap3A_1889 = arith.index_cast %add3A_1883 : i32 to index
          %swap3A_1890 = tpu.vector_load %arg9[%swap3A_1889] {strides = array<i32>} : memref<10240xf32, #tpu.memory_space<vmem>>, vector<16xf32>,
          tpu.vector_store %arg9[%swap3A_1889], %bitcast3A_1888 {strides = array<i32>} : memref<10240xf32, #tpu.memory_space<vmem>>, vector<16xf32>,
          %add3A_1891 = arith.constant 48 : i32
          %add3A_1892 = arith.addi %mul3A_1791, %add3A_1891 : i32
          %get3A_1893 = arith.index_cast %add3A_1892 : i32 to index
          %get3A_1894 = tpu.vector_load %arg9[%get3A_1893] {strides = array<i32>} : memref<10240xf32, #tpu.memory_space<vmem>>, vector<16xf32>,
          %bitcast3A_1895 = vector.bitcast %get3A_1894 : vector<16xf32> to vector<32xbf16>
          %max3A_1896 = arith.maximumf %bitcast3A_1895, %bitcast3A_1881 : vector<32xbf16>
          %bitcast3A_1897 = vector.bitcast %max3A_1896 : vector<32xbf16> to vector<16xf32>
          %swap3A_1898 = arith.index_cast %add3A_1892 : i32 to index
          %swap3A_1899 = tpu.vector_load %arg9[%swap3A_1898] {strides = array<i32>} : memref<10240xf32, #tpu.memory_space<vmem>>, vector<16xf32>,
          tpu.vector_store %arg9[%swap3A_1898], %bitcast3A_1897 {strides = array<i32>} : memref<10240xf32, #tpu.memory_space<vmem>>, vector<16xf32>,
          %slice3A_1900 = vector.extract_strided_slice %get3A_224 {offsets = [14], sizes = [1], strides = [1]} : vector<16xi32> to vector<1xi32>
          %squeeze3A_1901 = vector.extract %slice3A_1900[0] : i32 from vector<1xi32>
          %shift_right_arithmetic3A_1902 = arith.constant 7 : i32
          %shift_right_arithmetic3A_1903 = arith.shrsi %squeeze3A_1901, %shift_right_arithmetic3A_1902 : i32
          %mul3A_1904 = arith.constant 64 : i32
          %mul3A_1905 = arith.muli %shift_right_arithmetic3A_1903, %mul3A_1904 : i32
          %and3A_1906 = arith.constant 127 : i32
          %and3A_1907 = arith.andi %squeeze3A_1901, %and3A_1906 : i32
          %add3A_1908 = arith.constant 27 : i32
          %add3A_1909 = arith.addi %add3A_1908, %and3A_1907 : i32
          %mul3A_1910 = arith.constant 64 : i32
          %mul3A_1911 = arith.muli %add3A_1909, %mul3A_1910 : i32
          %mul3A_1912 = arith.constant 16 : i32
          %mul3A_1913 = arith.muli %scan3A_217, %mul3A_1912 : i32
          %add3A_1914 = arith.constant 14 : i32
          %add3A_1915 = arith.addi %mul3A_1913, %add3A_1914 : i32
          %get3A_1916 = arith.index_cast %select_n3A_186 : i32 to index
          %get3A_1917 = arith.index_cast %add3A_1915 : i32 to index
          %get3A_1918 = arith.constant 0 : index
          %get3A_1919 = tpu.vector_load %arg8[%get3A_1916, %get3A_1917, %get3A_1918] {strides = array<i32>} : memref<4x128x64xf32, #tpu.memory_space<vmem>>, vector<16xf32>,
          %bitcast3A_1920 = vector.bitcast %get3A_1919 : vector<16xf32> to vector<32xbf16>
          %add3A_1921 = arith.constant 0 : i32
          %add3A_1922 = arith.addi %mul3A_1905, %add3A_1921 : i32
          %get3A_1923 = arith.index_cast %add3A_1922 : i32 to index
          %get3A_1924 = tpu.vector_load %arg9[%get3A_1923] {strides = array<i32>} : memref<10240xf32, #tpu.memory_space<vmem>>, vector<16xf32>,
          %bitcast3A_1925 = vector.bitcast %get3A_1924 : vector<16xf32> to vector<32xbf16>
          %max3A_1926 = arith.maximumf %bitcast3A_1925, %bitcast3A_1920 : vector<32xbf16>
          %bitcast3A_1927 = vector.bitcast %max3A_1926 : vector<32xbf16> to vector<16xf32>
          %swap3A_1928 = arith.index_cast %add3A_1922 : i32 to index
          %swap3A_1929 = tpu.vector_load %arg9[%swap3A_1928] {strides = array<i32>} : memref<10240xf32, #tpu.memory_space<vmem>>, vector<16xf32>,
          tpu.vector_store %arg9[%swap3A_1928], %bitcast3A_1927 {strides = array<i32>} : memref<10240xf32, #tpu.memory_space<vmem>>, vector<16xf32>,
          %add3A_1930 = arith.constant 0 : i32
          %add3A_1931 = arith.addi %mul3A_1911, %add3A_1930 : i32
          %get3A_1932 = arith.index_cast %add3A_1931 : i32 to index
          %get3A_1933 = tpu.vector_load %arg9[%get3A_1932] {strides = array<i32>} : memref<10240xf32, #tpu.memory_space<vmem>>, vector<16xf32>,
          %bitcast3A_1934 = vector.bitcast %get3A_1933 : vector<16xf32> to vector<32xbf16>
          %max3A_1935 = arith.maximumf %bitcast3A_1934, %bitcast3A_1920 : vector<32xbf16>
          %bitcast3A_1936 = vector.bitcast %max3A_1935 : vector<32xbf16> to vector<16xf32>
          %swap3A_1937 = arith.index_cast %add3A_1931 : i32 to index
          %swap3A_1938 = tpu.vector_load %arg9[%swap3A_1937] {strides = array<i32>} : memref<10240xf32, #tpu.memory_space<vmem>>, vector<16xf32>,
          tpu.vector_store %arg9[%swap3A_1937], %bitcast3A_1936 {strides = array<i32>} : memref<10240xf32, #tpu.memory_space<vmem>>, vector<16xf32>,
          %mul3A_1939 = arith.constant 16 : i32
          %mul3A_1940 = arith.muli %scan3A_217, %mul3A_1939 : i32
          %add3A_1941 = arith.constant 14 : i32
          %add3A_1942 = arith.addi %mul3A_1940, %add3A_1941 : i32
          %get3A_1943 = arith.index_cast %select_n3A_186 : i32 to index
          %get3A_1944 = arith.index_cast %add3A_1942 : i32 to index
          %get3A_1945 = arith.constant 16 : index
          %get3A_1946 = tpu.vector_load %arg8[%get3A_1943, %get3A_1944, %get3A_1945] {strides = array<i32>} : memref<4x128x64xf32, #tpu.memory_space<vmem>>, vector<16xf32>,
          %bitcast3A_1947 = vector.bitcast %get3A_1946 : vector<16xf32> to vector<32xbf16>
          %add3A_1948 = arith.constant 16 : i32
          %add3A_1949 = arith.addi %mul3A_1905, %add3A_1948 : i32
          %get3A_1950 = arith.index_cast %add3A_1949 : i32 to index
          %get3A_1951 = tpu.vector_load %arg9[%get3A_1950] {strides = array<i32>} : memref<10240xf32, #tpu.memory_space<vmem>>, vector<16xf32>,
          %bitcast3A_1952 = vector.bitcast %get3A_1951 : vector<16xf32> to vector<32xbf16>
          %max3A_1953 = arith.maximumf %bitcast3A_1952, %bitcast3A_1947 : vector<32xbf16>
          %bitcast3A_1954 = vector.bitcast %max3A_1953 : vector<32xbf16> to vector<16xf32>
          %swap3A_1955 = arith.index_cast %add3A_1949 : i32 to index
          %swap3A_1956 = tpu.vector_load %arg9[%swap3A_1955] {strides = array<i32>} : memref<10240xf32, #tpu.memory_space<vmem>>, vector<16xf32>,
          tpu.vector_store %arg9[%swap3A_1955], %bitcast3A_1954 {strides = array<i32>} : memref<10240xf32, #tpu.memory_space<vmem>>, vector<16xf32>,
          %add3A_1957 = arith.constant 16 : i32
          %add3A_1958 = arith.addi %mul3A_1911, %add3A_1957 : i32
          %get3A_1959 = arith.index_cast %add3A_1958 : i32 to index
          %get3A_1960 = tpu.vector_load %arg9[%get3A_1959] {strides = array<i32>} : memref<10240xf32, #tpu.memory_space<vmem>>, vector<16xf32>,
          %bitcast3A_1961 = vector.bitcast %get3A_1960 : vector<16xf32> to vector<32xbf16>
          %max3A_1962 = arith.maximumf %bitcast3A_1961, %bitcast3A_1947 : vector<32xbf16>
          %bitcast3A_1963 = vector.bitcast %max3A_1962 : vector<32xbf16> to vector<16xf32>
          %swap3A_1964 = arith.index_cast %add3A_1958 : i32 to index
          %swap3A_1965 = tpu.vector_load %arg9[%swap3A_1964] {strides = array<i32>} : memref<10240xf32, #tpu.memory_space<vmem>>, vector<16xf32>,
          tpu.vector_store %arg9[%swap3A_1964], %bitcast3A_1963 {strides = array<i32>} : memref<10240xf32, #tpu.memory_space<vmem>>, vector<16xf32>,
          %mul3A_1966 = arith.constant 16 : i32
          %mul3A_1967 = arith.muli %scan3A_217, %mul3A_1966 : i32
          %add3A_1968 = arith.constant 14 : i32
          %add3A_1969 = arith.addi %mul3A_1967, %add3A_1968 : i32
          %get3A_1970 = arith.index_cast %select_n3A_186 : i32 to index
          %get3A_1971 = arith.index_cast %add3A_1969 : i32 to index
          %get3A_1972 = arith.constant 32 : index
          %get3A_1973 = tpu.vector_load %arg8[%get3A_1970, %get3A_1971, %get3A_1972] {strides = array<i32>} : memref<4x128x64xf32, #tpu.memory_space<vmem>>, vector<16xf32>,
          %bitcast3A_1974 = vector.bitcast %get3A_1973 : vector<16xf32> to vector<32xbf16>
          %add3A_1975 = arith.constant 32 : i32
          %add3A_1976 = arith.addi %mul3A_1905, %add3A_1975 : i32
          %get3A_1977 = arith.index_cast %add3A_1976 : i32 to index
          %get3A_1978 = tpu.vector_load %arg9[%get3A_1977] {strides = array<i32>} : memref<10240xf32, #tpu.memory_space<vmem>>, vector<16xf32>,
          %bitcast3A_1979 = vector.bitcast %get3A_1978 : vector<16xf32> to vector<32xbf16>
          %max3A_1980 = arith.maximumf %bitcast3A_1979, %bitcast3A_1974 : vector<32xbf16>
          %bitcast3A_1981 = vector.bitcast %max3A_1980 : vector<32xbf16> to vector<16xf32>
          %swap3A_1982 = arith.index_cast %add3A_1976 : i32 to index
          %swap3A_1983 = tpu.vector_load %arg9[%swap3A_1982] {strides = array<i32>} : memref<10240xf32, #tpu.memory_space<vmem>>, vector<16xf32>,
          tpu.vector_store %arg9[%swap3A_1982], %bitcast3A_1981 {strides = array<i32>} : memref<10240xf32, #tpu.memory_space<vmem>>, vector<16xf32>,
          %add3A_1984 = arith.constant 32 : i32
          %add3A_1985 = arith.addi %mul3A_1911, %add3A_1984 : i32
          %get3A_1986 = arith.index_cast %add3A_1985 : i32 to index
          %get3A_1987 = tpu.vector_load %arg9[%get3A_1986] {strides = array<i32>} : memref<10240xf32, #tpu.memory_space<vmem>>, vector<16xf32>,
          %bitcast3A_1988 = vector.bitcast %get3A_1987 : vector<16xf32> to vector<32xbf16>
          %max3A_1989 = arith.maximumf %bitcast3A_1988, %bitcast3A_1974 : vector<32xbf16>
          %bitcast3A_1990 = vector.bitcast %max3A_1989 : vector<32xbf16> to vector<16xf32>
          %swap3A_1991 = arith.index_cast %add3A_1985 : i32 to index
          %swap3A_1992 = tpu.vector_load %arg9[%swap3A_1991] {strides = array<i32>} : memref<10240xf32, #tpu.memory_space<vmem>>, vector<16xf32>,
          tpu.vector_store %arg9[%swap3A_1991], %bitcast3A_1990 {strides = array<i32>} : memref<10240xf32, #tpu.memory_space<vmem>>, vector<16xf32>,
          %mul3A_1993 = arith.constant 16 : i32
          %mul3A_1994 = arith.muli %scan3A_217, %mul3A_1993 : i32
          %add3A_1995 = arith.constant 14 : i32
          %add3A_1996 = arith.addi %mul3A_1994, %add3A_1995 : i32
          %get3A_1997 = arith.index_cast %select_n3A_186 : i32 to index
          %get3A_1998 = arith.index_cast %add3A_1996 : i32 to index
          %get3A_1999 = arith.constant 48 : index
          %get3A_2000 = tpu.vector_load %arg8[%get3A_1997, %get3A_1998, %get3A_1999] {strides = array<i32>} : memref<4x128x64xf32, #tpu.memory_space<vmem>>, vector<16xf32>,
          %bitcast3A_2001 = vector.bitcast %get3A_2000 : vector<16xf32> to vector<32xbf16>
          %add3A_2002 = arith.constant 48 : i32
          %add3A_2003 = arith.addi %mul3A_1905, %add3A_2002 : i32
          %get3A_2004 = arith.index_cast %add3A_2003 : i32 to index
          %get3A_2005 = tpu.vector_load %arg9[%get3A_2004] {strides = array<i32>} : memref<10240xf32, #tpu.memory_space<vmem>>, vector<16xf32>,
          %bitcast3A_2006 = vector.bitcast %get3A_2005 : vector<16xf32> to vector<32xbf16>
          %max3A_2007 = arith.maximumf %bitcast3A_2006, %bitcast3A_2001 : vector<32xbf16>
          %bitcast3A_2008 = vector.bitcast %max3A_2007 : vector<32xbf16> to vector<16xf32>
          %swap3A_2009 = arith.index_cast %add3A_2003 : i32 to index
          %swap3A_2010 = tpu.vector_load %arg9[%swap3A_2009] {strides = array<i32>} : memref<10240xf32, #tpu.memory_space<vmem>>, vector<16xf32>,
          tpu.vector_store %arg9[%swap3A_2009], %bitcast3A_2008 {strides = array<i32>} : memref<10240xf32, #tpu.memory_space<vmem>>, vector<16xf32>,
          %add3A_2011 = arith.constant 48 : i32
          %add3A_2012 = arith.addi %mul3A_1911, %add3A_2011 : i32
          %get3A_2013 = arith.index_cast %add3A_2012 : i32 to index
          %get3A_2014 = tpu.vector_load %arg9[%get3A_2013] {strides = array<i32>} : memref<10240xf32, #tpu.memory_space<vmem>>, vector<16xf32>,
          %bitcast3A_2015 = vector.bitcast %get3A_2014 : vector<16xf32> to vector<32xbf16>
          %max3A_2016 = arith.maximumf %bitcast3A_2015, %bitcast3A_2001 : vector<32xbf16>
          %bitcast3A_2017 = vector.bitcast %max3A_2016 : vector<32xbf16> to vector<16xf32>
          %swap3A_2018 = arith.index_cast %add3A_2012 : i32 to index
          %swap3A_2019 = tpu.vector_load %arg9[%swap3A_2018] {strides = array<i32>} : memref<10240xf32, #tpu.memory_space<vmem>>, vector<16xf32>,
          tpu.vector_store %arg9[%swap3A_2018], %bitcast3A_2017 {strides = array<i32>} : memref<10240xf32, #tpu.memory_space<vmem>>, vector<16xf32>,
          %slice3A_2020 = vector.extract_strided_slice %get3A_224 {offsets = [15], sizes = [1], strides = [1]} : vector<16xi32> to vector<1xi32>
          %squeeze3A_2021 = vector.extract %slice3A_2020[0] : i32 from vector<1xi32>
          %shift_right_arithmetic3A_2022 = arith.constant 7 : i32
          %shift_right_arithmetic3A_2023 = arith.shrsi %squeeze3A_2021, %shift_right_arithmetic3A_2022 : i32
          %mul3A_2024 = arith.constant 64 : i32
          %mul3A_2025 = arith.muli %shift_right_arithmetic3A_2023, %mul3A_2024 : i32
          %and3A_2026 = arith.constant 127 : i32
          %and3A_2027 = arith.andi %squeeze3A_2021, %and3A_2026 : i32
          %add3A_2028 = arith.constant 27 : i32
          %add3A_2029 = arith.addi %add3A_2028, %and3A_2027 : i32
          %mul3A_2030 = arith.constant 64 : i32
          %mul3A_2031 = arith.muli %add3A_2029, %mul3A_2030 : i32
          %mul3A_2032 = arith.constant 16 : i32
          %mul3A_2033 = arith.muli %scan3A_217, %mul3A_2032 : i32
          %add3A_2034 = arith.constant 15 : i32
          %add3A_2035 = arith.addi %mul3A_2033, %add3A_2034 : i32
          %get3A_2036 = arith.index_cast %select_n3A_186 : i32 to index
          %get3A_2037 = arith.index_cast %add3A_2035 : i32 to index
          %get3A_2038 = arith.constant 0 : index
          %get3A_2039 = tpu.vector_load %arg8[%get3A_2036, %get3A_2037, %get3A_2038] {strides = array<i32>} : memref<4x128x64xf32, #tpu.memory_space<vmem>>, vector<16xf32>,
          %bitcast3A_2040 = vector.bitcast %get3A_2039 : vector<16xf32> to vector<32xbf16>
          %add3A_2041 = arith.constant 0 : i32
          %add3A_2042 = arith.addi %mul3A_2025, %add3A_2041 : i32
          %get3A_2043 = arith.index_cast %add3A_2042 : i32 to index
          %get3A_2044 = tpu.vector_load %arg9[%get3A_2043] {strides = array<i32>} : memref<10240xf32, #tpu.memory_space<vmem>>, vector<16xf32>,
          %bitcast3A_2045 = vector.bitcast %get3A_2044 : vector<16xf32> to vector<32xbf16>
          %max3A_2046 = arith.maximumf %bitcast3A_2045, %bitcast3A_2040 : vector<32xbf16>
          %bitcast3A_2047 = vector.bitcast %max3A_2046 : vector<32xbf16> to vector<16xf32>
          %swap3A_2048 = arith.index_cast %add3A_2042 : i32 to index
          %swap3A_2049 = tpu.vector_load %arg9[%swap3A_2048] {strides = array<i32>} : memref<10240xf32, #tpu.memory_space<vmem>>, vector<16xf32>,
          tpu.vector_store %arg9[%swap3A_2048], %bitcast3A_2047 {strides = array<i32>} : memref<10240xf32, #tpu.memory_space<vmem>>, vector<16xf32>,
          %add3A_2050 = arith.constant 0 : i32
          %add3A_2051 = arith.addi %mul3A_2031, %add3A_2050 : i32
          %get3A_2052 = arith.index_cast %add3A_2051 : i32 to index
          %get3A_2053 = tpu.vector_load %arg9[%get3A_2052] {strides = array<i32>} : memref<10240xf32, #tpu.memory_space<vmem>>, vector<16xf32>,
          %bitcast3A_2054 = vector.bitcast %get3A_2053 : vector<16xf32> to vector<32xbf16>
          %max3A_2055 = arith.maximumf %bitcast3A_2054, %bitcast3A_2040 : vector<32xbf16>
          %bitcast3A_2056 = vector.bitcast %max3A_2055 : vector<32xbf16> to vector<16xf32>
          %swap3A_2057 = arith.index_cast %add3A_2051 : i32 to index
          %swap3A_2058 = tpu.vector_load %arg9[%swap3A_2057] {strides = array<i32>} : memref<10240xf32, #tpu.memory_space<vmem>>, vector<16xf32>,
          tpu.vector_store %arg9[%swap3A_2057], %bitcast3A_2056 {strides = array<i32>} : memref<10240xf32, #tpu.memory_space<vmem>>, vector<16xf32>,
          %mul3A_2059 = arith.constant 16 : i32
          %mul3A_2060 = arith.muli %scan3A_217, %mul3A_2059 : i32
          %add3A_2061 = arith.constant 15 : i32
          %add3A_2062 = arith.addi %mul3A_2060, %add3A_2061 : i32
          %get3A_2063 = arith.index_cast %select_n3A_186 : i32 to index
          %get3A_2064 = arith.index_cast %add3A_2062 : i32 to index
          %get3A_2065 = arith.constant 16 : index
          %get3A_2066 = tpu.vector_load %arg8[%get3A_2063, %get3A_2064, %get3A_2065] {strides = array<i32>} : memref<4x128x64xf32, #tpu.memory_space<vmem>>, vector<16xf32>,
          %bitcast3A_2067 = vector.bitcast %get3A_2066 : vector<16xf32> to vector<32xbf16>
          %add3A_2068 = arith.constant 16 : i32
          %add3A_2069 = arith.addi %mul3A_2025, %add3A_2068 : i32
          %get3A_2070 = arith.index_cast %add3A_2069 : i32 to index
          %get3A_2071 = tpu.vector_load %arg9[%get3A_2070] {strides = array<i32>} : memref<10240xf32, #tpu.memory_space<vmem>>, vector<16xf32>,
          %bitcast3A_2072 = vector.bitcast %get3A_2071 : vector<16xf32> to vector<32xbf16>
          %max3A_2073 = arith.maximumf %bitcast3A_2072, %bitcast3A_2067 : vector<32xbf16>
          %bitcast3A_2074 = vector.bitcast %max3A_2073 : vector<32xbf16> to vector<16xf32>
          %swap3A_2075 = arith.index_cast %add3A_2069 : i32 to index
          %swap3A_2076 = tpu.vector_load %arg9[%swap3A_2075] {strides = array<i32>} : memref<10240xf32, #tpu.memory_space<vmem>>, vector<16xf32>,
          tpu.vector_store %arg9[%swap3A_2075], %bitcast3A_2074 {strides = array<i32>} : memref<10240xf32, #tpu.memory_space<vmem>>, vector<16xf32>,
          %add3A_2077 = arith.constant 16 : i32
          %add3A_2078 = arith.addi %mul3A_2031, %add3A_2077 : i32
          %get3A_2079 = arith.index_cast %add3A_2078 : i32 to index
          %get3A_2080 = tpu.vector_load %arg9[%get3A_2079] {strides = array<i32>} : memref<10240xf32, #tpu.memory_space<vmem>>, vector<16xf32>,
          %bitcast3A_2081 = vector.bitcast %get3A_2080 : vector<16xf32> to vector<32xbf16>
          %max3A_2082 = arith.maximumf %bitcast3A_2081, %bitcast3A_2067 : vector<32xbf16>
          %bitcast3A_2083 = vector.bitcast %max3A_2082 : vector<32xbf16> to vector<16xf32>
          %swap3A_2084 = arith.index_cast %add3A_2078 : i32 to index
          %swap3A_2085 = tpu.vector_load %arg9[%swap3A_2084] {strides = array<i32>} : memref<10240xf32, #tpu.memory_space<vmem>>, vector<16xf32>,
          tpu.vector_store %arg9[%swap3A_2084], %bitcast3A_2083 {strides = array<i32>} : memref<10240xf32, #tpu.memory_space<vmem>>, vector<16xf32>,
          %mul3A_2086 = arith.constant 16 : i32
          %mul3A_2087 = arith.muli %scan3A_217, %mul3A_2086 : i32
          %add3A_2088 = arith.constant 15 : i32
          %add3A_2089 = arith.addi %mul3A_2087, %add3A_2088 : i32
          %get3A_2090 = arith.index_cast %select_n3A_186 : i32 to index
          %get3A_2091 = arith.index_cast %add3A_2089 : i32 to index
          %get3A_2092 = arith.constant 32 : index
          %get3A_2093 = tpu.vector_load %arg8[%get3A_2090, %get3A_2091, %get3A_2092] {strides = array<i32>} : memref<4x128x64xf32, #tpu.memory_space<vmem>>, vector<16xf32>,
          %bitcast3A_2094 = vector.bitcast %get3A_2093 : vector<16xf32> to vector<32xbf16>
          %add3A_2095 = arith.constant 32 : i32
          %add3A_2096 = arith.addi %mul3A_2025, %add3A_2095 : i32
          %get3A_2097 = arith.index_cast %add3A_2096 : i32 to index
          %get3A_2098 = tpu.vector_load %arg9[%get3A_2097] {strides = array<i32>} : memref<10240xf32, #tpu.memory_space<vmem>>, vector<16xf32>,
          %bitcast3A_2099 = vector.bitcast %get3A_2098 : vector<16xf32> to vector<32xbf16>
          %max3A_2100 = arith.maximumf %bitcast3A_2099, %bitcast3A_2094 : vector<32xbf16>
          %bitcast3A_2101 = vector.bitcast %max3A_2100 : vector<32xbf16> to vector<16xf32>
          %swap3A_2102 = arith.index_cast %add3A_2096 : i32 to index
          %swap3A_2103 = tpu.vector_load %arg9[%swap3A_2102] {strides = array<i32>} : memref<10240xf32, #tpu.memory_space<vmem>>, vector<16xf32>,
          tpu.vector_store %arg9[%swap3A_2102], %bitcast3A_2101 {strides = array<i32>} : memref<10240xf32, #tpu.memory_space<vmem>>, vector<16xf32>,
          %add3A_2104 = arith.constant 32 : i32
          %add3A_2105 = arith.addi %mul3A_2031, %add3A_2104 : i32
          %get3A_2106 = arith.index_cast %add3A_2105 : i32 to index
          %get3A_2107 = tpu.vector_load %arg9[%get3A_2106] {strides = array<i32>} : memref<10240xf32, #tpu.memory_space<vmem>>, vector<16xf32>,
          %bitcast3A_2108 = vector.bitcast %get3A_2107 : vector<16xf32> to vector<32xbf16>
          %max3A_2109 = arith.maximumf %bitcast3A_2108, %bitcast3A_2094 : vector<32xbf16>
          %bitcast3A_2110 = vector.bitcast %max3A_2109 : vector<32xbf16> to vector<16xf32>
          %swap3A_2111 = arith.index_cast %add3A_2105 : i32 to index
          %swap3A_2112 = tpu.vector_load %arg9[%swap3A_2111] {strides = array<i32>} : memref<10240xf32, #tpu.memory_space<vmem>>, vector<16xf32>,
          tpu.vector_store %arg9[%swap3A_2111], %bitcast3A_2110 {strides = array<i32>} : memref<10240xf32, #tpu.memory_space<vmem>>, vector<16xf32>,
          %mul3A_2113 = arith.constant 16 : i32
          %mul3A_2114 = arith.muli %scan3A_217, %mul3A_2113 : i32
          %add3A_2115 = arith.constant 15 : i32
          %add3A_2116 = arith.addi %mul3A_2114, %add3A_2115 : i32
          %get3A_2117 = arith.index_cast %select_n3A_186 : i32 to index
          %get3A_2118 = arith.index_cast %add3A_2116 : i32 to index
          %get3A_2119 = arith.constant 48 : index
          %get3A_2120 = tpu.vector_load %arg8[%get3A_2117, %get3A_2118, %get3A_2119] {strides = array<i32>} : memref<4x128x64xf32, #tpu.memory_space<vmem>>, vector<16xf32>,
          %bitcast3A_2121 = vector.bitcast %get3A_2120 : vector<16xf32> to vector<32xbf16>
          %add3A_2122 = arith.constant 48 : i32
          %add3A_2123 = arith.addi %mul3A_2025, %add3A_2122 : i32
          %get3A_2124 = arith.index_cast %add3A_2123 : i32 to index
          %get3A_2125 = tpu.vector_load %arg9[%get3A_2124] {strides = array<i32>} : memref<10240xf32, #tpu.memory_space<vmem>>, vector<16xf32>,
          %bitcast3A_2126 = vector.bitcast %get3A_2125 : vector<16xf32> to vector<32xbf16>
          %max3A_2127 = arith.maximumf %bitcast3A_2126, %bitcast3A_2121 : vector<32xbf16>
          %bitcast3A_2128 = vector.bitcast %max3A_2127 : vector<32xbf16> to vector<16xf32>
          %swap3A_2129 = arith.index_cast %add3A_2123 : i32 to index
          %swap3A_2130 = tpu.vector_load %arg9[%swap3A_2129] {strides = array<i32>} : memref<10240xf32, #tpu.memory_space<vmem>>, vector<16xf32>,
          tpu.vector_store %arg9[%swap3A_2129], %bitcast3A_2128 {strides = array<i32>} : memref<10240xf32, #tpu.memory_space<vmem>>, vector<16xf32>,
          %add3A_2131 = arith.constant 48 : i32
          %add3A_2132 = arith.addi %mul3A_2031, %add3A_2131 : i32
          %get3A_2133 = arith.index_cast %add3A_2132 : i32 to index
          %get3A_2134 = tpu.vector_load %arg9[%get3A_2133] {strides = array<i32>} : memref<10240xf32, #tpu.memory_space<vmem>>, vector<16xf32>,
          %bitcast3A_2135 = vector.bitcast %get3A_2134 : vector<16xf32> to vector<32xbf16>
          %max3A_2136 = arith.maximumf %bitcast3A_2135, %bitcast3A_2121 : vector<32xbf16>
          %bitcast3A_2137 = vector.bitcast %max3A_2136 : vector<32xbf16> to vector<16xf32>
          %swap3A_2138 = arith.index_cast %add3A_2132 : i32 to index
          %swap3A_2139 = tpu.vector_load %arg9[%swap3A_2138] {strides = array<i32>} : memref<10240xf32, #tpu.memory_space<vmem>>, vector<16xf32>,
          tpu.vector_store %arg9[%swap3A_2138], %bitcast3A_2137 {strides = array<i32>} : memref<10240xf32, #tpu.memory_space<vmem>>, vector<16xf32>,
          %scan3A_2140 = arith.constant 0 : i32
          scf.yield %scan3A_2140 : i32
        }
        %scan3A_215 = arith.constant 8 : i32
        %while3A_216 = arith.constant 0 : i32
        scf.yield %while3A_216 : i32
      }
      %broadcast_in_dim3A_143 = arith.constant 0xFF800000 : f32
      %broadcast_in_dim3A_144 = vector.broadcast %broadcast_in_dim3A_143 : f32 to vector<16xf32>
      %broadcast_in_dim3A_145 = arith.constant 0.000000e+00 : f32
      %broadcast_in_dim3A_146 = vector.broadcast %broadcast_in_dim3A_145 : f32 to vector<16xf32>
      %not3A_147 = arith.constant true
      %not3A_148 = arith.xori %while3A_14, %not3A_147 : i1
      %convert_element_type3A_149 = arith.extui %not3A_148 : i1 to i32
      %cond3A_150 = arith.constant 0 : i32
      %cond3A_151 = arith.cmpi ne, %convert_element_type3A_149, %cond3A_150 : i32
      scf.if %cond3A_151 {
        %dma_wait3A_170 = arith.constant 0 : i32
        %dma_wait3A_171 = tpu.memref_slice %arg4[%add3A, %dma_wait3A_170] : memref<512x19456xf32, #tpu.memory_space<hbm>> -> memref<1x19456xf32, #tpu.memory_space<hbm>>
        %dma_wait3A_172 = tpu.memref_squeeze %dma_wait3A_171 : memref<1x19456xf32, #tpu.memory_space<hbm>> -> memref<19456xf32, #tpu.memory_space<hbm>>
        %dma_wait3A_173 = arith.constant 0 : i32
        %dma_wait3A_174 = tpu.memref_slice %arg4[%add3A, %dma_wait3A_173] : memref<512x19456xf32, #tpu.memory_space<hbm>> -> memref<1x19456xf32, #tpu.memory_space<hbm>>
        %dma_wait3A_175 = tpu.memref_squeeze %dma_wait3A_174 : memref<1x19456xf32, #tpu.memory_space<hbm>> -> memref<19456xf32, #tpu.memory_space<hbm>>
        tpu.wait_dma2 semaphore(%arg13 : memref<!tpu.dma_semaphore, #tpu.memory_space<semaphore_mem>>) src(%arg10 : memref<19456xf32, #tpu.memory_space<vmem>>) dst(%dma_wait3A_175 : memref<19456xf32, #tpu.memory_space<hbm>>)
      } else {
      }
      %scan3A_152 = arith.constant 0 : i32
      %scan3A_153 = arith.constant 0 : i32
      %scan3A_154 = arith.constant 152 : i32
      %scan3A_155 = arith.addi %scan3A_153, %scan3A_154 : i32
      %scan3A_156 = arith.constant 1 : i32
      %scan3A_157 = scf.for %scan3A_170 = %scan3A_153 to %scan3A_155 step %scan3A_156 iter_args(%scan3A_171 = %scan3A_152) -> (i32)  : i32 {
        %scan3A_172 = arith.constant 0 : i32
        %scan3A_173 = arith.constant 0 : i32
        %scan3A_174 = arith.constant 4 : i32
        %scan3A_175 = arith.addi %scan3A_173, %scan3A_174 : i32
        %scan3A_176 = arith.constant 1 : i32
        %scan3A_177 = scf.for %scan3A_180 = %scan3A_173 to %scan3A_175 step %scan3A_176 iter_args(%scan3A_181 = %scan3A_172) -> (i32)  : i32 {
          %mul3A_182 = arith.constant 64 : i32
          %mul3A_183 = arith.muli %scan3A_170, %mul3A_182 : i32
          %mul3A_184 = arith.constant 16 : i32
          %mul3A_185 = arith.muli %scan3A_180, %mul3A_184 : i32
          %add3A_186 = arith.addi %mul3A_183, %mul3A_185 : i32
          %get3A = arith.index_cast %add3A_186 : i32 to index
          %get3A_187 = tpu.vector_load %arg9[%get3A] {strides = array<i32>} : memref<10240xf32, #tpu.memory_space<vmem>>, vector<16xf32>,
          %bitcast3A_188 = vector.bitcast %get3A_187 : vector<16xf32> to vector<16xi32>
          %shift_left3A = arith.constant 16 : i32
          %shift_left3A_189 = vector.broadcast %shift_left3A : i32 to vector<16xi32>
          %shift_left3A_190 = arith.shli %bitcast3A_188, %shift_left3A_189 : vector<16xi32>
          %bitcast3A_191 = vector.bitcast %shift_left3A_190 : vector<16xi32> to vector<16xf32>
          %and3A_192 = arith.constant -65536 : i32
          %and3A_193 = vector.broadcast %and3A_192 : i32 to vector<16xi32>
          %and3A_194 = arith.andi %bitcast3A_188, %and3A_193 : vector<16xi32>
          %bitcast3A_195 = vector.bitcast %and3A_194 : vector<16xi32> to vector<16xf32>
          %eq3A_196 = arith.cmpf oeq, %bitcast3A_191, %broadcast_in_dim3A_144 : vector<16xf32>
          %select_n3A_197 = arith.select %eq3A_196, %broadcast_in_dim3A_146, %bitcast3A_191 : vector<16xi1>, vector<16xf32>
          %eq3A_198 = arith.cmpf oeq, %bitcast3A_195, %broadcast_in_dim3A_144 : vector<16xf32>
          %select_n3A_199 = arith.select %eq3A_198, %broadcast_in_dim3A_146, %bitcast3A_195 : vector<16xi1>, vector<16xf32>
          %mul3A_200 = arith.constant 16 : i32
          %mul3A_201 = arith.muli %scan3A_180, %mul3A_200 : i32
          %add3A_202 = vector.broadcast %mul3A_201 : i32 to vector<16xi32>
          %add3A_203 = arith.addi %add3A_202, %iota3A : vector<16xi32>
          %mul3A_204 = arith.constant 152 : i32
          %mul3A_205 = vector.broadcast %mul3A_204 : i32 to vector<16xi32>
          %mul3A_206 = arith.muli %add3A_203, %mul3A_205 : vector<16xi32>
          %add3A_207 = vector.broadcast %scan3A_170 : i32 to vector<16xi32>
          %add3A_208 = arith.addi %mul3A_206, %add3A_207 : vector<16xi32>
          tpu.vector_store_idx %arg10[%add3A_208], %select_n3A_197 : memref<19456xf32, #tpu.memory_space<vmem>>[vector<16xi32>], vector<16xf32>,
          %add3A_209 = arith.constant 9728 : i32
          %add3A_210 = vector.broadcast %add3A_209 : i32 to vector<16xi32>
          %add3A_211 = arith.addi %add3A_208, %add3A_210 : vector<16xi32>
          tpu.vector_store_idx %arg10[%add3A_211], %select_n3A_199 : memref<19456xf32, #tpu.memory_space<vmem>>[vector<16xi32>], vector<16xf32>,
          %scan3A_212 = arith.constant 0 : i32
          scf.yield %scan3A_212 : i32
        }
        %scan3A_178 = arith.constant 4 : i32
        %scan3A_179 = arith.constant 0 : i32
        scf.yield %scan3A_179 : i32
      }
      %scan3A_158 = arith.constant 152 : i32
      %dma_start3A_159 = arith.constant 0 : i32
      %dma_start3A_160 = tpu.memref_slice %arg4[%add3A, %dma_start3A_159] : memref<512x19456xf32, #tpu.memory_space<hbm>> -> memref<1x19456xf32, #tpu.memory_space<hbm>>
      %dma_start3A_161 = tpu.memref_squeeze %dma_start3A_160 : memref<1x19456xf32, #tpu.memory_space<hbm>> -> memref<19456xf32, #tpu.memory_space<hbm>>
      %dma_start3A_162 = arith.constant 0 : i32
      %dma_start3A_163 = tpu.memref_slice %arg4[%add3A, %dma_start3A_162] : memref<512x19456xf32, #tpu.memory_space<hbm>> -> memref<1x19456xf32, #tpu.memory_space<hbm>>
      %dma_start3A_164 = tpu.memref_squeeze %dma_start3A_163 : memref<1x19456xf32, #tpu.memory_space<hbm>> -> memref<19456xf32, #tpu.memory_space<hbm>>
      tpu.enqueue_dma source(%arg10 : memref<19456xf32, #tpu.memory_space<vmem>>) target(%dma_start3A_164 : memref<19456xf32, #tpu.memory_space<hbm>>) target_semaphore(%arg13 : memref<!tpu.dma_semaphore, #tpu.memory_space<semaphore_mem>>)
      %sc_fetch_and_add3A_165 = arith.constant 1 : i32
      %sc_fetch_and_add3A_166 = arith.constant 0 : i32
      %sc_fetch_and_add3A_167 = arith.constant 0 : i32
      %sc_fetch_and_add3A_168 = tpu.fetch_and_add_sync %arg14[%sc_fetch_and_add3A_166], %sc_fetch_and_add3A_165, %sc_fetch_and_add3A_167 : memref<1xi32, #tpu.memory_space<smem>>, i32 -> i32
      %while3A_169 = arith.constant false
      scf.yield %sc_fetch_and_add3A_168, %while3A_169 : i32, i1
    }
    %not3A = arith.constant true
    %not3A_9 = arith.xori %while3A_8#1, %not3A : i1
    %convert_element_type3A_10 = arith.extui %not3A_9 : i1 to i32
    %cond3A_11 = arith.constant 0 : i32
    %cond3A_12 = arith.cmpi ne, %convert_element_type3A_10, %cond3A_11 : i32
    scf.if %cond3A_12 {
      %dma_wait3A = arith.constant 0 : i32
      %dma_wait3A_13 = arith.constant 0 : i32
      %dma_wait3A_14 = tpu.memref_slice %arg4[%dma_wait3A, %dma_wait3A_13] : memref<512x19456xf32, #tpu.memory_space<hbm>> -> memref<1x19456xf32, #tpu.memory_space<hbm>>
      %dma_wait3A_15 = tpu.memref_squeeze %dma_wait3A_14 : memref<1x19456xf32, #tpu.memory_space<hbm>> -> memref<19456xf32, #tpu.memory_space<hbm>>
      %dma_wait3A_16 = arith.constant 0 : i32
      %dma_wait3A_17 = tpu.memref_slice %arg4[%dma_wait3A, %dma_wait3A_16] : memref<512x19456xf32, #tpu.memory_space<hbm>> -> memref<1x19456xf32, #tpu.memory_space<hbm>>
      %dma_wait3A_18 = tpu.memref_squeeze %dma_wait3A_17 : memref<1x19456xf32, #tpu.memory_space<hbm>> -> memref<19456xf32, #tpu.memory_space<hbm>>
      tpu.wait_dma2 semaphore(%arg13 : memref<!tpu.dma_semaphore, #tpu.memory_space<semaphore_mem>>) src(%arg10 : memref<19456xf32, #tpu.memory_space<vmem>>) dst(%dma_wait3A_18 : memref<19456xf32, #tpu.memory_space<hbm>>)
    } else {
    }
    return
  }
}

module attributes {stable_mosaic.version = 14 : i64} {
  func.func @_pack_kernel(%arg0: i32, %arg1: i32, %arg2: memref<1x128x2048xf32, #tpu.memory_space<vmem>>, %arg3: memref<2048x64xf32, #tpu.memory_space<vmem>>) attributes {dimension_semantics = [#tpu.dimension_semantics<arbitrary>, #tpu.dimension_semantics<arbitrary>], iteration_bounds = array<i64: 4, 8>, scalar_prefetch = 0 : i64, scratch_operands = 0 : i64, tpu.core_type = #tpu.core_type<tc>, window_params = [{transform_indices = @transform_0, window_bounds = array<i64: 1, 128, 2048>}, {transform_indices = @transform_1, window_bounds = array<i64: 2048, 64>}]} {
    %get3A = arith.constant 0 : index
    %get3A_0 = arith.constant 0 : index
    %get3A_1 = arith.constant 0 : index
    %get3A_2 = vector.load %arg2[%get3A, %get3A_0, %get3A_1] : memref<1x128x2048xf32, #tpu.memory_space<vmem>>, vector<1x128x2048xf32>
    %get3A_3 = vector.shape_cast %get3A_2 : vector<1x128x2048xf32> to vector<128x2048xf32>
    %transpose3A = tpu.transpose %get3A_3, [1, 0] : vector<128x2048xf32> -> vector<2048x128xf32>
    %convert_element_type3A = arith.truncf %transpose3A : vector<2048x128xf32> to vector<2048x128xbf16>
    %bitcast_convert_type3A = tpu.bitcast %convert_element_type3A : vector<2048x128xbf16> -> vector<2048x128xi16>
    %convert_element_type3A_4 = arith.extui %bitcast_convert_type3A : vector<2048x128xi16> to vector<2048x128xi32>
    %slice3A = vector.extract_strided_slice %convert_element_type3A_4 {offsets = [0, 0], sizes = [2048, 64], strides = [1, 1]} : vector<2048x128xi32> to vector<2048x64xi32>
    %slice3A_5 = vector.extract_strided_slice %convert_element_type3A_4 {offsets = [0, 64], sizes = [2048, 64], strides = [1, 1]} : vector<2048x128xi32> to vector<2048x64xi32>
    %shift_left3A = arith.constant 16 : i32
    %shift_left3A_6 = vector.broadcast %shift_left3A : i32 to vector<2048x64xi32>
    %shift_left3A_7 = arith.shli %slice3A_5, %shift_left3A_6 : vector<2048x64xi32>
    %or3A = arith.ori %slice3A, %shift_left3A_7 : vector<2048x64xi32>
    %bitcast_convert_type3A_8 = tpu.bitcast %or3A : vector<2048x64xi32> -> vector<2048x64xf32>
    %swap3A = arith.constant 0 : index
    %swap3A_9 = arith.constant 0 : index
    %swap3A_10 = vector.load %arg3[%swap3A, %swap3A_9] : memref<2048x64xf32, #tpu.memory_space<vmem>>, vector<2048x64xf32>
    tpu.vector_store %arg3[%swap3A, %swap3A_9], %bitcast_convert_type3A_8 {strides = array<i32>} : memref<2048x64xf32, #tpu.memory_space<vmem>>, vector<2048x64xf32>,
    return
  }
  func.func @transform_0(%arg0: i32, %arg1: i32) -> (i32, i32, i32) {
    %c0_i32 = arith.constant 0 : i32
    %c0_i32_0 = arith.constant 0 : i32
    return %arg0, %c0_i32, %arg1 : i32, i32, i32
  }
  func.func @transform_1(%arg0: i32, %arg1: i32) -> (i32, i32) {
    %mul3A = arith.constant 8 : i32
    %mul3A_0 = arith.muli %arg0, %mul3A : i32
    %add3A = arith.addi %mul3A_0, %arg1 : i32
    %c0_i32 = arith.constant 0 : i32
    %c0_i32_1 = arith.constant 0 : i32
    return %add3A, %c0_i32 : i32, i32
  }
}

module attributes {stable_mosaic.version = 14 : i64} {
  func.func @_geometry_kernel(%arg0: i32, %arg1: i32, %arg2: memref<1x3x16384xf32, #tpu.memory_space<vmem>>, %arg3: memref<1x128x8xf32, #tpu.memory_space<smem>>, %arg4: memref<1x1x16384xi32, #tpu.memory_space<vmem>>) attributes {dimension_semantics = [#tpu.dimension_semantics<arbitrary>, #tpu.dimension_semantics<arbitrary>], iteration_bounds = array<i64: 4, 128>, scalar_prefetch = 0 : i64, scratch_operands = 0 : i64, tpu.core_type = #tpu.core_type<tc>, window_params = [{transform_indices = @transform_0, window_bounds = array<i64: 1, 3, 16384>}, {transform_indices = @transform_1, window_bounds = array<i64: 1, 128, 8>}, {transform_indices = @transform_2, window_bounds = array<i64: 1, 1, 16384>}]} {
    %get3A = arith.constant 0 : index
    %get3A_0 = arith.constant 0 : index
    %get3A_1 = arith.constant 0 : index
    %get3A_2 = vector.load %arg2[%get3A, %get3A_0, %get3A_1] : memref<1x3x16384xf32, #tpu.memory_space<vmem>>, vector<1x1x16384xf32>
    %get3A_3 = vector.shape_cast %get3A_2 : vector<1x1x16384xf32> to vector<16384xf32>
    %get3A_4 = arith.constant 0 : index
    %get3A_5 = arith.constant 1 : index
    %get3A_6 = arith.constant 0 : index
    %get3A_7 = vector.load %arg2[%get3A_4, %get3A_5, %get3A_6] : memref<1x3x16384xf32, #tpu.memory_space<vmem>>, vector<1x1x16384xf32>
    %get3A_8 = vector.shape_cast %get3A_7 : vector<1x1x16384xf32> to vector<16384xf32>
    %get3A_9 = arith.constant 0 : index
    %get3A_10 = arith.constant 2 : index
    %get3A_11 = arith.constant 0 : index
    %get3A_12 = vector.load %arg2[%get3A_9, %get3A_10, %get3A_11] : memref<1x3x16384xf32, #tpu.memory_space<vmem>>, vector<1x1x16384xf32>
    %get3A_13 = vector.shape_cast %get3A_12 : vector<1x1x16384xf32> to vector<16384xf32>
    %get3A_14 = arith.constant 0 : index
    %get3A_15 = arith.index_cast %arg1 : i32 to index
    %get3A_16 = arith.constant 0 : index
    %get3A_17 = memref.load %arg3[%get3A_14, %get3A_15, %get3A_16] : memref<1x128x8xf32, #tpu.memory_space<smem>>
    %get3A_18 = arith.constant 0 : index
    %get3A_19 = arith.index_cast %arg1 : i32 to index
    %get3A_20 = arith.constant 1 : index
    %get3A_21 = memref.load %arg3[%get3A_18, %get3A_19, %get3A_20] : memref<1x128x8xf32, #tpu.memory_space<smem>>
    %get3A_22 = arith.constant 0 : index
    %get3A_23 = arith.index_cast %arg1 : i32 to index
    %get3A_24 = arith.constant 2 : index
    %get3A_25 = memref.load %arg3[%get3A_22, %get3A_23, %get3A_24] : memref<1x128x8xf32, #tpu.memory_space<smem>>
    %get3A_26 = arith.constant 0 : index
    %get3A_27 = arith.index_cast %arg1 : i32 to index
    %get3A_28 = arith.constant 3 : index
    %get3A_29 = memref.load %arg3[%get3A_26, %get3A_27, %get3A_28] : memref<1x128x8xf32, #tpu.memory_space<smem>>
    %get3A_30 = arith.constant 0 : index
    %get3A_31 = arith.index_cast %arg1 : i32 to index
    %get3A_32 = arith.constant 4 : index
    %get3A_33 = memref.load %arg3[%get3A_30, %get3A_31, %get3A_32] : memref<1x128x8xf32, #tpu.memory_space<smem>>
    %get3A_34 = arith.constant 0 : index
    %get3A_35 = arith.index_cast %arg1 : i32 to index
    %get3A_36 = arith.constant 5 : index
    %get3A_37 = memref.load %arg3[%get3A_34, %get3A_35, %get3A_36] : memref<1x128x8xf32, #tpu.memory_space<smem>>
    %get3A_38 = arith.constant 0 : index
    %get3A_39 = arith.index_cast %arg1 : i32 to index
    %get3A_40 = arith.constant 6 : index
    %get3A_41 = memref.load %arg3[%get3A_38, %get3A_39, %get3A_40] : memref<1x128x8xf32, #tpu.memory_space<smem>>
    %get3A_42 = arith.constant 0 : index
    %get3A_43 = arith.index_cast %arg1 : i32 to index
    %get3A_44 = arith.constant 7 : index
    %get3A_45 = memref.load %arg3[%get3A_42, %get3A_43, %get3A_44] : memref<1x128x8xf32, #tpu.memory_space<smem>>
    %sub3A = vector.broadcast %get3A_17 : f32 to vector<16384xf32>
    %sub3A_46 = arith.subf %get3A_3, %sub3A : vector<16384xf32>
    %sub3A_47 = vector.broadcast %get3A_21 : f32 to vector<16384xf32>
    %sub3A_48 = arith.subf %get3A_8, %sub3A_47 : vector<16384xf32>
    %mul3A = vector.broadcast %get3A_41 : f32 to vector<16384xf32>
    %mul3A_49 = arith.mulf %sub3A_46, %mul3A : vector<16384xf32>
    %mul3A_50 = vector.broadcast %get3A_45 : f32 to vector<16384xf32>
    %mul3A_51 = arith.mulf %sub3A_48, %mul3A_50 : vector<16384xf32>
    %sub3A_52 = arith.subf %mul3A_49, %mul3A_51 : vector<16384xf32>
    %mul3A_53 = vector.broadcast %get3A_45 : f32 to vector<16384xf32>
    %mul3A_54 = arith.mulf %sub3A_46, %mul3A_53 : vector<16384xf32>
    %mul3A_55 = vector.broadcast %get3A_41 : f32 to vector<16384xf32>
    %mul3A_56 = arith.mulf %sub3A_48, %mul3A_55 : vector<16384xf32>
    %add3A = arith.addf %mul3A_54, %mul3A_56 : vector<16384xf32>
    %sub3A_57 = vector.broadcast %get3A_25 : f32 to vector<16384xf32>
    %sub3A_58 = arith.subf %get3A_13, %sub3A_57 : vector<16384xf32>
    %abs3A = math.absf %sub3A_52 : vector<16384xf32>
    %div3A = arith.constant 2.000000e+00 : f32
    %div3A_59 = arith.divf %get3A_29, %div3A : f32
    %lt3A = vector.broadcast %div3A_59 : f32 to vector<16384xf32>
    %lt3A_60 = arith.cmpf olt, %abs3A, %lt3A : vector<16384xf32>
    %abs3A_61 = math.absf %add3A : vector<16384xf32>
    %div3A_62 = arith.constant 2.000000e+00 : f32
    %div3A_63 = arith.divf %get3A_33, %div3A_62 : f32
    %lt3A_64 = vector.broadcast %div3A_63 : f32 to vector<16384xf32>
    %lt3A_65 = arith.cmpf olt, %abs3A_61, %lt3A_64 : vector<16384xf32>
    %and3A = arith.andi %lt3A_60, %lt3A_65 : vector<16384xi1>
    %abs3A_66 = math.absf %sub3A_58 : vector<16384xf32>
    %div3A_67 = arith.constant 2.000000e+00 : f32
    %div3A_68 = arith.divf %get3A_37, %div3A_67 : f32
    %lt3A_69 = vector.broadcast %div3A_68 : f32 to vector<16384xf32>
    %lt3A_70 = arith.cmpf olt, %abs3A_66, %lt3A_69 : vector<16384xf32>
    %and3A_71 = arith.andi %and3A, %lt3A_70 : vector<16384xi1>
    %div3A_72 = arith.constant 2.000000e+00 : f32
    %div3A_73 = arith.divf %get3A_29, %div3A_72 : f32
    %add3A_74 = vector.broadcast %div3A_73 : f32 to vector<16384xf32>
    %add3A_75 = arith.addf %sub3A_52, %add3A_74 : vector<16384xf32>
    %div3A_76 = arith.constant 3.000000e+00 : f32
    %div3A_77 = arith.divf %get3A_29, %div3A_76 : f32
    %div3A_78 = vector.broadcast %div3A_77 : f32 to vector<16384xf32>
    %div3A_79 = arith.divf %add3A_75, %div3A_78 : vector<16384xf32>
    %floor3A = math.floor %div3A_79 : vector<16384xf32>
    %jit3A = arith.constant 0 : i32
    %jit3A_80 = arith.constant 2 : i32
    %convert_element_type3A = arith.sitofp %jit3A : i32 to f32
    %max3A = vector.broadcast %convert_element_type3A : f32 to vector<16384xf32>
    %max3A_81 = arith.maximumf %max3A, %floor3A : vector<16384xf32>
    %convert_element_type3A_82 = arith.sitofp %jit3A_80 : i32 to f32
    %min3A = vector.broadcast %convert_element_type3A_82 : f32 to vector<16384xf32>
    %min3A_83 = arith.minimumf %min3A, %max3A_81 : vector<16384xf32>
    %convert_element_type3A_84 = arith.fptosi %min3A_83 : vector<16384xf32> to vector<16384xi32>
    %div3A_85 = arith.constant 2.000000e+00 : f32
    %div3A_86 = arith.divf %get3A_33, %div3A_85 : f32
    %add3A_87 = vector.broadcast %div3A_86 : f32 to vector<16384xf32>
    %add3A_88 = arith.addf %add3A, %add3A_87 : vector<16384xf32>
    %div3A_89 = arith.constant 3.000000e+00 : f32
    %div3A_90 = arith.divf %get3A_33, %div3A_89 : f32
    %div3A_91 = vector.broadcast %div3A_90 : f32 to vector<16384xf32>
    %div3A_92 = arith.divf %add3A_88, %div3A_91 : vector<16384xf32>
    %floor3A_93 = math.floor %div3A_92 : vector<16384xf32>
    %jit3A_94 = arith.constant 0 : i32
    %jit3A_95 = arith.constant 2 : i32
    %convert_element_type3A_96 = arith.sitofp %jit3A_94 : i32 to f32
    %max3A_97 = vector.broadcast %convert_element_type3A_96 : f32 to vector<16384xf32>
    %max3A_98 = arith.maximumf %max3A_97, %floor3A_93 : vector<16384xf32>
    %convert_element_type3A_99 = arith.sitofp %jit3A_95 : i32 to f32
    %min3A_100 = vector.broadcast %convert_element_type3A_99 : f32 to vector<16384xf32>
    %min3A_101 = arith.minimumf %min3A_100, %max3A_98 : vector<16384xf32>
    %convert_element_type3A_102 = arith.fptosi %min3A_101 : vector<16384xf32> to vector<16384xi32>
    %div3A_103 = arith.constant 2.000000e+00 : f32
    %div3A_104 = arith.divf %get3A_37, %div3A_103 : f32
    %add3A_105 = vector.broadcast %div3A_104 : f32 to vector<16384xf32>
    %add3A_106 = arith.addf %sub3A_58, %add3A_105 : vector<16384xf32>
    %div3A_107 = arith.constant 3.000000e+00 : f32
    %div3A_108 = arith.divf %get3A_37, %div3A_107 : f32
    %div3A_109 = vector.broadcast %div3A_108 : f32 to vector<16384xf32>
    %div3A_110 = arith.divf %add3A_106, %div3A_109 : vector<16384xf32>
    %floor3A_111 = math.floor %div3A_110 : vector<16384xf32>
    %jit3A_112 = arith.constant 0 : i32
    %jit3A_113 = arith.constant 2 : i32
    %convert_element_type3A_114 = arith.sitofp %jit3A_112 : i32 to f32
    %max3A_115 = vector.broadcast %convert_element_type3A_114 : f32 to vector<16384xf32>
    %max3A_116 = arith.maximumf %max3A_115, %floor3A_111 : vector<16384xf32>
    %convert_element_type3A_117 = arith.sitofp %jit3A_113 : i32 to f32
    %min3A_118 = vector.broadcast %convert_element_type3A_117 : f32 to vector<16384xf32>
    %min3A_119 = arith.minimumf %min3A_118, %max3A_116 : vector<16384xf32>
    %convert_element_type3A_120 = arith.fptosi %min3A_119 : vector<16384xf32> to vector<16384xi32>
    %mul3A_121 = arith.constant 3 : i32
    %mul3A_122 = vector.broadcast %mul3A_121 : i32 to vector<16384xi32>
    %mul3A_123 = arith.muli %convert_element_type3A_84, %mul3A_122 : vector<16384xi32>
    %add3A_124 = arith.addi %mul3A_123, %convert_element_type3A_102 : vector<16384xi32>
    %mul3A_125 = arith.constant 3 : i32
    %mul3A_126 = vector.broadcast %mul3A_125 : i32 to vector<16384xi32>
    %mul3A_127 = arith.muli %add3A_124, %mul3A_126 : vector<16384xi32>
    %add3A_128 = arith.addi %mul3A_127, %convert_element_type3A_120 : vector<16384xi32>
    %mul3A_129 = arith.constant 128 : i32
    %mul3A_130 = vector.broadcast %mul3A_129 : i32 to vector<16384xi32>
    %mul3A_131 = arith.muli %add3A_128, %mul3A_130 : vector<16384xi32>
    %div3A_132 = arith.constant 2.000000e+00 : f32
    %div3A_133 = arith.divf %get3A_29, %div3A_132 : f32
    %add3A_134 = vector.broadcast %div3A_133 : f32 to vector<16384xf32>
    %add3A_135 = arith.addf %sub3A_52, %add3A_134 : vector<16384xf32>
    %div3A_136 = arith.constant 5.000000e+00 : f32
    %div3A_137 = arith.divf %get3A_29, %div3A_136 : f32
    %div3A_138 = vector.broadcast %div3A_137 : f32 to vector<16384xf32>
    %div3A_139 = arith.divf %add3A_135, %div3A_138 : vector<16384xf32>
    %floor3A_140 = math.floor %div3A_139 : vector<16384xf32>
    %jit3A_141 = arith.constant 0 : i32
    %jit3A_142 = arith.constant 4 : i32
    %convert_element_type3A_143 = arith.sitofp %jit3A_141 : i32 to f32
    %max3A_144 = vector.broadcast %convert_element_type3A_143 : f32 to vector<16384xf32>
    %max3A_145 = arith.maximumf %max3A_144, %floor3A_140 : vector<16384xf32>
    %convert_element_type3A_146 = arith.sitofp %jit3A_142 : i32 to f32
    %min3A_147 = vector.broadcast %convert_element_type3A_146 : f32 to vector<16384xf32>
    %min3A_148 = arith.minimumf %min3A_147, %max3A_145 : vector<16384xf32>
    %convert_element_type3A_149 = arith.fptosi %min3A_148 : vector<16384xf32> to vector<16384xi32>
    %div3A_150 = arith.constant 2.000000e+00 : f32
    %div3A_151 = arith.divf %get3A_33, %div3A_150 : f32
    %add3A_152 = vector.broadcast %div3A_151 : f32 to vector<16384xf32>
    %add3A_153 = arith.addf %add3A, %add3A_152 : vector<16384xf32>
    %div3A_154 = arith.constant 5.000000e+00 : f32
    %div3A_155 = arith.divf %get3A_33, %div3A_154 : f32
    %div3A_156 = vector.broadcast %div3A_155 : f32 to vector<16384xf32>
    %div3A_157 = arith.divf %add3A_153, %div3A_156 : vector<16384xf32>
    %floor3A_158 = math.floor %div3A_157 : vector<16384xf32>
    %jit3A_159 = arith.constant 0 : i32
    %jit3A_160 = arith.constant 4 : i32
    %convert_element_type3A_161 = arith.sitofp %jit3A_159 : i32 to f32
    %max3A_162 = vector.broadcast %convert_element_type3A_161 : f32 to vector<16384xf32>
    %max3A_163 = arith.maximumf %max3A_162, %floor3A_158 : vector<16384xf32>
    %convert_element_type3A_164 = arith.sitofp %jit3A_160 : i32 to f32
    %min3A_165 = vector.broadcast %convert_element_type3A_164 : f32 to vector<16384xf32>
    %min3A_166 = arith.minimumf %min3A_165, %max3A_163 : vector<16384xf32>
    %convert_element_type3A_167 = arith.fptosi %min3A_166 : vector<16384xf32> to vector<16384xi32>
    %div3A_168 = arith.constant 2.000000e+00 : f32
    %div3A_169 = arith.divf %get3A_37, %div3A_168 : f32
    %add3A_170 = vector.broadcast %div3A_169 : f32 to vector<16384xf32>
    %add3A_171 = arith.addf %sub3A_58, %add3A_170 : vector<16384xf32>
    %div3A_172 = arith.constant 5.000000e+00 : f32
    %div3A_173 = arith.divf %get3A_37, %div3A_172 : f32
    %div3A_174 = vector.broadcast %div3A_173 : f32 to vector<16384xf32>
    %div3A_175 = arith.divf %add3A_171, %div3A_174 : vector<16384xf32>
    %floor3A_176 = math.floor %div3A_175 : vector<16384xf32>
    %jit3A_177 = arith.constant 0 : i32
    %jit3A_178 = arith.constant 4 : i32
    %convert_element_type3A_179 = arith.sitofp %jit3A_177 : i32 to f32
    %max3A_180 = vector.broadcast %convert_element_type3A_179 : f32 to vector<16384xf32>
    %max3A_181 = arith.maximumf %max3A_180, %floor3A_176 : vector<16384xf32>
    %convert_element_type3A_182 = arith.sitofp %jit3A_178 : i32 to f32
    %min3A_183 = vector.broadcast %convert_element_type3A_182 : f32 to vector<16384xf32>
    %min3A_184 = arith.minimumf %min3A_183, %max3A_181 : vector<16384xf32>
    %convert_element_type3A_185 = arith.fptosi %min3A_184 : vector<16384xf32> to vector<16384xi32>
    %mul3A_186 = arith.constant 5 : i32
    %mul3A_187 = vector.broadcast %mul3A_186 : i32 to vector<16384xi32>
    %mul3A_188 = arith.muli %convert_element_type3A_149, %mul3A_187 : vector<16384xi32>
    %add3A_189 = arith.addi %mul3A_188, %convert_element_type3A_167 : vector<16384xi32>
    %mul3A_190 = arith.constant 5 : i32
    %mul3A_191 = vector.broadcast %mul3A_190 : i32 to vector<16384xi32>
    %mul3A_192 = arith.muli %add3A_189, %mul3A_191 : vector<16384xi32>
    %add3A_193 = arith.addi %mul3A_192, %convert_element_type3A_185 : vector<16384xi32>
    %add3A_194 = arith.addi %mul3A_131, %add3A_193 : vector<16384xi32>
    %jit3A_195 = arith.constant -1 : i32
    %broadcast_in_dim3A = vector.broadcast %jit3A_195 : i32 to vector<16384xi32>
    %select_n3A = arith.select %and3A_71, %add3A_194, %broadcast_in_dim3A : vector<16384xi1>, vector<16384xi32>
    %swap3A = arith.constant 0 : index
    %swap3A_196 = arith.constant 0 : index
    %swap3A_197 = arith.constant 0 : index
    %swap3A_198 = vector.load %arg4[%swap3A, %swap3A_196, %swap3A_197] : memref<1x1x16384xi32, #tpu.memory_space<vmem>>, vector<1x1x16384xi32>
    %swap3A_199 = vector.shape_cast %swap3A_198 : vector<1x1x16384xi32> to vector<16384xi32>
    %swap3A_200 = vector.shape_cast %select_n3A : vector<16384xi32> to vector<1x1x16384xi32>
    tpu.vector_store %arg4[%swap3A, %swap3A_196, %swap3A_197], %swap3A_200 {strides = array<i32>} : memref<1x1x16384xi32, #tpu.memory_space<vmem>>, vector<1x1x16384xi32>,
    return
  }
  func.func @transform_0(%arg0: i32, %arg1: i32) -> (i32, i32, i32) {
    %c0_i32 = arith.constant 0 : i32
    %c0_i32_0 = arith.constant 0 : i32
    %c0_i32_1 = arith.constant 0 : i32
    return %arg0, %c0_i32, %c0_i32_0 : i32, i32, i32
  }
  func.func @transform_1(%arg0: i32, %arg1: i32) -> (i32, i32, i32) {
    %c0_i32 = arith.constant 0 : i32
    %c0_i32_0 = arith.constant 0 : i32
    %c0_i32_1 = arith.constant 0 : i32
    return %arg0, %c0_i32, %c0_i32_0 : i32, i32, i32
  }
  func.func @transform_2(%arg0: i32, %arg1: i32) -> (i32, i32, i32) {
    %mul3A = arith.constant 128 : i32
    %mul3A_0 = arith.muli %arg0, %mul3A : i32
    %add3A = arith.addi %mul3A_0, %arg1 : i32
    %c0_i32 = arith.constant 0 : i32
    %c0_i32_1 = arith.constant 0 : i32
    %c0_i32_2 = arith.constant 0 : i32
    return %add3A, %c0_i32, %c0_i32_1 : i32, i32, i32
  }
}

</mosaic_0001>

<sc_bundles>
// kernel: kernel.5.cloned.1.call-start
scs
__scs_entry_jumppad:
0x0: {  	(pc) =	sbr.rel $0x88, $3  }
0x1: {  	(tag) =	ssettag $0x0;
	lr =	simm.s32 $0x1  }
0x2: {  	[smem:$0x3F9E] =	sst lr;
	_ =	strace $0xD0000000  }
0x3: {  	_ = 	snop  }
0x4: {  	_ = 	snop  }
0x5: {  	_ = 	snop  }
0x6: {  	_ = 	snop  }
0x7: {  	_ = 	snop  }
__scs_overlays_trampoline_lowered:
0x8: {  	[smem:$0x3FAD] =	sst s0  }
0x9: {  	[smem:$0x3FAE] =	sst s1  }
0xa: {  	[smem:$0x3FAF] =	sst s2  }
0xb: {  	[smem:$0x3FB0] =	sst s3  }
0xc: {  	[smem:$0x3FB1] =	sst s4  }
0xd: {  	[smem:$0x3FB2] =	sst s5  }
0xe: {  	[smem:$0x3FB3] =	sst s6  }
0xf: {  	[smem:$0x3FB4] =	sst s7  }
0x10: {  	[smem:$0x3FB5] =	sst s8  }
0x11: {  	[smem:$0x3FB6] =	sst s9;
	s0 =	simm.s32 @!p0 $0x0  }
0x12: {  	s1 =	sld [smem:$0x3F9C];
	s0 =	simm.s32 @p0 $0x1  }
0x13: {  	[smem:$0x3FB7] =	sst s0;
	s0 =	simm.s32 @!p1 $0x0  }
0x14: {  	s2 =	sld [smem:$0x3F9B];
	s0 =	simm.s32 @p1 $0x1  }
0x15: {  	[smem:$0x3FB8] =	sst s0;
	s0 =	simm.s32 @!p2 $0x0  }
0x16: {  	s3 =	sld [smem:$0x3FDB];
	s0 =	simm.s32 @p2 $0x1  }
0x17: {  	s4 =	simm.s32 $0x1BF5;
	[smem:$0x3FBA] =	sst s0  }
0x18: {  	s0 =	sld [smem:$0x3F9D];
	_ =	swait.ge [sflag:s4], $0x0  }
0x19: {  	s7 =	sld [smem:$0x3F9E]  }
0x1a: {  	s8 =	sadd.s32 $0xFFFFE003, lr  }
0x1b: {  	s9 =	sadd.s32 $0xFFFFFEF7, lr;
	s5 =	simm.s32 $0xFFFFFFFF;
	p2 =	slt.u32 s8, $0xFFFFF086  }
0x1c: {  	p1 =	slt.u32 s9, $0xF7A;
	s5 =	simm.s32 @!p2 $0x0  }
0x1d: {  	s5 =	simm.s32 @p1 $0x1;
	p0 =	seq.s32 s7, s2  }
0x1e: {  	s7 =	smul.u32 @!p0 $0xF7A, s2;
	p2 =	seq.s32 @!p0 s5, $0x0  }
0x1f: {  	s9 =	smul.u32 $0xF7A, s1;
	s8 =	simm.s32 @!p0 $0x1BF5;
	p2 =	por !p2, p0  }
0x20: {  	[sflag:s8] =	ssyncset.s32 @!p0 $0xFFFFF086;
	s6 =	sadd.s32 @!p0 s3, s7;
	s7 =	simm.s32 @!p0 $0x108  }
0x21: {  	s3 =	sadd.s32 s3, s9;
	s6 =	sadd.s32 @!p0 $0x88, s6;
	s7 =	simm.s32 @p2 $0x1082  }
0x22: {  	[simem:s7], [sflag:s8] =	dma.local @!p0 [hbm:s6], $0xF7A  }
0x23: {  	s9 =	sor.u32 $0xD0000000, s2;
	s6 =	simm.s32 $0x108;
	_ =	swait.ge @!p0 [sflag:s8], $0x0  }
0x24: {  	s3 =	sadd.s32 $0x88, s3;
	s6 =	simm.s32 @!p1 $0x1082;
	[sflag:s4] =	ssyncset.s32 $0xFFFFF086  }
0x25: {  	[simem:s6], [sflag:s4] =	dma.local [hbm:s3], $0xF7A  }
0x26: {  	[smem:$0x3F9E] =	sst s1;
	(tag) =	ssettag s2;
	_ =	strace s9  }
0x27: {  	s1 =	sld [smem:$0x3FAE]  }
0x28: {  	s2 =	sld [smem:$0x3FAF]  }
0x29: {  	s4 =	sld [smem:$0x3FB1]  }
0x2a: {  	p0 =	seq.s32 s5, $0x0;
	s5 =	sld [smem:$0x3FB2]  }
0x2b: {  	s6 =	sld [smem:$0x3FB3]  }
0x2c: {  	s7 =	sld [smem:$0x3FB4]  }
0x2d: {  	s3 =	simm.s32 $0x108;
	s8 =	sld [smem:$0x3FB5]  }
0x2e: {  	s3 =	simm.s32 @!p0 $0x1082;
	s9 =	sld [smem:$0x3FB6]  }
0x2f: {  	lr =	sadd.s32 s0, s3;
	s0 =	sld [smem:$0x3FAD]  }
0x30: {  	s3 =	sld [smem:$0x3FB0]  }
0x31: {  	[smem:$0x3FB9] =	sst s10  }
0x32: {  	s10 =	sld [smem:$0x3FB7];
	_ =	sdelay $0x3  }
0x33: {  	p0 =	seq.s32 s10, $0x1;
	s10 =	sld [smem:$0x3FB9];
	_ =	sdelay $0x3  }
0x34: {  	[smem:$0x3FB9] =	sst s10  }
0x35: {  	s10 =	sld [smem:$0x3FB8];
	_ =	sdelay $0x3  }
0x36: {  	p1 =	seq.s32 s10, $0x1;
	s10 =	sld [smem:$0x3FB9];
	_ =	sdelay $0x3  }
0x37: {  	[smem:$0x3FB9] =	sst s10  }
0x38: {  	s10 =	sld [smem:$0x3FBA]  }
0x39: {  	_ = 	snop;
	(pc) =	sbr.ind lr, $3  }
0x3a: {  	_ = 	snop  }
0x3b: {  	_ = 	snop  }
0x3c: {  	p2 =	seq.s32 s10, $0x1;
	s10 =	sld [smem:$0x3FB9]  }
0x3d: {  	_ =	shalt  }
0x3e: {  	_ =	shalt  }
0x3f: {  	_ =	shalt  }
0x40: {  	_ =	shalt  }
0x41: {  	_ =	shalt  }
0x42: {  	_ =	shalt  }
0x43: {  	_ =	shalt  }
0x44: {  	_ =	shalt  }
0x45: {  	_ =	shalt  }
0x46: {  	_ =	shalt  }
0x47: {  	_ =	shalt  }
0x48: {  	_ =	shalt  }
0x49: {  	_ =	shalt  }
0x4a: {  	_ =	shalt  }
0x4b: {  	_ =	shalt  }
0x4c: {  	_ =	shalt  }
0x4d: {  	_ =	shalt  }
0x4e: {  	_ =	shalt  }
0x4f: {  	_ =	shalt  }
0x50: {  	_ =	shalt  }
0x51: {  	_ =	shalt  }
0x52: {  	_ =	shalt  }
0x53: {  	_ =	shalt  }
0x54: {  	_ =	shalt  }
0x55: {  	_ =	shalt  }
0x56: {  	_ =	shalt  }
0x57: {  	_ =	shalt  }
0x58: {  	_ =	shalt  }
0x59: {  	_ =	shalt  }
0x5a: {  	_ =	shalt  }
0x5b: {  	_ =	shalt  }
0x5c: {  	_ =	shalt  }
0x5d: {  	_ =	shalt  }
0x5e: {  	_ =	shalt  }
0x5f: {  	_ =	shalt  }
0x60: {  	_ =	shalt  }
0x61: {  	_ =	shalt  }
0x62: {  	_ =	shalt  }
0x63: {  	_ =	shalt  }
0x64: {  	_ =	shalt  }
0x65: {  	_ =	shalt  }
0x66: {  	_ =	shalt  }
0x67: {  	_ =	shalt  }
0x68: {  	_ =	shalt  }
0x69: {  	_ =	shalt  }
0x6a: {  	_ =	shalt  }
0x6b: {  	_ =	shalt  }
0x6c: {  	_ =	shalt  }
0x6d: {  	_ =	shalt  }
0x6e: {  	_ =	shalt  }
0x6f: {  	_ =	shalt  }
0x70: {  	_ =	shalt  }
0x71: {  	_ =	shalt  }
0x72: {  	_ =	shalt  }
0x73: {  	_ =	shalt  }
0x74: {  	_ =	shalt  }
0x75: {  	_ =	shalt  }
0x76: {  	_ =	shalt  }
0x77: {  	_ =	shalt  }
0x78: {  	_ =	shalt  }
0x79: {  	_ =	shalt  }
0x7a: {  	_ =	shalt  }
0x7b: {  	_ =	shalt  }
0x7c: {  	_ =	shalt  }
0x7d: {  	_ =	shalt  }
0x7e: {  	_ =	shalt  }
0x7f: {  	_ =	shalt  }
0x80: {  	_ =	shalt  }
0x81: {  	_ =	shalt  }
0x82: {  	_ =	shalt  }
0x83: {  	_ =	shalt  }
0x84: {  	_ =	shalt  }
0x85: {  	_ =	shalt  }
0x86: {  	_ =	shalt  }
0x87: {  	_ =	shalt  }
.Lfunc_end0:
.L_simem_size_0:
called_computation.2_lowered:
.L_overlay_start_0:
0x88: {  	s2 =	sld [smem:$0x3FD9]  }
0x89: {  	s3 =	sld [smem:$0x3FFE];
	_ =	sdelay $0x1  }
0x8a: {  	s1 =	srdreg.scid  }
0x8b: {  	s0 =	sand.u32 $0x1, s1  }
0x8c: {  	s17 =	sshll.u32 s0, $0xA;
	s2 =	sadd.s32 s3, s2  }
0x8d: {  	s2 =	sadd.s32 s2, s17  }
0x8e: {  	[smem:$0x3FC5] =	sst s2  }
0x8f: {  	_ = 	snop  }
0x90: {  	s2 =	sld [smem:$0x3FD0];
	(tm) =	ssettm $0x1  }
0x91: {  	s18 =	sld [smem:$0x3FFB];
	_ =	sdelay $0x3  }
0x92: {  	_ =	strace s18  }
0x93: {  	s3 =	sld [smem:$0x3FFC];
	_ =	sdelay $0x3  }
0x94: {  	_ =	strace s3  }
0x95: {  	s3 =	sld [smem:$0x3FFD];
	_ =	sdelay $0x3  }
0x96: {  	_ =	strace s3  }
0x97: {  	_ =	strace $0x8FFFFFFF  }
0x98: {  	s19 =	sld [smem:$0x3FDB];
	_ =	sdelay $0x1  }
0x99: {  	s4 =	simm.s32 $_scs_section_size  }
0x9a: {  	s5 =	simm.s32 $_size__tile_overlayer_lowered;
	s6 =	simm.s32 $_tile_overlayer_lowered  }
0x9b: {  	s22 =	simm.s32 $0x1BFF;
	s21 =	sshll.u32 s6, $0x1;
	s3 =	sadd.s32 s4, s19  }
0x9c: {  	s7 =	simm.s32 $0x0;
	s20 =	sshll.u32 s5, $0x1;
	s5 =	sadd.s32 s21, s3  }
0x9d: {  	[timem:s7], [sflag:s22] =	dma.local [hbm:s5], s20  }
0x9e: {  	_ =	swait.ge [sflag:s22], s20  }
0x9f: {  	s4 =	ssub.s32 $0x0, s20;
	[sflag:s22] =	ssyncset.done $0x0  }
0xa0: {  	[sflag:s22] =	ssyncadd.s32 s4;
	_ =	sdelay $0x1  }
0xa1: {  	s23 =	simm.s32 $0x1B8B  }
0xa2: {  	_ =	swait.ge [sflag:s23], $0x1  }
0xa3: {  	[sflag:s23] =	ssyncset.done $0x0  }
0xa4: {  	s25 =	simm.s32 $0x1B8E;
	s24 =	sld [smem:$0x3FFE];
	[sflag:s23] =	ssyncadd.s32 $0xFFFFFFFF  }
0xa5: {  	s26 =	simm.s32 $execute0_lowered;
	[smem:$0x3FD2] =	sst s25  }
0xa6: {  	s5 =	sshll.u32 s26, $0x1;
	_ =	strace $0x80000046;
	[dreg:$0x1] =	wrdreg $0xFFFFFFFF  }
0xa7: {  	s28 =	simm.s32 $_size_execute0_lowered;
	s3 =	sadd.s32 s3, s5;
	[dreg:$0x0] =	wrdreg $0x0  }
0xa8: {  	s5 =	sshll.u32 s28, $0x1;
	[dreg:$0x2] =	wrdreg s3  }
0xa9: {  	[dreg:$0x3] =	wrdreg s5  }
0xaa: {  	[dreg:$0x4] =	wrdreg $0xC0  }
0xab: {  	_ =	task [dreg:s7], $0x5FFFF  }
0xac: {  	[dreg:$0x1] =	wrdreg $0xFFFFFFFF  }
0xad: {  	[dreg:$0x0] =	wrdreg $0x60  }
0xae: {  	[dreg:$0x2] =	wrdreg s2  }
0xaf: {  	[dreg:$0x3] =	wrdreg s24  }
0xb0: {  	[dreg:$0x4] =	wrdreg $0x9  }
0xb1: {  	_ =	task.clear_ibuf [dreg:s7], $0x5FFFF;
	_ =	strace $0x90000046  }
0xb2: {  	s29 =	simm.s32 $0x9;
	_ =	strace $0x80000048  }
0xb3: {  	_ =	swait.ge [sflag:s29], $0x1  }
0xb4: {  	[sflag:s29] =	ssyncadd.s32 $0xFFFFFFFF  }
0xb5: {  	_ =	strace $0x90000048  }
0xb6: {  	_ =	sfence  }
0xb7: {  	s30 =	sld [smem:$0x0];
	_ =	sdelay $0x2  }
0xb8: {  	s31 =	sshll.u32 s1, $0xD;
	s1 =	sshrl.u32 s1, $0x2  }
0xb9: {  	s3 =	sand.u32 $0x4000, s31;
	s1 =	sadd.s32 s1, s30  }
0xba: {  	s0 =	sor.u32 s3, s0;
	s1 =	sshll.u32 s1, $0x11  }
0xbb: {  	s0 =	sor.u32 s1, s0  }
0xbc: {  	s0 =	sadd.s32 $0x8F2B, s0  }
0xbd: {  	[sflag:s0] =	ssyncadd.remote.s32 $0x1  }
0xbe: {  	_ =	sfence.sel $0xFFFF  }
0xbf: {  	[dreg:$0x0] =	wrdreg $0xFFFFFFFF;
	(pc) =	sbr.abs _section_cstart, $3  }
0xc0: {  	[dreg:$0x1] =	wrdreg $0xFFFFFFFF  }
0xc1: {  	_ =	task.clear_ibuf [dreg:s7], $0x2FFFF;
	_ =	strace $0x9FFFFFFF  }
0xc2: {  	(tm) =	ssettm $0x7FFFFFFF  }
0xc3: {  	_ =	shalt  }
tec
execute0_lowered:
.L_overlay_start_1:
0x0: {  	(tag) =	ssettag $0x1  }
0x1: {  	s1 =	rddreg [dreg:$0x0]  }
0x2: {  	s5 =	rddreg [dreg:$0x1];
	s3 =	srdreg.scid  }
0x3: {  	s0 =	rddreg [dreg:$0x2];
	s2 =	simm.s32 $0x0;
	s8 =	stileid.u32  }
0x4: {  	s9 =	simm.s32 $0x4000;
	s10 =	simm.s32 $0x8080;
	s11 =	simm.s32 $0x80  }
0x5: {  	s12 =	simm.s32 $0xC100;
	s13 =	simm.s32 $0x16900;
	s14 =	simm.s32 $0x8  }
.Ltmp0:
0x6: {  	s15 =	simm.s32 $0x6;
	s3 =	sand.u32 $0x1, s3;
	(pc) =	sbr.rel .LBB2_1-.Ltmp0, $4  }
0x7: {  	s16 =	simm.s32 $0x0;
	[smem:$0x7FF] =	sst s2;
	s6 =	ssub.s32 $0x2, s3  }
0x8: {  	s4 =	sadd.s32 $0xE00, s5;
	s5 =	sadd.s32 $0x80E00, s5;
	s7 =	sshrl.u32 s6, $0x1  }
0x9: {  	v0 =	vimm.f32 $NaN;
	p0 =	sne.s32 s8, $0x0;
	s8 =	simm.s32 $0x5;
	s6 =	ssub.s32 s6, s7  }
0xa: {  	v1 =	vimm.s32 $0x0;
	v2 =	vlaneseq.u32;
	v3 =	vimm.s32 $0x4C7D;
	_ =	strace $0x80000047;
	s7 =	simm.s32 $0x7;
	s6 =	smax.u32 s6, $0x1  }
.LBB2_17:
0xb: {  	s16 =	sadd.s32 $0x1, s16  }
0xc: {  	p1 =	sne.s32 s16, s6  }
.Ltmp1:
0xd: {  	_ = 	snop;
	(pc) =	sbr.rel @!p1 .LBB2_18-.Ltmp1, $1  }
0xe: {  	_ =	sdelay $0x3  }
.LBB2_1:
0xf: {  	s17 =	simm.s32 @!p0 $0x0  }
0x10: {  	[smem:$0x0] =	sst @!p0 s17  }
0x11: {  	[bflag:$0x0] =	sbarrier.arrive $0xFFFF  }
0x12: {  	[sflag:s7] =	ssyncset.done $0x0  }
0x13: {  	[smem:s2], [sflag:$0x7] =	smem.add.s32 $0x1  }
0x14: {  	_ =	swait.done [sflag:s7]  }
0x15: {  	s17 =	ssyncread [sflag:$0x7];
	_ =	sdelay $0x2  }
0x16: {  	p2 =	sgt.s32 s17, $0xFF  }
.Ltmp2:
0x17: {  	_ = 	snop;
	(pc) =	sbr.rel @p2 .LBB2_17-.Ltmp2, $3  }
0x18: {  	_ =	sdelay $0x1  }
0x19: {  	[sflag:s7] =	ssyncset.s32 $0x0  }
0x1a: {  	p1 =	por $0x0, $0x0;
	[sflag:s7] =	ssyncset.done $0x0  }
.LBB2_2:
0x1b: {  	s17 =	sshll.u32 s17, $0x1  }
0x1c: {  	s17 =	sor.u32 s3, s17  }
0x1d: {  	s18 =	sshll.u32 s17, $0xB  }
0x1e: {  	s18 =	sand.u32 $0x1FFFF800, s18  }
0x1f: {  	s19 =	simm.s32 $0x0;
	s18 =	sadd.s32 s1, s18  }
0x20: {  	[tilespmem:s19], [sflag:$0x5] =	stream.linear.gather [hbm4b:s18+s19], $0x4000, $0x38;
	[tilespmem:$0x1B500] =	vst v63  }
0x21: {  	s18 =	simm.s32 $0x40;
	s19 =	simm.s32 $0x0  }
.LBB2_3:
0x22: {  	p2 =	sne.s32 s18, $0x9FC0;
	[tilespmem:s19+$0x14100] =	vst v0;
	s19 =	smov.u32 s18;
	s18 =	sadd.s32 $0x40, s18  }
.Ltmp3:
0x23: {  	(pc) =	sbr.rel @p2 .LBB2_3-.Ltmp3, $2  }
0x24: {  	_ =	sdelay $0x2  }
0x25: {  	s19 =	sshra.s32 s19, $0x2  }
0x26: {  	[tilespmem:s19+$0x14100] =	vst v0  }
0x27: {  	_ =	swait.ge [sflag:s8], $0x4000  }
0x28: {  	[sflag:s8] =	ssyncset.done $0x0  }
0x29: {  	s18 =	simm.s32 $0x0;
	[sflag:s8] =	ssyncadd.s32 $0xFFFFC000  }
0x2a: {  	v4 =	vld [tilespmem:s18+$0x0];
	_ =	sdelay $0x4  }
0x2b: {  	vm0 =	vgt.s32 v4, $0xFFFFFFFF  }
0x2c: {  	v5 =	vmpcnt.ones.xlane vm0;
	_ =	sdelay $0x1  }
0x2d: {  	(v2sf) =	vpush v5, $0x0;
	v5 =	vld [tilespmem:s18+$0x10];
	_ =	sdelay $0x2  }
0x2e: {  	v6 =	vsel vm0, $0x1, v1  }
0x2f: {  	(xrf0) =	vadd.scan.msk.s32 $0xffff, v6  }
0x30: {  	vm1 =	vgt.s32 v5, $0xFFFFFFFF  }
0x31: {  	s26 =	simm.s32 $0x0;
	v6 =	vsel vm1, $0x1, v1  }
0x32: {  	(xrf0) =	vadd.scan.msk.s32 $0xffff, v6;
	v6 =	vmov s26  }
0x33: {  	s29 =	sand.u32 $0x7F, s17;
	v6 =	vadd.s32 $0xFFFFFFFF, v6  }
0x34: {  	s30 =	sshra.s32 s17, $0x1F;
	p2 =	slt.s32 s17, $0x1;
	p3 =	sne.s32 s29, $0x0;
	v6 =	vbroadcast v6, $0x0  }
0x35: {  	p2 =	por !p2, !p3;
	s18 =	sshrl.u32 s30, $0x19;
	v8, _, _ =	vpop (xrf0)  }
0x36: {  	s19 =	simm.s32 $0x1;
	p2 =	por !p2, !p2;
	s18 =	sadd.s32 s18, s17;
	v6 =	vadd.s32 v8, v6  }
0x37: {  	s19 =	simm.s32 @!p2 $0x0;
	s18 =	sshrl.u32 s18, $0x7  }
0x38: {  	s18 =	ssub.s32 s18, s19  }
0x39: {  	s18 =	sshll.u32 s18, $0xE  }
0x3a: {  	v63 =	vor.u32 s18, v2  }
0x3b: {  	[tilespmem:v6+s9+$0x0] =	vst.idx.msk vm0, v63  }
0x3c: {  	[tilespmem:v6+s10+$0x0] =	vst.idx.msk vm0, v4;
	v6 =	vmpcnt.ones.xlane vm1;
	_ =	sdelay $0x1  }
0x3d: {  	s28 =	spop (v2sf);
	(v2sf) =	vpush v6, $0x0  }
0x3e: {  	s20 =	sadd.s32 $0x0, s28  }
0x3f: {  	v7 =	vmov s20  }
0x40: {  	v7 =	vadd.s32 $0xFFFFFFFF, v7  }
0x41: {  	v7 =	vbroadcast v7, $0x0  }
0x42: {  	v62, _, _ =	vpop (xrf0)  }
0x43: {  	v7 =	vadd.s32 v62, v7;
	_ =	sdelay $0x2  }
0x44: {  	s31 =	sadd.s32 $0x10, s18  }
0x45: {  	v4 =	vor.u32 s31, v2  }
0x46: {  	[tilespmem:v7+s9+$0x0] =	vst.idx.msk vm1, v4  }
0x47: {  	s22 =	simm.s32 $0x20;
	[tilespmem:v7+s10+$0x0] =	vst.idx.msk vm1, v5  }
0x48: {  	s21 =	simm.s32 $0x100;
	s19 =	smov.u32 s18;
	v4 =	vld [tilespmem:s22+$0x0]  }
.LBB2_5:
0x49: {  	p2 =	sne.s32 s21, $0xFF80;
	v5 =	vld [tilespmem:s22+$0x10]  }
0x4a: {  	s22 =	spop (v2sf)  }
0x4b: {  	s20 =	sadd.s32 s22, s20;
	_ =	sdelay $0x1  }
0x4c: {  	vm0 =	vgt.s32 v4, $0xFFFFFFFF  }
0x4d: {  	v6 =	vmpcnt.ones.xlane vm0;
	v7 =	vsel vm0, $0x1, v1;
	_ =	sdelay $0x1  }
0x4e: {  	(v2sf) =	vpush v6, $0x0;
	_ =	sdelay $0xb  }
0x4f: {  	vm1 =	vgt.s32 v5, $0xFFFFFFFF;
	(xrf0) =	vadd.scan.msk.s32 $0xffff, v7  }
0x50: {  	v6 =	vmpcnt.ones.xlane vm1;
	v7 =	vsel vm1, $0x1, v1  }
0x51: {  	(xrf0) =	vadd.scan.msk.s32 $0xffff, v7  }
0x52: {  	v7 =	vmov s20;
	s22 =	spop (v2sf);
	(v2sf) =	vpush v6, $0x0  }
0x53: {  	v6 =	vadd.s32 $0xFFFFFFFF, v7;
	s20 =	sadd.s32 s20, s22  }
0x54: {  	v6 =	vbroadcast v6, $0x0;
	v7 =	vmov s20  }
0x55: {  	v7 =	vadd.s32 $0xFFFFFFFF, v7;
	v8, _, _ =	vpop (xrf0)  }
0x56: {  	v6 =	vadd.s32 v8, v6;
	v7 =	vbroadcast v7, $0x0  }
0x57: {  	v8, _, _ =	vpop (xrf0)  }
0x58: {  	v7 =	vadd.s32 v8, v7  }
0x59: {  	s19 =	sadd.s32 $0x20, s19  }
0x5a: {  	v8 =	vor.u32 s19, v2  }
.Ltmp4:
0x5b: {  	s22 =	sadd.s32 $0x10, s19;
	[tilespmem:v6+s9+$0x0] =	vst.idx.msk vm0, v8;
	(pc) =	sbr.rel @p2 .LBB2_5-.Ltmp4, $4  }
0x5c: {  	[tilespmem:v6+s10+$0x0] =	vst.idx.msk vm0, v4;
	v4 =	vor.u32 s22, v2  }
0x5d: {  	[tilespmem:v7+s9+$0x0] =	vst.idx.msk vm1, v4  }
0x5e: {  	s22 =	sshra.s32 s21, $0x2;
	[tilespmem:v7+s10+$0x0] =	vst.idx.msk vm1, v5  }
0x5f: {  	s21 =	sadd.s32 $0x80, s21;
	v4 =	vld [tilespmem:s22+$0x0]  }
0x60: {  	v6 =	vld [tilespmem:s22+$0x10];
	_ =	sdelay $0x3  }
0x61: {  	vm1 =	vgt.s32 v4, $0xFFFFFFFF  }
0x62: {  	v5 =	vmpcnt.ones.xlane vm1;
	vm0 =	vgt.s32 v6, $0xFFFFFFFF  }
0x63: {  	v7 =	vmpcnt.ones.xlane vm0  }
0x64: {  	(v2sf) =	vpush v5, $0x0  }
0x65: {  	(v2sf) =	vpush v7, $0x0;
	_ =	sdelay $0xa  }
0x66: {  	v5 =	vsel vm1, $0x1, v1  }
0x67: {  	(xrf0) =	vadd.scan.msk.s32 $0xffff, v5  }
0x68: {  	s21 =	spop (v2sf);
	v5 =	vsel vm0, $0x1, v1  }
0x69: {  	s20 =	sadd.s32 s21, s20;
	(xrf0) =	vadd.scan.msk.s32 $0xffff, v5;
	s28 =	spop (v2sf)  }
0x6a: {  	v5 =	vmov s20;
	s21 =	sadd.s32 s20, s28;
	s23 =	spop (v2sf)  }
0x6b: {  	v5 =	vadd.s32 $0xFFFFFFFF, v5;
	s24 =	sadd.s32 s23, s21  }
0x6c: {  	v5 =	vbroadcast v5, $0x0;
	v7 =	vmov s21;
	s29 =	sadd.s32 $0x7F, s24  }
0x6d: {  	v8, _, _ =	vpop (xrf0);
	v7 =	vadd.s32 $0xFFFFFFFF, v7;
	s25 =	sand.u32 $0x7F, s29  }
0x6e: {  	v5 =	vadd.s32 v8, v5;
	s24 =	sshra.s32 s29, $0x1F;
	v7 =	vbroadcast v7, $0x0;
	p3 =	slt.s32 s29, $0x1;
	p2 =	sne.s32 s25, $0x0  }
0x6f: {  	v8, _, _ =	vpop (xrf0);
	s22 =	sadd.s32 s28, s23;
	s24 =	sshrl.u32 s24, $0x19;
	p2 =	por !p3, !p2  }
0x70: {  	s23 =	simm.s32 $0x1;
	s21 =	sadd.s32 s24, s29;
	v7 =	vadd.s32 v8, v7;
	p2 =	por !p2, !p2  }
0x71: {  	s19 =	sadd.s32 $0x20, s19;
	s21 =	sshrl.u32 s21, $0x7;
	s23 =	simm.s32 @!p2 $0x0  }
0x72: {  	s20 =	sadd.s32 s20, s22;
	v8 =	vor.u32 s19, v2;
	s21 =	ssub.s32 s21, s23  }
0x73: {  	s30 =	sadd.s32 $0x10, s19;
	s31 =	sadd.s32 $0x0, s20;
	[tilespmem:v5+s9+$0x0] =	vst.idx.msk vm1, v8;
	s19 =	sshll.u32 s21, $0x7  }
0x74: {  	v8 =	vor.u32 s30, v2;
	[tilespmem:v5+s10+$0x0] =	vst.idx.msk vm1, v4;
	v4 =	vadd.s32 s31, v2;
	v5 =	vmov s19  }
0x75: {  	[tilespmem:v7+s9+$0x0] =	vst.idx.msk vm0, v8;
	vm1 =	vlt.s32 v4, v5  }
0x76: {  	[tilespmem:v7+s10+$0x0] =	vst.idx.msk vm0, v6;
	v6 =	vmov s18;
	s18 =	simm.s32 $0x10;
	vm0 =	vmmov vm1  }
.LBB2_7:
0x77: {  	p2 =	sne.s32 s18, $0x70  }
.Ltmp5:
0x78: {  	_ = 	snop;
	(pc) =	sbr.rel @p2 .LBB2_7-.Ltmp5, $4  }
0x79: {  	s21 =	sadd.s32 s18, s20  }
0x7a: {  	v7 =	vadd.s32 s21, v2  }
0x7b: {  	[tilespmem:v4+s9+$0x0] =	vst.idx.msk vm1, v6;
	vm1 =	vlt.s32 v7, v5  }
0x7c: {  	s18 =	sadd.s32 $0x10, s18;
	[tilespmem:v4+s10+$0x0] =	vst.idx.msk vm0, v3;
	v4 =	vmov v7;
	vm0 =	vmmov vm1  }
0x7d: {  	s18 =	sshra.s32 s19, $0x7  }
0x7e: {  	p2 =	slt.s32 s18, $0x1  }
.Ltmp6:
0x7f: {  	_ = 	snop;
	(pc) =	sbr.rel @p2 .LBB2_13-.Ltmp6, $3  }
0x80: {  	_ =	sdelay $0x1  }
0x81: {  	[tilespmem:v4+s9+$0x0] =	vst.idx.msk vm1, v6  }
0x82: {  	[tilespmem:v4+s10+$0x0] =	vst.idx.msk vm0, v3  }
0x83: {  	[tilespmem:s12], [sflag:$0x1] =	stream.indirect.gather [hbm4b:s4+s11], $0x40, s9, s11, $0xb8;
	[tilespmem:$0x1B500] =	vst v63  }
0x84: {  	p2 =	seq.s32 s19, $0x80  }
0x85: {  	s19 =	simm.s32 @!p2 $0x80  }
0x86: {  	s20 =	simm.s32 @!p2 $0x4080;
	s21 =	simm.s32 @!p2 $0xE100;
	p3 =	slt.u32 @!p2 s18, $0x3  }
0x87: {  	[tilespmem:s21], [sflag:$0x2] =	stream.indirect.gather @!p2 [hbm4b:s4+s19], $0x40, s20, s19, $0xb8;
	[tilespmem:$0x1B500] =	vst v63  }
0x88: {  	p2 =	por p3, p2  }
0x89: {  	s19 =	simm.s32 @!p2 $0x80;
	s20 =	simm.s32 @!p2 $0x4100;
	s21 =	simm.s32 @!p2 $0x10100  }
0x8a: {  	[tilespmem:s21], [sflag:$0x3] =	stream.indirect.gather @!p2 [hbm4b:s4+s19], $0x40, s20, s19, $0xb8;
	[tilespmem:$0x1B500] =	vst v63  }
0x8b: {  	s19 =	simm.s32 $0x0;
	s20 =	simm.s32 $0x8080;
	s21 =	simm.s32 $0x0  }
.LBB2_10:
0x8c: {  	s22 =	sand.u32 $0x3, s21;
	s23 =	sadd.s32 $0x3, s21  }
0x8d: {  	s24 =	sand.u32 $0x3, s19;
	s22 =	sadd.s32 $0x1, s22;
	p2 =	sge.s32 s23, s18  }
0x8e: {  	s31 =	sshll.u32 s24, $0xD;
	_ =	swait.ge [sflag:s22], $0x2000;
	s25 =	sand.u32 @!p2 $0x3, s23  }
0x8f: {  	s23 =	sshll.u32 @!p2 s23, $0x9;
	[sflag:s22] =	ssyncset.done $0x0;
	s26 =	sshll.u32 @!p2 s25, $0xD  }
0x90: {  	v4 =	vmov s20;
	s23 =	sshra.s32 @!p2 s23, $0x2;
	s25 =	sadd.s32 @!p2 $0x1, s25;
	[sflag:s22] =	ssyncadd.s32 $0xFFFFE000  }
0x91: {  	s22 =	sadd.s32 @!p2 $0xC100, s26;
	s23 =	sadd.s32 @!p2 $0x4000, s23;
	s26 =	simm.s32 @!p2 $0x80  }
0x92: {  	[tilespmem:s22], [sflag:s25] =	stream.indirect.gather @!p2 [hbm4b:s4+s26], $0x40, s23, s26, $0xb8;
	[tilespmem:$0x1B500] =	vst v63  }
0x93: {  	s22 =	sadd.s32 $0xC300, s31;
	s23 =	simm.s32 $0x0  }
.LBB2_11:
0x94: {  	s24 =	sshra.s32 s23, $0x2  }
0x95: {  	v5 =	vld.idx.msk [tilespmem:v4+s24+$0x0 ss:$0x1], $0xffff;
	_ =	sdelay $0x4  }
0x96: {  	(v2sf) =	vpush v5, $0x0;
	_ =	sdelay $0xe  }
0x97: {  	s31 =	spop (v2sf)  }
0x98: {  	s25 =	sshra.s32 s31, $0x1  }
0x99: {  	v6 =	vld [tilespmem:s22+$0xFFFFFE00];
	s25 =	sand.u32 $0xFFFFFFC0, s25  }
0x9a: {  	v7 =	vld [tilespmem:s25+$0x14100];
	_ =	sdelay $0x4  }
0x9b: {  	s24 =	sshll.u32 s31, $0x6;
	v7 =	vmax.bf16 v7, v6  }
0x9c: {  	s24 =	sand.u32 $0x1FC0, s24;
	[tilespmem:s25+$0x14100] =	vst v7  }
0x9d: {  	v7 =	vld [tilespmem:s24+$0x147C0];
	_ =	sdelay $0x4  }
0x9e: {  	v6 =	vmax.bf16 v7, v6  }
0x9f: {  	[tilespmem:s24+$0x147C0] =	vst v6  }
0xa0: {  	v6 =	vld [tilespmem:s22+$0xFFFFFE10]  }
0xa1: {  	v7 =	vld [tilespmem:s25+$0x14110];
	_ =	sdelay $0x4  }
0xa2: {  	v7 =	vmax.bf16 v7, v6  }
0xa3: {  	[tilespmem:s25+$0x14110] =	vst v7  }
0xa4: {  	v7 =	vld [tilespmem:s24+$0x147D0];
	_ =	sdelay $0x4  }
0xa5: {  	v6 =	vmax.bf16 v7, v6  }
0xa6: {  	[tilespmem:s24+$0x147D0] =	vst v6  }
0xa7: {  	v6 =	vld [tilespmem:s22+$0xFFFFFE20]  }
0xa8: {  	v7 =	vld [tilespmem:s25+$0x14120];
	_ =	sdelay $0x4  }
0xa9: {  	v7 =	vmax.bf16 v7, v6  }
0xaa: {  	[tilespmem:s25+$0x14120] =	vst v7  }
0xab: {  	v7 =	vld [tilespmem:s24+$0x147E0];
	_ =	sdelay $0x4  }
0xac: {  	(v2sf) =	vpush v5, $0x1;
	v6 =	vmax.bf16 v7, v6  }
0xad: {  	[tilespmem:s24+$0x147E0] =	vst v6  }
0xae: {  	v6 =	vld [tilespmem:s22+$0xFFFFFE30]  }
0xaf: {  	v7 =	vld [tilespmem:s25+$0x14130];
	_ =	sdelay $0x4  }
0xb0: {  	v7 =	vmax.bf16 v7, v6  }
0xb1: {  	[tilespmem:s25+$0x14130] =	vst v7  }
0xb2: {  	v7 =	vld [tilespmem:s24+$0x147F0];
	_ =	sdelay $0x4  }
0xb3: {  	s26 =	spop (v2sf);
	v6 =	vmax.bf16 v7, v6  }
0xb4: {  	s28 =	sshra.s32 s26, $0x1;
	[tilespmem:s24+$0x147F0] =	vst v6  }
0xb5: {  	s24 =	sand.u32 $0xFFFFFFC0, s28;
	v6 =	vld [tilespmem:s22+$0xFFFFFE40]  }
0xb6: {  	v7 =	vld [tilespmem:s24+$0x14100];
	_ =	sdelay $0x4  }
0xb7: {  	s25 =	sshll.u32 s26, $0x6;
	v7 =	vmax.bf16 v7, v6  }
0xb8: {  	s25 =	sand.u32 $0x1FC0, s25;
	[tilespmem:s24+$0x14100] =	vst v7  }
0xb9: {  	v7 =	vld [tilespmem:s25+$0x147C0];
	_ =	sdelay $0x4  }
0xba: {  	v6 =	vmax.bf16 v7, v6  }
0xbb: {  	[tilespmem:s25+$0x147C0] =	vst v6  }
0xbc: {  	v6 =	vld [tilespmem:s22+$0xFFFFFE50]  }
0xbd: {  	v7 =	vld [tilespmem:s24+$0x14110];
	_ =	sdelay $0x4  }
0xbe: {  	v7 =	vmax.bf16 v7, v6  }
0xbf: {  	[tilespmem:s24+$0x14110] =	vst v7  }
0xc0: {  	v7 =	vld [tilespmem:s25+$0x147D0];
	_ =	sdelay $0x4  }
0xc1: {  	v6 =	vmax.bf16 v7, v6  }
0xc2: {  	[tilespmem:s25+$0x147D0] =	vst v6  }
0xc3: {  	v6 =	vld [tilespmem:s22+$0xFFFFFE60]  }
0xc4: {  	v7 =	vld [tilespmem:s24+$0x14120];
	_ =	sdelay $0x4  }
0xc5: {  	v7 =	vmax.bf16 v7, v6  }
0xc6: {  	[tilespmem:s24+$0x14120] =	vst v7  }
0xc7: {  	v7 =	vld [tilespmem:s25+$0x147E0];
	_ =	sdelay $0x4  }
0xc8: {  	(v2sf) =	vpush v5, $0x2;
	v6 =	vmax.bf16 v7, v6  }
0xc9: {  	[tilespmem:s25+$0x147E0] =	vst v6  }
0xca: {  	v6 =	vld [tilespmem:s22+$0xFFFFFE70]  }
0xcb: {  	v7 =	vld [tilespmem:s24+$0x14130];
	_ =	sdelay $0x4  }
0xcc: {  	v7 =	vmax.bf16 v7, v6  }
0xcd: {  	[tilespmem:s24+$0x14130] =	vst v7  }
0xce: {  	v7 =	vld [tilespmem:s25+$0x147F0];
	_ =	sdelay $0x4  }
0xcf: {  	s29 =	spop (v2sf);
	v6 =	vmax.bf16 v7, v6  }
0xd0: {  	s30 =	sshra.s32 s29, $0x1;
	[tilespmem:s25+$0x147F0] =	vst v6  }
0xd1: {  	s25 =	sand.u32 $0xFFFFFFC0, s30;
	v6 =	vld [tilespmem:s22+$0xFFFFFE80]  }
0xd2: {  	v7 =	vld [tilespmem:s25+$0x14100];
	_ =	sdelay $0x4  }
0xd3: {  	s24 =	sshll.u32 s29, $0x6;
	v7 =	vmax.bf16 v7, v6  }
0xd4: {  	s24 =	sand.u32 $0x1FC0, s24;
	[tilespmem:s25+$0x14100] =	vst v7  }
0xd5: {  	v7 =	vld [tilespmem:s24+$0x147C0];
	_ =	sdelay $0x4  }
0xd6: {  	v6 =	vmax.bf16 v7, v6  }
0xd7: {  	[tilespmem:s24+$0x147C0] =	vst v6  }
0xd8: {  	v6 =	vld [tilespmem:s22+$0xFFFFFE90]  }
0xd9: {  	v7 =	vld [tilespmem:s25+$0x14110];
	_ =	sdelay $0x4  }
0xda: {  	v7 =	vmax.bf16 v7, v6  }
0xdb: {  	[tilespmem:s25+$0x14110] =	vst v7  }
0xdc: {  	v7 =	vld [tilespmem:s24+$0x147D0];
	_ =	sdelay $0x4  }
0xdd: {  	v6 =	vmax.bf16 v7, v6  }
0xde: {  	[tilespmem:s24+$0x147D0] =	vst v6  }
0xdf: {  	v6 =	vld [tilespmem:s22+$0xFFFFFEA0]  }
0xe0: {  	v7 =	vld [tilespmem:s25+$0x14120];
	_ =	sdelay $0x4  }
0xe1: {  	v7 =	vmax.bf16 v7, v6  }
0xe2: {  	[tilespmem:s25+$0x14120] =	vst v7  }
0xe3: {  	v7 =	vld [tilespmem:s24+$0x147E0];
	_ =	sdelay $0x4  }
0xe4: {  	(v2sf) =	vpush v5, $0x3;
	v6 =	vmax.bf16 v7, v6  }
0xe5: {  	[tilespmem:s24+$0x147E0] =	vst v6  }
0xe6: {  	v6 =	vld [tilespmem:s22+$0xFFFFFEB0]  }
0xe7: {  	v7 =	vld [tilespmem:s25+$0x14130];
	_ =	sdelay $0x4  }
0xe8: {  	v7 =	vmax.bf16 v7, v6  }
0xe9: {  	[tilespmem:s25+$0x14130] =	vst v7  }
0xea: {  	v7 =	vld [tilespmem:s24+$0x147F0];
	_ =	sdelay $0x4  }
0xeb: {  	s31 =	spop (v2sf);
	v6 =	vmax.bf16 v7, v6  }
0xec: {  	s26 =	sshra.s32 s31, $0x1;
	[tilespmem:s24+$0x147F0] =	vst v6  }
0xed: {  	s24 =	sand.u32 $0xFFFFFFC0, s26;
	v6 =	vld [tilespmem:s22+$0xFFFFFEC0]  }
0xee: {  	v7 =	vld [tilespmem:s24+$0x14100];
	_ =	sdelay $0x4  }
0xef: {  	s25 =	sshll.u32 s31, $0x6;
	v7 =	vmax.bf16 v7, v6  }
0xf0: {  	s25 =	sand.u32 $0x1FC0, s25;
	[tilespmem:s24+$0x14100] =	vst v7  }
0xf1: {  	v7 =	vld [tilespmem:s25+$0x147C0];
	_ =	sdelay $0x4  }
0xf2: {  	v6 =	vmax.bf16 v7, v6  }
0xf3: {  	[tilespmem:s25+$0x147C0] =	vst v6  }
0xf4: {  	v6 =	vld [tilespmem:s22+$0xFFFFFED0]  }
0xf5: {  	v7 =	vld [tilespmem:s24+$0x14110];
	_ =	sdelay $0x4  }
0xf6: {  	v7 =	vmax.bf16 v7, v6  }
0xf7: {  	[tilespmem:s24+$0x14110] =	vst v7  }
0xf8: {  	v7 =	vld [tilespmem:s25+$0x147D0];
	_ =	sdelay $0x4  }
0xf9: {  	v6 =	vmax.bf16 v7, v6  }
0xfa: {  	[tilespmem:s25+$0x147D0] =	vst v6  }
0xfb: {  	v6 =	vld [tilespmem:s22+$0xFFFFFEE0]  }
0xfc: {  	v7 =	vld [tilespmem:s24+$0x14120];
	_ =	sdelay $0x4  }
0xfd: {  	v7 =	vmax.bf16 v7, v6  }
0xfe: {  	[tilespmem:s24+$0x14120] =	vst v7  }
0xff: {  	v7 =	vld [tilespmem:s25+$0x147E0];
	_ =	sdelay $0x4  }
0x100: {  	(v2sf) =	vpush v5, $0x4;
	v6 =	vmax.bf16 v7, v6  }
0x101: {  	[tilespmem:s25+$0x147E0] =	vst v6  }
0x102: {  	v6 =	vld [tilespmem:s22+$0xFFFFFEF0]  }
0x103: {  	v7 =	vld [tilespmem:s24+$0x14130];
	_ =	sdelay $0x4  }
0x104: {  	v7 =	vmax.bf16 v7, v6  }
0x105: {  	[tilespmem:s24+$0x14130] =	vst v7  }
0x106: {  	v7 =	vld [tilespmem:s25+$0x147F0];
	_ =	sdelay $0x4  }
0x107: {  	s28 =	spop (v2sf);
	v6 =	vmax.bf16 v7, v6  }
0x108: {  	s29 =	sshra.s32 s28, $0x1;
	[tilespmem:s25+$0x147F0] =	vst v6  }
0x109: {  	s25 =	sand.u32 $0xFFFFFFC0, s29;
	v6 =	vld [tilespmem:s22+$0xFFFFFF00]  }
0x10a: {  	v7 =	vld [tilespmem:s25+$0x14100];
	_ =	sdelay $0x4  }
0x10b: {  	s24 =	sshll.u32 s28, $0x6;
	v7 =	vmax.bf16 v7, v6  }
0x10c: {  	s24 =	sand.u32 $0x1FC0, s24;
	[tilespmem:s25+$0x14100] =	vst v7  }
0x10d: {  	v7 =	vld [tilespmem:s24+$0x147C0];
	_ =	sdelay $0x4  }
0x10e: {  	v6 =	vmax.bf16 v7, v6  }
0x10f: {  	[tilespmem:s24+$0x147C0] =	vst v6  }
0x110: {  	v6 =	vld [tilespmem:s22+$0xFFFFFF10]  }
0x111: {  	v7 =	vld [tilespmem:s25+$0x14110];
	_ =	sdelay $0x4  }
0x112: {  	v7 =	vmax.bf16 v7, v6  }
0x113: {  	[tilespmem:s25+$0x14110] =	vst v7  }
0x114: {  	v7 =	vld [tilespmem:s24+$0x147D0];
	_ =	sdelay $0x4  }
0x115: {  	v6 =	vmax.bf16 v7, v6  }
0x116: {  	[tilespmem:s24+$0x147D0] =	vst v6  }
0x117: {  	v6 =	vld [tilespmem:s22+$0xFFFFFF20]  }
0x118: {  	v7 =	vld [tilespmem:s25+$0x14120];
	_ =	sdelay $0x4  }
0x119: {  	v7 =	vmax.bf16 v7, v6  }
0x11a: {  	[tilespmem:s25+$0x14120] =	vst v7  }
0x11b: {  	v7 =	vld [tilespmem:s24+$0x147E0];
	_ =	sdelay $0x4  }
0x11c: {  	(v2sf) =	vpush v5, $0x5;
	v6 =	vmax.bf16 v7, v6  }
0x11d: {  	[tilespmem:s24+$0x147E0] =	vst v6  }
0x11e: {  	v6 =	vld [tilespmem:s22+$0xFFFFFF30]  }
0x11f: {  	v7 =	vld [tilespmem:s25+$0x14130];
	_ =	sdelay $0x4  }
0x120: {  	v7 =	vmax.bf16 v7, v6  }
0x121: {  	[tilespmem:s25+$0x14130] =	vst v7  }
0x122: {  	v7 =	vld [tilespmem:s24+$0x147F0];
	_ =	sdelay $0x4  }
0x123: {  	s30 =	spop (v2sf);
	v6 =	vmax.bf16 v7, v6  }
0x124: {  	s31 =	sshra.s32 s30, $0x1;
	[tilespmem:s24+$0x147F0] =	vst v6  }
0x125: {  	s24 =	sand.u32 $0xFFFFFFC0, s31;
	v6 =	vld [tilespmem:s22+$0xFFFFFF40]  }
0x126: {  	v7 =	vld [tilespmem:s24+$0x14100];
	_ =	sdelay $0x4  }
0x127: {  	s25 =	sshll.u32 s30, $0x6;
	v7 =	vmax.bf16 v7, v6  }
0x128: {  	s25 =	sand.u32 $0x1FC0, s25;
	[tilespmem:s24+$0x14100] =	vst v7  }
0x129: {  	v7 =	vld [tilespmem:s25+$0x147C0];
	_ =	sdelay $0x4  }
0x12a: {  	v6 =	vmax.bf16 v7, v6  }
0x12b: {  	[tilespmem:s25+$0x147C0] =	vst v6  }
0x12c: {  	v6 =	vld [tilespmem:s22+$0xFFFFFF50]  }
0x12d: {  	v7 =	vld [tilespmem:s24+$0x14110];
	_ =	sdelay $0x4  }
0x12e: {  	v7 =	vmax.bf16 v7, v6  }
0x12f: {  	[tilespmem:s24+$0x14110] =	vst v7  }
0x130: {  	v7 =	vld [tilespmem:s25+$0x147D0];
	_ =	sdelay $0x4  }
0x131: {  	v6 =	vmax.bf16 v7, v6  }
0x132: {  	[tilespmem:s25+$0x147D0] =	vst v6  }
0x133: {  	v6 =	vld [tilespmem:s22+$0xFFFFFF60]  }
0x134: {  	v7 =	vld [tilespmem:s24+$0x14120];
	_ =	sdelay $0x4  }
0x135: {  	v7 =	vmax.bf16 v7, v6  }
0x136: {  	[tilespmem:s24+$0x14120] =	vst v7  }
0x137: {  	v7 =	vld [tilespmem:s25+$0x147E0];
	_ =	sdelay $0x4  }
0x138: {  	(v2sf) =	vpush v5, $0x6;
	v6 =	vmax.bf16 v7, v6  }
0x139: {  	[tilespmem:s25+$0x147E0] =	vst v6  }
0x13a: {  	v6 =	vld [tilespmem:s22+$0xFFFFFF70]  }
0x13b: {  	v7 =	vld [tilespmem:s24+$0x14130];
	_ =	sdelay $0x4  }
0x13c: {  	v7 =	vmax.bf16 v7, v6  }
0x13d: {  	[tilespmem:s24+$0x14130] =	vst v7  }
0x13e: {  	v7 =	vld [tilespmem:s25+$0x147F0];
	_ =	sdelay $0x4  }
0x13f: {  	s26 =	spop (v2sf);
	v6 =	vmax.bf16 v7, v6  }
0x140: {  	s28 =	sshra.s32 s26, $0x1;
	[tilespmem:s25+$0x147F0] =	vst v6  }
0x141: {  	s25 =	sand.u32 $0xFFFFFFC0, s28;
	v6 =	vld [tilespmem:s22+$0xFFFFFF80]  }
0x142: {  	v7 =	vld [tilespmem:s25+$0x14100];
	_ =	sdelay $0x4  }
0x143: {  	s24 =	sshll.u32 s26, $0x6;
	v7 =	vmax.bf16 v7, v6  }
0x144: {  	s24 =	sand.u32 $0x1FC0, s24;
	[tilespmem:s25+$0x14100] =	vst v7  }
0x145: {  	v7 =	vld [tilespmem:s24+$0x147C0];
	_ =	sdelay $0x4  }
0x146: {  	v6 =	vmax.bf16 v7, v6  }
0x147: {  	[tilespmem:s24+$0x147C0] =	vst v6  }
0x148: {  	v6 =	vld [tilespmem:s22+$0xFFFFFF90]  }
0x149: {  	v7 =	vld [tilespmem:s25+$0x14110];
	_ =	sdelay $0x4  }
0x14a: {  	v7 =	vmax.bf16 v7, v6  }
0x14b: {  	[tilespmem:s25+$0x14110] =	vst v7  }
0x14c: {  	v7 =	vld [tilespmem:s24+$0x147D0];
	_ =	sdelay $0x4  }
0x14d: {  	v6 =	vmax.bf16 v7, v6  }
0x14e: {  	[tilespmem:s24+$0x147D0] =	vst v6  }
0x14f: {  	v6 =	vld [tilespmem:s22+$0xFFFFFFA0]  }
0x150: {  	v7 =	vld [tilespmem:s25+$0x14120];
	_ =	sdelay $0x4  }
0x151: {  	v7 =	vmax.bf16 v7, v6  }
0x152: {  	[tilespmem:s25+$0x14120] =	vst v7  }
0x153: {  	v7 =	vld [tilespmem:s24+$0x147E0];
	_ =	sdelay $0x4  }
0x154: {  	(v2sf) =	vpush v5, $0x7;
	v6 =	vmax.bf16 v7, v6  }
0x155: {  	[tilespmem:s24+$0x147E0] =	vst v6  }
0x156: {  	v6 =	vld [tilespmem:s22+$0xFFFFFFB0]  }
0x157: {  	v7 =	vld [tilespmem:s25+$0x14130];
	_ =	sdelay $0x4  }
0x158: {  	v7 =	vmax.bf16 v7, v6  }
0x159: {  	[tilespmem:s25+$0x14130] =	vst v7  }
0x15a: {  	v7 =	vld [tilespmem:s24+$0x147F0];
	_ =	sdelay $0x4  }
0x15b: {  	s29 =	spop (v2sf);
	v6 =	vmax.bf16 v7, v6  }
0x15c: {  	s30 =	sshra.s32 s29, $0x1;
	[tilespmem:s24+$0x147F0] =	vst v6  }
0x15d: {  	s24 =	sand.u32 $0xFFFFFFC0, s30;
	v6 =	vld [tilespmem:s22+$0xFFFFFFC0]  }
0x15e: {  	v7 =	vld [tilespmem:s24+$0x14100];
	_ =	sdelay $0x4  }
0x15f: {  	s25 =	sshll.u32 s29, $0x6;
	v7 =	vmax.bf16 v7, v6  }
0x160: {  	s25 =	sand.u32 $0x1FC0, s25;
	[tilespmem:s24+$0x14100] =	vst v7  }
0x161: {  	v7 =	vld [tilespmem:s25+$0x147C0];
	_ =	sdelay $0x4  }
0x162: {  	v6 =	vmax.bf16 v7, v6  }
0x163: {  	[tilespmem:s25+$0x147C0] =	vst v6  }
0x164: {  	v6 =	vld [tilespmem:s22+$0xFFFFFFD0]  }
0x165: {  	v7 =	vld [tilespmem:s24+$0x14110];
	_ =	sdelay $0x4  }
0x166: {  	v7 =	vmax.bf16 v7, v6  }
0x167: {  	[tilespmem:s24+$0x14110] =	vst v7  }
0x168: {  	v7 =	vld [tilespmem:s25+$0x147D0];
	_ =	sdelay $0x4  }
0x169: {  	v6 =	vmax.bf16 v7, v6  }
0x16a: {  	[tilespmem:s25+$0x147D0] =	vst v6  }
0x16b: {  	v6 =	vld [tilespmem:s22+$0xFFFFFFE0]  }
0x16c: {  	v7 =	vld [tilespmem:s24+$0x14120];
	_ =	sdelay $0x4  }
0x16d: {  	v7 =	vmax.bf16 v7, v6  }
0x16e: {  	[tilespmem:s24+$0x14120] =	vst v7  }
0x16f: {  	v7 =	vld [tilespmem:s25+$0x147E0];
	_ =	sdelay $0x4  }
0x170: {  	(v2sf) =	vpush v5, $0x8;
	v6 =	vmax.bf16 v7, v6  }
0x171: {  	[tilespmem:s25+$0x147E0] =	vst v6  }
0x172: {  	v6 =	vld [tilespmem:s22+$0xFFFFFFF0]  }
0x173: {  	v7 =	vld [tilespmem:s24+$0x14130];
	_ =	sdelay $0x4  }
0x174: {  	v7 =	vmax.bf16 v7, v6  }
0x175: {  	[tilespmem:s24+$0x14130] =	vst v7  }
0x176: {  	v7 =	vld [tilespmem:s25+$0x147F0];
	_ =	sdelay $0x4  }
0x177: {  	s31 =	spop (v2sf);
	v6 =	vmax.bf16 v7, v6  }
0x178: {  	s26 =	sshra.s32 s31, $0x1;
	[tilespmem:s25+$0x147F0] =	vst v6  }
0x179: {  	s25 =	sand.u32 $0xFFFFFFC0, s26;
	v6 =	vld [tilespmem:s22+$0x0]  }
0x17a: {  	v7 =	vld [tilespmem:s25+$0x14100];
	_ =	sdelay $0x4  }
0x17b: {  	s24 =	sshll.u32 s31, $0x6;
	v7 =	vmax.bf16 v7, v6  }
0x17c: {  	s24 =	sand.u32 $0x1FC0, s24;
	[tilespmem:s25+$0x14100] =	vst v7  }
0x17d: {  	v7 =	vld [tilespmem:s24+$0x147C0];
	_ =	sdelay $0x4  }
0x17e: {  	v6 =	vmax.bf16 v7, v6  }
0x17f: {  	[tilespmem:s24+$0x147C0] =	vst v6  }
0x180: {  	v6 =	vld [tilespmem:s22+$0x10]  }
0x181: {  	v7 =	vld [tilespmem:s25+$0x14110];
	_ =	sdelay $0x4  }
0x182: {  	v7 =	vmax.bf16 v7, v6  }
0x183: {  	[tilespmem:s25+$0x14110] =	vst v7  }
0x184: {  	v7 =	vld [tilespmem:s24+$0x147D0];
	_ =	sdelay $0x4  }
0x185: {  	v6 =	vmax.bf16 v7, v6  }
0x186: {  	[tilespmem:s24+$0x147D0] =	vst v6  }
0x187: {  	v6 =	vld [tilespmem:s22+$0x20]  }
0x188: {  	v7 =	vld [tilespmem:s25+$0x14120];
	_ =	sdelay $0x4  }
0x189: {  	v7 =	vmax.bf16 v7, v6  }
0x18a: {  	[tilespmem:s25+$0x14120] =	vst v7  }
0x18b: {  	v7 =	vld [tilespmem:s24+$0x147E0];
	_ =	sdelay $0x4  }
0x18c: {  	(v2sf) =	vpush v5, $0x9;
	v6 =	vmax.bf16 v7, v6  }
0x18d: {  	[tilespmem:s24+$0x147E0] =	vst v6  }
0x18e: {  	v6 =	vld [tilespmem:s22+$0x30]  }
0x18f: {  	v7 =	vld [tilespmem:s25+$0x14130];
	_ =	sdelay $0x4  }
0x190: {  	v7 =	vmax.bf16 v7, v6  }
0x191: {  	[tilespmem:s25+$0x14130] =	vst v7  }
0x192: {  	v7 =	vld [tilespmem:s24+$0x147F0];
	_ =	sdelay $0x4  }
0x193: {  	s28 =	spop (v2sf);
	v6 =	vmax.bf16 v7, v6  }
0x194: {  	s29 =	sshra.s32 s28, $0x1;
	[tilespmem:s24+$0x147F0] =	vst v6  }
0x195: {  	s24 =	sand.u32 $0xFFFFFFC0, s29;
	v6 =	vld [tilespmem:s22+$0x40]  }
0x196: {  	v7 =	vld [tilespmem:s24+$0x14100];
	_ =	sdelay $0x4  }
0x197: {  	s25 =	sshll.u32 s28, $0x6;
	v7 =	vmax.bf16 v7, v6  }
0x198: {  	s25 =	sand.u32 $0x1FC0, s25;
	[tilespmem:s24+$0x14100] =	vst v7  }
0x199: {  	v7 =	vld [tilespmem:s25+$0x147C0];
	_ =	sdelay $0x4  }
0x19a: {  	v6 =	vmax.bf16 v7, v6  }
0x19b: {  	[tilespmem:s25+$0x147C0] =	vst v6  }
0x19c: {  	v6 =	vld [tilespmem:s22+$0x50]  }
0x19d: {  	v7 =	vld [tilespmem:s24+$0x14110];
	_ =	sdelay $0x4  }
0x19e: {  	v7 =	vmax.bf16 v7, v6  }
0x19f: {  	[tilespmem:s24+$0x14110] =	vst v7  }
0x1a0: {  	v7 =	vld [tilespmem:s25+$0x147D0];
	_ =	sdelay $0x4  }
0x1a1: {  	v6 =	vmax.bf16 v7, v6  }
0x1a2: {  	[tilespmem:s25+$0x147D0] =	vst v6  }
0x1a3: {  	v6 =	vld [tilespmem:s22+$0x60]  }
0x1a4: {  	v7 =	vld [tilespmem:s24+$0x14120];
	_ =	sdelay $0x4  }
0x1a5: {  	v7 =	vmax.bf16 v7, v6  }
0x1a6: {  	[tilespmem:s24+$0x14120] =	vst v7  }
0x1a7: {  	v7 =	vld [tilespmem:s25+$0x147E0];
	_ =	sdelay $0x4  }
0x1a8: {  	(v2sf) =	vpush v5, $0xA;
	v6 =	vmax.bf16 v7, v6  }
0x1a9: {  	[tilespmem:s25+$0x147E0] =	vst v6  }
0x1aa: {  	v6 =	vld [tilespmem:s22+$0x70]  }
0x1ab: {  	v7 =	vld [tilespmem:s24+$0x14130];
	_ =	sdelay $0x4  }
0x1ac: {  	v7 =	vmax.bf16 v7, v6  }
0x1ad: {  	[tilespmem:s24+$0x14130] =	vst v7  }
0x1ae: {  	v7 =	vld [tilespmem:s25+$0x147F0];
	_ =	sdelay $0x4  }
0x1af: {  	s30 =	spop (v2sf);
	v6 =	vmax.bf16 v7, v6  }
0x1b0: {  	s31 =	sshra.s32 s30, $0x1;
	[tilespmem:s25+$0x147F0] =	vst v6  }
0x1b1: {  	s25 =	sand.u32 $0xFFFFFFC0, s31;
	v6 =	vld [tilespmem:s22+$0x80]  }
0x1b2: {  	v7 =	vld [tilespmem:s25+$0x14100];
	_ =	sdelay $0x4  }
0x1b3: {  	s24 =	sshll.u32 s30, $0x6;
	v7 =	vmax.bf16 v7, v6  }
0x1b4: {  	s24 =	sand.u32 $0x1FC0, s24;
	[tilespmem:s25+$0x14100] =	vst v7  }
0x1b5: {  	v7 =	vld [tilespmem:s24+$0x147C0];
	_ =	sdelay $0x4  }
0x1b6: {  	v6 =	vmax.bf16 v7, v6  }
0x1b7: {  	[tilespmem:s24+$0x147C0] =	vst v6  }
0x1b8: {  	v6 =	vld [tilespmem:s22+$0x90]  }
0x1b9: {  	v7 =	vld [tilespmem:s25+$0x14110];
	_ =	sdelay $0x4  }
0x1ba: {  	v7 =	vmax.bf16 v7, v6  }
0x1bb: {  	[tilespmem:s25+$0x14110] =	vst v7  }
0x1bc: {  	v7 =	vld [tilespmem:s24+$0x147D0];
	_ =	sdelay $0x4  }
0x1bd: {  	v6 =	vmax.bf16 v7, v6  }
0x1be: {  	[tilespmem:s24+$0x147D0] =	vst v6  }
0x1bf: {  	v6 =	vld [tilespmem:s22+$0xA0]  }
0x1c0: {  	v7 =	vld [tilespmem:s25+$0x14120];
	_ =	sdelay $0x4  }
0x1c1: {  	v7 =	vmax.bf16 v7, v6  }
0x1c2: {  	[tilespmem:s25+$0x14120] =	vst v7  }
0x1c3: {  	v7 =	vld [tilespmem:s24+$0x147E0];
	_ =	sdelay $0x4  }
0x1c4: {  	(v2sf) =	vpush v5, $0xB;
	v6 =	vmax.bf16 v7, v6  }
0x1c5: {  	[tilespmem:s24+$0x147E0] =	vst v6  }
0x1c6: {  	v6 =	vld [tilespmem:s22+$0xB0]  }
0x1c7: {  	v7 =	vld [tilespmem:s25+$0x14130];
	_ =	sdelay $0x4  }
0x1c8: {  	v7 =	vmax.bf16 v7, v6  }
0x1c9: {  	[tilespmem:s25+$0x14130] =	vst v7  }
0x1ca: {  	v7 =	vld [tilespmem:s24+$0x147F0];
	_ =	sdelay $0x4  }
0x1cb: {  	s26 =	spop (v2sf);
	v6 =	vmax.bf16 v7, v6  }
0x1cc: {  	s28 =	sshra.s32 s26, $0x1;
	[tilespmem:s24+$0x147F0] =	vst v6  }
0x1cd: {  	s24 =	sand.u32 $0xFFFFFFC0, s28;
	v6 =	vld [tilespmem:s22+$0xC0]  }
0x1ce: {  	v7 =	vld [tilespmem:s24+$0x14100];
	_ =	sdelay $0x4  }
0x1cf: {  	s25 =	sshll.u32 s26, $0x6;
	v7 =	vmax.bf16 v7, v6  }
0x1d0: {  	s25 =	sand.u32 $0x1FC0, s25;
	[tilespmem:s24+$0x14100] =	vst v7  }
0x1d1: {  	v7 =	vld [tilespmem:s25+$0x147C0];
	_ =	sdelay $0x4  }
0x1d2: {  	v6 =	vmax.bf16 v7, v6  }
0x1d3: {  	[tilespmem:s25+$0x147C0] =	vst v6  }
0x1d4: {  	v6 =	vld [tilespmem:s22+$0xD0]  }
0x1d5: {  	v7 =	vld [tilespmem:s24+$0x14110];
	_ =	sdelay $0x4  }
0x1d6: {  	v7 =	vmax.bf16 v7, v6  }
0x1d7: {  	[tilespmem:s24+$0x14110] =	vst v7  }
0x1d8: {  	v7 =	vld [tilespmem:s25+$0x147D0];
	_ =	sdelay $0x4  }
0x1d9: {  	v6 =	vmax.bf16 v7, v6  }
0x1da: {  	[tilespmem:s25+$0x147D0] =	vst v6  }
0x1db: {  	v6 =	vld [tilespmem:s22+$0xE0]  }
0x1dc: {  	v7 =	vld [tilespmem:s24+$0x14120];
	_ =	sdelay $0x4  }
0x1dd: {  	v7 =	vmax.bf16 v7, v6  }
0x1de: {  	[tilespmem:s24+$0x14120] =	vst v7  }
0x1df: {  	v7 =	vld [tilespmem:s25+$0x147E0];
	_ =	sdelay $0x4  }
0x1e0: {  	(v2sf) =	vpush v5, $0xC;
	v6 =	vmax.bf16 v7, v6  }
0x1e1: {  	[tilespmem:s25+$0x147E0] =	vst v6  }
0x1e2: {  	v6 =	vld [tilespmem:s22+$0xF0]  }
0x1e3: {  	v7 =	vld [tilespmem:s24+$0x14130];
	_ =	sdelay $0x4  }
0x1e4: {  	v7 =	vmax.bf16 v7, v6  }
0x1e5: {  	[tilespmem:s24+$0x14130] =	vst v7  }
0x1e6: {  	v7 =	vld [tilespmem:s25+$0x147F0];
	_ =	sdelay $0x4  }
0x1e7: {  	s29 =	spop (v2sf);
	v6 =	vmax.bf16 v7, v6  }
0x1e8: {  	s30 =	sshra.s32 s29, $0x1;
	[tilespmem:s25+$0x147F0] =	vst v6  }
0x1e9: {  	s25 =	sand.u32 $0xFFFFFFC0, s30;
	v6 =	vld [tilespmem:s22+$0x100]  }
0x1ea: {  	v7 =	vld [tilespmem:s25+$0x14100];
	_ =	sdelay $0x4  }
0x1eb: {  	s24 =	sshll.u32 s29, $0x6;
	v7 =	vmax.bf16 v7, v6  }
0x1ec: {  	s24 =	sand.u32 $0x1FC0, s24;
	[tilespmem:s25+$0x14100] =	vst v7  }
0x1ed: {  	v7 =	vld [tilespmem:s24+$0x147C0];
	_ =	sdelay $0x4  }
0x1ee: {  	v6 =	vmax.bf16 v7, v6  }
0x1ef: {  	[tilespmem:s24+$0x147C0] =	vst v6  }
0x1f0: {  	v6 =	vld [tilespmem:s22+$0x110]  }
0x1f1: {  	v7 =	vld [tilespmem:s25+$0x14110];
	_ =	sdelay $0x4  }
0x1f2: {  	v7 =	vmax.bf16 v7, v6  }
0x1f3: {  	[tilespmem:s25+$0x14110] =	vst v7  }
0x1f4: {  	v7 =	vld [tilespmem:s24+$0x147D0];
	_ =	sdelay $0x4  }
0x1f5: {  	v6 =	vmax.bf16 v7, v6  }
0x1f6: {  	[tilespmem:s24+$0x147D0] =	vst v6  }
0x1f7: {  	v6 =	vld [tilespmem:s22+$0x120]  }
0x1f8: {  	v7 =	vld [tilespmem:s25+$0x14120];
	_ =	sdelay $0x4  }
0x1f9: {  	v7 =	vmax.bf16 v7, v6  }
0x1fa: {  	[tilespmem:s25+$0x14120] =	vst v7  }
0x1fb: {  	v7 =	vld [tilespmem:s24+$0x147E0];
	_ =	sdelay $0x4  }
0x1fc: {  	(v2sf) =	vpush v5, $0xD;
	v6 =	vmax.bf16 v7, v6  }
0x1fd: {  	[tilespmem:s24+$0x147E0] =	vst v6  }
0x1fe: {  	v6 =	vld [tilespmem:s22+$0x130]  }
0x1ff: {  	v7 =	vld [tilespmem:s25+$0x14130];
	_ =	sdelay $0x4  }
0x200: {  	v7 =	vmax.bf16 v7, v6  }
0x201: {  	[tilespmem:s25+$0x14130] =	vst v7  }
0x202: {  	v7 =	vld [tilespmem:s24+$0x147F0];
	_ =	sdelay $0x4  }
0x203: {  	s31 =	spop (v2sf);
	v6 =	vmax.bf16 v7, v6  }
0x204: {  	s26 =	sshra.s32 s31, $0x1;
	[tilespmem:s24+$0x147F0] =	vst v6  }
0x205: {  	s24 =	sand.u32 $0xFFFFFFC0, s26;
	v6 =	vld [tilespmem:s22+$0x140]  }
0x206: {  	v7 =	vld [tilespmem:s24+$0x14100];
	_ =	sdelay $0x4  }
0x207: {  	s25 =	sshll.u32 s31, $0x6;
	v7 =	vmax.bf16 v7, v6  }
0x208: {  	s25 =	sand.u32 $0x1FC0, s25;
	[tilespmem:s24+$0x14100] =	vst v7  }
0x209: {  	v7 =	vld [tilespmem:s25+$0x147C0];
	_ =	sdelay $0x4  }
0x20a: {  	v6 =	vmax.bf16 v7, v6  }
0x20b: {  	[tilespmem:s25+$0x147C0] =	vst v6  }
0x20c: {  	v6 =	vld [tilespmem:s22+$0x150]  }
0x20d: {  	v7 =	vld [tilespmem:s24+$0x14110];
	_ =	sdelay $0x4  }
0x20e: {  	v7 =	vmax.bf16 v7, v6  }
0x20f: {  	[tilespmem:s24+$0x14110] =	vst v7  }
0x210: {  	v7 =	vld [tilespmem:s25+$0x147D0];
	_ =	sdelay $0x4  }
0x211: {  	v6 =	vmax.bf16 v7, v6  }
0x212: {  	[tilespmem:s25+$0x147D0] =	vst v6  }
0x213: {  	v6 =	vld [tilespmem:s22+$0x160]  }
0x214: {  	v7 =	vld [tilespmem:s24+$0x14120];
	_ =	sdelay $0x4  }
0x215: {  	v7 =	vmax.bf16 v7, v6  }
0x216: {  	[tilespmem:s24+$0x14120] =	vst v7  }
0x217: {  	v7 =	vld [tilespmem:s25+$0x147E0];
	_ =	sdelay $0x4  }
0x218: {  	(v2sf) =	vpush v5, $0xE;
	v6 =	vmax.bf16 v7, v6  }
0x219: {  	[tilespmem:s25+$0x147E0] =	vst v6  }
0x21a: {  	v6 =	vld [tilespmem:s22+$0x170]  }
0x21b: {  	v7 =	vld [tilespmem:s24+$0x14130];
	_ =	sdelay $0x4  }
0x21c: {  	v7 =	vmax.bf16 v7, v6  }
0x21d: {  	[tilespmem:s24+$0x14130] =	vst v7  }
0x21e: {  	v7 =	vld [tilespmem:s25+$0x147F0];
	_ =	sdelay $0x4  }
0x21f: {  	s28 =	spop (v2sf);
	v6 =	vmax.bf16 v7, v6  }
0x220: {  	s29 =	sshra.s32 s28, $0x1;
	[tilespmem:s25+$0x147F0] =	vst v6  }
0x221: {  	s25 =	sand.u32 $0xFFFFFFC0, s29;
	v6 =	vld [tilespmem:s22+$0x180]  }
0x222: {  	v7 =	vld [tilespmem:s25+$0x14100];
	_ =	sdelay $0x4  }
0x223: {  	s24 =	sshll.u32 s28, $0x6;
	v7 =	vmax.bf16 v7, v6  }
0x224: {  	s24 =	sand.u32 $0x1FC0, s24;
	[tilespmem:s25+$0x14100] =	vst v7  }
0x225: {  	v7 =	vld [tilespmem:s24+$0x147C0];
	_ =	sdelay $0x4  }
0x226: {  	v6 =	vmax.bf16 v7, v6  }
0x227: {  	[tilespmem:s24+$0x147C0] =	vst v6  }
0x228: {  	v6 =	vld [tilespmem:s22+$0x190]  }
0x229: {  	v7 =	vld [tilespmem:s25+$0x14110];
	_ =	sdelay $0x4  }
0x22a: {  	v7 =	vmax.bf16 v7, v6  }
0x22b: {  	[tilespmem:s25+$0x14110] =	vst v7  }
0x22c: {  	v7 =	vld [tilespmem:s24+$0x147D0];
	_ =	sdelay $0x4  }
0x22d: {  	v6 =	vmax.bf16 v7, v6  }
0x22e: {  	[tilespmem:s24+$0x147D0] =	vst v6  }
0x22f: {  	v6 =	vld [tilespmem:s22+$0x1A0]  }
0x230: {  	v7 =	vld [tilespmem:s25+$0x14120];
	_ =	sdelay $0x4  }
0x231: {  	v7 =	vmax.bf16 v7, v6  }
0x232: {  	[tilespmem:s25+$0x14120] =	vst v7  }
0x233: {  	v7 =	vld [tilespmem:s24+$0x147E0];
	_ =	sdelay $0x4  }
0x234: {  	(v2sf) =	vpush v5, $0xF;
	v6 =	vmax.bf16 v7, v6  }
0x235: {  	[tilespmem:s24+$0x147E0] =	vst v6  }
0x236: {  	v5 =	vld [tilespmem:s22+$0x1B0]  }
0x237: {  	v6 =	vld [tilespmem:s25+$0x14130];
	_ =	sdelay $0x4  }
0x238: {  	v6 =	vmax.bf16 v6, v5  }
0x239: {  	[tilespmem:s25+$0x14130] =	vst v6  }
0x23a: {  	v6 =	vld [tilespmem:s24+$0x147F0];
	_ =	sdelay $0x4  }
0x23b: {  	s30 =	spop (v2sf);
	v5 =	vmax.bf16 v6, v5  }
0x23c: {  	s31 =	sshra.s32 s30, $0x1;
	[tilespmem:s24+$0x147F0] =	vst v5  }
0x23d: {  	s24 =	sand.u32 $0xFFFFFFC0, s31;
	v5 =	vld [tilespmem:s22+$0x1C0]  }
0x23e: {  	v6 =	vld [tilespmem:s24+$0x14100];
	_ =	sdelay $0x4  }
0x23f: {  	s25 =	sshll.u32 s30, $0x6;
	v6 =	vmax.bf16 v6, v5  }
0x240: {  	s25 =	sand.u32 $0x1FC0, s25;
	[tilespmem:s24+$0x14100] =	vst v6  }
0x241: {  	v6 =	vld [tilespmem:s25+$0x147C0];
	_ =	sdelay $0x4  }
0x242: {  	v5 =	vmax.bf16 v6, v5  }
0x243: {  	[tilespmem:s25+$0x147C0] =	vst v5  }
0x244: {  	v5 =	vld [tilespmem:s22+$0x1D0]  }
0x245: {  	v6 =	vld [tilespmem:s24+$0x14110];
	_ =	sdelay $0x4  }
0x246: {  	v6 =	vmax.bf16 v6, v5  }
0x247: {  	[tilespmem:s24+$0x14110] =	vst v6  }
0x248: {  	v6 =	vld [tilespmem:s25+$0x147D0];
	_ =	sdelay $0x4  }
0x249: {  	v5 =	vmax.bf16 v6, v5  }
0x24a: {  	[tilespmem:s25+$0x147D0] =	vst v5  }
0x24b: {  	v5 =	vld [tilespmem:s22+$0x1E0]  }
0x24c: {  	v6 =	vld [tilespmem:s24+$0x14120];
	_ =	sdelay $0x4  }
0x24d: {  	v6 =	vmax.bf16 v6, v5  }
0x24e: {  	[tilespmem:s24+$0x14120] =	vst v6  }
0x24f: {  	v6 =	vld [tilespmem:s25+$0x147E0];
	_ =	sdelay $0x4  }
0x250: {  	v5 =	vmax.bf16 v6, v5  }
0x251: {  	[tilespmem:s25+$0x147E0] =	vst v5  }
0x252: {  	v5 =	vld [tilespmem:s22+$0x1F0]  }
0x253: {  	v6 =	vld [tilespmem:s24+$0x14130];
	_ =	sdelay $0x4  }
0x254: {  	v6 =	vmax.bf16 v6, v5  }
0x255: {  	[tilespmem:s24+$0x14130] =	vst v6  }
0x256: {  	v6 =	vld [tilespmem:s25+$0x147F0]  }
0x257: {  	p2 =	sne.s32 s23, $0x1C0  }
.Ltmp7:
0x258: {  	_ = 	snop;
	(pc) =	sbr.rel @p2 .LBB2_11-.Ltmp7, $3  }
0x259: {  	_ =	sdelay $0x1  }
0x25a: {  	v5 =	vmax.bf16 v6, v5  }
0x25b: {  	s23 =	sadd.s32 $0x40, s23;
	s22 =	sadd.s32 $0x400, s22;
	[tilespmem:s25+$0x147F0] =	vst v5  }
0x25c: {  	s21 =	sadd.s32 $0x1, s21  }
0x25d: {  	p2 =	sne.s32 s21, s18  }
.Ltmp8:
0x25e: {  	_ = 	snop;
	(pc) =	sbr.rel @p2 .LBB2_10-.Ltmp8, $2  }
0x25f: {  	_ =	sdelay $0x2  }
0x260: {  	s20 =	sadd.s32 $0x80, s20;
	s19 =	sadd.s32 $0x1, s19  }
.LBB2_13:
0x261: {  	s18 =	simm.s32 @p1 $0x6  }
0x262: {  	_ =	swait.ge @p1 [sflag:s18], $0x4C00  }
0x263: {  	[sflag:s18] =	ssyncset.done @p1 $0x0  }
0x264: {  	[sflag:s18] =	ssyncadd.s32 @p1 $0xFFFFB400;
	s18 =	simm.s32 $0x14120  }
0x265: {  	v6 =	vld [tilespmem:s18+$0xFFFFFFE0]  }
0x266: {  	v4 =	vmul.u32 $0x98, v2  }
0x267: {  	s19 =	simm.s32 $0x0  }
0x268: {  	v7 =	vadd.s32 s19, v4;
	v5 =	vadd.s32 $0x2600, v4  }
0x269: {  	v8 =	vadd.s32 s19, v5  }
0x26a: {  	v9 =	vshll.u32 v6, $0x10  }
0x26b: {  	v6 =	vand.u32 $0xFFFF0000, v6;
	vm0 =	veq.f32 v9, $-Inf  }
0x26c: {  	vm1 =	veq.f32 v6, $-Inf;
	v9 =	vsel vm0, $0x0, v9  }
0x26d: {  	v6 =	vsel vm1, $0x0, v6;
	[tilespmem:v7+s13+$0x0] =	vst.idx.msk $0xffff, v9  }
0x26e: {  	v7 =	vmov s19;
	[tilespmem:v8+s13+$0x0] =	vst.idx.msk $0xffff, v6  }
0x26f: {  	v8 =	vadd.s32 $0x980, v7;
	v6 =	vld [tilespmem:s18+$0xFFFFFFF0]  }
0x270: {  	v8 =	vbroadcast v8, $0x0;
	_ =	sdelay $0x1  }
0x271: {  	v60 =	vadd.s32 v4, v8  }
0x272: {  	v8 =	vadd.s32 v5, v8  }
0x273: {  	v10 =	vshll.u32 v6, $0x10  }
0x274: {  	v6 =	vand.u32 $0xFFFF0000, v6;
	vm10 =	veq.f32 v10, $-Inf  }
0x275: {  	vm11 =	veq.f32 v6, $-Inf;
	v10 =	vsel vm10, $0x0, v10  }
0x276: {  	v6 =	vsel vm11, $0x0, v6;
	[tilespmem:v60+s13+$0x0] =	vst.idx.msk $0xffff, v10  }
0x277: {  	[tilespmem:v8+s13+$0x0] =	vst.idx.msk $0xffff, v6  }
0x278: {  	v6 =	vadd.s32 $0x1300, v7;
	v8 =	vld [tilespmem:s18+$0x0]  }
0x279: {  	v6 =	vbroadcast v6, $0x0;
	_ =	sdelay $0x1  }
0x27a: {  	v61 =	vadd.s32 v4, v6  }
0x27b: {  	v6 =	vadd.s32 v5, v6  }
0x27c: {  	v62 =	vshll.u32 v8, $0x10  }
0x27d: {  	v8 =	vand.u32 $0xFFFF0000, v8;
	vm12 =	veq.f32 v62, $-Inf  }
0x27e: {  	vm13 =	veq.f32 v8, $-Inf;
	v10 =	vsel vm12, $0x0, v62  }
0x27f: {  	v8 =	vsel vm13, $0x0, v8;
	[tilespmem:v61+s13+$0x0] =	vst.idx.msk $0xffff, v10  }
0x280: {  	[tilespmem:v6+s13+$0x0] =	vst.idx.msk $0xffff, v8  }
0x281: {  	v6 =	vadd.s32 $0x1C80, v7;
	v7 =	vld [tilespmem:s18+$0x10]  }
0x282: {  	v6 =	vbroadcast v6, $0x0;
	_ =	sdelay $0x1  }
0x283: {  	v8 =	vadd.s32 v4, v6;
	_ =	sdelay $0x1  }
0x284: {  	v6 =	vadd.s32 v5, v6;
	v63 =	vshll.u32 v7, $0x10  }
0x285: {  	v7 =	vand.u32 $0xFFFF0000, v7;
	vm14 =	veq.f32 v63, $-Inf  }
0x286: {  	vm15 =	veq.f32 v7, $-Inf;
	v9 =	vsel vm14, $0x0, v63  }
0x287: {  	s19 =	simm.s32 $0x1;
	v7 =	vsel vm15, $0x0, v7;
	[tilespmem:v8+s13+$0x0] =	vst.idx.msk $0xffff, v9  }
.LBB2_14:
0x288: {  	p1 =	sne.s32 s19, $0x97  }
0x289: {  	[tilespmem:v6+s13+$0x0] =	vst.idx.msk $0xffff, v7;
	s18 =	sadd.s32 $0x40, s18;
	s20 =	smov.u32 s19;
	s19 =	sadd.s32 $0x1, s19  }
0x28a: {  	v6 =	vld [tilespmem:s18+$0xFFFFFFE0];
	_ =	sdelay $0x2  }
0x28b: {  	v7 =	vadd.s32 s20, v4  }
0x28c: {  	v8 =	vadd.s32 s20, v5  }
0x28d: {  	v9 =	vshll.u32 v6, $0x10;
	v6 =	vand.u32 $0xFFFF0000, v6  }
0x28e: {  	vm0 =	veq.f32 v9, $-Inf;
	vm1 =	veq.f32 v6, $-Inf  }
0x28f: {  	v9 =	vsel vm0, $0x0, v9;
	v6 =	vsel vm1, $0x0, v6  }
0x290: {  	[tilespmem:v7+s13+$0x0] =	vst.idx.msk $0xffff, v9  }
0x291: {  	v7 =	vmov s20;
	[tilespmem:v8+s13+$0x0] =	vst.idx.msk $0xffff, v6  }
0x292: {  	v6 =	vadd.s32 $0x980, v7;
	v9 =	vadd.s32 $0x1300, v7;
	v7 =	vadd.s32 $0x1C80, v7;
	v8 =	vld [tilespmem:s18+$0xFFFFFFF0]  }
0x293: {  	v6 =	vbroadcast v6, $0x0;
	v9 =	vbroadcast v9, $0x0  }
0x294: {  	v7 =	vbroadcast v7, $0x0  }
0x295: {  	v10 =	vadd.s32 v4, v6;
	v11 =	vadd.s32 v5, v6;
	v12 =	vadd.s32 v4, v9  }
0x296: {  	v9 =	vadd.s32 v5, v9;
	v13 =	vadd.s32 v4, v7;
	v6 =	vadd.s32 v5, v7  }
0x297: {  	v7 =	vshll.u32 v8, $0x10;
	v8 =	vand.u32 $0xFFFF0000, v8  }
0x298: {  	vm0 =	veq.f32 v7, $-Inf;
	vm1 =	veq.f32 v8, $-Inf  }
0x299: {  	v7 =	vsel vm0, $0x0, v7;
	v8 =	vsel vm1, $0x0, v8  }
0x29a: {  	[tilespmem:v10+s13+$0x0] =	vst.idx.msk $0xffff, v7  }
0x29b: {  	[tilespmem:v11+s13+$0x0] =	vst.idx.msk $0xffff, v8  }
0x29c: {  	v7 =	vld [tilespmem:s18+$0x0];
	_ =	sdelay $0x4  }
0x29d: {  	v8 =	vshll.u32 v7, $0x10;
	v7 =	vand.u32 $0xFFFF0000, v7  }
0x29e: {  	vm0 =	veq.f32 v8, $-Inf;
	vm1 =	veq.f32 v7, $-Inf  }
0x29f: {  	v8 =	vsel vm0, $0x0, v8;
	v7 =	vsel vm1, $0x0, v7  }
0x2a0: {  	[tilespmem:v12+s13+$0x0] =	vst.idx.msk $0xffff, v8  }
0x2a1: {  	[tilespmem:v9+s13+$0x0] =	vst.idx.msk $0xffff, v7  }
0x2a2: {  	v7 =	vld [tilespmem:s18+$0x10];
	_ =	sdelay $0x3  }
.Ltmp9:
0x2a3: {  	(pc) =	sbr.rel @p1 .LBB2_14-.Ltmp9, $4  }
0x2a4: {  	v8 =	vshll.u32 v7, $0x10;
	v7 =	vand.u32 $0xFFFF0000, v7  }
0x2a5: {  	vm0 =	veq.f32 v8, $-Inf;
	vm1 =	veq.f32 v7, $-Inf  }
0x2a6: {  	v8 =	vsel vm0, $0x0, v8;
	v7 =	vsel vm1, $0x0, v7  }
0x2a7: {  	[tilespmem:v13+s13+$0x0] =	vst.idx.msk $0xffff, v8  }
0x2a8: {  	_ = 	snop  }
0x2a9: {  	s17 =	smul.u32 $0x4C00, s17;
	_ =	sdelay $0x1  }
0x2aa: {  	s17 =	sshrl.u32 s17, $0x3  }
0x2ab: {  	[tilespmem:v6+s13+$0x0] =	vst.idx.msk $0xffff, v7;
	s17 =	sadd.s32 s5, s17  }
0x2ac: {  	[hbm4b:s17+s2] =	stream.linear.scatter [tilespmem:s13], [sflag:$0x6], $0x4C00, $0x38;
	[tilespmem:$0x1B500] =	vst v63  }
0x2ad: {  	[sflag:s14] =	ssyncset.done $0x0  }
0x2ae: {  	[smem:s2], [sflag:$0x8] =	smem.add.s32 $0x1  }
0x2af: {  	_ =	swait.done [sflag:s14]  }
0x2b0: {  	s17 =	ssyncread [sflag:$0x8];
	_ =	sdelay $0x2  }
0x2b1: {  	p2 =	slt.s32 s17, $0x100  }
.Ltmp10:
0x2b2: {  	_ = 	snop;
	(pc) =	sbr.rel @p2 .LBB2_2-.Ltmp10, $3  }
0x2b3: {  	_ =	sdelay $0x1  }
0x2b4: {  	[sflag:s14] =	ssyncset.s32 $0x0  }
0x2b5: {  	p1 =	por $0x1, $0x1;
	[sflag:s14] =	ssyncset.done $0x0  }
.Ltmp11:
0x2b6: {  	(pc) =	sbr.rel .LBB2_17-.Ltmp11, $4  }
0x2b7: {  	_ = 	snop  }
0x2b8: {  	_ =	swait.ge [sflag:s15], $0x4C00  }
0x2b9: {  	[sflag:s15] =	ssyncset.done $0x0  }
0x2ba: {  	[sflag:s15] =	ssyncadd.s32 $0xFFFFB400  }
.LBB2_18:
0x2bb: {  	_ =	sfence.sel $0x180000  }
0x2bc: {  	[bflag:$0x0] =	sbarrier.arrive $0xFFFF  }
0x2bd: {  	_ =	strace $0x90000047  }
0x2be: {  	s0 =	sadd.s32 @!p0 $0x100000, s0;
	[bflag:$0x2] =	sbarrier.arrive $0xFFFF  }
0x2bf: {  	[sflag:s0] =	ssyncadd.tile.s32 @!p0 $0x1;
	_ =	shalt  }
.Lfunc_end2:
_tile_overlayer_lowered:
.L_overlay_start_2:
0x2c0: {  	(tag) =	ssettag $0x2  }
0x2c1: {  	s0 =	rddreg [dreg:$0x0];
	s2 =	stileid.u32  }
0x2c2: {  	s1 =	rddreg [dreg:$0x1];
	p0 =	sne.s32 s2, $0x0  }
0x2c3: {  	s3 =	rddreg [dreg:$0x2];
	[bflag:$0x3] =	sbarrier.arrive $0xFFFF;
	s2 =	simm.s32 @!p0 $0x1C07  }
0x2c4: {  	[timem:s3], [sflag:s2] =	dma.local @!p0 [hbm:s0], s1  }
0x2c5: {  	s0 =	simm.s32 @!p0 $0x7  }
0x2c6: {  	_ =	swait.ge @!p0 [sflag:s0], s1  }
0x2c7: {  	s1 =	ssub.s32 @!p0 $0x0, s1;
	[sflag:s0] =	ssyncset.done @!p0 $0x0  }
0x2c8: {  	[sflag:s0] =	ssyncadd.s32 @!p0 s1  }
0x2c9: {  	[bflag:$0x3] =	sbarrier.arrive $0xFFFF  }
0x2ca: {  	_ =	shalt  }

// kernel: sparse-core-data-format-call.1.cloned.1.call-start
scs
called_computation.1_lowered:
.L_overlay_start_0:
0x0: {  	s2 =	sld [smem:$0x3FD9]  }
0x1: {  	s3 =	sld [smem:$0x3FFE];
	_ =	sdelay $0x1  }
0x2: {  	s1 =	srdreg.scid  }
0x3: {  	s0 =	sand.u32 $0x1, s1  }
0x4: {  	s18 =	sshll.u32 s0, $0xA;
	s2 =	sadd.s32 s3, s2  }
0x5: {  	s2 =	sadd.s32 s2, s18  }
0x6: {  	[smem:$0x3FC5] =	sst s2  }
0x7: {  	_ = 	snop  }
0x8: {  	s2 =	sld [smem:$0x3FD0];
	(tm) =	ssettm $0x1  }
0x9: {  	s19 =	sld [smem:$0x3FFB];
	_ =	sdelay $0x3  }
0xa: {  	_ =	strace s19  }
0xb: {  	s3 =	sld [smem:$0x3FFC];
	_ =	sdelay $0x3  }
0xc: {  	_ =	strace s3  }
0xd: {  	s3 =	sld [smem:$0x3FFD];
	_ =	sdelay $0x3  }
0xe: {  	_ =	strace s3  }
0xf: {  	_ =	strace $0x8FFFFFFF  }
0x10: {  	s20 =	sld [smem:$0x3FDB];
	_ =	sdelay $0x1  }
0x11: {  	s4 =	simm.s32 $_scs_section_size  }
0x12: {  	s5 =	simm.s32 $_size__tile_overlayer_lowered;
	s6 =	simm.s32 $_tile_overlayer_lowered  }
0x13: {  	s23 =	simm.s32 $0x1BFF;
	s22 =	sshll.u32 s6, $0x1;
	s3 =	sadd.s32 s4, s20  }
0x14: {  	s7 =	simm.s32 $0x0;
	s21 =	sshll.u32 s5, $0x1;
	s5 =	sadd.s32 s22, s3  }
0x15: {  	[timem:s7], [sflag:s23] =	dma.local [hbm:s5], s21  }
0x16: {  	_ =	swait.ge [sflag:s23], s21  }
0x17: {  	s4 =	ssub.s32 $0x0, s21;
	[sflag:s23] =	ssyncset.done $0x0  }
0x18: {  	[sflag:s23] =	ssyncadd.s32 s4;
	_ =	sdelay $0x1  }
0x19: {  	s24 =	simm.s32 $0x1B8B  }
0x1a: {  	_ =	swait.ge [sflag:s24], $0x1  }
0x1b: {  	[sflag:s24] =	ssyncset.done $0x0  }
0x1c: {  	s26 =	simm.s32 $0x1B8E;
	s25 =	sld [smem:$0x3FFE];
	[sflag:s24] =	ssyncadd.s32 $0xFFFFFFFF  }
0x1d: {  	s27 =	simm.s32 $execute0_lowered;
	[smem:$0x3FD2] =	sst s26  }
0x1e: {  	s5 =	sshll.u32 s27, $0x1;
	_ =	strace $0x80000049;
	[dreg:$0x1] =	wrdreg $0xFFFFFFFF  }
0x1f: {  	s28 =	simm.s32 $_size_execute0_lowered;
	s3 =	sadd.s32 s3, s5;
	[dreg:$0x0] =	wrdreg $0x0  }
0x20: {  	s5 =	sshll.u32 s28, $0x1;
	[dreg:$0x2] =	wrdreg s3  }
0x21: {  	[dreg:$0x3] =	wrdreg s5  }
0x22: {  	[dreg:$0x4] =	wrdreg $0xC0  }
0x23: {  	_ =	task [dreg:s7], $0x5FFFF  }
0x24: {  	[dreg:$0x1] =	wrdreg $0xFFFFFFFF  }
0x25: {  	[dreg:$0x0] =	wrdreg $0x60  }
0x26: {  	[dreg:$0x2] =	wrdreg s2  }
0x27: {  	[dreg:$0x3] =	wrdreg s25  }
0x28: {  	[dreg:$0x4] =	wrdreg $0x9  }
0x29: {  	_ =	task.clear_ibuf [dreg:s7], $0x5FFFF;
	_ =	strace $0x90000049  }
0x2a: {  	s29 =	simm.s32 $0x9;
	_ =	strace $0x8000004B  }
0x2b: {  	_ =	swait.ge [sflag:s29], $0x1  }
0x2c: {  	[sflag:s29] =	ssyncadd.s32 $0xFFFFFFFF  }
0x2d: {  	_ =	strace $0x9000004B  }
0x2e: {  	_ =	sfence  }
0x2f: {  	s30 =	sld [smem:$0x0];
	_ =	sdelay $0x2  }
0x30: {  	s31 =	sshll.u32 s1, $0xD;
	s1 =	sshrl.u32 s1, $0x2  }
0x31: {  	s3 =	sand.u32 $0x4000, s31;
	s1 =	sadd.s32 s1, s30  }
0x32: {  	s0 =	sor.u32 s3, s0;
	s1 =	sshll.u32 s1, $0x11  }
0x33: {  	s0 =	sor.u32 s1, s0  }
0x34: {  	s0 =	sadd.s32 $0x8F2B, s0  }
0x35: {  	[sflag:s0] =	ssyncadd.remote.s32 $0x1  }
0x36: {  	_ =	sfence.sel $0xFFFF  }
0x37: {  	[dreg:$0x0] =	wrdreg $0xFFFFFFFF;
	(pc) =	sbr.abs _section_cstart, $3  }
0x38: {  	[dreg:$0x1] =	wrdreg $0xFFFFFFFF  }
0x39: {  	_ =	task.clear_ibuf [dreg:s7], $0x2FFFF;
	_ =	strace $0x9FFFFFFF  }
0x3a: {  	(tm) =	ssettm $0x7FFFFFFF  }
0x3b: {  	_ =	shalt  }
tec
execute0_lowered:
.L_overlay_start_1:
0x0: {  	(tag) =	ssettag $0x1  }
0x1: {  	s2 =	rddreg [dreg:$0x0];
	s0 =	stileid.u32  }
0x2: {  	s1 =	srdreg.scid;
	s7 =	rddreg [dreg:$0x1];
	s31 =	simm.s32 $0x2  }
0x3: {  	s14 =	simm.s32 $0x0;
	s13 =	simm.s32 $0x0;
	s12 =	simm.s32 $0x0  }
0x4: {  	s3 =	sshll.u32 s0, $0x7;
	s4 =	sshll.u32 s0, $0x5;
	s1 =	sshll.u32 s1, $0x9  }
0x5: {  	s3 =	sand.u32 $0x180, s3;
	s4 =	sor.u32 s4, s1;
	s1 =	rddreg [dreg:$0x2]  }
0x6: {  	_ =	strace $0x8000004A;
	s4 =	sand.u32 $0x380, s4;
	s5 =	ssub.s32 $0x200, s3  }
0x7: {  	s6 =	sand.u32 $0x180, s5;
	s8 =	ssub.s32 $0x4C00, s4;
	s10 =	sshrl.u32 s5, $0x9  }
0x8: {  	p0 =	sne.s32 s6, $0x0;
	s6 =	simm.s32 $0x1;
	s9 =	sand.u32 $0x380, s8  }
0x9: {  	s6 =	simm.s32 @!p0 $0x0;
	p0 =	sne.s32 s9, $0x0;
	s9 =	simm.s32 $0x1  }
.Ltmp0:
0xa: {  	s8 =	sshrl.u32 s8, $0xA;
	s9 =	simm.s32 @!p0 $0x0;
	(pc) =	sbr.rel .LBB1_1-.Ltmp0, $4  }
0xb: {  	s5 =	simm.s32 $0x1;
	s6 =	sadd.s32 s6, s10;
	s8 =	sadd.s32 s9, s8  }
0xc: {  	s7 =	sadd.s32 $0xE00, s7;
	[sflag:s5] =	ssyncpa.u1 $0x0;
	s6 =	smul.u32 s6, s8  }
0xd: {  	s11 =	smov.u32 s3;
	[sflag:s31] =	ssyncpa.u1 $0x0;
	p0 =	por $0x0, $0x0  }
0xe: {  	s10 =	smov.u32 s4;
	s9 =	simm.s32 $0x1000;
	s8 =	sadd.s32 $0x1, s6  }
.LBB1_4:
0xf: {  	s20 =	sshll.u32 s14, $0x9;
	s21 =	sshll.u32 s13, $0x3  }
0x10: {  	v5 =	vld [tilespmem:s18+$0xFFFFFFD0];
	[tilespmem:s17+$0x2040 ss:$0x81] =	vst.msk $0xffff, v4;
	s25 =	sshll.u32 s14, $0x7;
	s20 =	sand.u32 $0xFFFFF000, s20;
	s21 =	sand.u32 $0xFFFFFC00, s21  }
0x11: {  	v58 =	vld [tilespmem:s18+$0xFFFFFFE0];
	[tilespmem:s17+$0x2850 ss:$0x81] =	vst.msk $0xffff, v3;
	s26 =	sand.u32 $0x200, s25;
	s20 =	sadd.s32 s21, s20  }
0x12: {  	s19 =	sshra.s32 s19, $0x2;
	v59 =	vld [tilespmem:s18+$0xFFFFFFF0];
	[tilespmem:s17+$0x3060 ss:$0x81] =	vst.msk $0xffff, v2;
	s20 =	sor.u32 s26, s20  }
0x13: {  	v60 =	vld [tilespmem:s18+$0x0];
	[tilespmem:s17+$0x0 ss:$0x81] =	vst.msk $0xffff, v0;
	s16 =	sadd.s32 s19, s16;
	s27 =	sshrl.u32 s20, $0x9  }
0x14: {  	v61 =	vld [tilespmem:s18+$0x10];
	[tilespmem:s16+$0x3870 ss:$0x81] =	vst.msk $0xffff, v1;
	s28 =	smulhi.u32 $0x6BCA1B, s27  }
0x15: {  	v62 =	vld [tilespmem:s18+$0x20];
	[tilespmem:s16+$0x810 ss:$0x81] =	vst.msk $0xffff, v5  }
0x16: {  	v63 =	vld [tilespmem:s18+$0xFFFFFFC0];
	[tilespmem:s16+$0x1020 ss:$0x81] =	vst.msk $0xffff, v58;
	s29 =	sshrl.u32 s28, $0x5  }
0x17: {  	s30 =	sand.u32 $0x78, s13;
	s14 =	sand.u32 $0x180, s25;
	[tilespmem:s16+$0x1830 ss:$0x81] =	vst.msk $0xffff, v59;
	s18 =	smul.u32 $0x4C00, s29  }
0x18: {  	s14 =	sor.u32 s30, s14;
	[tilespmem:s16+$0x2040 ss:$0x81] =	vst.msk $0xffff, v60  }
0x19: {  	s31 =	sand.u32 $0x7, s13;
	s14 =	sshrl.u32 s14, $0x3;
	[tilespmem:s16+$0x2850 ss:$0x81] =	vst.msk $0xffff, v61;
	s17 =	ssub.s32 s27, s18  }
0x1a: {  	s13 =	sshll.u32 s31, $0x12;
	s14 =	sadd.s32 s7, s14;
	[tilespmem:s16+$0x3060 ss:$0x81] =	vst.msk $0xffff, v62;
	s17 =	sshll.u32 s17, $0x6  }
0x1b: {  	s13 =	sor.u32 $0x400, s13;
	[tilespmem:s16+$0x0 ss:$0x81] =	vst.msk $0xffff, v63;
	s14 =	sadd.s32 s17, s14  }
0x1c: {  	[hbm4b:s14+s13] =	stream.strided.scatter [tilespmem:s15], [sflag:$0x2], $0x4000, s9, s13, $0x20;
	[tilespmem:$0x10100] =	vst v63  }
.LBB1_5:
0x1d: {  	s15 =	sadd.s32 $0x400, s10  }
0x1e: {  	s13 =	sadd.s32 $0x200, s11;
	s17 =	smov.u32 s11;
	p2 =	sgt.s32 s15, $0x4BFF  }
0x1f: {  	s17 =	smov.u32 @p2 s13  }
0x20: {  	s15 =	smov.u32 @p2 s4;
	p2 =	sgt.s32 s17, $0x1FF  }
0x21: {  	s17 =	smov.u32 @p2 s3;
	p2 =	sne.s32 s12, s8  }
.Ltmp1:
0x22: {  	p1 =	slt.u32 s12, $0x2;
	(pc) =	sbr.rel @!p2 .LBB1_6-.Ltmp1, $4  }
0x23: {  	s16 =	simm.s32 @!p1 $0x2  }
0x24: {  	s14 =	smov.u32 s10;
	p0 =	por !p0, !p0;
	_ =	swait.ge @!p1 [sflag:s16], $0x4000  }
0x25: {  	s13 =	smov.u32 s11;
	[sflag:s16] =	ssyncset.done @!p1 $0x0;
	s10 =	smov.u32 s15  }
0x26: {  	s12 =	sadd.s32 $0x1, s12;
	[sflag:s16] =	ssyncadd.s32 @!p1 $0xFFFFC000;
	s11 =	smov.u32 s17  }
.LBB1_1:
0x27: {  	p1 =	sge.u32 s12, s6  }
0x28: {  	s15 =	sshrl.u32 @!p1 s11, $0x3  }
0x29: {  	s16 =	sshll.u32 @!p1 s10, $0x3;
	s15 =	smul.u32 @!p1 $0x26000, s15  }
0x2a: {  	s16 =	sand.u32 @!p1 $0xFFFFFC00, s16  }
0x2b: {  	s15 =	sadd.s32 @!p1 s15, s16  }
0x2c: {  	s16 =	sshrl.u32 @!p1 s15, $0xA  }
0x2d: {  	s17 =	sshll.u32 @!p1 s11, $0x7;
	s16 =	smulhi.u32 @!p1 $0xD79435F, s16  }
0x2e: {  	s18 =	sand.u32 @!p1 $0x7F, s10;
	s17 =	sand.u32 @!p1 $0x380, s17  }
0x2f: {  	s17 =	sor.u32 @!p1 s18, s17;
	s18 =	smul.u32 @!p1 $0x4C00, s16  }
0x30: {  	s31 =	sadd.s32 $0xFFFFFFFF, s12;
	s15 =	sor.u32 @!p1 s15, s17;
	s17 =	sxor.u32 @!p1 $0xFFFFFFFF, s12  }
0x31: {  	s17 =	sshll.u32 @!p1 s17, $0xE;
	s16 =	sand.u32 @!p1 $0x1FF, s16;
	s15 =	ssub.s32 @!p1 s15, s18  }
0x32: {  	s16 =	smul.u32 @!p1 $0x980, s16;
	s18 =	sshrl.u32 @!p1 s15, $0x3;
	s15 =	sand.u32 @!p1 $0x7, s15  }
0x33: {  	s17 =	sand.u32 @!p1 $0x4000, s17;
	s18 =	sadd.s32 @!p1 s2, s18;
	s15 =	sshll.u32 @!p1 s15, $0x12  }
0x34: {  	s16 =	sadd.s32 @!p1 s16, s18;
	s15 =	sor.u32 @!p1 $0x400, s15;
	s18 =	simm.s32 @!p1 $0x26000  }
0x35: {  	[tilespmem:s17], [sflag:$0x1] =	stream.strided.gather @!p1 [hbm4b:s16+s15], $0x4000, s18, s15, $0x38;
	[tilespmem:$0x10100] =	vst v63  }
0x36: {  	p1 =	sge.u32 s31, s6  }
.Ltmp2:
0x37: {  	_ = 	snop;
	(pc) =	sbr.rel @p1 .LBB1_5-.Ltmp2, $1  }
0x38: {  	_ =	sdelay $0x3  }
0x39: {  	s15 =	simm.s32 $0x1  }
0x3a: {  	_ =	swait.ge [sflag:s5], $0x4000;
	s15 =	simm.s32 @!p0 $0x0  }
0x3b: {  	[sflag:s5] =	ssyncset.done $0x0;
	s16 =	sshll.u32 s15, $0xE  }
0x3c: {  	[sflag:s5] =	ssyncadd.s32 $0xFFFFC000;
	s18 =	sor.u32 $0x40, s16  }
0x3d: {  	s15 =	smul.u32 $0x10200, s15;
	v0 =	vld [tilespmem:s18+$0x30]  }
0x3e: {  	v1 =	vld [tilespmem:s18+$0xFFFFFFD0]  }
0x3f: {  	s15 =	sshrl.u32 s15, $0x2;
	v5 =	vld [tilespmem:s18+$0xFFFFFFE0]  }
0x40: {  	v6 =	vld [tilespmem:s18+$0xFFFFFFF0];
	s16 =	sor.u32 $0x8000, s15  }
0x41: {  	s31 =	sand.u32 $0x1, s12;
	v4 =	vld [tilespmem:s18+$0x0];
	s17 =	sadd.s32 $0x0, s16  }
0x42: {  	v3 =	vld [tilespmem:s18+$0x10];
	s15 =	smul.u32 $0x10200, s31;
	[tilespmem:s17+$0x3870 ss:$0x81] =	vst.msk $0xffff, v0  }
0x43: {  	v2 =	vld [tilespmem:s18+$0x20];
	[tilespmem:s17+$0x810 ss:$0x81] =	vst.msk $0xffff, v1  }
0x44: {  	s15 =	sshrl.u32 s15, $0x2;
	v0 =	vld [tilespmem:s18+$0xFFFFFFC0];
	[tilespmem:s17+$0x1020 ss:$0x81] =	vst.msk $0xffff, v5;
	s18 =	sadd.s32 $0x80, s18  }
0x45: {  	s19 =	simm.s32 $0x4;
	s20 =	simm.s32 $0x8;
	s15 =	sor.u32 $0x8000, s15;
	[tilespmem:s17+$0x1830 ss:$0x81] =	vst.msk $0xffff, v6;
	v1 =	vld [tilespmem:s18+$0x30]  }
.LBB1_3:
0x46: {  	p1 =	sne.s32 s20, $0x1FC;
	v5 =	vld [tilespmem:s18+$0xFFFFFFD0];
	[tilespmem:s17+$0x2040 ss:$0x81] =	vst.msk $0xffff, v4  }
0x47: {  	v6 =	vld [tilespmem:s18+$0xFFFFFFE0];
	[tilespmem:s17+$0x2850 ss:$0x81] =	vst.msk $0xffff, v3  }
0x48: {  	s21 =	sshra.s32 s19, $0x2;
	s19 =	smov.u32 s20;
	v7 =	vld [tilespmem:s18+$0xFFFFFFF0];
	[tilespmem:s17+$0x3060 ss:$0x81] =	vst.msk $0xffff, v2  }
.Ltmp3:
0x49: {  	v4 =	vld [tilespmem:s18+$0x0];
	[tilespmem:s17+$0x0 ss:$0x81] =	vst.msk $0xffff, v0;
	s17 =	sadd.s32 s21, s16;
	(pc) =	sbr.rel @p1 .LBB1_3-.Ltmp3, $4  }
0x4a: {  	v3 =	vld [tilespmem:s18+$0x10];
	[tilespmem:s17+$0x3870 ss:$0x81] =	vst.msk $0xffff, v1  }
0x4b: {  	[tilespmem:s17+$0x810 ss:$0x81] =	vst.msk $0xffff, v5;
	v2 =	vld [tilespmem:s18+$0x20]  }
0x4c: {  	v0 =	vld [tilespmem:s18+$0xFFFFFFC0];
	[tilespmem:s17+$0x1020 ss:$0x81] =	vst.msk $0xffff, v6;
	s18 =	sadd.s32 $0x80, s18  }
0x4d: {  	s20 =	sadd.s32 $0x4, s20;
	v1 =	vld [tilespmem:s18+$0x30];
	[tilespmem:s17+$0x1830 ss:$0x81] =	vst.msk $0xffff, v7  }
.Ltmp4:
0x4e: {  	_ = 	snop;
	(pc) =	sbr.rel .LBB1_4-.Ltmp4, $1  }
0x4f: {  	_ =	sdelay $0x3  }
.LBB1_6:
0x50: {  	_ =	sfence.sel $0x180000  }
0x51: {  	s2 =	simm.s32 $0x1;
	[bflag:$0x0] =	sbarrier.arrive $0xFFFF  }
0x52: {  	s31 =	simm.s32 $0x2;
	[sflag:s2] =	ssyncpa.u1 $0x1  }
0x53: {  	[sflag:s31] =	ssyncpa.u1 $0x1  }
0x54: {  	p0 =	sne.s32 s0, $0x0;
	_ =	strace $0x9000004A  }
0x55: {  	s0 =	sadd.s32 @!p0 $0x100000, s1;
	[bflag:$0x2] =	sbarrier.arrive $0xFFFF  }
0x56: {  	[sflag:s0] =	ssyncadd.tile.s32 @!p0 $0x1;
	_ =	shalt  }
.Lfunc_end1:
_tile_overlayer_lowered:
.L_overlay_start_2:
0x57: {  	(tag) =	ssettag $0x2  }
0x58: {  	s0 =	rddreg [dreg:$0x0];
	s2 =	stileid.u32  }
0x59: {  	s1 =	rddreg [dreg:$0x1];
	p0 =	sne.s32 s2, $0x0  }
0x5a: {  	s3 =	rddreg [dreg:$0x2];
	[bflag:$0x3] =	sbarrier.arrive $0xFFFF;
	s2 =	simm.s32 @!p0 $0x1C01  }
0x5b: {  	[timem:s3], [sflag:s2] =	dma.local @!p0 [hbm:s0], s1  }
0x5c: {  	s0 =	simm.s32 @!p0 $0x1  }
0x5d: {  	_ =	swait.ge @!p0 [sflag:s0], s1  }
0x5e: {  	s1 =	ssub.s32 @!p0 $0x0, s1;
	[sflag:s0] =	ssyncset.done @!p0 $0x0  }
0x5f: {  	[sflag:s0] =	ssyncadd.s32 @!p0 s1  }
0x60: {  	[bflag:$0x3] =	sbarrier.arrive $0xFFFF  }
0x61: {  	_ =	shalt  }

// kernel: sparse-core-data-format-call.cloned.1.call-start
scs
called_computation_lowered:
.L_overlay_start_0:
0x0: {  	s2 =	sld [smem:$0x3FD9]  }
0x1: {  	s3 =	sld [smem:$0x3FFE];
	_ =	sdelay $0x1  }
0x2: {  	s1 =	srdreg.scid  }
0x3: {  	s0 =	sand.u32 $0x1, s1  }
0x4: {  	s18 =	sshll.u32 s0, $0xA;
	s2 =	sadd.s32 s3, s2  }
0x5: {  	s2 =	sadd.s32 s2, s18  }
0x6: {  	[smem:$0x3FC5] =	sst s2  }
0x7: {  	_ = 	snop  }
0x8: {  	s2 =	sld [smem:$0x3FD0];
	(tm) =	ssettm $0x1  }
0x9: {  	s19 =	sld [smem:$0x3FFB];
	_ =	sdelay $0x3  }
0xa: {  	_ =	strace s19  }
0xb: {  	s3 =	sld [smem:$0x3FFC];
	_ =	sdelay $0x3  }
0xc: {  	_ =	strace s3  }
0xd: {  	s3 =	sld [smem:$0x3FFD];
	_ =	sdelay $0x3  }
0xe: {  	_ =	strace s3  }
0xf: {  	_ =	strace $0x8FFFFFFF  }
0x10: {  	s20 =	sld [smem:$0x3FDB];
	_ =	sdelay $0x1  }
0x11: {  	s4 =	simm.s32 $_scs_section_size  }
0x12: {  	s5 =	simm.s32 $_size__tile_overlayer_lowered;
	s6 =	simm.s32 $_tile_overlayer_lowered  }
0x13: {  	s23 =	simm.s32 $0x1BFF;
	s22 =	sshll.u32 s6, $0x1;
	s3 =	sadd.s32 s4, s20  }
0x14: {  	s7 =	simm.s32 $0x0;
	s21 =	sshll.u32 s5, $0x1;
	s5 =	sadd.s32 s22, s3  }
0x15: {  	[timem:s7], [sflag:s23] =	dma.local [hbm:s5], s21  }
0x16: {  	_ =	swait.ge [sflag:s23], s21  }
0x17: {  	s4 =	ssub.s32 $0x0, s21;
	[sflag:s23] =	ssyncset.done $0x0  }
0x18: {  	[sflag:s23] =	ssyncadd.s32 s4;
	_ =	sdelay $0x1  }
0x19: {  	s24 =	simm.s32 $0x1B8B  }
0x1a: {  	_ =	swait.ge [sflag:s24], $0x1  }
0x1b: {  	[sflag:s24] =	ssyncset.done $0x0  }
0x1c: {  	s26 =	simm.s32 $0x1B8E;
	s25 =	sld [smem:$0x3FFE];
	[sflag:s24] =	ssyncadd.s32 $0xFFFFFFFF  }
0x1d: {  	s27 =	simm.s32 $execute0_lowered;
	[smem:$0x3FD2] =	sst s26  }
0x1e: {  	s5 =	sshll.u32 s27, $0x1;
	_ =	strace $0x8000004C;
	[dreg:$0x1] =	wrdreg $0xFFFFFFFF  }
0x1f: {  	s28 =	simm.s32 $_size_execute0_lowered;
	s3 =	sadd.s32 s3, s5;
	[dreg:$0x0] =	wrdreg $0x0  }
0x20: {  	s5 =	sshll.u32 s28, $0x1;
	[dreg:$0x2] =	wrdreg s3  }
0x21: {  	[dreg:$0x3] =	wrdreg s5  }
0x22: {  	[dreg:$0x4] =	wrdreg $0xC0  }
0x23: {  	_ =	task [dreg:s7], $0x5FFFF  }
0x24: {  	[dreg:$0x1] =	wrdreg $0xFFFFFFFF  }
0x25: {  	[dreg:$0x0] =	wrdreg $0x60  }
0x26: {  	[dreg:$0x2] =	wrdreg s25  }
0x27: {  	[dreg:$0x3] =	wrdreg s2  }
0x28: {  	[dreg:$0x4] =	wrdreg $0x9  }
0x29: {  	_ =	task.clear_ibuf [dreg:s7], $0x5FFFF;
	_ =	strace $0x9000004C  }
0x2a: {  	s29 =	simm.s32 $0x9;
	_ =	strace $0x8000004E  }
0x2b: {  	_ =	swait.ge [sflag:s29], $0x1  }
0x2c: {  	[sflag:s29] =	ssyncadd.s32 $0xFFFFFFFF  }
0x2d: {  	_ =	strace $0x9000004E  }
0x2e: {  	_ =	sfence  }
0x2f: {  	s30 =	sld [smem:$0x0];
	_ =	sdelay $0x2  }
0x30: {  	s31 =	sshll.u32 s1, $0xD;
	s1 =	sshrl.u32 s1, $0x2  }
0x31: {  	s3 =	sand.u32 $0x4000, s31;
	s1 =	sadd.s32 s1, s30  }
0x32: {  	s0 =	sor.u32 s3, s0;
	s1 =	sshll.u32 s1, $0x11  }
0x33: {  	s0 =	sor.u32 s1, s0  }
0x34: {  	s0 =	sadd.s32 $0x8F2B, s0  }
0x35: {  	[sflag:s0] =	ssyncadd.remote.s32 $0x1  }
0x36: {  	_ =	sfence.sel $0xFFFF  }
0x37: {  	[dreg:$0x0] =	wrdreg $0xFFFFFFFF;
	(pc) =	sbr.abs _section_cstart, $3  }
0x38: {  	[dreg:$0x1] =	wrdreg $0xFFFFFFFF  }
0x39: {  	_ =	task.clear_ibuf [dreg:s7], $0x2FFFF;
	_ =	strace $0x9FFFFFFF  }
0x3a: {  	(tm) =	ssettm $0x7FFFFFFF  }
0x3b: {  	_ =	shalt  }
tec
execute0_lowered:
.L_overlay_start_1:
0x0: {  	(tag) =	ssettag $0x1  }
0x1: {  	s0 =	srdreg.scid  }
0x2: {  	s1 =	sshll.u32 s0, $0x4  }
0x3: {  	s4 =	rddreg [dreg:$0x0];
	s0 =	stileid.u32;
	s1 =	sand.u32 $0x10, s1  }
0x4: {  	s3 =	rddreg [dreg:$0x1];
	s8 =	sor.u32 s0, s1  }
0x5: {  	s9 =	simm.s32 $0x2;
	s15 =	simm.s32 $0x0;
	s1 =	sshll.u32 s8, $0x4  }
0x6: {  	s10 =	simm.s32 $0x4C00;
	s16 =	simm.s32 $0x0;
	s2 =	sand.u32 $0x180, s1  }
0x7: {  	s14 =	simm.s32 $0x0;
	s12 =	simm.s32 $0x0;
	s5 =	ssub.s32 $0x200, s2  }
0x8: {  	s13 =	simm.s32 $0x0;
	s4 =	sadd.s32 $0xE00, s4;
	s6 =	sand.u32 $0x180, s5  }
0x9: {  	s1 =	rddreg [dreg:$0x2];
	p0 =	sne.s32 s6, $0x0;
	s6 =	simm.s32 $0x1  }
.Ltmp0:
0xa: {  	s7 =	sshrl.u32 s5, $0x9;
	s6 =	simm.s32 @!p0 $0x0;
	(pc) =	sbr.rel .LBB1_1-.Ltmp0, $4  }
0xb: {  	_ =	strace $0x8000004D;
	s5 =	simm.s32 $0x1;
	s6 =	sadd.s32 s6, s7  }
0xc: {  	s8 =	sshll.u32 s8, $0x7;
	[sflag:s5] =	ssyncpa.u1 $0x0;
	s6 =	smul.u32 $0x13, s6  }
0xd: {  	s8 =	sand.u32 $0xC00, s8;
	[sflag:s9] =	ssyncpa.u1 $0x0;
	s7 =	sand.u32 $0x7, s0  }
0xe: {  	p0 =	por $0x0, $0x0;
	s11 =	smov.u32 s7;
	s9 =	sadd.s32 $0x1, s6  }
.LBB1_4:
0xf: {  	v5 =	vld [tilespmem:s20+$0xFFFFFFD0];
	[tilespmem:s19+$0x2040 ss:$0x81] =	vst.msk $0xffff, v4;
	s16 =	sshll.u32 s16, $0x7;
	s22 =	sshll.u32 s14, $0x3  }
0x10: {  	v58 =	vld [tilespmem:s20+$0xFFFFFFE0];
	[tilespmem:s19+$0x2850 ss:$0x81] =	vst.msk $0xffff, v3;
	s23 =	sand.u32 $0xFFFFFC00, s16;
	s22 =	sand.u32 $0xFFFFFC00, s22  }
0x11: {  	s21 =	sshra.s32 s21, $0x2;
	v59 =	vld [tilespmem:s20+$0xFFFFFFF0];
	[tilespmem:s19+$0x3060 ss:$0x81] =	vst.msk $0xffff, v2;
	s16 =	sand.u32 $0x380, s16;
	s22 =	sadd.s32 s22, s23  }
0x12: {  	v60 =	vld [tilespmem:s20+$0x0];
	[tilespmem:s19+$0x0 ss:$0x81] =	vst.msk $0xffff, v0;
	s18 =	sadd.s32 s21, s18;
	s16 =	sor.u32 s16, s22  }
0x13: {  	v61 =	vld [tilespmem:s20+$0x10];
	[tilespmem:s18+$0x3870 ss:$0x81] =	vst.msk $0xffff, v1;
	s16 =	sshrl.u32 s16, $0x7  }
0x14: {  	v62 =	vld [tilespmem:s20+$0x20];
	[tilespmem:s18+$0x810 ss:$0x81] =	vst.msk $0xffff, v5;
	s28 =	smulhi.u32 $0x1AF286C, s16  }
0x15: {  	v63 =	vld [tilespmem:s20+$0xFFFFFFC0];
	[tilespmem:s18+$0x1020 ss:$0x81] =	vst.msk $0xffff, v58  }
0x16: {  	s29 =	sshrl.u32 s14, $0x3;
	[tilespmem:s18+$0x1830 ss:$0x81] =	vst.msk $0xffff, v59;
	s19 =	smul.u32 $0x98, s28  }
0x17: {  	s15 =	smul.u32 $0x980, s15;
	s20 =	sand.u32 $0xF, s29;
	[tilespmem:s18+$0x2040 ss:$0x81] =	vst.msk $0xffff, v60  }
0x18: {  	s31 =	sand.u32 $0x7, s14;
	s30 =	sadd.s32 s3, s20;
	[tilespmem:s18+$0x2850 ss:$0x81] =	vst.msk $0xffff, v61;
	s16 =	ssub.s32 s16, s19  }
0x19: {  	s14 =	sshll.u32 s31, $0x12;
	s15 =	sadd.s32 s15, s30;
	[tilespmem:s18+$0x3060 ss:$0x81] =	vst.msk $0xffff, v62;
	s16 =	sshll.u32 s16, $0x4  }
0x1a: {  	s14 =	sor.u32 $0x80, s14;
	[tilespmem:s18+$0x0 ss:$0x81] =	vst.msk $0xffff, v63;
	s15 =	sadd.s32 s16, s15  }
0x1b: {  	[hbm4b:s15+s14] =	stream.strided.scatter [tilespmem:s17], [sflag:$0x2], $0x4000, s10, s14, $0x20;
	[tilespmem:$0x10100] =	vst v63  }
.LBB1_5:
0x1c: {  	s17 =	sadd.s32 $0x8, s11  }
0x1d: {  	s14 =	sadd.s32 $0x80, s12;
	s18 =	smov.u32 s12;
	p2 =	sgt.s32 s17, $0x97  }
0x1e: {  	s18 =	smov.u32 @p2 s14  }
0x1f: {  	s17 =	smov.u32 @p2 s7;
	p2 =	sgt.s32 s18, $0x7F  }
0x20: {  	s18 =	simm.s32 @p2 $0x0;
	p2 =	sne.s32 s13, s9  }
.Ltmp1:
0x21: {  	p1 =	slt.u32 s13, $0x2;
	(pc) =	sbr.rel @!p2 .LBB1_6-.Ltmp1, $4  }
0x22: {  	s16 =	smov.u32 s11;
	s15 =	simm.s32 @!p1 $0x2  }
0x23: {  	p0 =	por !p0, !p0;
	_ =	swait.ge @!p1 [sflag:s15], $0x4000;
	s14 =	smov.u32 s12  }
0x24: {  	[sflag:s15] =	ssyncset.done @!p1 $0x0;
	s11 =	smov.u32 s17;
	s13 =	sadd.s32 $0x1, s13  }
0x25: {  	[sflag:s15] =	ssyncadd.s32 @!p1 $0xFFFFC000;
	s15 =	smov.u32 s2;
	s12 =	smov.u32 s18  }
.LBB1_1:
0x26: {  	p1 =	sge.u32 s13, s6  }
0x27: {  	s17 =	sshll.u32 @!p1 s11, $0x9  }
0x28: {  	s18 =	sshll.u32 @!p1 s11, $0x7;
	s17 =	sand.u32 @!p1 $0xFFFFF000, s17  }
0x29: {  	s18 =	sand.u32 @!p1 $0x200, s18;
	s17 =	sor.u32 @!p1 s8, s17  }
0x2a: {  	s17 =	sor.u32 @!p1 s18, s17  }
0x2b: {  	s17 =	sshrl.u32 @!p1 s17, $0x9  }
0x2c: {  	s18 =	smulhi.u32 @!p1 $0x1AF286C, s17;
	_ =	sdelay $0x1  }
0x2d: {  	s18 =	smul.u32 @!p1 $0x98, s18  }
0x2e: {  	s31 =	sadd.s32 $0xFFFFFFFF, s13;
	s19 =	smul.u32 @!p1 $0x2600, s12  }
0x2f: {  	s20 =	sxor.u32 @!p1 $0xFFFFFFFF, s13;
	s17 =	ssub.s32 @!p1 s17, s18;
	s18 =	sshll.u32 @!p1 s11, $0x4  }
0x30: {  	s20 =	sshll.u32 @!p1 s20, $0xE;
	s19 =	sadd.s32 @!p1 s4, s19;
	s18 =	sand.u32 @!p1 $0x30, s18  }
0x31: {  	s20 =	sand.u32 @!p1 $0x4000, s20;
	s17 =	sshll.u32 @!p1 s17, $0x6;
	s18 =	sadd.s32 @!p1 s18, s19  }
0x32: {  	s19 =	simm.s32 @!p1 $0x13000;
	s17 =	sadd.s32 @!p1 s17, s18;
	s18 =	simm.s32 @!p1 $0x80  }
0x33: {  	[tilespmem:s20], [sflag:$0x1] =	stream.strided.gather @!p1 [hbm4b:s17+s18], $0x4000, s19, s18, $0x38;
	[tilespmem:$0x10100] =	vst v63  }
0x34: {  	p1 =	sge.u32 s31, s6  }
.Ltmp2:
0x35: {  	_ = 	snop;
	(pc) =	sbr.rel @p1 .LBB1_5-.Ltmp2, $1  }
0x36: {  	_ =	sdelay $0x3  }
0x37: {  	s17 =	simm.s32 $0x1  }
0x38: {  	_ =	swait.ge [sflag:s5], $0x4000;
	s17 =	simm.s32 @!p0 $0x0  }
0x39: {  	[sflag:s5] =	ssyncset.done $0x0;
	s18 =	sshll.u32 s17, $0xE  }
0x3a: {  	[sflag:s5] =	ssyncadd.s32 $0xFFFFC000;
	s20 =	sor.u32 $0x40, s18  }
0x3b: {  	s17 =	smul.u32 $0x10200, s17;
	v0 =	vld [tilespmem:s20+$0x30]  }
0x3c: {  	v1 =	vld [tilespmem:s20+$0xFFFFFFD0]  }
0x3d: {  	s17 =	sshrl.u32 s17, $0x2;
	v5 =	vld [tilespmem:s20+$0xFFFFFFE0]  }
0x3e: {  	v6 =	vld [tilespmem:s20+$0xFFFFFFF0];
	s18 =	sor.u32 $0x8000, s17  }
0x3f: {  	s31 =	sand.u32 $0x1, s13;
	v4 =	vld [tilespmem:s20+$0x0];
	s19 =	sadd.s32 $0x0, s18  }
0x40: {  	v3 =	vld [tilespmem:s20+$0x10];
	s17 =	smul.u32 $0x10200, s31;
	[tilespmem:s19+$0x3870 ss:$0x81] =	vst.msk $0xffff, v0  }
0x41: {  	v2 =	vld [tilespmem:s20+$0x20];
	[tilespmem:s19+$0x810 ss:$0x81] =	vst.msk $0xffff, v1  }
0x42: {  	s17 =	sshrl.u32 s17, $0x2;
	v0 =	vld [tilespmem:s20+$0xFFFFFFC0];
	[tilespmem:s19+$0x1020 ss:$0x81] =	vst.msk $0xffff, v5;
	s20 =	sadd.s32 $0x80, s20  }
0x43: {  	s21 =	simm.s32 $0x4;
	s22 =	simm.s32 $0x8;
	s17 =	sor.u32 $0x8000, s17;
	[tilespmem:s19+$0x1830 ss:$0x81] =	vst.msk $0xffff, v6;
	v1 =	vld [tilespmem:s20+$0x30]  }
.LBB1_3:
0x44: {  	p1 =	sne.s32 s22, $0x1FC;
	v5 =	vld [tilespmem:s20+$0xFFFFFFD0];
	[tilespmem:s19+$0x2040 ss:$0x81] =	vst.msk $0xffff, v4  }
0x45: {  	v6 =	vld [tilespmem:s20+$0xFFFFFFE0];
	[tilespmem:s19+$0x2850 ss:$0x81] =	vst.msk $0xffff, v3  }
0x46: {  	s23 =	sshra.s32 s21, $0x2;
	s21 =	smov.u32 s22;
	v7 =	vld [tilespmem:s20+$0xFFFFFFF0];
	[tilespmem:s19+$0x3060 ss:$0x81] =	vst.msk $0xffff, v2  }
.Ltmp3:
0x47: {  	v4 =	vld [tilespmem:s20+$0x0];
	[tilespmem:s19+$0x0 ss:$0x81] =	vst.msk $0xffff, v0;
	s19 =	sadd.s32 s23, s18;
	(pc) =	sbr.rel @p1 .LBB1_3-.Ltmp3, $4  }
0x48: {  	v3 =	vld [tilespmem:s20+$0x10];
	[tilespmem:s19+$0x3870 ss:$0x81] =	vst.msk $0xffff, v1  }
0x49: {  	[tilespmem:s19+$0x810 ss:$0x81] =	vst.msk $0xffff, v5;
	v2 =	vld [tilespmem:s20+$0x20]  }
0x4a: {  	v0 =	vld [tilespmem:s20+$0xFFFFFFC0];
	[tilespmem:s19+$0x1020 ss:$0x81] =	vst.msk $0xffff, v6;
	s20 =	sadd.s32 $0x80, s20  }
0x4b: {  	s22 =	sadd.s32 $0x4, s22;
	v1 =	vld [tilespmem:s20+$0x30];
	[tilespmem:s19+$0x1830 ss:$0x81] =	vst.msk $0xffff, v7  }
.Ltmp4:
0x4c: {  	_ = 	snop;
	(pc) =	sbr.rel .LBB1_4-.Ltmp4, $1  }
0x4d: {  	_ =	sdelay $0x3  }
.LBB1_6:
0x4e: {  	_ =	sfence.sel $0x180000  }
0x4f: {  	s2 =	simm.s32 $0x1;
	[bflag:$0x0] =	sbarrier.arrive $0xFFFF  }
0x50: {  	s31 =	simm.s32 $0x2;
	[sflag:s2] =	ssyncpa.u1 $0x1  }
0x51: {  	[sflag:s31] =	ssyncpa.u1 $0x1  }
0x52: {  	p0 =	sne.s32 s0, $0x0;
	_ =	strace $0x9000004D  }
0x53: {  	s0 =	sadd.s32 @!p0 $0x100000, s1;
	[bflag:$0x2] =	sbarrier.arrive $0xFFFF  }
0x54: {  	[sflag:s0] =	ssyncadd.tile.s32 @!p0 $0x1;
	_ =	shalt  }
.Lfunc_end1:
_tile_overlayer_lowered:
.L_overlay_start_2:
0x55: {  	(tag) =	ssettag $0x2  }
0x56: {  	s0 =	rddreg [dreg:$0x0];
	s2 =	stileid.u32  }
0x57: {  	s1 =	rddreg [dreg:$0x1];
	p0 =	sne.s32 s2, $0x0  }
0x58: {  	s3 =	rddreg [dreg:$0x2];
	[bflag:$0x3] =	sbarrier.arrive $0xFFFF;
	s2 =	simm.s32 @!p0 $0x1C01  }
0x59: {  	[timem:s3], [sflag:s2] =	dma.local @!p0 [hbm:s0], s1  }
0x5a: {  	s0 =	simm.s32 @!p0 $0x1  }
0x5b: {  	_ =	swait.ge @!p0 [sflag:s0], s1  }
0x5c: {  	s1 =	ssub.s32 @!p0 $0x0, s1;
	[sflag:s0] =	ssyncset.done @!p0 $0x0  }
0x5d: {  	[sflag:s0] =	ssyncadd.s32 @!p0 s1  }
0x5e: {  	[bflag:$0x3] =	sbarrier.arrive $0xFFFF  }
0x5f: {  	_ =	shalt  }

</sc_bundles>
